<compile_context>
chip_gen: v7x
topology: tpu7x:2x2x1
jax: 0.10.2.dev20260603
libtpu: 0.0.44.dev20260713+nightly
codegen_flags: <defaults>
</compile_context>

<pallas_src>
import functools

import jax
import jax.numpy as jnp
from jax import lax
from jax.experimental import pallas as pl
from jax.experimental.pallas import tpu as pltpu
from jax.experimental.pallas import tpu_sc as plsc

N = 10000
E = 320000
D_IN = 128
D_EDGE = 16
H = 128
NF = 2000
FE = 40000
NB = 64
FRAG_VOCAB = 20
OUT = 1

NC = 2
NS = 16
NW = NC * NS

CH = 128
E_PAD = 327680
PER_W_E = E_PAD // NW
NCH_E = PER_W_E // CH
FE_PAD = 40960
PER_W_F = FE_PAD // NW
NCH_F = PER_W_F // CH
N_PAD = 10240


def _sds(shape):
    return jax.ShapeDtypeStruct(shape, jnp.float32)



_MESH = plsc.VectorSubcoreMesh(core_axis_name="c", subcore_axis_name="s",
                               num_cores=NC, num_subcores=NS)

_RPT = N_PAD // NS
_NSTG = _RPT // CH


def _make_gather(nch, kb, nrow):

    def body(tab_hbm, idx_hbm, out_hbm, idx_i, rows_v, sem):
        c = lax.axis_index("c")
        s = lax.axis_index("s")
        wid = s * NC + c

        def _blk(b, bc):
            pltpu.sync_copy(idx_hbm.at[wid, pl.ds(b * kb, kb)], idx_i)

            def _chunk(j, cc):
                pos = (wid * nch + b * kb + j) * CH
                pltpu.async_copy(tab_hbm.at[idx_i.at[j]], rows_v, sem).wait()
                pltpu.sync_copy(rows_v, out_hbm.at[pl.ds(pos, CH)])
                return cc

            lax.fori_loop(0, kb, _chunk, 0)
            return bc

        lax.fori_loop(0, nch // kb, _blk, 0)

    return functools.partial(
        pl.kernel,
        out_type=_sds((NW * nch * CH, H)),
        mesh=_MESH,
        scratch_types=[
            pltpu.VMEM((kb, CH), jnp.int32),
            pltpu.VMEM((CH, H), jnp.float32),
            pltpu.SemaphoreType.DMA,
        ],
    )(body)


def _make_scatter(nch, kb, with_msg):

    def body(*refs):
        if with_msg:
            (msg_hbm, idx_hbm, init_hbm, out_hbm,
             idx_i, msg_v, acc_sh, sem) = refs
        else:
            (idx_hbm, init_hbm, out_hbm,
             idx_i, msg_v, acc_sh, sem) = refs
        c = lax.axis_index("c")
        s = lax.axis_index("s")
        wid = s * NC + c
        pltpu.sync_copy(init_hbm.at[0], msg_v)

        def _zb(t, tc):
            pltpu.sync_copy(msg_v, acc_sh.at[pl.ds(s * _RPT + t * CH, CH)])
            return tc

        lax.fori_loop(0, _NSTG, _zb, 0)
        if not with_msg:
            pltpu.sync_copy(init_hbm.at[1], msg_v)
        plsc.subcore_barrier()

        def _blk(b, bc):
            pltpu.sync_copy(idx_hbm.at[wid, pl.ds(b * kb, kb)], idx_i)

            def _chunk(j, cc):
                if with_msg:
                    pos = (wid * nch + b * kb + j) * CH
                    pltpu.sync_copy(msg_hbm.at[pl.ds(pos, CH)], msg_v)
                pltpu.sync_copy(msg_v, acc_sh.at[idx_i.at[j]], add=True)
                return cc

            lax.fori_loop(0, kb, _chunk, 0)
            return bc

        lax.fori_loop(0, nch // kb, _blk, 0)
        plsc.subcore_barrier()

        def _wb(t, tc):
            sl = pl.ds(s * _RPT + t * CH, CH)
            pltpu.sync_copy(acc_sh.at[sl], msg_v)
            pltpu.sync_copy(msg_v, out_hbm.at[c, sl])
            return tc

        lax.fori_loop(0, _NSTG, _wb, 0)

    return functools.partial(
        pl.kernel,
        out_type=_sds((NC, N_PAD, H)),
        mesh=_MESH,
        scratch_types=[
            pltpu.VMEM((kb, CH), jnp.int32),
            pltpu.VMEM((CH, H), jnp.float32),
            pltpu.VMEM_SHARED((N_PAD, H), jnp.float32),
            pltpu.SemaphoreType.DMA,
        ],
    )(body)


_gather_e = _make_gather(NCH_E, 8, N)
_gather_f = _make_gather(NCH_F, 10, NF)
_scatter_e = _make_scatter(NCH_E, 8, True)
_scatter_f = _make_scatter(NCH_F, 10, True)
_count_f = _make_scatter(NCH_F, 10, False)




def _encode_body(x_ref, aw_ref, ab_ref, frag_ref, femb_ref, h0_ref, xfrag_ref):
    h0_ref[...] = (
        jnp.dot(x_ref[...], aw_ref[...], preferred_element_type=jnp.float32,
                precision=lax.Precision.HIGHEST)
        + ab_ref[...]
    )
    oh = (frag_ref[...]
          == lax.broadcasted_iota(jnp.int32, (NF, FRAG_VOCAB), 1)
          ).astype(jnp.float32)
    xfrag_ref[...] = jnp.dot(oh, femb_ref[...],
                             preferred_element_type=jnp.float32,
                precision=lax.Precision.HIGHEST)


_encode = pl.pallas_call(
    _encode_body,
    out_shape=(_sds((N, H)), _sds((NF, H))),
)


def _embed_body(ea_ref, w1_ref, b1_ref, w2_ref, b2_ref, e1_ref, e2_ref):
    ea = ea_ref[...]
    e1_ref[...] = (
        jnp.dot(ea, w1_ref[...], preferred_element_type=jnp.float32,
                precision=lax.Precision.HIGHEST)
        + b1_ref[...]
    )
    e2_ref[...] = (
        jnp.dot(ea, w2_ref[...], preferred_element_type=jnp.float32,
                precision=lax.Precision.HIGHEST)
        + b2_ref[...]
    )


_EBLK = 4096

_edge_embed = pl.pallas_call(
    _embed_body,
    grid=(E_PAD // _EBLK,),
    in_specs=[
        pl.BlockSpec((_EBLK, D_EDGE), lambda i: (i, 0)),
        pl.BlockSpec((D_EDGE, H), lambda i: (0, 0)),
        pl.BlockSpec((1, H), lambda i: (0, 0)),
        pl.BlockSpec((D_EDGE, H), lambda i: (0, 0)),
        pl.BlockSpec((1, H), lambda i: (0, 0)),
    ],
    out_specs=(
        pl.BlockSpec((_EBLK, H), lambda i: (i, 0)),
        pl.BlockSpec((_EBLK, H), lambda i: (i, 0)),
    ),
    out_shape=(_sds((E_PAD, H)), _sds((E_PAD, H))),
)


def _relu_add_body(a_ref, b_ref, o_ref):
    o_ref[...] = jnp.maximum(a_ref[...] + b_ref[...], 0.0)


_relu_add = pl.pallas_call(
    _relu_add_body,
    grid=(E_PAD // _EBLK,),
    in_specs=[
        pl.BlockSpec((_EBLK, H), lambda i: (i, 0)),
        pl.BlockSpec((_EBLK, H), lambda i: (i, 0)),
    ],
    out_specs=pl.BlockSpec((_EBLK, H), lambda i: (i, 0)),
    out_shape=_sds((E_PAD, H)),
)


def _frag_combine_body(h0_ref, s0_ref, s1_ref, c0_ref, c1_ref, h_ref):
    cnt = c0_ref[...][:, 0:1] + c1_ref[...][:, 0:1]
    h_ref[...] = h0_ref[...] + (s0_ref[...] + s1_ref[...]) / jnp.maximum(cnt, 1.0)


_frag_combine = pl.pallas_call(
    _frag_combine_body,
    out_shape=_sds((N, H)),
)


def _bn(z, g, b):
    m = jnp.mean(z, axis=0, keepdims=True)
    v = jnp.mean((z - m) ** 2, axis=0, keepdims=True)
    return (z - m) / jnp.sqrt(v + 1e-5) * g + b


def _layer_mlp_body(h_ref, a0_ref, a1_ref, eps_ref, w1_ref, b1_ref, g1_ref,
                    be1_ref, w2_ref, b2_ref, bg_ref, bb_ref, out_ref):
    z = (1.0 + eps_ref[...]) * h_ref[...] + a0_ref[...] + a1_ref[...]
    z = jnp.dot(z, w1_ref[...], preferred_element_type=jnp.float32,
                precision=lax.Precision.HIGHEST) + b1_ref[...]
    z = jnp.maximum(_bn(z, g1_ref[...], be1_ref[...]), 0.0)
    z = jnp.dot(z, w2_ref[...], preferred_element_type=jnp.float32,
                precision=lax.Precision.HIGHEST) + b2_ref[...]
    out_ref[...] = jnp.maximum(_bn(z, bg_ref[...], bb_ref[...]), 0.0)


_layer_mlp = pl.pallas_call(
    _layer_mlp_body,
    out_shape=_sds((N, H)),
)


def _final_body(h_ref, aw1_ref, ab1_ref, aw2_ref, ab2_ref, batch_ref,
                ow1_ref, ob1_ref, ow2_ref, ob2_ref, out_ref):
    t = jnp.maximum(
        jnp.dot(h_ref[...], aw1_ref[...], preferred_element_type=jnp.float32,
                precision=lax.Precision.HIGHEST)
        + ab1_ref[...], 0.0)
    t = jnp.maximum(
        jnp.dot(t, aw2_ref[...], preferred_element_type=jnp.float32,
                precision=lax.Precision.HIGHEST)
        + ab2_ref[...], 0.0)
    oh = (batch_ref[...]
          == lax.broadcasted_iota(jnp.int32, (N, NB), 1)).astype(jnp.float32)
    gs = lax.dot_general(oh, t, (((0,), (0,)), ((), ())),
                         preferred_element_type=jnp.float32,
                precision=lax.Precision.HIGHEST)
    gc = jnp.sum(oh, axis=0)[:, None]
    g = gs / jnp.maximum(gc, 1.0)
    g = jnp.maximum(
        jnp.dot(g, ow1_ref[...], preferred_element_type=jnp.float32,
                precision=lax.Precision.HIGHEST)
        + ob1_ref[...], 0.0)
    o = jnp.dot(g, ow2_ref[...], preferred_element_type=jnp.float32,
                precision=lax.Precision.HIGHEST) + ob2_ref[...]
    out_ref[...] = jnp.broadcast_to(o, (NB, H))


_final = pl.pallas_call(
    _final_body,
    out_shape=_sds((NB, H)),
)




def kernel(x, edge_index, edge_attr, fragments, fragments_edge_index, batch,
           params):
    p = params
    l0, l1 = p["layers"][0], p["layers"][1]

    src = jnp.pad(edge_index[0], (0, E_PAD - E)).reshape(NW, NCH_E, CH)
    dst = jnp.pad(edge_index[1], (0, E_PAD - E),
                  constant_values=N).reshape(NW, NCH_E, CH)
    eap = jnp.pad(edge_attr, ((0, E_PAD - E), (0, 0)))
    col = jnp.pad(fragments_edge_index[1],
                  (0, FE_PAD - FE)).reshape(NW, NCH_F, CH)
    row = jnp.pad(fragments_edge_index[0], (0, FE_PAD - FE),
                  constant_values=N).reshape(NW, NCH_F, CH)

    h0, xfrag = _encode(x, p["atom_W"], p["atom_b"][None], fragments[:, None],
                        p["frag_emb"])
    e1, e2 = _edge_embed(eap, l0["bond_W"], l0["bond_b"][None],
                         l1["bond_W"], l1["bond_b"][None])
    init = jnp.concatenate([jnp.zeros((1, CH, H), jnp.float32),
                            jnp.ones((1, CH, H), jnp.float32)], axis=0)
    xg = _gather_f(xfrag, col)
    sfrag = _scatter_f(xg, row, init)
    cnt = _count_f(row, init)
    h = _frag_combine(h0, sfrag[0, :N], sfrag[1, :N], cnt[0, :N], cnt[1, :N])

    for lp, e in ((l0, e1), (l1, e2)):
        hs = _gather_e(h, src)
        msg = _relu_add(hs, e)
        agg = _scatter_e(msg, dst, init)
        h = _layer_mlp(h, agg[0, :N], agg[1, :N], lp["eps"][None, None],
                       lp["nn_W1"], lp["nn_b1"][None], lp["nn_g1"][None],
                       lp["nn_be1"][None], lp["nn_W2"], lp["nn_b2"][None],
                       lp["bn_g"][None], lp["bn_b"][None])

    ao, o = p["atom_out"], p["out"]
    fin = _final(h, ao["W1"], ao["b1"][None], ao["W2"], ao["b2"][None],
                 batch[:, None], o["W1"], o["b1"][None], o["W2"],
                 o["b2"][None])
    return fin[:, :OUT]

# --- scband reference (transcript-rebuilt; emitter-appended) ---
"""Pipeline reference for scband-frag-gnn-4432406249778 (READ-ONLY COPY).

The authoritative reference and input builder live on the scoring server;
editing this copy changes nothing except your own understanding.
"""

import jax, jax.numpy as jnp
import numpy as np

N = 10000
E = 320000
D_IN = 128
D_EDGE = 16
H = 128
NF = 2000
FE = 40000
NB = 64
FRAG_VOCAB = 20
OUT = 1
NUM_LAYERS = 2


def _lin(key, din, dout):
    return jax.random.normal(key, (din, dout), jnp.float32) / np.sqrt(din)


def setup_inputs(seed: int = 0):
    key = jax.random.key(seed)
    ks = jax.random.split(key, 64)
    x = jax.random.normal(ks[0], (N, D_IN), jnp.float32)
    edge_index = jax.random.randint(ks[1], (2, E), 0, N)
    edge_attr = jax.random.normal(ks[2], (E, D_EDGE), jnp.float32)
    fragments = jax.random.randint(ks[3], (NF,), 0, FRAG_VOCAB)
    fragments_edge_index = jax.random.randint(ks[4], (2, FE), 0, NF)
    batch = jnp.sort(jax.random.randint(ks[5], (N,), 0, NB))
    i = 6
    layers = []
    for _ in range(NUM_LAYERS):
        lp = {
            'bond_W': _lin(ks[i], D_EDGE, H), 'bond_b': jnp.zeros((H,), jnp.float32),
            'eps': jnp.zeros((), jnp.float32),
            'nn_W1': _lin(ks[i + 1], H, 2 * H), 'nn_b1': jnp.zeros((2 * H,), jnp.float32),
            'nn_g1': jnp.ones((2 * H,), jnp.float32), 'nn_be1': jnp.zeros((2 * H,), jnp.float32),
            'nn_W2': _lin(ks[i + 2], 2 * H, H), 'nn_b2': jnp.zeros((H,), jnp.float32),
            'bn_g': jnp.ones((H,), jnp.float32), 'bn_b': jnp.zeros((H,), jnp.float32),
        }
        layers.append(lp)
        i += 3
    params = {
        'atom_W': _lin(ks[i], D_IN, H), 'atom_b': jnp.zeros((H,), jnp.float32),
        'frag_emb': jax.random.normal(ks[i + 1], (FRAG_VOCAB, H), jnp.float32),
        'layers': layers,
        'atom_out': {'W1': _lin(ks[i + 2], H, H), 'b1': jnp.zeros((H,), jnp.float32),
                     'W2': _lin(ks[i + 3], H, H), 'b2': jnp.zeros((H,), jnp.float32)},
        'out': {'W1': _lin(ks[i + 4], H, H), 'b1': jnp.zeros((H,), jnp.float32),
                'W2': _lin(ks[i + 5], H, OUT), 'b2': jnp.zeros((OUT,), jnp.float32)},
    }
    return {'x': x, 'edge_index': edge_index, 'edge_attr': edge_attr,
            'fragments': fragments, 'fragments_edge_index': fragments_edge_index,
            'batch': batch, 'params': params}


def _batch_norm(h, g, b):
    m = jnp.mean(h, axis=0)
    v = jnp.var(h, axis=0)
    return (h - m) / jnp.sqrt(v + 1e-5) * g + b


def _forward(x, edge_attr, params, edge_index, fragments, fragments_edge_index, batch):
    # atom encoder (linear_atom_encoder=True)
    h = x @ params['atom_W'] + params['atom_b']
    # clique/fragment encoder: embedding of fragment types
    x_frag = params['frag_emb'][fragments]
    # no inter_message_passing, no_frag_info=False: inject fragment info once
    row, col = fragments_edge_index[0], fragments_edge_index[1]
    s = jax.ops.segment_sum(x_frag[col], row, num_segments=N)
    c = jax.ops.segment_sum(jnp.ones((FE, 1), jnp.float32), row, num_segments=N)
    h = h + s / jnp.maximum(c, 1.0)
    src, dst = edge_index[0], edge_index[1]
    for lp in params['layers']:
        # bond encoder per layer
        e = edge_attr @ lp['bond_W'] + lp['bond_b']
        # GINEConv: out = nn((1+eps)*x + sum_j relu(x_j + e_ji))
        msg = jax.nn.relu(h[src] + e)
        agg = jax.ops.segment_sum(msg, dst, num_segments=N)
        z = (1.0 + lp['eps']) * h + agg
        z = z @ lp['nn_W1'] + lp['nn_b1']
        z = jax.nn.relu(_batch_norm(z, lp['nn_g1'], lp['nn_be1']))
        z = z @ lp['nn_W2'] + lp['nn_b2']
        h = jax.nn.relu(_batch_norm(z, lp['bn_g'], lp['bn_b']))
    ao = params['atom_out']
    h = jax.nn.relu(h @ ao['W1'] + ao['b1'])
    h = jax.nn.relu(h @ ao['W2'] + ao['b2'])
    # mean pooling over graphs (reduction='mean')
    gs = jax.ops.segment_sum(h, batch, num_segments=NB)
    gc = jax.ops.segment_sum(jnp.ones((N, 1), jnp.float32), batch, num_segments=NB)
    g = gs / jnp.maximum(gc, 1.0)
    o = params['out']
    g = jax.nn.relu(g @ o['W1'] + o['b1'])
    return g @ o['W2'] + o['b2']


def reference(x, edge_index, edge_attr, fragments, fragments_edge_index, batch, params):
    return _forward(x, edge_attr, params, edge_index, fragments, fragments_edge_index, batch)

if __name__ == "__main__":
    import jax
    _d = setup_inputs()
    print(jax.jit(kernel)(*tuple(_d.values())))

</pallas_src>

<mosaic_0001>
#map = affine_map<(d0, d1) -> (0, 0)>
#map1 = affine_map<(d0, d1) -> (0, 0, 0)>
module attributes {stable_mosaic.version = 14 : i64} {
  func.func @body(%arg0: i32, %arg1: i32, %arg2: memref<10000x128xf32, #tpu.memory_space<hbm>>, %arg3: memref<32x80x128xi32, #tpu.memory_space<hbm>>, %arg4: memref<327680x128xf32, #tpu.memory_space<hbm>>, %arg5: memref<8x128xi32, #tpu.memory_space<vmem>>, %arg6: memref<128x128xf32, #tpu.memory_space<vmem>>, %arg7: memref<!tpu.dma_semaphore, #tpu.memory_space<semaphore_mem>>) attributes {dimension_semantics = [#tpu.dimension_semantics<core_parallel>, #tpu.dimension_semantics<subcore_parallel>], iteration_bounds = array<i64: 2, 16>, scalar_prefetch = 0 : i64, scratch_operands = 3 : i64, tpu.core_type = #tpu.core_type<sc_vector_subcore>, window_params = [{transform_indices = #map}, {transform_indices = #map1}, {transform_indices = #map}]} {
    %mul3A = arith.constant 2 : i32
    %mul3A_0 = arith.muli %arg1, %mul3A : i32
    %add3A = arith.addi %mul3A_0, %arg0 : i32
    %scan3A = arith.constant 0 : i32
    %scan3A_1 = arith.constant 0 : i32
    %scan3A_2 = arith.constant 10 : i32
    %scan3A_3 = arith.addi %scan3A_1, %scan3A_2 : i32
    %scan3A_4 = arith.constant 1 : i32
    scf.for %scan3A_6 = %scan3A_1 to %scan3A_3 step %scan3A_4  : i32 {
      %mul3A_7 = arith.constant 8 : i32
      %mul3A_8 = arith.muli %scan3A_6, %mul3A_7 : i32
      "tpu.region"() ({
        %run_scoped3A = tpu.sem_alloc : memref<!tpu.dma_semaphore, #tpu.memory_space<semaphore_mem>>
        %dma_start3A = arith.constant 0 : i32
        %dma_start3A_15 = tpu.memref_slice %arg3[%add3A, %mul3A_8, %dma_start3A] : memref<32x80x128xi32, #tpu.memory_space<hbm>> -> memref<1x8x128xi32, #tpu.memory_space<hbm>>
        %dma_start3A_16 = tpu.memref_squeeze %dma_start3A_15 : memref<1x8x128xi32, #tpu.memory_space<hbm>> -> memref<8x128xi32, #tpu.memory_space<hbm>>
        %dma_start3A_17 = arith.constant 0 : i32
        %dma_start3A_18 = tpu.memref_slice %arg3[%add3A, %mul3A_8, %dma_start3A_17] : memref<32x80x128xi32, #tpu.memory_space<hbm>> -> memref<1x8x128xi32, #tpu.memory_space<hbm>>
        %dma_start3A_19 = tpu.memref_squeeze %dma_start3A_18 : memref<1x8x128xi32, #tpu.memory_space<hbm>> -> memref<8x128xi32, #tpu.memory_space<hbm>>
        tpu.enqueue_dma source(%dma_start3A_19 : memref<8x128xi32, #tpu.memory_space<hbm>>) target(%arg5 : memref<8x128xi32, #tpu.memory_space<vmem>>) target_semaphore(%run_scoped3A : memref<!tpu.dma_semaphore, #tpu.memory_space<semaphore_mem>>)
        %dma_wait3A = arith.constant 0 : i32
        %dma_wait3A_20 = tpu.memref_slice %arg3[%add3A, %mul3A_8, %dma_wait3A] : memref<32x80x128xi32, #tpu.memory_space<hbm>> -> memref<1x8x128xi32, #tpu.memory_space<hbm>>
        %dma_wait3A_21 = tpu.memref_squeeze %dma_wait3A_20 : memref<1x8x128xi32, #tpu.memory_space<hbm>> -> memref<8x128xi32, #tpu.memory_space<hbm>>
        %dma_wait3A_22 = arith.constant 0 : i32
        %dma_wait3A_23 = tpu.memref_slice %arg3[%add3A, %mul3A_8, %dma_wait3A_22] : memref<32x80x128xi32, #tpu.memory_space<hbm>> -> memref<1x8x128xi32, #tpu.memory_space<hbm>>
        %dma_wait3A_24 = tpu.memref_squeeze %dma_wait3A_23 : memref<1x8x128xi32, #tpu.memory_space<hbm>> -> memref<8x128xi32, #tpu.memory_space<hbm>>
        tpu.wait_dma2 semaphore(%run_scoped3A : memref<!tpu.dma_semaphore, #tpu.memory_space<semaphore_mem>>) src(%dma_wait3A_24 : memref<8x128xi32, #tpu.memory_space<hbm>>) dst(%arg5 : memref<8x128xi32, #tpu.memory_space<vmem>>)
        tpu.yield
      }) : () -> ()
      %scan3A_9 = arith.constant 0 : i32
      %scan3A_10 = arith.constant 0 : i32
      %scan3A_11 = arith.constant 8 : i32
      %scan3A_12 = arith.addi %scan3A_10, %scan3A_11 : i32
      %scan3A_13 = arith.constant 1 : i32
      scf.for %scan3A_15 = %scan3A_10 to %scan3A_12 step %scan3A_13  : i32 {
        %mul3A_16 = arith.constant 80 : i32
        %mul3A_17 = arith.muli %add3A, %mul3A_16 : i32
        %mul3A_18 = arith.constant 8 : i32
        %mul3A_19 = arith.muli %scan3A_6, %mul3A_18 : i32
        %add3A_20 = arith.addi %mul3A_17, %mul3A_19 : i32
        %add3A_21 = arith.addi %add3A_20, %scan3A_15 : i32
        %mul3A_22 = arith.constant 128 : i32
        %mul3A_23 = arith.muli %add3A_21, %mul3A_22 : i32
        %dma_start3A = arith.constant 0 : i32
        %dma_start3A_24 = tpu.memref_slice %arg5[%scan3A_15, %dma_start3A] : memref<8x128xi32, #tpu.memory_space<vmem>> -> memref<1x128xi32, #tpu.memory_space<vmem>>
        %dma_start3A_25 = tpu.memref_squeeze %dma_start3A_24 : memref<1x128xi32, #tpu.memory_space<vmem>> -> memref<128xi32, #tpu.memory_space<vmem>>
        %dma_start3A_26 = arith.constant 0 : i32
        %dma_start3A_27 = arith.constant 0 : i32
        %dma_start3A_28 = tpu.memref_slice %arg2[%dma_start3A_26, %dma_start3A_27] : memref<10000x128xf32, #tpu.memory_space<hbm>> -> memref<10000x128xf32, #tpu.memory_space<hbm>>
        tpu.enqueue_indirect_dma source(%dma_start3A_28 : memref<10000x128xf32, #tpu.memory_space<hbm>>) target(%arg6 : memref<128x128xf32, #tpu.memory_space<vmem>>) offsets(%dma_start3A_25 : memref<128xi32, #tpu.memory_space<vmem>>) semaphore(%arg7 : memref<!tpu.dma_semaphore, #tpu.memory_space<semaphore_mem>>)
        %dma_wait3A = arith.constant 0 : i32
        %dma_wait3A_29 = tpu.memref_slice %arg5[%scan3A_15, %dma_wait3A] : memref<8x128xi32, #tpu.memory_space<vmem>> -> memref<1x128xi32, #tpu.memory_space<vmem>>
        %dma_wait3A_30 = tpu.memref_squeeze %dma_wait3A_29 : memref<1x128xi32, #tpu.memory_space<vmem>> -> memref<128xi32, #tpu.memory_space<vmem>>
        %dma_wait3A_31 = arith.constant 0 : i32
        %dma_wait3A_32 = arith.constant 0 : i32
        %dma_wait3A_33 = tpu.memref_slice %arg2[%dma_wait3A_31, %dma_wait3A_32] : memref<10000x128xf32, #tpu.memory_space<hbm>> -> memref<10000x128xf32, #tpu.memory_space<hbm>>
        tpu.wait_indirect_dma semaphore(%arg7 : memref<!tpu.dma_semaphore, #tpu.memory_space<semaphore_mem>>) src(%dma_wait3A_33 : memref<10000x128xf32, #tpu.memory_space<hbm>>) dst(%arg6 : memref<128x128xf32, #tpu.memory_space<vmem>>)
        "tpu.region"() ({
          %run_scoped3A = tpu.sem_alloc : memref<!tpu.dma_semaphore, #tpu.memory_space<semaphore_mem>>
          %dma_start3A_34 = arith.constant 0 : i32
          %dma_start3A_35 = tpu.memref_slice %arg4[%mul3A_23, %dma_start3A_34] : memref<327680x128xf32, #tpu.memory_space<hbm>> -> memref<128x128xf32, #tpu.memory_space<hbm>>
          %dma_start3A_36 = arith.constant 0 : i32
          %dma_start3A_37 = tpu.memref_slice %arg4[%mul3A_23, %dma_start3A_36] : memref<327680x128xf32, #tpu.memory_space<hbm>> -> memref<128x128xf32, #tpu.memory_space<hbm>>
          tpu.enqueue_dma source(%arg6 : memref<128x128xf32, #tpu.memory_space<vmem>>) target(%dma_start3A_37 : memref<128x128xf32, #tpu.memory_space<hbm>>) target_semaphore(%run_scoped3A : memref<!tpu.dma_semaphore, #tpu.memory_space<semaphore_mem>>)
          %dma_wait3A_38 = arith.constant 0 : i32
          %dma_wait3A_39 = tpu.memref_slice %arg4[%mul3A_23, %dma_wait3A_38] : memref<327680x128xf32, #tpu.memory_space<hbm>> -> memref<128x128xf32, #tpu.memory_space<hbm>>
          %dma_wait3A_40 = arith.constant 0 : i32
          %dma_wait3A_41 = tpu.memref_slice %arg4[%mul3A_23, %dma_wait3A_40] : memref<327680x128xf32, #tpu.memory_space<hbm>> -> memref<128x128xf32, #tpu.memory_space<hbm>>
          tpu.wait_dma2 semaphore(%run_scoped3A : memref<!tpu.dma_semaphore, #tpu.memory_space<semaphore_mem>>) src(%arg6 : memref<128x128xf32, #tpu.memory_space<vmem>>) dst(%dma_wait3A_41 : memref<128x128xf32, #tpu.memory_space<hbm>>)
          tpu.yield
        }) : () -> ()
      }
      %scan3A_14 = arith.constant 8 : i32
    }
    %scan3A_5 = arith.constant 10 : i32
    return
  }
}

#map = affine_map<(d0, d1) -> (0, 0, 0)>
module attributes {stable_mosaic.version = 14 : i64} {
  func.func @body(%arg0: i32, %arg1: i32, %arg2: memref<32x10x128xi32, #tpu.memory_space<hbm>>, %arg3: memref<2x128x128xf32, #tpu.memory_space<hbm>>, %arg4: memref<2x10240x128xf32, #tpu.memory_space<hbm>>, %arg5: memref<10x128xi32, #tpu.memory_space<vmem>>, %arg6: memref<128x128xf32, #tpu.memory_space<vmem>>, %arg7: memref<10240x128xf32, #tpu.memory_space<vmem_shared>>, %arg8: memref<!tpu.dma_semaphore, #tpu.memory_space<semaphore_mem>>) attributes {dimension_semantics = [#tpu.dimension_semantics<core_parallel>, #tpu.dimension_semantics<subcore_parallel>], iteration_bounds = array<i64: 2, 16>, scalar_prefetch = 0 : i64, scratch_operands = 4 : i64, tpu.core_type = #tpu.core_type<sc_vector_subcore>, window_params = [{transform_indices = #map}, {transform_indices = #map}, {transform_indices = #map}]} {
    %mul3A = arith.constant 2 : i32
    %mul3A_0 = arith.muli %arg1, %mul3A : i32
    %add3A = arith.addi %mul3A_0, %arg0 : i32
    %run_scoped3A = arith.constant 0 : i32
    "tpu.region"() ({
      %run_scoped3A_25 = tpu.sem_alloc : memref<!tpu.dma_semaphore, #tpu.memory_space<semaphore_mem>>
      %dma_start3A = arith.constant 0 : i32
      %dma_start3A_26 = arith.constant 0 : i32
      %dma_start3A_27 = tpu.memref_slice %arg3[%run_scoped3A, %dma_start3A, %dma_start3A_26] : memref<2x128x128xf32, #tpu.memory_space<hbm>> -> memref<1x128x128xf32, #tpu.memory_space<hbm>>
      %dma_start3A_28 = tpu.memref_squeeze %dma_start3A_27 : memref<1x128x128xf32, #tpu.memory_space<hbm>> -> memref<128x128xf32, #tpu.memory_space<hbm>>
      %dma_start3A_29 = arith.constant 0 : i32
      %dma_start3A_30 = arith.constant 0 : i32
      %dma_start3A_31 = tpu.memref_slice %arg3[%run_scoped3A, %dma_start3A_29, %dma_start3A_30] : memref<2x128x128xf32, #tpu.memory_space<hbm>> -> memref<1x128x128xf32, #tpu.memory_space<hbm>>
      %dma_start3A_32 = tpu.memref_squeeze %dma_start3A_31 : memref<1x128x128xf32, #tpu.memory_space<hbm>> -> memref<128x128xf32, #tpu.memory_space<hbm>>
      tpu.enqueue_dma source(%dma_start3A_32 : memref<128x128xf32, #tpu.memory_space<hbm>>) target(%arg6 : memref<128x128xf32, #tpu.memory_space<vmem>>) target_semaphore(%run_scoped3A_25 : memref<!tpu.dma_semaphore, #tpu.memory_space<semaphore_mem>>)
      %dma_wait3A = arith.constant 0 : i32
      %dma_wait3A_33 = arith.constant 0 : i32
      %dma_wait3A_34 = tpu.memref_slice %arg3[%run_scoped3A, %dma_wait3A, %dma_wait3A_33] : memref<2x128x128xf32, #tpu.memory_space<hbm>> -> memref<1x128x128xf32, #tpu.memory_space<hbm>>
      %dma_wait3A_35 = tpu.memref_squeeze %dma_wait3A_34 : memref<1x128x128xf32, #tpu.memory_space<hbm>> -> memref<128x128xf32, #tpu.memory_space<hbm>>
      %dma_wait3A_36 = arith.constant 0 : i32
      %dma_wait3A_37 = arith.constant 0 : i32
      %dma_wait3A_38 = tpu.memref_slice %arg3[%run_scoped3A, %dma_wait3A_36, %dma_wait3A_37] : memref<2x128x128xf32, #tpu.memory_space<hbm>> -> memref<1x128x128xf32, #tpu.memory_space<hbm>>
      %dma_wait3A_39 = tpu.memref_squeeze %dma_wait3A_38 : memref<1x128x128xf32, #tpu.memory_space<hbm>> -> memref<128x128xf32, #tpu.memory_space<hbm>>
      tpu.wait_dma2 semaphore(%run_scoped3A_25 : memref<!tpu.dma_semaphore, #tpu.memory_space<semaphore_mem>>) src(%dma_wait3A_39 : memref<128x128xf32, #tpu.memory_space<hbm>>) dst(%arg6 : memref<128x128xf32, #tpu.memory_space<vmem>>)
      tpu.yield
    }) : () -> ()
    %scan3A = arith.constant 0 : i32
    %scan3A_1 = arith.constant 0 : i32
    %scan3A_2 = arith.constant 5 : i32
    %scan3A_3 = arith.addi %scan3A_1, %scan3A_2 : i32
    %scan3A_4 = arith.constant 1 : i32
    scf.for %scan3A_25 = %scan3A_1 to %scan3A_3 step %scan3A_4  : i32 {
      %mul3A_26 = arith.constant 640 : i32
      %mul3A_27 = arith.muli %arg1, %mul3A_26 : i32
      %mul3A_28 = arith.constant 128 : i32
      %mul3A_29 = arith.muli %scan3A_25, %mul3A_28 : i32
      %add3A_30 = arith.addi %mul3A_27, %mul3A_29 : i32
      "tpu.region"() ({
        %run_scoped3A_31 = tpu.sem_alloc : memref<!tpu.dma_semaphore, #tpu.memory_space<semaphore_mem>>
        %dma_start3A = arith.constant 0 : i32
        %dma_start3A_32 = tpu.memref_slice %arg7[%add3A_30, %dma_start3A] : memref<10240x128xf32, #tpu.memory_space<vmem_shared>> -> memref<128x128xf32, #tpu.memory_space<vmem_shared>>
        %dma_start3A_33 = arith.constant 0 : i32
        %dma_start3A_34 = tpu.memref_slice %arg7[%add3A_30, %dma_start3A_33] : memref<10240x128xf32, #tpu.memory_space<vmem_shared>> -> memref<128x128xf32, #tpu.memory_space<vmem_shared>>
        tpu.enqueue_dma source(%arg6 : memref<128x128xf32, #tpu.memory_space<vmem>>) target(%dma_start3A_34 : memref<128x128xf32, #tpu.memory_space<vmem_shared>>) target_semaphore(%run_scoped3A_31 : memref<!tpu.dma_semaphore, #tpu.memory_space<semaphore_mem>>)
        %dma_wait3A = arith.constant 0 : i32
        %dma_wait3A_35 = tpu.memref_slice %arg7[%add3A_30, %dma_wait3A] : memref<10240x128xf32, #tpu.memory_space<vmem_shared>> -> memref<128x128xf32, #tpu.memory_space<vmem_shared>>
        %dma_wait3A_36 = arith.constant 0 : i32
        %dma_wait3A_37 = tpu.memref_slice %arg7[%add3A_30, %dma_wait3A_36] : memref<10240x128xf32, #tpu.memory_space<vmem_shared>> -> memref<128x128xf32, #tpu.memory_space<vmem_shared>>
        tpu.wait_dma2 semaphore(%run_scoped3A_31 : memref<!tpu.dma_semaphore, #tpu.memory_space<semaphore_mem>>) src(%arg6 : memref<128x128xf32, #tpu.memory_space<vmem>>) dst(%dma_wait3A_37 : memref<128x128xf32, #tpu.memory_space<vmem_shared>>)
        tpu.yield
      }) : () -> ()
    }
    %scan3A_5 = arith.constant 5 : i32
    %run_scoped3A_6 = arith.constant 1 : i32
    "tpu.region"() ({
      %run_scoped3A_25 = tpu.sem_alloc : memref<!tpu.dma_semaphore, #tpu.memory_space<semaphore_mem>>
      %dma_start3A = arith.constant 0 : i32
      %dma_start3A_26 = arith.constant 0 : i32
      %dma_start3A_27 = tpu.memref_slice %arg3[%run_scoped3A_6, %dma_start3A, %dma_start3A_26] : memref<2x128x128xf32, #tpu.memory_space<hbm>> -> memref<1x128x128xf32, #tpu.memory_space<hbm>>
      %dma_start3A_28 = tpu.memref_squeeze %dma_start3A_27 : memref<1x128x128xf32, #tpu.memory_space<hbm>> -> memref<128x128xf32, #tpu.memory_space<hbm>>
      %dma_start3A_29 = arith.constant 0 : i32
      %dma_start3A_30 = arith.constant 0 : i32
      %dma_start3A_31 = tpu.memref_slice %arg3[%run_scoped3A_6, %dma_start3A_29, %dma_start3A_30] : memref<2x128x128xf32, #tpu.memory_space<hbm>> -> memref<1x128x128xf32, #tpu.memory_space<hbm>>
      %dma_start3A_32 = tpu.memref_squeeze %dma_start3A_31 : memref<1x128x128xf32, #tpu.memory_space<hbm>> -> memref<128x128xf32, #tpu.memory_space<hbm>>
      tpu.enqueue_dma source(%dma_start3A_32 : memref<128x128xf32, #tpu.memory_space<hbm>>) target(%arg6 : memref<128x128xf32, #tpu.memory_space<vmem>>) target_semaphore(%run_scoped3A_25 : memref<!tpu.dma_semaphore, #tpu.memory_space<semaphore_mem>>)
      %dma_wait3A = arith.constant 0 : i32
      %dma_wait3A_33 = arith.constant 0 : i32
      %dma_wait3A_34 = tpu.memref_slice %arg3[%run_scoped3A_6, %dma_wait3A, %dma_wait3A_33] : memref<2x128x128xf32, #tpu.memory_space<hbm>> -> memref<1x128x128xf32, #tpu.memory_space<hbm>>
      %dma_wait3A_35 = tpu.memref_squeeze %dma_wait3A_34 : memref<1x128x128xf32, #tpu.memory_space<hbm>> -> memref<128x128xf32, #tpu.memory_space<hbm>>
      %dma_wait3A_36 = arith.constant 0 : i32
      %dma_wait3A_37 = arith.constant 0 : i32
      %dma_wait3A_38 = tpu.memref_slice %arg3[%run_scoped3A_6, %dma_wait3A_36, %dma_wait3A_37] : memref<2x128x128xf32, #tpu.memory_space<hbm>> -> memref<1x128x128xf32, #tpu.memory_space<hbm>>
      %dma_wait3A_39 = tpu.memref_squeeze %dma_wait3A_38 : memref<1x128x128xf32, #tpu.memory_space<hbm>> -> memref<128x128xf32, #tpu.memory_space<hbm>>
      tpu.wait_dma2 semaphore(%run_scoped3A_25 : memref<!tpu.dma_semaphore, #tpu.memory_space<semaphore_mem>>) src(%dma_wait3A_39 : memref<128x128xf32, #tpu.memory_space<hbm>>) dst(%arg6 : memref<128x128xf32, #tpu.memory_space<vmem>>)
      tpu.yield
    }) : () -> ()
    %barrier3A = arith.constant 0 : index
    tpu.barrier barrier_id(%barrier3A)
    %scan3A_7 = arith.constant 0 : i32
    %scan3A_8 = arith.constant 0 : i32
    %mul3A_9 = arith.constant 10 : i32
    %mul3A_10 = arith.muli %scan3A_8, %mul3A_9 : i32
    "tpu.region"() ({
      %run_scoped3A_25 = tpu.sem_alloc : memref<!tpu.dma_semaphore, #tpu.memory_space<semaphore_mem>>
      %dma_start3A = arith.constant 0 : i32
      %dma_start3A_26 = tpu.memref_slice %arg2[%add3A, %mul3A_10, %dma_start3A] : memref<32x10x128xi32, #tpu.memory_space<hbm>> -> memref<1x10x128xi32, #tpu.memory_space<hbm>>
      %dma_start3A_27 = tpu.memref_squeeze %dma_start3A_26 : memref<1x10x128xi32, #tpu.memory_space<hbm>> -> memref<10x128xi32, #tpu.memory_space<hbm>>
      %dma_start3A_28 = arith.constant 0 : i32
      %dma_start3A_29 = tpu.memref_slice %arg2[%add3A, %mul3A_10, %dma_start3A_28] : memref<32x10x128xi32, #tpu.memory_space<hbm>> -> memref<1x10x128xi32, #tpu.memory_space<hbm>>
      %dma_start3A_30 = tpu.memref_squeeze %dma_start3A_29 : memref<1x10x128xi32, #tpu.memory_space<hbm>> -> memref<10x128xi32, #tpu.memory_space<hbm>>
      tpu.enqueue_dma source(%dma_start3A_30 : memref<10x128xi32, #tpu.memory_space<hbm>>) target(%arg5 : memref<10x128xi32, #tpu.memory_space<vmem>>) target_semaphore(%run_scoped3A_25 : memref<!tpu.dma_semaphore, #tpu.memory_space<semaphore_mem>>)
      %dma_wait3A = arith.constant 0 : i32
      %dma_wait3A_31 = tpu.memref_slice %arg2[%add3A, %mul3A_10, %dma_wait3A] : memref<32x10x128xi32, #tpu.memory_space<hbm>> -> memref<1x10x128xi32, #tpu.memory_space<hbm>>
      %dma_wait3A_32 = tpu.memref_squeeze %dma_wait3A_31 : memref<1x10x128xi32, #tpu.memory_space<hbm>> -> memref<10x128xi32, #tpu.memory_space<hbm>>
      %dma_wait3A_33 = arith.constant 0 : i32
      %dma_wait3A_34 = tpu.memref_slice %arg2[%add3A, %mul3A_10, %dma_wait3A_33] : memref<32x10x128xi32, #tpu.memory_space<hbm>> -> memref<1x10x128xi32, #tpu.memory_space<hbm>>
      %dma_wait3A_35 = tpu.memref_squeeze %dma_wait3A_34 : memref<1x10x128xi32, #tpu.memory_space<hbm>> -> memref<10x128xi32, #tpu.memory_space<hbm>>
      tpu.wait_dma2 semaphore(%run_scoped3A_25 : memref<!tpu.dma_semaphore, #tpu.memory_space<semaphore_mem>>) src(%dma_wait3A_35 : memref<10x128xi32, #tpu.memory_space<hbm>>) dst(%arg5 : memref<10x128xi32, #tpu.memory_space<vmem>>)
      tpu.yield
    }) : () -> ()
    %scan3A_11 = arith.constant 0 : i32
    %scan3A_12 = arith.constant 0 : i32
    %scan3A_13 = arith.constant 10 : i32
    %scan3A_14 = arith.addi %scan3A_12, %scan3A_13 : i32
    %scan3A_15 = arith.constant 1 : i32
    scf.for %scan3A_25 = %scan3A_12 to %scan3A_14 step %scan3A_15  : i32 {
      "tpu.region"() ({
        %run_scoped3A_26 = tpu.sem_alloc : memref<!tpu.dma_semaphore, #tpu.memory_space<semaphore_mem>>
        %dma_start3A = arith.constant 0 : i32
        %dma_start3A_27 = tpu.memref_slice %arg5[%scan3A_25, %dma_start3A] : memref<10x128xi32, #tpu.memory_space<vmem>> -> memref<1x128xi32, #tpu.memory_space<vmem>>
        %dma_start3A_28 = tpu.memref_squeeze %dma_start3A_27 : memref<1x128xi32, #tpu.memory_space<vmem>> -> memref<128xi32, #tpu.memory_space<vmem>>
        %dma_start3A_29 = arith.constant 0 : i32
        %dma_start3A_30 = arith.constant 0 : i32
        %dma_start3A_31 = tpu.memref_slice %arg7[%dma_start3A_29, %dma_start3A_30] : memref<10240x128xf32, #tpu.memory_space<vmem_shared>> -> memref<10240x128xf32, #tpu.memory_space<vmem_shared>>
        tpu.enqueue_indirect_dma source(%arg6 : memref<128x128xf32, #tpu.memory_space<vmem>>) target(%dma_start3A_31 : memref<10240x128xf32, #tpu.memory_space<vmem_shared>>) offsets(%dma_start3A_28 : memref<128xi32, #tpu.memory_space<vmem>>) semaphore(%run_scoped3A_26 : memref<!tpu.dma_semaphore, #tpu.memory_space<semaphore_mem>>) {add = true}
        %dma_wait3A = arith.constant 0 : i32
        %dma_wait3A_32 = tpu.memref_slice %arg5[%scan3A_25, %dma_wait3A] : memref<10x128xi32, #tpu.memory_space<vmem>> -> memref<1x128xi32, #tpu.memory_space<vmem>>
        %dma_wait3A_33 = tpu.memref_squeeze %dma_wait3A_32 : memref<1x128xi32, #tpu.memory_space<vmem>> -> memref<128xi32, #tpu.memory_space<vmem>>
        %dma_wait3A_34 = arith.constant 0 : i32
        %dma_wait3A_35 = arith.constant 0 : i32
        %dma_wait3A_36 = tpu.memref_slice %arg7[%dma_wait3A_34, %dma_wait3A_35] : memref<10240x128xf32, #tpu.memory_space<vmem_shared>> -> memref<10240x128xf32, #tpu.memory_space<vmem_shared>>
        tpu.wait_indirect_dma semaphore(%run_scoped3A_26 : memref<!tpu.dma_semaphore, #tpu.memory_space<semaphore_mem>>) src(%arg6 : memref<128x128xf32, #tpu.memory_space<vmem>>) dst(%dma_wait3A_36 : memref<10240x128xf32, #tpu.memory_space<vmem_shared>>)
        tpu.yield
      }) : () -> ()
    }
    %scan3A_16 = arith.constant 10 : i32
    %scan3A_17 = arith.constant 1 : i32
    %barrier3A_18 = arith.constant 0 : index
    tpu.barrier barrier_id(%barrier3A_18)
    %scan3A_19 = arith.constant 0 : i32
    %scan3A_20 = arith.constant 0 : i32
    %scan3A_21 = arith.constant 5 : i32
    %scan3A_22 = arith.addi %scan3A_20, %scan3A_21 : i32
    %scan3A_23 = arith.constant 1 : i32
    scf.for %scan3A_25 = %scan3A_20 to %scan3A_22 step %scan3A_23  : i32 {
      %mul3A_26 = arith.constant 640 : i32
      %mul3A_27 = arith.muli %arg1, %mul3A_26 : i32
      %mul3A_28 = arith.constant 128 : i32
      %mul3A_29 = arith.muli %scan3A_25, %mul3A_28 : i32
      %add3A_30 = arith.addi %mul3A_27, %mul3A_29 : i32
      "tpu.region"() ({
        %run_scoped3A_31 = tpu.sem_alloc : memref<!tpu.dma_semaphore, #tpu.memory_space<semaphore_mem>>
        %dma_start3A = arith.constant 0 : i32
        %dma_start3A_32 = tpu.memref_slice %arg7[%add3A_30, %dma_start3A] : memref<10240x128xf32, #tpu.memory_space<vmem_shared>> -> memref<128x128xf32, #tpu.memory_space<vmem_shared>>
        %dma_start3A_33 = arith.constant 0 : i32
        %dma_start3A_34 = tpu.memref_slice %arg7[%add3A_30, %dma_start3A_33] : memref<10240x128xf32, #tpu.memory_space<vmem_shared>> -> memref<128x128xf32, #tpu.memory_space<vmem_shared>>
        tpu.enqueue_dma source(%dma_start3A_34 : memref<128x128xf32, #tpu.memory_space<vmem_shared>>) target(%arg6 : memref<128x128xf32, #tpu.memory_space<vmem>>) target_semaphore(%run_scoped3A_31 : memref<!tpu.dma_semaphore, #tpu.memory_space<semaphore_mem>>)
        %dma_wait3A = arith.constant 0 : i32
        %dma_wait3A_35 = tpu.memref_slice %arg7[%add3A_30, %dma_wait3A] : memref<10240x128xf32, #tpu.memory_space<vmem_shared>> -> memref<128x128xf32, #tpu.memory_space<vmem_shared>>
        %dma_wait3A_36 = arith.constant 0 : i32
        %dma_wait3A_37 = tpu.memref_slice %arg7[%add3A_30, %dma_wait3A_36] : memref<10240x128xf32, #tpu.memory_space<vmem_shared>> -> memref<128x128xf32, #tpu.memory_space<vmem_shared>>
        tpu.wait_dma2 semaphore(%run_scoped3A_31 : memref<!tpu.dma_semaphore, #tpu.memory_space<semaphore_mem>>) src(%dma_wait3A_37 : memref<128x128xf32, #tpu.memory_space<vmem_shared>>) dst(%arg6 : memref<128x128xf32, #tpu.memory_space<vmem>>)
        tpu.yield
      }) : () -> ()
      "tpu.region"() ({
        %run_scoped3A_31 = tpu.sem_alloc : memref<!tpu.dma_semaphore, #tpu.memory_space<semaphore_mem>>
        %dma_start3A = arith.constant 0 : i32
        %dma_start3A_32 = tpu.memref_slice %arg4[%arg0, %add3A_30, %dma_start3A] : memref<2x10240x128xf32, #tpu.memory_space<hbm>> -> memref<1x128x128xf32, #tpu.memory_space<hbm>>
        %dma_start3A_33 = tpu.memref_squeeze %dma_start3A_32 : memref<1x128x128xf32, #tpu.memory_space<hbm>> -> memref<128x128xf32, #tpu.memory_space<hbm>>
        %dma_start3A_34 = arith.constant 0 : i32
        %dma_start3A_35 = tpu.memref_slice %arg4[%arg0, %add3A_30, %dma_start3A_34] : memref<2x10240x128xf32, #tpu.memory_space<hbm>> -> memref<1x128x128xf32, #tpu.memory_space<hbm>>
        %dma_start3A_36 = tpu.memref_squeeze %dma_start3A_35 : memref<1x128x128xf32, #tpu.memory_space<hbm>> -> memref<128x128xf32, #tpu.memory_space<hbm>>
        tpu.enqueue_dma source(%arg6 : memref<128x128xf32, #tpu.memory_space<vmem>>) target(%dma_start3A_36 : memref<128x128xf32, #tpu.memory_space<hbm>>) target_semaphore(%run_scoped3A_31 : memref<!tpu.dma_semaphore, #tpu.memory_space<semaphore_mem>>)
        %dma_wait3A = arith.constant 0 : i32
        %dma_wait3A_37 = tpu.memref_slice %arg4[%arg0, %add3A_30, %dma_wait3A] : memref<2x10240x128xf32, #tpu.memory_space<hbm>> -> memref<1x128x128xf32, #tpu.memory_space<hbm>>
        %dma_wait3A_38 = tpu.memref_squeeze %dma_wait3A_37 : memref<1x128x128xf32, #tpu.memory_space<hbm>> -> memref<128x128xf32, #tpu.memory_space<hbm>>
        %dma_wait3A_39 = arith.constant 0 : i32
        %dma_wait3A_40 = tpu.memref_slice %arg4[%arg0, %add3A_30, %dma_wait3A_39] : memref<2x10240x128xf32, #tpu.memory_space<hbm>> -> memref<1x128x128xf32, #tpu.memory_space<hbm>>
        %dma_wait3A_41 = tpu.memref_squeeze %dma_wait3A_40 : memref<1x128x128xf32, #tpu.memory_space<hbm>> -> memref<128x128xf32, #tpu.memory_space<hbm>>
        tpu.wait_dma2 semaphore(%run_scoped3A_31 : memref<!tpu.dma_semaphore, #tpu.memory_space<semaphore_mem>>) src(%arg6 : memref<128x128xf32, #tpu.memory_space<vmem>>) dst(%dma_wait3A_41 : memref<128x128xf32, #tpu.memory_space<hbm>>)
        tpu.yield
      }) : () -> ()
    }
    %scan3A_24 = arith.constant 5 : i32
    return
  }
}

#map = affine_map<(d0, d1) -> (0, 0)>
#map1 = affine_map<(d0, d1) -> (0, 0, 0)>
module attributes {stable_mosaic.version = 14 : i64} {
  func.func @body(%arg0: i32, %arg1: i32, %arg2: memref<40960x128xf32, #tpu.memory_space<hbm>>, %arg3: memref<32x10x128xi32, #tpu.memory_space<hbm>>, %arg4: memref<2x128x128xf32, #tpu.memory_space<hbm>>, %arg5: memref<2x10240x128xf32, #tpu.memory_space<hbm>>, %arg6: memref<10x128xi32, #tpu.memory_space<vmem>>, %arg7: memref<128x128xf32, #tpu.memory_space<vmem>>, %arg8: memref<10240x128xf32, #tpu.memory_space<vmem_shared>>, %arg9: memref<!tpu.dma_semaphore, #tpu.memory_space<semaphore_mem>>) attributes {dimension_semantics = [#tpu.dimension_semantics<core_parallel>, #tpu.dimension_semantics<subcore_parallel>], iteration_bounds = array<i64: 2, 16>, scalar_prefetch = 0 : i64, scratch_operands = 4 : i64, tpu.core_type = #tpu.core_type<sc_vector_subcore>, window_params = [{transform_indices = #map}, {transform_indices = #map1}, {transform_indices = #map1}, {transform_indices = #map1}]} {
    %mul3A = arith.constant 2 : i32
    %mul3A_0 = arith.muli %arg1, %mul3A : i32
    %add3A = arith.addi %mul3A_0, %arg0 : i32
    %run_scoped3A = arith.constant 0 : i32
    "tpu.region"() ({
      %run_scoped3A_24 = tpu.sem_alloc : memref<!tpu.dma_semaphore, #tpu.memory_space<semaphore_mem>>
      %dma_start3A = arith.constant 0 : i32
      %dma_start3A_25 = arith.constant 0 : i32
      %dma_start3A_26 = tpu.memref_slice %arg4[%run_scoped3A, %dma_start3A, %dma_start3A_25] : memref<2x128x128xf32, #tpu.memory_space<hbm>> -> memref<1x128x128xf32, #tpu.memory_space<hbm>>
      %dma_start3A_27 = tpu.memref_squeeze %dma_start3A_26 : memref<1x128x128xf32, #tpu.memory_space<hbm>> -> memref<128x128xf32, #tpu.memory_space<hbm>>
      %dma_start3A_28 = arith.constant 0 : i32
      %dma_start3A_29 = arith.constant 0 : i32
      %dma_start3A_30 = tpu.memref_slice %arg4[%run_scoped3A, %dma_start3A_28, %dma_start3A_29] : memref<2x128x128xf32, #tpu.memory_space<hbm>> -> memref<1x128x128xf32, #tpu.memory_space<hbm>>
      %dma_start3A_31 = tpu.memref_squeeze %dma_start3A_30 : memref<1x128x128xf32, #tpu.memory_space<hbm>> -> memref<128x128xf32, #tpu.memory_space<hbm>>
      tpu.enqueue_dma source(%dma_start3A_31 : memref<128x128xf32, #tpu.memory_space<hbm>>) target(%arg7 : memref<128x128xf32, #tpu.memory_space<vmem>>) target_semaphore(%run_scoped3A_24 : memref<!tpu.dma_semaphore, #tpu.memory_space<semaphore_mem>>)
      %dma_wait3A = arith.constant 0 : i32
      %dma_wait3A_32 = arith.constant 0 : i32
      %dma_wait3A_33 = tpu.memref_slice %arg4[%run_scoped3A, %dma_wait3A, %dma_wait3A_32] : memref<2x128x128xf32, #tpu.memory_space<hbm>> -> memref<1x128x128xf32, #tpu.memory_space<hbm>>
      %dma_wait3A_34 = tpu.memref_squeeze %dma_wait3A_33 : memref<1x128x128xf32, #tpu.memory_space<hbm>> -> memref<128x128xf32, #tpu.memory_space<hbm>>
      %dma_wait3A_35 = arith.constant 0 : i32
      %dma_wait3A_36 = arith.constant 0 : i32
      %dma_wait3A_37 = tpu.memref_slice %arg4[%run_scoped3A, %dma_wait3A_35, %dma_wait3A_36] : memref<2x128x128xf32, #tpu.memory_space<hbm>> -> memref<1x128x128xf32, #tpu.memory_space<hbm>>
      %dma_wait3A_38 = tpu.memref_squeeze %dma_wait3A_37 : memref<1x128x128xf32, #tpu.memory_space<hbm>> -> memref<128x128xf32, #tpu.memory_space<hbm>>
      tpu.wait_dma2 semaphore(%run_scoped3A_24 : memref<!tpu.dma_semaphore, #tpu.memory_space<semaphore_mem>>) src(%dma_wait3A_38 : memref<128x128xf32, #tpu.memory_space<hbm>>) dst(%arg7 : memref<128x128xf32, #tpu.memory_space<vmem>>)
      tpu.yield
    }) : () -> ()
    %scan3A = arith.constant 0 : i32
    %scan3A_1 = arith.constant 0 : i32
    %scan3A_2 = arith.constant 5 : i32
    %scan3A_3 = arith.addi %scan3A_1, %scan3A_2 : i32
    %scan3A_4 = arith.constant 1 : i32
    scf.for %scan3A_24 = %scan3A_1 to %scan3A_3 step %scan3A_4  : i32 {
      %mul3A_25 = arith.constant 640 : i32
      %mul3A_26 = arith.muli %arg1, %mul3A_25 : i32
      %mul3A_27 = arith.constant 128 : i32
      %mul3A_28 = arith.muli %scan3A_24, %mul3A_27 : i32
      %add3A_29 = arith.addi %mul3A_26, %mul3A_28 : i32
      "tpu.region"() ({
        %run_scoped3A_30 = tpu.sem_alloc : memref<!tpu.dma_semaphore, #tpu.memory_space<semaphore_mem>>
        %dma_start3A = arith.constant 0 : i32
        %dma_start3A_31 = tpu.memref_slice %arg8[%add3A_29, %dma_start3A] : memref<10240x128xf32, #tpu.memory_space<vmem_shared>> -> memref<128x128xf32, #tpu.memory_space<vmem_shared>>
        %dma_start3A_32 = arith.constant 0 : i32
        %dma_start3A_33 = tpu.memref_slice %arg8[%add3A_29, %dma_start3A_32] : memref<10240x128xf32, #tpu.memory_space<vmem_shared>> -> memref<128x128xf32, #tpu.memory_space<vmem_shared>>
        tpu.enqueue_dma source(%arg7 : memref<128x128xf32, #tpu.memory_space<vmem>>) target(%dma_start3A_33 : memref<128x128xf32, #tpu.memory_space<vmem_shared>>) target_semaphore(%run_scoped3A_30 : memref<!tpu.dma_semaphore, #tpu.memory_space<semaphore_mem>>)
        %dma_wait3A = arith.constant 0 : i32
        %dma_wait3A_34 = tpu.memref_slice %arg8[%add3A_29, %dma_wait3A] : memref<10240x128xf32, #tpu.memory_space<vmem_shared>> -> memref<128x128xf32, #tpu.memory_space<vmem_shared>>
        %dma_wait3A_35 = arith.constant 0 : i32
        %dma_wait3A_36 = tpu.memref_slice %arg8[%add3A_29, %dma_wait3A_35] : memref<10240x128xf32, #tpu.memory_space<vmem_shared>> -> memref<128x128xf32, #tpu.memory_space<vmem_shared>>
        tpu.wait_dma2 semaphore(%run_scoped3A_30 : memref<!tpu.dma_semaphore, #tpu.memory_space<semaphore_mem>>) src(%arg7 : memref<128x128xf32, #tpu.memory_space<vmem>>) dst(%dma_wait3A_36 : memref<128x128xf32, #tpu.memory_space<vmem_shared>>)
        tpu.yield
      }) : () -> ()
    }
    %scan3A_5 = arith.constant 5 : i32
    %barrier3A = arith.constant 0 : index
    tpu.barrier barrier_id(%barrier3A)
    %scan3A_6 = arith.constant 0 : i32
    %scan3A_7 = arith.constant 0 : i32
    %mul3A_8 = arith.constant 10 : i32
    %mul3A_9 = arith.muli %scan3A_7, %mul3A_8 : i32
    "tpu.region"() ({
      %run_scoped3A_24 = tpu.sem_alloc : memref<!tpu.dma_semaphore, #tpu.memory_space<semaphore_mem>>
      %dma_start3A = arith.constant 0 : i32
      %dma_start3A_25 = tpu.memref_slice %arg3[%add3A, %mul3A_9, %dma_start3A] : memref<32x10x128xi32, #tpu.memory_space<hbm>> -> memref<1x10x128xi32, #tpu.memory_space<hbm>>
      %dma_start3A_26 = tpu.memref_squeeze %dma_start3A_25 : memref<1x10x128xi32, #tpu.memory_space<hbm>> -> memref<10x128xi32, #tpu.memory_space<hbm>>
      %dma_start3A_27 = arith.constant 0 : i32
      %dma_start3A_28 = tpu.memref_slice %arg3[%add3A, %mul3A_9, %dma_start3A_27] : memref<32x10x128xi32, #tpu.memory_space<hbm>> -> memref<1x10x128xi32, #tpu.memory_space<hbm>>
      %dma_start3A_29 = tpu.memref_squeeze %dma_start3A_28 : memref<1x10x128xi32, #tpu.memory_space<hbm>> -> memref<10x128xi32, #tpu.memory_space<hbm>>
      tpu.enqueue_dma source(%dma_start3A_29 : memref<10x128xi32, #tpu.memory_space<hbm>>) target(%arg6 : memref<10x128xi32, #tpu.memory_space<vmem>>) target_semaphore(%run_scoped3A_24 : memref<!tpu.dma_semaphore, #tpu.memory_space<semaphore_mem>>)
      %dma_wait3A = arith.constant 0 : i32
      %dma_wait3A_30 = tpu.memref_slice %arg3[%add3A, %mul3A_9, %dma_wait3A] : memref<32x10x128xi32, #tpu.memory_space<hbm>> -> memref<1x10x128xi32, #tpu.memory_space<hbm>>
      %dma_wait3A_31 = tpu.memref_squeeze %dma_wait3A_30 : memref<1x10x128xi32, #tpu.memory_space<hbm>> -> memref<10x128xi32, #tpu.memory_space<hbm>>
      %dma_wait3A_32 = arith.constant 0 : i32
      %dma_wait3A_33 = tpu.memref_slice %arg3[%add3A, %mul3A_9, %dma_wait3A_32] : memref<32x10x128xi32, #tpu.memory_space<hbm>> -> memref<1x10x128xi32, #tpu.memory_space<hbm>>
      %dma_wait3A_34 = tpu.memref_squeeze %dma_wait3A_33 : memref<1x10x128xi32, #tpu.memory_space<hbm>> -> memref<10x128xi32, #tpu.memory_space<hbm>>
      tpu.wait_dma2 semaphore(%run_scoped3A_24 : memref<!tpu.dma_semaphore, #tpu.memory_space<semaphore_mem>>) src(%dma_wait3A_34 : memref<10x128xi32, #tpu.memory_space<hbm>>) dst(%arg6 : memref<10x128xi32, #tpu.memory_space<vmem>>)
      tpu.yield
    }) : () -> ()
    %scan3A_10 = arith.constant 0 : i32
    %scan3A_11 = arith.constant 0 : i32
    %scan3A_12 = arith.constant 10 : i32
    %scan3A_13 = arith.addi %scan3A_11, %scan3A_12 : i32
    %scan3A_14 = arith.constant 1 : i32
    scf.for %scan3A_24 = %scan3A_11 to %scan3A_13 step %scan3A_14  : i32 {
      %mul3A_25 = arith.constant 10 : i32
      %mul3A_26 = arith.muli %add3A, %mul3A_25 : i32
      %mul3A_27 = arith.constant 10 : i32
      %mul3A_28 = arith.muli %scan3A_7, %mul3A_27 : i32
      %add3A_29 = arith.addi %mul3A_26, %mul3A_28 : i32
      %add3A_30 = arith.addi %add3A_29, %scan3A_24 : i32
      %mul3A_31 = arith.constant 128 : i32
      %mul3A_32 = arith.muli %add3A_30, %mul3A_31 : i32
      "tpu.region"() ({
        %run_scoped3A_33 = tpu.sem_alloc : memref<!tpu.dma_semaphore, #tpu.memory_space<semaphore_mem>>
        %dma_start3A = arith.constant 0 : i32
        %dma_start3A_34 = tpu.memref_slice %arg2[%mul3A_32, %dma_start3A] : memref<40960x128xf32, #tpu.memory_space<hbm>> -> memref<128x128xf32, #tpu.memory_space<hbm>>
        %dma_start3A_35 = arith.constant 0 : i32
        %dma_start3A_36 = tpu.memref_slice %arg2[%mul3A_32, %dma_start3A_35] : memref<40960x128xf32, #tpu.memory_space<hbm>> -> memref<128x128xf32, #tpu.memory_space<hbm>>
        tpu.enqueue_dma source(%dma_start3A_36 : memref<128x128xf32, #tpu.memory_space<hbm>>) target(%arg7 : memref<128x128xf32, #tpu.memory_space<vmem>>) target_semaphore(%run_scoped3A_33 : memref<!tpu.dma_semaphore, #tpu.memory_space<semaphore_mem>>)
        %dma_wait3A = arith.constant 0 : i32
        %dma_wait3A_37 = tpu.memref_slice %arg2[%mul3A_32, %dma_wait3A] : memref<40960x128xf32, #tpu.memory_space<hbm>> -> memref<128x128xf32, #tpu.memory_space<hbm>>
        %dma_wait3A_38 = arith.constant 0 : i32
        %dma_wait3A_39 = tpu.memref_slice %arg2[%mul3A_32, %dma_wait3A_38] : memref<40960x128xf32, #tpu.memory_space<hbm>> -> memref<128x128xf32, #tpu.memory_space<hbm>>
        tpu.wait_dma2 semaphore(%run_scoped3A_33 : memref<!tpu.dma_semaphore, #tpu.memory_space<semaphore_mem>>) src(%dma_wait3A_39 : memref<128x128xf32, #tpu.memory_space<hbm>>) dst(%arg7 : memref<128x128xf32, #tpu.memory_space<vmem>>)
        tpu.yield
      }) : () -> ()
      "tpu.region"() ({
        %run_scoped3A_33 = tpu.sem_alloc : memref<!tpu.dma_semaphore, #tpu.memory_space<semaphore_mem>>
        %dma_start3A = arith.constant 0 : i32
        %dma_start3A_34 = tpu.memref_slice %arg6[%scan3A_24, %dma_start3A] : memref<10x128xi32, #tpu.memory_space<vmem>> -> memref<1x128xi32, #tpu.memory_space<vmem>>
        %dma_start3A_35 = tpu.memref_squeeze %dma_start3A_34 : memref<1x128xi32, #tpu.memory_space<vmem>> -> memref<128xi32, #tpu.memory_space<vmem>>
        %dma_start3A_36 = arith.constant 0 : i32
        %dma_start3A_37 = arith.constant 0 : i32
        %dma_start3A_38 = tpu.memref_slice %arg8[%dma_start3A_36, %dma_start3A_37] : memref<10240x128xf32, #tpu.memory_space<vmem_shared>> -> memref<10240x128xf32, #tpu.memory_space<vmem_shared>>
        tpu.enqueue_indirect_dma source(%arg7 : memref<128x128xf32, #tpu.memory_space<vmem>>) target(%dma_start3A_38 : memref<10240x128xf32, #tpu.memory_space<vmem_shared>>) offsets(%dma_start3A_35 : memref<128xi32, #tpu.memory_space<vmem>>) semaphore(%run_scoped3A_33 : memref<!tpu.dma_semaphore, #tpu.memory_space<semaphore_mem>>) {add = true}
        %dma_wait3A = arith.constant 0 : i32
        %dma_wait3A_39 = tpu.memref_slice %arg6[%scan3A_24, %dma_wait3A] : memref<10x128xi32, #tpu.memory_space<vmem>> -> memref<1x128xi32, #tpu.memory_space<vmem>>
        %dma_wait3A_40 = tpu.memref_squeeze %dma_wait3A_39 : memref<1x128xi32, #tpu.memory_space<vmem>> -> memref<128xi32, #tpu.memory_space<vmem>>
        %dma_wait3A_41 = arith.constant 0 : i32
        %dma_wait3A_42 = arith.constant 0 : i32
        %dma_wait3A_43 = tpu.memref_slice %arg8[%dma_wait3A_41, %dma_wait3A_42] : memref<10240x128xf32, #tpu.memory_space<vmem_shared>> -> memref<10240x128xf32, #tpu.memory_space<vmem_shared>>
        tpu.wait_indirect_dma semaphore(%run_scoped3A_33 : memref<!tpu.dma_semaphore, #tpu.memory_space<semaphore_mem>>) src(%arg7 : memref<128x128xf32, #tpu.memory_space<vmem>>) dst(%dma_wait3A_43 : memref<10240x128xf32, #tpu.memory_space<vmem_shared>>)
        tpu.yield
      }) : () -> ()
    }
    %scan3A_15 = arith.constant 10 : i32
    %scan3A_16 = arith.constant 1 : i32
    %barrier3A_17 = arith.constant 0 : index
    tpu.barrier barrier_id(%barrier3A_17)
    %scan3A_18 = arith.constant 0 : i32
    %scan3A_19 = arith.constant 0 : i32
    %scan3A_20 = arith.constant 5 : i32
    %scan3A_21 = arith.addi %scan3A_19, %scan3A_20 : i32
    %scan3A_22 = arith.constant 1 : i32
    scf.for %scan3A_24 = %scan3A_19 to %scan3A_21 step %scan3A_22  : i32 {
      %mul3A_25 = arith.constant 640 : i32
      %mul3A_26 = arith.muli %arg1, %mul3A_25 : i32
      %mul3A_27 = arith.constant 128 : i32
      %mul3A_28 = arith.muli %scan3A_24, %mul3A_27 : i32
      %add3A_29 = arith.addi %mul3A_26, %mul3A_28 : i32
      "tpu.region"() ({
        %run_scoped3A_30 = tpu.sem_alloc : memref<!tpu.dma_semaphore, #tpu.memory_space<semaphore_mem>>
        %dma_start3A = arith.constant 0 : i32
        %dma_start3A_31 = tpu.memref_slice %arg8[%add3A_29, %dma_start3A] : memref<10240x128xf32, #tpu.memory_space<vmem_shared>> -> memref<128x128xf32, #tpu.memory_space<vmem_shared>>
        %dma_start3A_32 = arith.constant 0 : i32
        %dma_start3A_33 = tpu.memref_slice %arg8[%add3A_29, %dma_start3A_32] : memref<10240x128xf32, #tpu.memory_space<vmem_shared>> -> memref<128x128xf32, #tpu.memory_space<vmem_shared>>
        tpu.enqueue_dma source(%dma_start3A_33 : memref<128x128xf32, #tpu.memory_space<vmem_shared>>) target(%arg7 : memref<128x128xf32, #tpu.memory_space<vmem>>) target_semaphore(%run_scoped3A_30 : memref<!tpu.dma_semaphore, #tpu.memory_space<semaphore_mem>>)
        %dma_wait3A = arith.constant 0 : i32
        %dma_wait3A_34 = tpu.memref_slice %arg8[%add3A_29, %dma_wait3A] : memref<10240x128xf32, #tpu.memory_space<vmem_shared>> -> memref<128x128xf32, #tpu.memory_space<vmem_shared>>
        %dma_wait3A_35 = arith.constant 0 : i32
        %dma_wait3A_36 = tpu.memref_slice %arg8[%add3A_29, %dma_wait3A_35] : memref<10240x128xf32, #tpu.memory_space<vmem_shared>> -> memref<128x128xf32, #tpu.memory_space<vmem_shared>>
        tpu.wait_dma2 semaphore(%run_scoped3A_30 : memref<!tpu.dma_semaphore, #tpu.memory_space<semaphore_mem>>) src(%dma_wait3A_36 : memref<128x128xf32, #tpu.memory_space<vmem_shared>>) dst(%arg7 : memref<128x128xf32, #tpu.memory_space<vmem>>)
        tpu.yield
      }) : () -> ()
      "tpu.region"() ({
        %run_scoped3A_30 = tpu.sem_alloc : memref<!tpu.dma_semaphore, #tpu.memory_space<semaphore_mem>>
        %dma_start3A = arith.constant 0 : i32
        %dma_start3A_31 = tpu.memref_slice %arg5[%arg0, %add3A_29, %dma_start3A] : memref<2x10240x128xf32, #tpu.memory_space<hbm>> -> memref<1x128x128xf32, #tpu.memory_space<hbm>>
        %dma_start3A_32 = tpu.memref_squeeze %dma_start3A_31 : memref<1x128x128xf32, #tpu.memory_space<hbm>> -> memref<128x128xf32, #tpu.memory_space<hbm>>
        %dma_start3A_33 = arith.constant 0 : i32
        %dma_start3A_34 = tpu.memref_slice %arg5[%arg0, %add3A_29, %dma_start3A_33] : memref<2x10240x128xf32, #tpu.memory_space<hbm>> -> memref<1x128x128xf32, #tpu.memory_space<hbm>>
        %dma_start3A_35 = tpu.memref_squeeze %dma_start3A_34 : memref<1x128x128xf32, #tpu.memory_space<hbm>> -> memref<128x128xf32, #tpu.memory_space<hbm>>
        tpu.enqueue_dma source(%arg7 : memref<128x128xf32, #tpu.memory_space<vmem>>) target(%dma_start3A_35 : memref<128x128xf32, #tpu.memory_space<hbm>>) target_semaphore(%run_scoped3A_30 : memref<!tpu.dma_semaphore, #tpu.memory_space<semaphore_mem>>)
        %dma_wait3A = arith.constant 0 : i32
        %dma_wait3A_36 = tpu.memref_slice %arg5[%arg0, %add3A_29, %dma_wait3A] : memref<2x10240x128xf32, #tpu.memory_space<hbm>> -> memref<1x128x128xf32, #tpu.memory_space<hbm>>
        %dma_wait3A_37 = tpu.memref_squeeze %dma_wait3A_36 : memref<1x128x128xf32, #tpu.memory_space<hbm>> -> memref<128x128xf32, #tpu.memory_space<hbm>>
        %dma_wait3A_38 = arith.constant 0 : i32
        %dma_wait3A_39 = tpu.memref_slice %arg5[%arg0, %add3A_29, %dma_wait3A_38] : memref<2x10240x128xf32, #tpu.memory_space<hbm>> -> memref<1x128x128xf32, #tpu.memory_space<hbm>>
        %dma_wait3A_40 = tpu.memref_squeeze %dma_wait3A_39 : memref<1x128x128xf32, #tpu.memory_space<hbm>> -> memref<128x128xf32, #tpu.memory_space<hbm>>
        tpu.wait_dma2 semaphore(%run_scoped3A_30 : memref<!tpu.dma_semaphore, #tpu.memory_space<semaphore_mem>>) src(%arg7 : memref<128x128xf32, #tpu.memory_space<vmem>>) dst(%dma_wait3A_40 : memref<128x128xf32, #tpu.memory_space<hbm>>)
        tpu.yield
      }) : () -> ()
    }
    %scan3A_23 = arith.constant 5 : i32
    return
  }
}

#map = affine_map<(d0, d1) -> (0, 0)>
#map1 = affine_map<(d0, d1) -> (0, 0, 0)>
module attributes {stable_mosaic.version = 14 : i64} {
  func.func @body(%arg0: i32, %arg1: i32, %arg2: memref<2000x128xf32, #tpu.memory_space<hbm>>, %arg3: memref<32x10x128xi32, #tpu.memory_space<hbm>>, %arg4: memref<40960x128xf32, #tpu.memory_space<hbm>>, %arg5: memref<10x128xi32, #tpu.memory_space<vmem>>, %arg6: memref<128x128xf32, #tpu.memory_space<vmem>>, %arg7: memref<!tpu.dma_semaphore, #tpu.memory_space<semaphore_mem>>) attributes {dimension_semantics = [#tpu.dimension_semantics<core_parallel>, #tpu.dimension_semantics<subcore_parallel>], iteration_bounds = array<i64: 2, 16>, scalar_prefetch = 0 : i64, scratch_operands = 3 : i64, tpu.core_type = #tpu.core_type<sc_vector_subcore>, window_params = [{transform_indices = #map}, {transform_indices = #map1}, {transform_indices = #map}]} {
    %mul3A = arith.constant 2 : i32
    %mul3A_0 = arith.muli %arg1, %mul3A : i32
    %add3A = arith.addi %mul3A_0, %arg0 : i32
    %scan3A = arith.constant 0 : i32
    %scan3A_1 = arith.constant 0 : i32
    %mul3A_2 = arith.constant 10 : i32
    %mul3A_3 = arith.muli %scan3A_1, %mul3A_2 : i32
    "tpu.region"() ({
      %run_scoped3A = tpu.sem_alloc : memref<!tpu.dma_semaphore, #tpu.memory_space<semaphore_mem>>
      %dma_start3A = arith.constant 0 : i32
      %dma_start3A_11 = tpu.memref_slice %arg3[%add3A, %mul3A_3, %dma_start3A] : memref<32x10x128xi32, #tpu.memory_space<hbm>> -> memref<1x10x128xi32, #tpu.memory_space<hbm>>
      %dma_start3A_12 = tpu.memref_squeeze %dma_start3A_11 : memref<1x10x128xi32, #tpu.memory_space<hbm>> -> memref<10x128xi32, #tpu.memory_space<hbm>>
      %dma_start3A_13 = arith.constant 0 : i32
      %dma_start3A_14 = tpu.memref_slice %arg3[%add3A, %mul3A_3, %dma_start3A_13] : memref<32x10x128xi32, #tpu.memory_space<hbm>> -> memref<1x10x128xi32, #tpu.memory_space<hbm>>
      %dma_start3A_15 = tpu.memref_squeeze %dma_start3A_14 : memref<1x10x128xi32, #tpu.memory_space<hbm>> -> memref<10x128xi32, #tpu.memory_space<hbm>>
      tpu.enqueue_dma source(%dma_start3A_15 : memref<10x128xi32, #tpu.memory_space<hbm>>) target(%arg5 : memref<10x128xi32, #tpu.memory_space<vmem>>) target_semaphore(%run_scoped3A : memref<!tpu.dma_semaphore, #tpu.memory_space<semaphore_mem>>)
      %dma_wait3A = arith.constant 0 : i32
      %dma_wait3A_16 = tpu.memref_slice %arg3[%add3A, %mul3A_3, %dma_wait3A] : memref<32x10x128xi32, #tpu.memory_space<hbm>> -> memref<1x10x128xi32, #tpu.memory_space<hbm>>
      %dma_wait3A_17 = tpu.memref_squeeze %dma_wait3A_16 : memref<1x10x128xi32, #tpu.memory_space<hbm>> -> memref<10x128xi32, #tpu.memory_space<hbm>>
      %dma_wait3A_18 = arith.constant 0 : i32
      %dma_wait3A_19 = tpu.memref_slice %arg3[%add3A, %mul3A_3, %dma_wait3A_18] : memref<32x10x128xi32, #tpu.memory_space<hbm>> -> memref<1x10x128xi32, #tpu.memory_space<hbm>>
      %dma_wait3A_20 = tpu.memref_squeeze %dma_wait3A_19 : memref<1x10x128xi32, #tpu.memory_space<hbm>> -> memref<10x128xi32, #tpu.memory_space<hbm>>
      tpu.wait_dma2 semaphore(%run_scoped3A : memref<!tpu.dma_semaphore, #tpu.memory_space<semaphore_mem>>) src(%dma_wait3A_20 : memref<10x128xi32, #tpu.memory_space<hbm>>) dst(%arg5 : memref<10x128xi32, #tpu.memory_space<vmem>>)
      tpu.yield
    }) : () -> ()
    %scan3A_4 = arith.constant 0 : i32
    %scan3A_5 = arith.constant 0 : i32
    %scan3A_6 = arith.constant 10 : i32
    %scan3A_7 = arith.addi %scan3A_5, %scan3A_6 : i32
    %scan3A_8 = arith.constant 1 : i32
    scf.for %scan3A_11 = %scan3A_5 to %scan3A_7 step %scan3A_8  : i32 {
      %mul3A_12 = arith.constant 10 : i32
      %mul3A_13 = arith.muli %add3A, %mul3A_12 : i32
      %mul3A_14 = arith.constant 10 : i32
      %mul3A_15 = arith.muli %scan3A_1, %mul3A_14 : i32
      %add3A_16 = arith.addi %mul3A_13, %mul3A_15 : i32
      %add3A_17 = arith.addi %add3A_16, %scan3A_11 : i32
      %mul3A_18 = arith.constant 128 : i32
      %mul3A_19 = arith.muli %add3A_17, %mul3A_18 : i32
      %dma_start3A = arith.constant 0 : i32
      %dma_start3A_20 = tpu.memref_slice %arg5[%scan3A_11, %dma_start3A] : memref<10x128xi32, #tpu.memory_space<vmem>> -> memref<1x128xi32, #tpu.memory_space<vmem>>
      %dma_start3A_21 = tpu.memref_squeeze %dma_start3A_20 : memref<1x128xi32, #tpu.memory_space<vmem>> -> memref<128xi32, #tpu.memory_space<vmem>>
      %dma_start3A_22 = arith.constant 0 : i32
      %dma_start3A_23 = arith.constant 0 : i32
      %dma_start3A_24 = tpu.memref_slice %arg2[%dma_start3A_22, %dma_start3A_23] : memref<2000x128xf32, #tpu.memory_space<hbm>> -> memref<2000x128xf32, #tpu.memory_space<hbm>>
      tpu.enqueue_indirect_dma source(%dma_start3A_24 : memref<2000x128xf32, #tpu.memory_space<hbm>>) target(%arg6 : memref<128x128xf32, #tpu.memory_space<vmem>>) offsets(%dma_start3A_21 : memref<128xi32, #tpu.memory_space<vmem>>) semaphore(%arg7 : memref<!tpu.dma_semaphore, #tpu.memory_space<semaphore_mem>>)
      %dma_wait3A = arith.constant 0 : i32
      %dma_wait3A_25 = tpu.memref_slice %arg5[%scan3A_11, %dma_wait3A] : memref<10x128xi32, #tpu.memory_space<vmem>> -> memref<1x128xi32, #tpu.memory_space<vmem>>
      %dma_wait3A_26 = tpu.memref_squeeze %dma_wait3A_25 : memref<1x128xi32, #tpu.memory_space<vmem>> -> memref<128xi32, #tpu.memory_space<vmem>>
      %dma_wait3A_27 = arith.constant 0 : i32
      %dma_wait3A_28 = arith.constant 0 : i32
      %dma_wait3A_29 = tpu.memref_slice %arg2[%dma_wait3A_27, %dma_wait3A_28] : memref<2000x128xf32, #tpu.memory_space<hbm>> -> memref<2000x128xf32, #tpu.memory_space<hbm>>
      tpu.wait_indirect_dma semaphore(%arg7 : memref<!tpu.dma_semaphore, #tpu.memory_space<semaphore_mem>>) src(%dma_wait3A_29 : memref<2000x128xf32, #tpu.memory_space<hbm>>) dst(%arg6 : memref<128x128xf32, #tpu.memory_space<vmem>>)
      "tpu.region"() ({
        %run_scoped3A = tpu.sem_alloc : memref<!tpu.dma_semaphore, #tpu.memory_space<semaphore_mem>>
        %dma_start3A_30 = arith.constant 0 : i32
        %dma_start3A_31 = tpu.memref_slice %arg4[%mul3A_19, %dma_start3A_30] : memref<40960x128xf32, #tpu.memory_space<hbm>> -> memref<128x128xf32, #tpu.memory_space<hbm>>
        %dma_start3A_32 = arith.constant 0 : i32
        %dma_start3A_33 = tpu.memref_slice %arg4[%mul3A_19, %dma_start3A_32] : memref<40960x128xf32, #tpu.memory_space<hbm>> -> memref<128x128xf32, #tpu.memory_space<hbm>>
        tpu.enqueue_dma source(%arg6 : memref<128x128xf32, #tpu.memory_space<vmem>>) target(%dma_start3A_33 : memref<128x128xf32, #tpu.memory_space<hbm>>) target_semaphore(%run_scoped3A : memref<!tpu.dma_semaphore, #tpu.memory_space<semaphore_mem>>)
        %dma_wait3A_34 = arith.constant 0 : i32
        %dma_wait3A_35 = tpu.memref_slice %arg4[%mul3A_19, %dma_wait3A_34] : memref<40960x128xf32, #tpu.memory_space<hbm>> -> memref<128x128xf32, #tpu.memory_space<hbm>>
        %dma_wait3A_36 = arith.constant 0 : i32
        %dma_wait3A_37 = tpu.memref_slice %arg4[%mul3A_19, %dma_wait3A_36] : memref<40960x128xf32, #tpu.memory_space<hbm>> -> memref<128x128xf32, #tpu.memory_space<hbm>>
        tpu.wait_dma2 semaphore(%run_scoped3A : memref<!tpu.dma_semaphore, #tpu.memory_space<semaphore_mem>>) src(%arg6 : memref<128x128xf32, #tpu.memory_space<vmem>>) dst(%dma_wait3A_37 : memref<128x128xf32, #tpu.memory_space<hbm>>)
        tpu.yield
      }) : () -> ()
    }
    %scan3A_9 = arith.constant 10 : i32
    %scan3A_10 = arith.constant 1 : i32
    return
  }
}

#map = affine_map<(d0, d1) -> (0, 0)>
#map1 = affine_map<(d0, d1) -> (0, 0, 0)>
module attributes {stable_mosaic.version = 14 : i64} {
  func.func @body(%arg0: i32, %arg1: i32, %arg2: memref<327680x128xf32, #tpu.memory_space<hbm>>, %arg3: memref<32x80x128xi32, #tpu.memory_space<hbm>>, %arg4: memref<2x128x128xf32, #tpu.memory_space<hbm>>, %arg5: memref<2x10240x128xf32, #tpu.memory_space<hbm>>, %arg6: memref<8x128xi32, #tpu.memory_space<vmem>>, %arg7: memref<128x128xf32, #tpu.memory_space<vmem>>, %arg8: memref<10240x128xf32, #tpu.memory_space<vmem_shared>>, %arg9: memref<!tpu.dma_semaphore, #tpu.memory_space<semaphore_mem>>) attributes {dimension_semantics = [#tpu.dimension_semantics<core_parallel>, #tpu.dimension_semantics<subcore_parallel>], iteration_bounds = array<i64: 2, 16>, scalar_prefetch = 0 : i64, scratch_operands = 4 : i64, tpu.core_type = #tpu.core_type<sc_vector_subcore>, window_params = [{transform_indices = #map}, {transform_indices = #map1}, {transform_indices = #map1}, {transform_indices = #map1}]} {
    %mul3A = arith.constant 2 : i32
    %mul3A_0 = arith.muli %arg1, %mul3A : i32
    %add3A = arith.addi %mul3A_0, %arg0 : i32
    %run_scoped3A = arith.constant 0 : i32
    "tpu.region"() ({
      %run_scoped3A_19 = tpu.sem_alloc : memref<!tpu.dma_semaphore, #tpu.memory_space<semaphore_mem>>
      %dma_start3A = arith.constant 0 : i32
      %dma_start3A_20 = arith.constant 0 : i32
      %dma_start3A_21 = tpu.memref_slice %arg4[%run_scoped3A, %dma_start3A, %dma_start3A_20] : memref<2x128x128xf32, #tpu.memory_space<hbm>> -> memref<1x128x128xf32, #tpu.memory_space<hbm>>
      %dma_start3A_22 = tpu.memref_squeeze %dma_start3A_21 : memref<1x128x128xf32, #tpu.memory_space<hbm>> -> memref<128x128xf32, #tpu.memory_space<hbm>>
      %dma_start3A_23 = arith.constant 0 : i32
      %dma_start3A_24 = arith.constant 0 : i32
      %dma_start3A_25 = tpu.memref_slice %arg4[%run_scoped3A, %dma_start3A_23, %dma_start3A_24] : memref<2x128x128xf32, #tpu.memory_space<hbm>> -> memref<1x128x128xf32, #tpu.memory_space<hbm>>
      %dma_start3A_26 = tpu.memref_squeeze %dma_start3A_25 : memref<1x128x128xf32, #tpu.memory_space<hbm>> -> memref<128x128xf32, #tpu.memory_space<hbm>>
      tpu.enqueue_dma source(%dma_start3A_26 : memref<128x128xf32, #tpu.memory_space<hbm>>) target(%arg7 : memref<128x128xf32, #tpu.memory_space<vmem>>) target_semaphore(%run_scoped3A_19 : memref<!tpu.dma_semaphore, #tpu.memory_space<semaphore_mem>>)
      %dma_wait3A = arith.constant 0 : i32
      %dma_wait3A_27 = arith.constant 0 : i32
      %dma_wait3A_28 = tpu.memref_slice %arg4[%run_scoped3A, %dma_wait3A, %dma_wait3A_27] : memref<2x128x128xf32, #tpu.memory_space<hbm>> -> memref<1x128x128xf32, #tpu.memory_space<hbm>>
      %dma_wait3A_29 = tpu.memref_squeeze %dma_wait3A_28 : memref<1x128x128xf32, #tpu.memory_space<hbm>> -> memref<128x128xf32, #tpu.memory_space<hbm>>
      %dma_wait3A_30 = arith.constant 0 : i32
      %dma_wait3A_31 = arith.constant 0 : i32
      %dma_wait3A_32 = tpu.memref_slice %arg4[%run_scoped3A, %dma_wait3A_30, %dma_wait3A_31] : memref<2x128x128xf32, #tpu.memory_space<hbm>> -> memref<1x128x128xf32, #tpu.memory_space<hbm>>
      %dma_wait3A_33 = tpu.memref_squeeze %dma_wait3A_32 : memref<1x128x128xf32, #tpu.memory_space<hbm>> -> memref<128x128xf32, #tpu.memory_space<hbm>>
      tpu.wait_dma2 semaphore(%run_scoped3A_19 : memref<!tpu.dma_semaphore, #tpu.memory_space<semaphore_mem>>) src(%dma_wait3A_33 : memref<128x128xf32, #tpu.memory_space<hbm>>) dst(%arg7 : memref<128x128xf32, #tpu.memory_space<vmem>>)
      tpu.yield
    }) : () -> ()
    %scan3A = arith.constant 0 : i32
    %scan3A_1 = arith.constant 0 : i32
    %scan3A_2 = arith.constant 5 : i32
    %scan3A_3 = arith.addi %scan3A_1, %scan3A_2 : i32
    %scan3A_4 = arith.constant 1 : i32
    scf.for %scan3A_19 = %scan3A_1 to %scan3A_3 step %scan3A_4  : i32 {
      %mul3A_20 = arith.constant 640 : i32
      %mul3A_21 = arith.muli %arg1, %mul3A_20 : i32
      %mul3A_22 = arith.constant 128 : i32
      %mul3A_23 = arith.muli %scan3A_19, %mul3A_22 : i32
      %add3A_24 = arith.addi %mul3A_21, %mul3A_23 : i32
      "tpu.region"() ({
        %run_scoped3A_25 = tpu.sem_alloc : memref<!tpu.dma_semaphore, #tpu.memory_space<semaphore_mem>>
        %dma_start3A = arith.constant 0 : i32
        %dma_start3A_26 = tpu.memref_slice %arg8[%add3A_24, %dma_start3A] : memref<10240x128xf32, #tpu.memory_space<vmem_shared>> -> memref<128x128xf32, #tpu.memory_space<vmem_shared>>
        %dma_start3A_27 = arith.constant 0 : i32
        %dma_start3A_28 = tpu.memref_slice %arg8[%add3A_24, %dma_start3A_27] : memref<10240x128xf32, #tpu.memory_space<vmem_shared>> -> memref<128x128xf32, #tpu.memory_space<vmem_shared>>
        tpu.enqueue_dma source(%arg7 : memref<128x128xf32, #tpu.memory_space<vmem>>) target(%dma_start3A_28 : memref<128x128xf32, #tpu.memory_space<vmem_shared>>) target_semaphore(%run_scoped3A_25 : memref<!tpu.dma_semaphore, #tpu.memory_space<semaphore_mem>>)
        %dma_wait3A = arith.constant 0 : i32
        %dma_wait3A_29 = tpu.memref_slice %arg8[%add3A_24, %dma_wait3A] : memref<10240x128xf32, #tpu.memory_space<vmem_shared>> -> memref<128x128xf32, #tpu.memory_space<vmem_shared>>
        %dma_wait3A_30 = arith.constant 0 : i32
        %dma_wait3A_31 = tpu.memref_slice %arg8[%add3A_24, %dma_wait3A_30] : memref<10240x128xf32, #tpu.memory_space<vmem_shared>> -> memref<128x128xf32, #tpu.memory_space<vmem_shared>>
        tpu.wait_dma2 semaphore(%run_scoped3A_25 : memref<!tpu.dma_semaphore, #tpu.memory_space<semaphore_mem>>) src(%arg7 : memref<128x128xf32, #tpu.memory_space<vmem>>) dst(%dma_wait3A_31 : memref<128x128xf32, #tpu.memory_space<vmem_shared>>)
        tpu.yield
      }) : () -> ()
    }
    %scan3A_5 = arith.constant 5 : i32
    %barrier3A = arith.constant 0 : index
    tpu.barrier barrier_id(%barrier3A)
    %scan3A_6 = arith.constant 0 : i32
    %scan3A_7 = arith.constant 0 : i32
    %scan3A_8 = arith.constant 10 : i32
    %scan3A_9 = arith.addi %scan3A_7, %scan3A_8 : i32
    %scan3A_10 = arith.constant 1 : i32
    scf.for %scan3A_19 = %scan3A_7 to %scan3A_9 step %scan3A_10  : i32 {
      %mul3A_20 = arith.constant 8 : i32
      %mul3A_21 = arith.muli %scan3A_19, %mul3A_20 : i32
      "tpu.region"() ({
        %run_scoped3A_28 = tpu.sem_alloc : memref<!tpu.dma_semaphore, #tpu.memory_space<semaphore_mem>>
        %dma_start3A = arith.constant 0 : i32
        %dma_start3A_29 = tpu.memref_slice %arg3[%add3A, %mul3A_21, %dma_start3A] : memref<32x80x128xi32, #tpu.memory_space<hbm>> -> memref<1x8x128xi32, #tpu.memory_space<hbm>>
        %dma_start3A_30 = tpu.memref_squeeze %dma_start3A_29 : memref<1x8x128xi32, #tpu.memory_space<hbm>> -> memref<8x128xi32, #tpu.memory_space<hbm>>
        %dma_start3A_31 = arith.constant 0 : i32
        %dma_start3A_32 = tpu.memref_slice %arg3[%add3A, %mul3A_21, %dma_start3A_31] : memref<32x80x128xi32, #tpu.memory_space<hbm>> -> memref<1x8x128xi32, #tpu.memory_space<hbm>>
        %dma_start3A_33 = tpu.memref_squeeze %dma_start3A_32 : memref<1x8x128xi32, #tpu.memory_space<hbm>> -> memref<8x128xi32, #tpu.memory_space<hbm>>
        tpu.enqueue_dma source(%dma_start3A_33 : memref<8x128xi32, #tpu.memory_space<hbm>>) target(%arg6 : memref<8x128xi32, #tpu.memory_space<vmem>>) target_semaphore(%run_scoped3A_28 : memref<!tpu.dma_semaphore, #tpu.memory_space<semaphore_mem>>)
        %dma_wait3A = arith.constant 0 : i32
        %dma_wait3A_34 = tpu.memref_slice %arg3[%add3A, %mul3A_21, %dma_wait3A] : memref<32x80x128xi32, #tpu.memory_space<hbm>> -> memref<1x8x128xi32, #tpu.memory_space<hbm>>
        %dma_wait3A_35 = tpu.memref_squeeze %dma_wait3A_34 : memref<1x8x128xi32, #tpu.memory_space<hbm>> -> memref<8x128xi32, #tpu.memory_space<hbm>>
        %dma_wait3A_36 = arith.constant 0 : i32
        %dma_wait3A_37 = tpu.memref_slice %arg3[%add3A, %mul3A_21, %dma_wait3A_36] : memref<32x80x128xi32, #tpu.memory_space<hbm>> -> memref<1x8x128xi32, #tpu.memory_space<hbm>>
        %dma_wait3A_38 = tpu.memref_squeeze %dma_wait3A_37 : memref<1x8x128xi32, #tpu.memory_space<hbm>> -> memref<8x128xi32, #tpu.memory_space<hbm>>
        tpu.wait_dma2 semaphore(%run_scoped3A_28 : memref<!tpu.dma_semaphore, #tpu.memory_space<semaphore_mem>>) src(%dma_wait3A_38 : memref<8x128xi32, #tpu.memory_space<hbm>>) dst(%arg6 : memref<8x128xi32, #tpu.memory_space<vmem>>)
        tpu.yield
      }) : () -> ()
      %scan3A_22 = arith.constant 0 : i32
      %scan3A_23 = arith.constant 0 : i32
      %scan3A_24 = arith.constant 8 : i32
      %scan3A_25 = arith.addi %scan3A_23, %scan3A_24 : i32
      %scan3A_26 = arith.constant 1 : i32
      scf.for %scan3A_28 = %scan3A_23 to %scan3A_25 step %scan3A_26  : i32 {
        %mul3A_29 = arith.constant 80 : i32
        %mul3A_30 = arith.muli %add3A, %mul3A_29 : i32
        %mul3A_31 = arith.constant 8 : i32
        %mul3A_32 = arith.muli %scan3A_19, %mul3A_31 : i32
        %add3A_33 = arith.addi %mul3A_30, %mul3A_32 : i32
        %add3A_34 = arith.addi %add3A_33, %scan3A_28 : i32
        %mul3A_35 = arith.constant 128 : i32
        %mul3A_36 = arith.muli %add3A_34, %mul3A_35 : i32
        "tpu.region"() ({
          %run_scoped3A_37 = tpu.sem_alloc : memref<!tpu.dma_semaphore, #tpu.memory_space<semaphore_mem>>
          %dma_start3A = arith.constant 0 : i32
          %dma_start3A_38 = tpu.memref_slice %arg2[%mul3A_36, %dma_start3A] : memref<327680x128xf32, #tpu.memory_space<hbm>> -> memref<128x128xf32, #tpu.memory_space<hbm>>
          %dma_start3A_39 = arith.constant 0 : i32
          %dma_start3A_40 = tpu.memref_slice %arg2[%mul3A_36, %dma_start3A_39] : memref<327680x128xf32, #tpu.memory_space<hbm>> -> memref<128x128xf32, #tpu.memory_space<hbm>>
          tpu.enqueue_dma source(%dma_start3A_40 : memref<128x128xf32, #tpu.memory_space<hbm>>) target(%arg7 : memref<128x128xf32, #tpu.memory_space<vmem>>) target_semaphore(%run_scoped3A_37 : memref<!tpu.dma_semaphore, #tpu.memory_space<semaphore_mem>>)
          %dma_wait3A = arith.constant 0 : i32
          %dma_wait3A_41 = tpu.memref_slice %arg2[%mul3A_36, %dma_wait3A] : memref<327680x128xf32, #tpu.memory_space<hbm>> -> memref<128x128xf32, #tpu.memory_space<hbm>>
          %dma_wait3A_42 = arith.constant 0 : i32
          %dma_wait3A_43 = tpu.memref_slice %arg2[%mul3A_36, %dma_wait3A_42] : memref<327680x128xf32, #tpu.memory_space<hbm>> -> memref<128x128xf32, #tpu.memory_space<hbm>>
          tpu.wait_dma2 semaphore(%run_scoped3A_37 : memref<!tpu.dma_semaphore, #tpu.memory_space<semaphore_mem>>) src(%dma_wait3A_43 : memref<128x128xf32, #tpu.memory_space<hbm>>) dst(%arg7 : memref<128x128xf32, #tpu.memory_space<vmem>>)
          tpu.yield
        }) : () -> ()
        "tpu.region"() ({
          %run_scoped3A_37 = tpu.sem_alloc : memref<!tpu.dma_semaphore, #tpu.memory_space<semaphore_mem>>
          %dma_start3A = arith.constant 0 : i32
          %dma_start3A_38 = tpu.memref_slice %arg6[%scan3A_28, %dma_start3A] : memref<8x128xi32, #tpu.memory_space<vmem>> -> memref<1x128xi32, #tpu.memory_space<vmem>>
          %dma_start3A_39 = tpu.memref_squeeze %dma_start3A_38 : memref<1x128xi32, #tpu.memory_space<vmem>> -> memref<128xi32, #tpu.memory_space<vmem>>
          %dma_start3A_40 = arith.constant 0 : i32
          %dma_start3A_41 = arith.constant 0 : i32
          %dma_start3A_42 = tpu.memref_slice %arg8[%dma_start3A_40, %dma_start3A_41] : memref<10240x128xf32, #tpu.memory_space<vmem_shared>> -> memref<10240x128xf32, #tpu.memory_space<vmem_shared>>
          tpu.enqueue_indirect_dma source(%arg7 : memref<128x128xf32, #tpu.memory_space<vmem>>) target(%dma_start3A_42 : memref<10240x128xf32, #tpu.memory_space<vmem_shared>>) offsets(%dma_start3A_39 : memref<128xi32, #tpu.memory_space<vmem>>) semaphore(%run_scoped3A_37 : memref<!tpu.dma_semaphore, #tpu.memory_space<semaphore_mem>>) {add = true}
          %dma_wait3A = arith.constant 0 : i32
          %dma_wait3A_43 = tpu.memref_slice %arg6[%scan3A_28, %dma_wait3A] : memref<8x128xi32, #tpu.memory_space<vmem>> -> memref<1x128xi32, #tpu.memory_space<vmem>>
          %dma_wait3A_44 = tpu.memref_squeeze %dma_wait3A_43 : memref<1x128xi32, #tpu.memory_space<vmem>> -> memref<128xi32, #tpu.memory_space<vmem>>
          %dma_wait3A_45 = arith.constant 0 : i32
          %dma_wait3A_46 = arith.constant 0 : i32
          %dma_wait3A_47 = tpu.memref_slice %arg8[%dma_wait3A_45, %dma_wait3A_46] : memref<10240x128xf32, #tpu.memory_space<vmem_shared>> -> memref<10240x128xf32, #tpu.memory_space<vmem_shared>>
          tpu.wait_indirect_dma semaphore(%run_scoped3A_37 : memref<!tpu.dma_semaphore, #tpu.memory_space<semaphore_mem>>) src(%arg7 : memref<128x128xf32, #tpu.memory_space<vmem>>) dst(%dma_wait3A_47 : memref<10240x128xf32, #tpu.memory_space<vmem_shared>>)
          tpu.yield
        }) : () -> ()
      }
      %scan3A_27 = arith.constant 8 : i32
    }
    %scan3A_11 = arith.constant 10 : i32
    %barrier3A_12 = arith.constant 0 : index
    tpu.barrier barrier_id(%barrier3A_12)
    %scan3A_13 = arith.constant 0 : i32
    %scan3A_14 = arith.constant 0 : i32
    %scan3A_15 = arith.constant 5 : i32
    %scan3A_16 = arith.addi %scan3A_14, %scan3A_15 : i32
    %scan3A_17 = arith.constant 1 : i32
    scf.for %scan3A_19 = %scan3A_14 to %scan3A_16 step %scan3A_17  : i32 {
      %mul3A_20 = arith.constant 640 : i32
      %mul3A_21 = arith.muli %arg1, %mul3A_20 : i32
      %mul3A_22 = arith.constant 128 : i32
      %mul3A_23 = arith.muli %scan3A_19, %mul3A_22 : i32
      %add3A_24 = arith.addi %mul3A_21, %mul3A_23 : i32
      "tpu.region"() ({
        %run_scoped3A_25 = tpu.sem_alloc : memref<!tpu.dma_semaphore, #tpu.memory_space<semaphore_mem>>
        %dma_start3A = arith.constant 0 : i32
        %dma_start3A_26 = tpu.memref_slice %arg8[%add3A_24, %dma_start3A] : memref<10240x128xf32, #tpu.memory_space<vmem_shared>> -> memref<128x128xf32, #tpu.memory_space<vmem_shared>>
        %dma_start3A_27 = arith.constant 0 : i32
        %dma_start3A_28 = tpu.memref_slice %arg8[%add3A_24, %dma_start3A_27] : memref<10240x128xf32, #tpu.memory_space<vmem_shared>> -> memref<128x128xf32, #tpu.memory_space<vmem_shared>>
        tpu.enqueue_dma source(%dma_start3A_28 : memref<128x128xf32, #tpu.memory_space<vmem_shared>>) target(%arg7 : memref<128x128xf32, #tpu.memory_space<vmem>>) target_semaphore(%run_scoped3A_25 : memref<!tpu.dma_semaphore, #tpu.memory_space<semaphore_mem>>)
        %dma_wait3A = arith.constant 0 : i32
        %dma_wait3A_29 = tpu.memref_slice %arg8[%add3A_24, %dma_wait3A] : memref<10240x128xf32, #tpu.memory_space<vmem_shared>> -> memref<128x128xf32, #tpu.memory_space<vmem_shared>>
        %dma_wait3A_30 = arith.constant 0 : i32
        %dma_wait3A_31 = tpu.memref_slice %arg8[%add3A_24, %dma_wait3A_30] : memref<10240x128xf32, #tpu.memory_space<vmem_shared>> -> memref<128x128xf32, #tpu.memory_space<vmem_shared>>
        tpu.wait_dma2 semaphore(%run_scoped3A_25 : memref<!tpu.dma_semaphore, #tpu.memory_space<semaphore_mem>>) src(%dma_wait3A_31 : memref<128x128xf32, #tpu.memory_space<vmem_shared>>) dst(%arg7 : memref<128x128xf32, #tpu.memory_space<vmem>>)
        tpu.yield
      }) : () -> ()
      "tpu.region"() ({
        %run_scoped3A_25 = tpu.sem_alloc : memref<!tpu.dma_semaphore, #tpu.memory_space<semaphore_mem>>
        %dma_start3A = arith.constant 0 : i32
        %dma_start3A_26 = tpu.memref_slice %arg5[%arg0, %add3A_24, %dma_start3A] : memref<2x10240x128xf32, #tpu.memory_space<hbm>> -> memref<1x128x128xf32, #tpu.memory_space<hbm>>
        %dma_start3A_27 = tpu.memref_squeeze %dma_start3A_26 : memref<1x128x128xf32, #tpu.memory_space<hbm>> -> memref<128x128xf32, #tpu.memory_space<hbm>>
        %dma_start3A_28 = arith.constant 0 : i32
        %dma_start3A_29 = tpu.memref_slice %arg5[%arg0, %add3A_24, %dma_start3A_28] : memref<2x10240x128xf32, #tpu.memory_space<hbm>> -> memref<1x128x128xf32, #tpu.memory_space<hbm>>
        %dma_start3A_30 = tpu.memref_squeeze %dma_start3A_29 : memref<1x128x128xf32, #tpu.memory_space<hbm>> -> memref<128x128xf32, #tpu.memory_space<hbm>>
        tpu.enqueue_dma source(%arg7 : memref<128x128xf32, #tpu.memory_space<vmem>>) target(%dma_start3A_30 : memref<128x128xf32, #tpu.memory_space<hbm>>) target_semaphore(%run_scoped3A_25 : memref<!tpu.dma_semaphore, #tpu.memory_space<semaphore_mem>>)
        %dma_wait3A = arith.constant 0 : i32
        %dma_wait3A_31 = tpu.memref_slice %arg5[%arg0, %add3A_24, %dma_wait3A] : memref<2x10240x128xf32, #tpu.memory_space<hbm>> -> memref<1x128x128xf32, #tpu.memory_space<hbm>>
        %dma_wait3A_32 = tpu.memref_squeeze %dma_wait3A_31 : memref<1x128x128xf32, #tpu.memory_space<hbm>> -> memref<128x128xf32, #tpu.memory_space<hbm>>
        %dma_wait3A_33 = arith.constant 0 : i32
        %dma_wait3A_34 = tpu.memref_slice %arg5[%arg0, %add3A_24, %dma_wait3A_33] : memref<2x10240x128xf32, #tpu.memory_space<hbm>> -> memref<1x128x128xf32, #tpu.memory_space<hbm>>
        %dma_wait3A_35 = tpu.memref_squeeze %dma_wait3A_34 : memref<1x128x128xf32, #tpu.memory_space<hbm>> -> memref<128x128xf32, #tpu.memory_space<hbm>>
        tpu.wait_dma2 semaphore(%run_scoped3A_25 : memref<!tpu.dma_semaphore, #tpu.memory_space<semaphore_mem>>) src(%arg7 : memref<128x128xf32, #tpu.memory_space<vmem>>) dst(%dma_wait3A_35 : memref<128x128xf32, #tpu.memory_space<hbm>>)
        tpu.yield
      }) : () -> ()
    }
    %scan3A_18 = arith.constant 5 : i32
    return
  }
}

#map = affine_map<(d0, d1) -> (0, 0)>
#map1 = affine_map<(d0, d1) -> (0, 0, 0)>
module attributes {stable_mosaic.version = 14 : i64} {
  func.func @body(%arg0: i32, %arg1: i32, %arg2: memref<10000x128xf32, #tpu.memory_space<hbm>>, %arg3: memref<32x80x128xi32, #tpu.memory_space<hbm>>, %arg4: memref<327680x128xf32, #tpu.memory_space<hbm>>, %arg5: memref<8x128xi32, #tpu.memory_space<vmem>>, %arg6: memref<128x128xf32, #tpu.memory_space<vmem>>, %arg7: memref<!tpu.dma_semaphore, #tpu.memory_space<semaphore_mem>>) attributes {dimension_semantics = [#tpu.dimension_semantics<core_parallel>, #tpu.dimension_semantics<subcore_parallel>], iteration_bounds = array<i64: 2, 16>, scalar_prefetch = 0 : i64, scratch_operands = 3 : i64, tpu.core_type = #tpu.core_type<sc_vector_subcore>, window_params = [{transform_indices = #map}, {transform_indices = #map1}, {transform_indices = #map}]} {
    %mul3A = arith.constant 2 : i32
    %mul3A_0 = arith.muli %arg1, %mul3A : i32
    %add3A = arith.addi %mul3A_0, %arg0 : i32
    %scan3A = arith.constant 0 : i32
    %scan3A_1 = arith.constant 0 : i32
    %scan3A_2 = arith.constant 10 : i32
    %scan3A_3 = arith.addi %scan3A_1, %scan3A_2 : i32
    %scan3A_4 = arith.constant 1 : i32
    scf.for %scan3A_6 = %scan3A_1 to %scan3A_3 step %scan3A_4  : i32 {
      %mul3A_7 = arith.constant 8 : i32
      %mul3A_8 = arith.muli %scan3A_6, %mul3A_7 : i32
      "tpu.region"() ({
        %run_scoped3A = tpu.sem_alloc : memref<!tpu.dma_semaphore, #tpu.memory_space<semaphore_mem>>
        %dma_start3A = arith.constant 0 : i32
        %dma_start3A_15 = tpu.memref_slice %arg3[%add3A, %mul3A_8, %dma_start3A] : memref<32x80x128xi32, #tpu.memory_space<hbm>> -> memref<1x8x128xi32, #tpu.memory_space<hbm>>
        %dma_start3A_16 = tpu.memref_squeeze %dma_start3A_15 : memref<1x8x128xi32, #tpu.memory_space<hbm>> -> memref<8x128xi32, #tpu.memory_space<hbm>>
        %dma_start3A_17 = arith.constant 0 : i32
        %dma_start3A_18 = tpu.memref_slice %arg3[%add3A, %mul3A_8, %dma_start3A_17] : memref<32x80x128xi32, #tpu.memory_space<hbm>> -> memref<1x8x128xi32, #tpu.memory_space<hbm>>
        %dma_start3A_19 = tpu.memref_squeeze %dma_start3A_18 : memref<1x8x128xi32, #tpu.memory_space<hbm>> -> memref<8x128xi32, #tpu.memory_space<hbm>>
        tpu.enqueue_dma source(%dma_start3A_19 : memref<8x128xi32, #tpu.memory_space<hbm>>) target(%arg5 : memref<8x128xi32, #tpu.memory_space<vmem>>) target_semaphore(%run_scoped3A : memref<!tpu.dma_semaphore, #tpu.memory_space<semaphore_mem>>)
        %dma_wait3A = arith.constant 0 : i32
        %dma_wait3A_20 = tpu.memref_slice %arg3[%add3A, %mul3A_8, %dma_wait3A] : memref<32x80x128xi32, #tpu.memory_space<hbm>> -> memref<1x8x128xi32, #tpu.memory_space<hbm>>
        %dma_wait3A_21 = tpu.memref_squeeze %dma_wait3A_20 : memref<1x8x128xi32, #tpu.memory_space<hbm>> -> memref<8x128xi32, #tpu.memory_space<hbm>>
        %dma_wait3A_22 = arith.constant 0 : i32
        %dma_wait3A_23 = tpu.memref_slice %arg3[%add3A, %mul3A_8, %dma_wait3A_22] : memref<32x80x128xi32, #tpu.memory_space<hbm>> -> memref<1x8x128xi32, #tpu.memory_space<hbm>>
        %dma_wait3A_24 = tpu.memref_squeeze %dma_wait3A_23 : memref<1x8x128xi32, #tpu.memory_space<hbm>> -> memref<8x128xi32, #tpu.memory_space<hbm>>
        tpu.wait_dma2 semaphore(%run_scoped3A : memref<!tpu.dma_semaphore, #tpu.memory_space<semaphore_mem>>) src(%dma_wait3A_24 : memref<8x128xi32, #tpu.memory_space<hbm>>) dst(%arg5 : memref<8x128xi32, #tpu.memory_space<vmem>>)
        tpu.yield
      }) : () -> ()
      %scan3A_9 = arith.constant 0 : i32
      %scan3A_10 = arith.constant 0 : i32
      %scan3A_11 = arith.constant 8 : i32
      %scan3A_12 = arith.addi %scan3A_10, %scan3A_11 : i32
      %scan3A_13 = arith.constant 1 : i32
      scf.for %scan3A_15 = %scan3A_10 to %scan3A_12 step %scan3A_13  : i32 {
        %mul3A_16 = arith.constant 80 : i32
        %mul3A_17 = arith.muli %add3A, %mul3A_16 : i32
        %mul3A_18 = arith.constant 8 : i32
        %mul3A_19 = arith.muli %scan3A_6, %mul3A_18 : i32
        %add3A_20 = arith.addi %mul3A_17, %mul3A_19 : i32
        %add3A_21 = arith.addi %add3A_20, %scan3A_15 : i32
        %mul3A_22 = arith.constant 128 : i32
        %mul3A_23 = arith.muli %add3A_21, %mul3A_22 : i32
        %dma_start3A = arith.constant 0 : i32
        %dma_start3A_24 = tpu.memref_slice %arg5[%scan3A_15, %dma_start3A] : memref<8x128xi32, #tpu.memory_space<vmem>> -> memref<1x128xi32, #tpu.memory_space<vmem>>
        %dma_start3A_25 = tpu.memref_squeeze %dma_start3A_24 : memref<1x128xi32, #tpu.memory_space<vmem>> -> memref<128xi32, #tpu.memory_space<vmem>>
        %dma_start3A_26 = arith.constant 0 : i32
        %dma_start3A_27 = arith.constant 0 : i32
        %dma_start3A_28 = tpu.memref_slice %arg2[%dma_start3A_26, %dma_start3A_27] : memref<10000x128xf32, #tpu.memory_space<hbm>> -> memref<10000x128xf32, #tpu.memory_space<hbm>>
        tpu.enqueue_indirect_dma source(%dma_start3A_28 : memref<10000x128xf32, #tpu.memory_space<hbm>>) target(%arg6 : memref<128x128xf32, #tpu.memory_space<vmem>>) offsets(%dma_start3A_25 : memref<128xi32, #tpu.memory_space<vmem>>) semaphore(%arg7 : memref<!tpu.dma_semaphore, #tpu.memory_space<semaphore_mem>>)
        %dma_wait3A = arith.constant 0 : i32
        %dma_wait3A_29 = tpu.memref_slice %arg5[%scan3A_15, %dma_wait3A] : memref<8x128xi32, #tpu.memory_space<vmem>> -> memref<1x128xi32, #tpu.memory_space<vmem>>
        %dma_wait3A_30 = tpu.memref_squeeze %dma_wait3A_29 : memref<1x128xi32, #tpu.memory_space<vmem>> -> memref<128xi32, #tpu.memory_space<vmem>>
        %dma_wait3A_31 = arith.constant 0 : i32
        %dma_wait3A_32 = arith.constant 0 : i32
        %dma_wait3A_33 = tpu.memref_slice %arg2[%dma_wait3A_31, %dma_wait3A_32] : memref<10000x128xf32, #tpu.memory_space<hbm>> -> memref<10000x128xf32, #tpu.memory_space<hbm>>
        tpu.wait_indirect_dma semaphore(%arg7 : memref<!tpu.dma_semaphore, #tpu.memory_space<semaphore_mem>>) src(%dma_wait3A_33 : memref<10000x128xf32, #tpu.memory_space<hbm>>) dst(%arg6 : memref<128x128xf32, #tpu.memory_space<vmem>>)
        "tpu.region"() ({
          %run_scoped3A = tpu.sem_alloc : memref<!tpu.dma_semaphore, #tpu.memory_space<semaphore_mem>>
          %dma_start3A_34 = arith.constant 0 : i32
          %dma_start3A_35 = tpu.memref_slice %arg4[%mul3A_23, %dma_start3A_34] : memref<327680x128xf32, #tpu.memory_space<hbm>> -> memref<128x128xf32, #tpu.memory_space<hbm>>
          %dma_start3A_36 = arith.constant 0 : i32
          %dma_start3A_37 = tpu.memref_slice %arg4[%mul3A_23, %dma_start3A_36] : memref<327680x128xf32, #tpu.memory_space<hbm>> -> memref<128x128xf32, #tpu.memory_space<hbm>>
          tpu.enqueue_dma source(%arg6 : memref<128x128xf32, #tpu.memory_space<vmem>>) target(%dma_start3A_37 : memref<128x128xf32, #tpu.memory_space<hbm>>) target_semaphore(%run_scoped3A : memref<!tpu.dma_semaphore, #tpu.memory_space<semaphore_mem>>)
          %dma_wait3A_38 = arith.constant 0 : i32
          %dma_wait3A_39 = tpu.memref_slice %arg4[%mul3A_23, %dma_wait3A_38] : memref<327680x128xf32, #tpu.memory_space<hbm>> -> memref<128x128xf32, #tpu.memory_space<hbm>>
          %dma_wait3A_40 = arith.constant 0 : i32
          %dma_wait3A_41 = tpu.memref_slice %arg4[%mul3A_23, %dma_wait3A_40] : memref<327680x128xf32, #tpu.memory_space<hbm>> -> memref<128x128xf32, #tpu.memory_space<hbm>>
          tpu.wait_dma2 semaphore(%run_scoped3A : memref<!tpu.dma_semaphore, #tpu.memory_space<semaphore_mem>>) src(%arg6 : memref<128x128xf32, #tpu.memory_space<vmem>>) dst(%dma_wait3A_41 : memref<128x128xf32, #tpu.memory_space<hbm>>)
          tpu.yield
        }) : () -> ()
      }
      %scan3A_14 = arith.constant 8 : i32
    }
    %scan3A_5 = arith.constant 10 : i32
    return
  }
}

#map = affine_map<(d0, d1) -> (0, 0)>
#map1 = affine_map<(d0, d1) -> (0, 0, 0)>
module attributes {stable_mosaic.version = 14 : i64} {
  func.func @body(%arg0: i32, %arg1: i32, %arg2: memref<327680x128xf32, #tpu.memory_space<hbm>>, %arg3: memref<32x80x128xi32, #tpu.memory_space<hbm>>, %arg4: memref<2x128x128xf32, #tpu.memory_space<hbm>>, %arg5: memref<2x10240x128xf32, #tpu.memory_space<hbm>>, %arg6: memref<8x128xi32, #tpu.memory_space<vmem>>, %arg7: memref<128x128xf32, #tpu.memory_space<vmem>>, %arg8: memref<10240x128xf32, #tpu.memory_space<vmem_shared>>, %arg9: memref<!tpu.dma_semaphore, #tpu.memory_space<semaphore_mem>>) attributes {dimension_semantics = [#tpu.dimension_semantics<core_parallel>, #tpu.dimension_semantics<subcore_parallel>], iteration_bounds = array<i64: 2, 16>, scalar_prefetch = 0 : i64, scratch_operands = 4 : i64, tpu.core_type = #tpu.core_type<sc_vector_subcore>, window_params = [{transform_indices = #map}, {transform_indices = #map1}, {transform_indices = #map1}, {transform_indices = #map1}]} {
    %mul3A = arith.constant 2 : i32
    %mul3A_0 = arith.muli %arg1, %mul3A : i32
    %add3A = arith.addi %mul3A_0, %arg0 : i32
    %run_scoped3A = arith.constant 0 : i32
    "tpu.region"() ({
      %run_scoped3A_19 = tpu.sem_alloc : memref<!tpu.dma_semaphore, #tpu.memory_space<semaphore_mem>>
      %dma_start3A = arith.constant 0 : i32
      %dma_start3A_20 = arith.constant 0 : i32
      %dma_start3A_21 = tpu.memref_slice %arg4[%run_scoped3A, %dma_start3A, %dma_start3A_20] : memref<2x128x128xf32, #tpu.memory_space<hbm>> -> memref<1x128x128xf32, #tpu.memory_space<hbm>>
      %dma_start3A_22 = tpu.memref_squeeze %dma_start3A_21 : memref<1x128x128xf32, #tpu.memory_space<hbm>> -> memref<128x128xf32, #tpu.memory_space<hbm>>
      %dma_start3A_23 = arith.constant 0 : i32
      %dma_start3A_24 = arith.constant 0 : i32
      %dma_start3A_25 = tpu.memref_slice %arg4[%run_scoped3A, %dma_start3A_23, %dma_start3A_24] : memref<2x128x128xf32, #tpu.memory_space<hbm>> -> memref<1x128x128xf32, #tpu.memory_space<hbm>>
      %dma_start3A_26 = tpu.memref_squeeze %dma_start3A_25 : memref<1x128x128xf32, #tpu.memory_space<hbm>> -> memref<128x128xf32, #tpu.memory_space<hbm>>
      tpu.enqueue_dma source(%dma_start3A_26 : memref<128x128xf32, #tpu.memory_space<hbm>>) target(%arg7 : memref<128x128xf32, #tpu.memory_space<vmem>>) target_semaphore(%run_scoped3A_19 : memref<!tpu.dma_semaphore, #tpu.memory_space<semaphore_mem>>)
      %dma_wait3A = arith.constant 0 : i32
      %dma_wait3A_27 = arith.constant 0 : i32
      %dma_wait3A_28 = tpu.memref_slice %arg4[%run_scoped3A, %dma_wait3A, %dma_wait3A_27] : memref<2x128x128xf32, #tpu.memory_space<hbm>> -> memref<1x128x128xf32, #tpu.memory_space<hbm>>
      %dma_wait3A_29 = tpu.memref_squeeze %dma_wait3A_28 : memref<1x128x128xf32, #tpu.memory_space<hbm>> -> memref<128x128xf32, #tpu.memory_space<hbm>>
      %dma_wait3A_30 = arith.constant 0 : i32
      %dma_wait3A_31 = arith.constant 0 : i32
      %dma_wait3A_32 = tpu.memref_slice %arg4[%run_scoped3A, %dma_wait3A_30, %dma_wait3A_31] : memref<2x128x128xf32, #tpu.memory_space<hbm>> -> memref<1x128x128xf32, #tpu.memory_space<hbm>>
      %dma_wait3A_33 = tpu.memref_squeeze %dma_wait3A_32 : memref<1x128x128xf32, #tpu.memory_space<hbm>> -> memref<128x128xf32, #tpu.memory_space<hbm>>
      tpu.wait_dma2 semaphore(%run_scoped3A_19 : memref<!tpu.dma_semaphore, #tpu.memory_space<semaphore_mem>>) src(%dma_wait3A_33 : memref<128x128xf32, #tpu.memory_space<hbm>>) dst(%arg7 : memref<128x128xf32, #tpu.memory_space<vmem>>)
      tpu.yield
    }) : () -> ()
    %scan3A = arith.constant 0 : i32
    %scan3A_1 = arith.constant 0 : i32
    %scan3A_2 = arith.constant 5 : i32
    %scan3A_3 = arith.addi %scan3A_1, %scan3A_2 : i32
    %scan3A_4 = arith.constant 1 : i32
    scf.for %scan3A_19 = %scan3A_1 to %scan3A_3 step %scan3A_4  : i32 {
      %mul3A_20 = arith.constant 640 : i32
      %mul3A_21 = arith.muli %arg1, %mul3A_20 : i32
      %mul3A_22 = arith.constant 128 : i32
      %mul3A_23 = arith.muli %scan3A_19, %mul3A_22 : i32
      %add3A_24 = arith.addi %mul3A_21, %mul3A_23 : i32
      "tpu.region"() ({
        %run_scoped3A_25 = tpu.sem_alloc : memref<!tpu.dma_semaphore, #tpu.memory_space<semaphore_mem>>
        %dma_start3A = arith.constant 0 : i32
        %dma_start3A_26 = tpu.memref_slice %arg8[%add3A_24, %dma_start3A] : memref<10240x128xf32, #tpu.memory_space<vmem_shared>> -> memref<128x128xf32, #tpu.memory_space<vmem_shared>>
        %dma_start3A_27 = arith.constant 0 : i32
        %dma_start3A_28 = tpu.memref_slice %arg8[%add3A_24, %dma_start3A_27] : memref<10240x128xf32, #tpu.memory_space<vmem_shared>> -> memref<128x128xf32, #tpu.memory_space<vmem_shared>>
        tpu.enqueue_dma source(%arg7 : memref<128x128xf32, #tpu.memory_space<vmem>>) target(%dma_start3A_28 : memref<128x128xf32, #tpu.memory_space<vmem_shared>>) target_semaphore(%run_scoped3A_25 : memref<!tpu.dma_semaphore, #tpu.memory_space<semaphore_mem>>)
        %dma_wait3A = arith.constant 0 : i32
        %dma_wait3A_29 = tpu.memref_slice %arg8[%add3A_24, %dma_wait3A] : memref<10240x128xf32, #tpu.memory_space<vmem_shared>> -> memref<128x128xf32, #tpu.memory_space<vmem_shared>>
        %dma_wait3A_30 = arith.constant 0 : i32
        %dma_wait3A_31 = tpu.memref_slice %arg8[%add3A_24, %dma_wait3A_30] : memref<10240x128xf32, #tpu.memory_space<vmem_shared>> -> memref<128x128xf32, #tpu.memory_space<vmem_shared>>
        tpu.wait_dma2 semaphore(%run_scoped3A_25 : memref<!tpu.dma_semaphore, #tpu.memory_space<semaphore_mem>>) src(%arg7 : memref<128x128xf32, #tpu.memory_space<vmem>>) dst(%dma_wait3A_31 : memref<128x128xf32, #tpu.memory_space<vmem_shared>>)
        tpu.yield
      }) : () -> ()
    }
    %scan3A_5 = arith.constant 5 : i32
    %barrier3A = arith.constant 0 : index
    tpu.barrier barrier_id(%barrier3A)
    %scan3A_6 = arith.constant 0 : i32
    %scan3A_7 = arith.constant 0 : i32
    %scan3A_8 = arith.constant 10 : i32
    %scan3A_9 = arith.addi %scan3A_7, %scan3A_8 : i32
    %scan3A_10 = arith.constant 1 : i32
    scf.for %scan3A_19 = %scan3A_7 to %scan3A_9 step %scan3A_10  : i32 {
      %mul3A_20 = arith.constant 8 : i32
      %mul3A_21 = arith.muli %scan3A_19, %mul3A_20 : i32
      "tpu.region"() ({
        %run_scoped3A_28 = tpu.sem_alloc : memref<!tpu.dma_semaphore, #tpu.memory_space<semaphore_mem>>
        %dma_start3A = arith.constant 0 : i32
        %dma_start3A_29 = tpu.memref_slice %arg3[%add3A, %mul3A_21, %dma_start3A] : memref<32x80x128xi32, #tpu.memory_space<hbm>> -> memref<1x8x128xi32, #tpu.memory_space<hbm>>
        %dma_start3A_30 = tpu.memref_squeeze %dma_start3A_29 : memref<1x8x128xi32, #tpu.memory_space<hbm>> -> memref<8x128xi32, #tpu.memory_space<hbm>>
        %dma_start3A_31 = arith.constant 0 : i32
        %dma_start3A_32 = tpu.memref_slice %arg3[%add3A, %mul3A_21, %dma_start3A_31] : memref<32x80x128xi32, #tpu.memory_space<hbm>> -> memref<1x8x128xi32, #tpu.memory_space<hbm>>
        %dma_start3A_33 = tpu.memref_squeeze %dma_start3A_32 : memref<1x8x128xi32, #tpu.memory_space<hbm>> -> memref<8x128xi32, #tpu.memory_space<hbm>>
        tpu.enqueue_dma source(%dma_start3A_33 : memref<8x128xi32, #tpu.memory_space<hbm>>) target(%arg6 : memref<8x128xi32, #tpu.memory_space<vmem>>) target_semaphore(%run_scoped3A_28 : memref<!tpu.dma_semaphore, #tpu.memory_space<semaphore_mem>>)
        %dma_wait3A = arith.constant 0 : i32
        %dma_wait3A_34 = tpu.memref_slice %arg3[%add3A, %mul3A_21, %dma_wait3A] : memref<32x80x128xi32, #tpu.memory_space<hbm>> -> memref<1x8x128xi32, #tpu.memory_space<hbm>>
        %dma_wait3A_35 = tpu.memref_squeeze %dma_wait3A_34 : memref<1x8x128xi32, #tpu.memory_space<hbm>> -> memref<8x128xi32, #tpu.memory_space<hbm>>
        %dma_wait3A_36 = arith.constant 0 : i32
        %dma_wait3A_37 = tpu.memref_slice %arg3[%add3A, %mul3A_21, %dma_wait3A_36] : memref<32x80x128xi32, #tpu.memory_space<hbm>> -> memref<1x8x128xi32, #tpu.memory_space<hbm>>
        %dma_wait3A_38 = tpu.memref_squeeze %dma_wait3A_37 : memref<1x8x128xi32, #tpu.memory_space<hbm>> -> memref<8x128xi32, #tpu.memory_space<hbm>>
        tpu.wait_dma2 semaphore(%run_scoped3A_28 : memref<!tpu.dma_semaphore, #tpu.memory_space<semaphore_mem>>) src(%dma_wait3A_38 : memref<8x128xi32, #tpu.memory_space<hbm>>) dst(%arg6 : memref<8x128xi32, #tpu.memory_space<vmem>>)
        tpu.yield
      }) : () -> ()
      %scan3A_22 = arith.constant 0 : i32
      %scan3A_23 = arith.constant 0 : i32
      %scan3A_24 = arith.constant 8 : i32
      %scan3A_25 = arith.addi %scan3A_23, %scan3A_24 : i32
      %scan3A_26 = arith.constant 1 : i32
      scf.for %scan3A_28 = %scan3A_23 to %scan3A_25 step %scan3A_26  : i32 {
        %mul3A_29 = arith.constant 80 : i32
        %mul3A_30 = arith.muli %add3A, %mul3A_29 : i32
        %mul3A_31 = arith.constant 8 : i32
        %mul3A_32 = arith.muli %scan3A_19, %mul3A_31 : i32
        %add3A_33 = arith.addi %mul3A_30, %mul3A_32 : i32
        %add3A_34 = arith.addi %add3A_33, %scan3A_28 : i32
        %mul3A_35 = arith.constant 128 : i32
        %mul3A_36 = arith.muli %add3A_34, %mul3A_35 : i32
        "tpu.region"() ({
          %run_scoped3A_37 = tpu.sem_alloc : memref<!tpu.dma_semaphore, #tpu.memory_space<semaphore_mem>>
          %dma_start3A = arith.constant 0 : i32
          %dma_start3A_38 = tpu.memref_slice %arg2[%mul3A_36, %dma_start3A] : memref<327680x128xf32, #tpu.memory_space<hbm>> -> memref<128x128xf32, #tpu.memory_space<hbm>>
          %dma_start3A_39 = arith.constant 0 : i32
          %dma_start3A_40 = tpu.memref_slice %arg2[%mul3A_36, %dma_start3A_39] : memref<327680x128xf32, #tpu.memory_space<hbm>> -> memref<128x128xf32, #tpu.memory_space<hbm>>
          tpu.enqueue_dma source(%dma_start3A_40 : memref<128x128xf32, #tpu.memory_space<hbm>>) target(%arg7 : memref<128x128xf32, #tpu.memory_space<vmem>>) target_semaphore(%run_scoped3A_37 : memref<!tpu.dma_semaphore, #tpu.memory_space<semaphore_mem>>)
          %dma_wait3A = arith.constant 0 : i32
          %dma_wait3A_41 = tpu.memref_slice %arg2[%mul3A_36, %dma_wait3A] : memref<327680x128xf32, #tpu.memory_space<hbm>> -> memref<128x128xf32, #tpu.memory_space<hbm>>
          %dma_wait3A_42 = arith.constant 0 : i32
          %dma_wait3A_43 = tpu.memref_slice %arg2[%mul3A_36, %dma_wait3A_42] : memref<327680x128xf32, #tpu.memory_space<hbm>> -> memref<128x128xf32, #tpu.memory_space<hbm>>
          tpu.wait_dma2 semaphore(%run_scoped3A_37 : memref<!tpu.dma_semaphore, #tpu.memory_space<semaphore_mem>>) src(%dma_wait3A_43 : memref<128x128xf32, #tpu.memory_space<hbm>>) dst(%arg7 : memref<128x128xf32, #tpu.memory_space<vmem>>)
          tpu.yield
        }) : () -> ()
        "tpu.region"() ({
          %run_scoped3A_37 = tpu.sem_alloc : memref<!tpu.dma_semaphore, #tpu.memory_space<semaphore_mem>>
          %dma_start3A = arith.constant 0 : i32
          %dma_start3A_38 = tpu.memref_slice %arg6[%scan3A_28, %dma_start3A] : memref<8x128xi32, #tpu.memory_space<vmem>> -> memref<1x128xi32, #tpu.memory_space<vmem>>
          %dma_start3A_39 = tpu.memref_squeeze %dma_start3A_38 : memref<1x128xi32, #tpu.memory_space<vmem>> -> memref<128xi32, #tpu.memory_space<vmem>>
          %dma_start3A_40 = arith.constant 0 : i32
          %dma_start3A_41 = arith.constant 0 : i32
          %dma_start3A_42 = tpu.memref_slice %arg8[%dma_start3A_40, %dma_start3A_41] : memref<10240x128xf32, #tpu.memory_space<vmem_shared>> -> memref<10240x128xf32, #tpu.memory_space<vmem_shared>>
          tpu.enqueue_indirect_dma source(%arg7 : memref<128x128xf32, #tpu.memory_space<vmem>>) target(%dma_start3A_42 : memref<10240x128xf32, #tpu.memory_space<vmem_shared>>) offsets(%dma_start3A_39 : memref<128xi32, #tpu.memory_space<vmem>>) semaphore(%run_scoped3A_37 : memref<!tpu.dma_semaphore, #tpu.memory_space<semaphore_mem>>) {add = true}
          %dma_wait3A = arith.constant 0 : i32
          %dma_wait3A_43 = tpu.memref_slice %arg6[%scan3A_28, %dma_wait3A] : memref<8x128xi32, #tpu.memory_space<vmem>> -> memref<1x128xi32, #tpu.memory_space<vmem>>
          %dma_wait3A_44 = tpu.memref_squeeze %dma_wait3A_43 : memref<1x128xi32, #tpu.memory_space<vmem>> -> memref<128xi32, #tpu.memory_space<vmem>>
          %dma_wait3A_45 = arith.constant 0 : i32
          %dma_wait3A_46 = arith.constant 0 : i32
          %dma_wait3A_47 = tpu.memref_slice %arg8[%dma_wait3A_45, %dma_wait3A_46] : memref<10240x128xf32, #tpu.memory_space<vmem_shared>> -> memref<10240x128xf32, #tpu.memory_space<vmem_shared>>
          tpu.wait_indirect_dma semaphore(%run_scoped3A_37 : memref<!tpu.dma_semaphore, #tpu.memory_space<semaphore_mem>>) src(%arg7 : memref<128x128xf32, #tpu.memory_space<vmem>>) dst(%dma_wait3A_47 : memref<10240x128xf32, #tpu.memory_space<vmem_shared>>)
          tpu.yield
        }) : () -> ()
      }
      %scan3A_27 = arith.constant 8 : i32
    }
    %scan3A_11 = arith.constant 10 : i32
    %barrier3A_12 = arith.constant 0 : index
    tpu.barrier barrier_id(%barrier3A_12)
    %scan3A_13 = arith.constant 0 : i32
    %scan3A_14 = arith.constant 0 : i32
    %scan3A_15 = arith.constant 5 : i32
    %scan3A_16 = arith.addi %scan3A_14, %scan3A_15 : i32
    %scan3A_17 = arith.constant 1 : i32
    scf.for %scan3A_19 = %scan3A_14 to %scan3A_16 step %scan3A_17  : i32 {
      %mul3A_20 = arith.constant 640 : i32
      %mul3A_21 = arith.muli %arg1, %mul3A_20 : i32
      %mul3A_22 = arith.constant 128 : i32
      %mul3A_23 = arith.muli %scan3A_19, %mul3A_22 : i32
      %add3A_24 = arith.addi %mul3A_21, %mul3A_23 : i32
      "tpu.region"() ({
        %run_scoped3A_25 = tpu.sem_alloc : memref<!tpu.dma_semaphore, #tpu.memory_space<semaphore_mem>>
        %dma_start3A = arith.constant 0 : i32
        %dma_start3A_26 = tpu.memref_slice %arg8[%add3A_24, %dma_start3A] : memref<10240x128xf32, #tpu.memory_space<vmem_shared>> -> memref<128x128xf32, #tpu.memory_space<vmem_shared>>
        %dma_start3A_27 = arith.constant 0 : i32
        %dma_start3A_28 = tpu.memref_slice %arg8[%add3A_24, %dma_start3A_27] : memref<10240x128xf32, #tpu.memory_space<vmem_shared>> -> memref<128x128xf32, #tpu.memory_space<vmem_shared>>
        tpu.enqueue_dma source(%dma_start3A_28 : memref<128x128xf32, #tpu.memory_space<vmem_shared>>) target(%arg7 : memref<128x128xf32, #tpu.memory_space<vmem>>) target_semaphore(%run_scoped3A_25 : memref<!tpu.dma_semaphore, #tpu.memory_space<semaphore_mem>>)
        %dma_wait3A = arith.constant 0 : i32
        %dma_wait3A_29 = tpu.memref_slice %arg8[%add3A_24, %dma_wait3A] : memref<10240x128xf32, #tpu.memory_space<vmem_shared>> -> memref<128x128xf32, #tpu.memory_space<vmem_shared>>
        %dma_wait3A_30 = arith.constant 0 : i32
        %dma_wait3A_31 = tpu.memref_slice %arg8[%add3A_24, %dma_wait3A_30] : memref<10240x128xf32, #tpu.memory_space<vmem_shared>> -> memref<128x128xf32, #tpu.memory_space<vmem_shared>>
        tpu.wait_dma2 semaphore(%run_scoped3A_25 : memref<!tpu.dma_semaphore, #tpu.memory_space<semaphore_mem>>) src(%dma_wait3A_31 : memref<128x128xf32, #tpu.memory_space<vmem_shared>>) dst(%arg7 : memref<128x128xf32, #tpu.memory_space<vmem>>)
        tpu.yield
      }) : () -> ()
      "tpu.region"() ({
        %run_scoped3A_25 = tpu.sem_alloc : memref<!tpu.dma_semaphore, #tpu.memory_space<semaphore_mem>>
        %dma_start3A = arith.constant 0 : i32
        %dma_start3A_26 = tpu.memref_slice %arg5[%arg0, %add3A_24, %dma_start3A] : memref<2x10240x128xf32, #tpu.memory_space<hbm>> -> memref<1x128x128xf32, #tpu.memory_space<hbm>>
        %dma_start3A_27 = tpu.memref_squeeze %dma_start3A_26 : memref<1x128x128xf32, #tpu.memory_space<hbm>> -> memref<128x128xf32, #tpu.memory_space<hbm>>
        %dma_start3A_28 = arith.constant 0 : i32
        %dma_start3A_29 = tpu.memref_slice %arg5[%arg0, %add3A_24, %dma_start3A_28] : memref<2x10240x128xf32, #tpu.memory_space<hbm>> -> memref<1x128x128xf32, #tpu.memory_space<hbm>>
        %dma_start3A_30 = tpu.memref_squeeze %dma_start3A_29 : memref<1x128x128xf32, #tpu.memory_space<hbm>> -> memref<128x128xf32, #tpu.memory_space<hbm>>
        tpu.enqueue_dma source(%arg7 : memref<128x128xf32, #tpu.memory_space<vmem>>) target(%dma_start3A_30 : memref<128x128xf32, #tpu.memory_space<hbm>>) target_semaphore(%run_scoped3A_25 : memref<!tpu.dma_semaphore, #tpu.memory_space<semaphore_mem>>)
        %dma_wait3A = arith.constant 0 : i32
        %dma_wait3A_31 = tpu.memref_slice %arg5[%arg0, %add3A_24, %dma_wait3A] : memref<2x10240x128xf32, #tpu.memory_space<hbm>> -> memref<1x128x128xf32, #tpu.memory_space<hbm>>
        %dma_wait3A_32 = tpu.memref_squeeze %dma_wait3A_31 : memref<1x128x128xf32, #tpu.memory_space<hbm>> -> memref<128x128xf32, #tpu.memory_space<hbm>>
        %dma_wait3A_33 = arith.constant 0 : i32
        %dma_wait3A_34 = tpu.memref_slice %arg5[%arg0, %add3A_24, %dma_wait3A_33] : memref<2x10240x128xf32, #tpu.memory_space<hbm>> -> memref<1x128x128xf32, #tpu.memory_space<hbm>>
        %dma_wait3A_35 = tpu.memref_squeeze %dma_wait3A_34 : memref<1x128x128xf32, #tpu.memory_space<hbm>> -> memref<128x128xf32, #tpu.memory_space<hbm>>
        tpu.wait_dma2 semaphore(%run_scoped3A_25 : memref<!tpu.dma_semaphore, #tpu.memory_space<semaphore_mem>>) src(%arg7 : memref<128x128xf32, #tpu.memory_space<vmem>>) dst(%dma_wait3A_35 : memref<128x128xf32, #tpu.memory_space<hbm>>)
        tpu.yield
      }) : () -> ()
    }
    %scan3A_18 = arith.constant 5 : i32
    return
  }
}

module attributes {stable_mosaic.version = 14 : i64} {
  func.func @_encode_body(%arg0: memref<10000x128xf32, #tpu.memory_space<vmem>>, %arg1: memref<128x128xf32, #tpu.memory_space<vmem>>, %arg2: memref<1x128xf32, #tpu.memory_space<vmem>>, %arg3: memref<2000x1xi32, #tpu.memory_space<vmem>>, %arg4: memref<20x128xf32, #tpu.memory_space<vmem>>, %arg5: memref<10000x128xf32, #tpu.memory_space<vmem>>, %arg6: memref<2000x128xf32, #tpu.memory_space<vmem>>) attributes {dimension_semantics = [], scalar_prefetch = 0 : i64, scratch_operands = 0 : i64, tpu.core_type = #tpu.core_type<tc>} {
    %get3A = arith.constant 0 : index
    %get3A_0 = arith.constant 0 : index
    %get3A_1 = vector.load %arg0[%get3A, %get3A_0] : memref<10000x128xf32, #tpu.memory_space<vmem>>, vector<10000x128xf32>
    %get3A_2 = arith.constant 0 : index
    %get3A_3 = arith.constant 0 : index
    %get3A_4 = vector.load %arg1[%get3A_2, %get3A_3] : memref<128x128xf32, #tpu.memory_space<vmem>>, vector<128x128xf32>
    %dot_general3A = arith.constant dense<0.000000e+00> : vector<10000x128xf32>
    %dot_general3A_5 = tpu.matmul %get3A_1, %get3A_4, %dot_general3A {dimension_numbers = #tpu.dot_dimension_numbers<[1], [0], [0], [1], [0, 0, 1, 1], [], []>, precision = #tpu.contract_precision<fp32>, transpose_lhs_hint = false} : vector<10000x128xf32>, vector<128x128xf32>, vector<10000x128xf32> -> vector<10000x128xf32>
    %get3A_6 = arith.constant 0 : index
    %get3A_7 = arith.constant 0 : index
    %get3A_8 = vector.load %arg2[%get3A_6, %get3A_7] : memref<1x128xf32, #tpu.memory_space<vmem>>, vector<1x128xf32>
    %add3A = vector.broadcast %get3A_8 : vector<1x128xf32> to vector<10000x128xf32>
    %add3A_9 = arith.addf %dot_general3A_5, %add3A : vector<10000x128xf32>
    %swap3A = arith.constant 0 : index
    %swap3A_10 = arith.constant 0 : index
    %swap3A_11 = vector.load %arg5[%swap3A, %swap3A_10] : memref<10000x128xf32, #tpu.memory_space<vmem>>, vector<10000x128xf32>
    tpu.vector_store %arg5[%swap3A, %swap3A_10], %add3A_9 {strides = array<i32>} : memref<10000x128xf32, #tpu.memory_space<vmem>>, vector<10000x128xf32>,
    %get3A_12 = arith.constant 0 : index
    %get3A_13 = arith.constant 0 : index
    %get3A_14 = vector.load %arg3[%get3A_12, %get3A_13] : memref<2000x1xi32, #tpu.memory_space<vmem>>, vector<2000x1xi32>
    %iota3A = tpu.iota {dimensions = array<i32: 1>} : vector<2000x20xi32>
    %eq3A = vector.broadcast %get3A_14 : vector<2000x1xi32> to vector<2000x20xi32>
    %eq3A_15 = arith.cmpi eq, %eq3A, %iota3A : vector<2000x20xi32>
    %convert_element_type3A = arith.extui %eq3A_15 : vector<2000x20xi1> to vector<2000x20xi32>
    %convert_element_type3A_16 = arith.sitofp %convert_element_type3A : vector<2000x20xi32> to vector<2000x20xf32>
    %get3A_17 = arith.constant 0 : index
    %get3A_18 = arith.constant 0 : index
    %get3A_19 = vector.load %arg4[%get3A_17, %get3A_18] : memref<20x128xf32, #tpu.memory_space<vmem>>, vector<20x128xf32>
    %dot_general3A_20 = arith.constant dense<0.000000e+00> : vector<2000x128xf32>
    %dot_general3A_21 = tpu.matmul %convert_element_type3A_16, %get3A_19, %dot_general3A_20 {dimension_numbers = #tpu.dot_dimension_numbers<[1], [0], [0], [1], [0, 0, 1, 1], [], []>, precision = #tpu.contract_precision<fp32>, transpose_lhs_hint = false} : vector<2000x20xf32>, vector<20x128xf32>, vector<2000x128xf32> -> vector<2000x128xf32>
    %swap3A_22 = arith.constant 0 : index
    %swap3A_23 = arith.constant 0 : index
    %swap3A_24 = vector.load %arg6[%swap3A_22, %swap3A_23] : memref<2000x128xf32, #tpu.memory_space<vmem>>, vector<2000x128xf32>
    tpu.vector_store %arg6[%swap3A_22, %swap3A_23], %dot_general3A_21 {strides = array<i32>} : memref<2000x128xf32, #tpu.memory_space<vmem>>, vector<2000x128xf32>,
    return
  }
}

module attributes {stable_mosaic.version = 14 : i64} {
  func.func @_frag_combine_body(%arg0: memref<10000x128xf32, #tpu.memory_space<vmem>>, %arg1: memref<10000x128xf32, #tpu.memory_space<vmem>>, %arg2: memref<10000x128xf32, #tpu.memory_space<vmem>>, %arg3: memref<10000x128xf32, #tpu.memory_space<vmem>>, %arg4: memref<10000x128xf32, #tpu.memory_space<vmem>>, %arg5: memref<10000x128xf32, #tpu.memory_space<vmem>>) attributes {dimension_semantics = [], scalar_prefetch = 0 : i64, scratch_operands = 0 : i64, tpu.core_type = #tpu.core_type<tc>} {
    %get3A = arith.constant 0 : index
    %get3A_0 = arith.constant 0 : index
    %get3A_1 = vector.load %arg3[%get3A, %get3A_0] : memref<10000x128xf32, #tpu.memory_space<vmem>>, vector<10000x128xf32>
    %slice3A = vector.extract_strided_slice %get3A_1 {offsets = [0, 0], sizes = [10000, 1], strides = [1, 1]} : vector<10000x128xf32> to vector<10000x1xf32>
    %get3A_2 = arith.constant 0 : index
    %get3A_3 = arith.constant 0 : index
    %get3A_4 = vector.load %arg4[%get3A_2, %get3A_3] : memref<10000x128xf32, #tpu.memory_space<vmem>>, vector<10000x128xf32>
    %slice3A_5 = vector.extract_strided_slice %get3A_4 {offsets = [0, 0], sizes = [10000, 1], strides = [1, 1]} : vector<10000x128xf32> to vector<10000x1xf32>
    %add3A = arith.addf %slice3A, %slice3A_5 : vector<10000x1xf32>
    %get3A_6 = arith.constant 0 : index
    %get3A_7 = arith.constant 0 : index
    %get3A_8 = vector.load %arg0[%get3A_6, %get3A_7] : memref<10000x128xf32, #tpu.memory_space<vmem>>, vector<10000x128xf32>
    %get3A_9 = arith.constant 0 : index
    %get3A_10 = arith.constant 0 : index
    %get3A_11 = vector.load %arg1[%get3A_9, %get3A_10] : memref<10000x128xf32, #tpu.memory_space<vmem>>, vector<10000x128xf32>
    %get3A_12 = arith.constant 0 : index
    %get3A_13 = arith.constant 0 : index
    %get3A_14 = vector.load %arg2[%get3A_12, %get3A_13] : memref<10000x128xf32, #tpu.memory_space<vmem>>, vector<10000x128xf32>
    %add3A_15 = arith.addf %get3A_11, %get3A_14 : vector<10000x128xf32>
    %max3A = arith.constant 1.000000e+00 : f32
    %max3A_16 = vector.broadcast %max3A : f32 to vector<10000x1xf32>
    %max3A_17 = arith.maximumf %add3A, %max3A_16 : vector<10000x1xf32>
    %div3A = vector.broadcast %max3A_17 : vector<10000x1xf32> to vector<10000x128xf32>
    %div3A_18 = arith.divf %add3A_15, %div3A : vector<10000x128xf32>
    %add3A_19 = arith.addf %get3A_8, %div3A_18 : vector<10000x128xf32>
    %swap3A = arith.constant 0 : index
    %swap3A_20 = arith.constant 0 : index
    %swap3A_21 = vector.load %arg5[%swap3A, %swap3A_20] : memref<10000x128xf32, #tpu.memory_space<vmem>>, vector<10000x128xf32>
    tpu.vector_store %arg5[%swap3A, %swap3A_20], %add3A_19 {strides = array<i32>} : memref<10000x128xf32, #tpu.memory_space<vmem>>, vector<10000x128xf32>,
    return
  }
}

module attributes {stable_mosaic.version = 14 : i64} {
  func.func @_embed_body(%arg0: i32, %arg1: memref<4096x16xf32, #tpu.memory_space<vmem>>, %arg2: memref<16x128xf32, #tpu.memory_space<vmem>>, %arg3: memref<1x128xf32, #tpu.memory_space<vmem>>, %arg4: memref<16x128xf32, #tpu.memory_space<vmem>>, %arg5: memref<1x128xf32, #tpu.memory_space<vmem>>, %arg6: memref<4096x128xf32, #tpu.memory_space<vmem>>, %arg7: memref<4096x128xf32, #tpu.memory_space<vmem>>) attributes {dimension_semantics = [#tpu.dimension_semantics<arbitrary>], iteration_bounds = array<i64: 80>, scalar_prefetch = 0 : i64, scratch_operands = 0 : i64, tpu.core_type = #tpu.core_type<tc>, window_params = [{transform_indices = @transform_0, window_bounds = array<i64: 4096, 16>}, {pipeline_mode = #tpu.pipeline_mode<synchronous>, transform_indices = @transform_1, window_bounds = array<i64: 16, 128>}, {pipeline_mode = #tpu.pipeline_mode<synchronous>, transform_indices = @transform_2, window_bounds = array<i64: 1, 128>}, {pipeline_mode = #tpu.pipeline_mode<synchronous>, transform_indices = @transform_3, window_bounds = array<i64: 16, 128>}, {pipeline_mode = #tpu.pipeline_mode<synchronous>, transform_indices = @transform_4, window_bounds = array<i64: 1, 128>}, {transform_indices = @transform_5, window_bounds = array<i64: 4096, 128>}, {transform_indices = @transform_6, window_bounds = array<i64: 4096, 128>}]} {
    %get3A = arith.constant 0 : index
    %get3A_0 = arith.constant 0 : index
    %get3A_1 = vector.load %arg1[%get3A, %get3A_0] : memref<4096x16xf32, #tpu.memory_space<vmem>>, vector<4096x16xf32>
    %get3A_2 = arith.constant 0 : index
    %get3A_3 = arith.constant 0 : index
    %get3A_4 = vector.load %arg2[%get3A_2, %get3A_3] : memref<16x128xf32, #tpu.memory_space<vmem>>, vector<16x128xf32>
    %dot_general3A = arith.constant dense<0.000000e+00> : vector<4096x128xf32>
    %dot_general3A_5 = tpu.matmul %get3A_1, %get3A_4, %dot_general3A {dimension_numbers = #tpu.dot_dimension_numbers<[1], [0], [0], [1], [0, 0, 1, 1], [], []>, precision = #tpu.contract_precision<fp32>, transpose_lhs_hint = false} : vector<4096x16xf32>, vector<16x128xf32>, vector<4096x128xf32> -> vector<4096x128xf32>
    %get3A_6 = arith.constant 0 : index
    %get3A_7 = arith.constant 0 : index
    %get3A_8 = vector.load %arg3[%get3A_6, %get3A_7] : memref<1x128xf32, #tpu.memory_space<vmem>>, vector<1x128xf32>
    %add3A = vector.broadcast %get3A_8 : vector<1x128xf32> to vector<4096x128xf32>
    %add3A_9 = arith.addf %dot_general3A_5, %add3A : vector<4096x128xf32>
    %swap3A = arith.constant 0 : index
    %swap3A_10 = arith.constant 0 : index
    %swap3A_11 = vector.load %arg6[%swap3A, %swap3A_10] : memref<4096x128xf32, #tpu.memory_space<vmem>>, vector<4096x128xf32>
    tpu.vector_store %arg6[%swap3A, %swap3A_10], %add3A_9 {strides = array<i32>} : memref<4096x128xf32, #tpu.memory_space<vmem>>, vector<4096x128xf32>,
    %get3A_12 = arith.constant 0 : index
    %get3A_13 = arith.constant 0 : index
    %get3A_14 = vector.load %arg4[%get3A_12, %get3A_13] : memref<16x128xf32, #tpu.memory_space<vmem>>, vector<16x128xf32>
    %dot_general3A_15 = arith.constant dense<0.000000e+00> : vector<4096x128xf32>
    %dot_general3A_16 = tpu.matmul %get3A_1, %get3A_14, %dot_general3A_15 {dimension_numbers = #tpu.dot_dimension_numbers<[1], [0], [0], [1], [0, 0, 1, 1], [], []>, precision = #tpu.contract_precision<fp32>, transpose_lhs_hint = false} : vector<4096x16xf32>, vector<16x128xf32>, vector<4096x128xf32> -> vector<4096x128xf32>
    %get3A_17 = arith.constant 0 : index
    %get3A_18 = arith.constant 0 : index
    %get3A_19 = vector.load %arg5[%get3A_17, %get3A_18] : memref<1x128xf32, #tpu.memory_space<vmem>>, vector<1x128xf32>
    %add3A_20 = vector.broadcast %get3A_19 : vector<1x128xf32> to vector<4096x128xf32>
    %add3A_21 = arith.addf %dot_general3A_16, %add3A_20 : vector<4096x128xf32>
    %swap3A_22 = arith.constant 0 : index
    %swap3A_23 = arith.constant 0 : index
    %swap3A_24 = vector.load %arg7[%swap3A_22, %swap3A_23] : memref<4096x128xf32, #tpu.memory_space<vmem>>, vector<4096x128xf32>
    tpu.vector_store %arg7[%swap3A_22, %swap3A_23], %add3A_21 {strides = array<i32>} : memref<4096x128xf32, #tpu.memory_space<vmem>>, vector<4096x128xf32>,
    return
  }
  func.func @transform_0(%arg0: i32) -> (i32, i32) {
    %c0_i32 = arith.constant 0 : i32
    %c0_i32_0 = arith.constant 0 : i32
    return %arg0, %c0_i32 : i32, i32
  }
  func.func @transform_1(%arg0: i32) -> (i32, i32) {
    %c0_i32 = arith.constant 0 : i32
    %c0_i32_0 = arith.constant 0 : i32
    %c0_i32_1 = arith.constant 0 : i32
    return %c0_i32, %c0_i32_0 : i32, i32
  }
  func.func @transform_2(%arg0: i32) -> (i32, i32) {
    %c0_i32 = arith.constant 0 : i32
    %c0_i32_0 = arith.constant 0 : i32
    %c0_i32_1 = arith.constant 0 : i32
    return %c0_i32, %c0_i32_0 : i32, i32
  }
  func.func @transform_3(%arg0: i32) -> (i32, i32) {
    %c0_i32 = arith.constant 0 : i32
    %c0_i32_0 = arith.constant 0 : i32
    %c0_i32_1 = arith.constant 0 : i32
    return %c0_i32, %c0_i32_0 : i32, i32
  }
  func.func @transform_4(%arg0: i32) -> (i32, i32) {
    %c0_i32 = arith.constant 0 : i32
    %c0_i32_0 = arith.constant 0 : i32
    %c0_i32_1 = arith.constant 0 : i32
    return %c0_i32, %c0_i32_0 : i32, i32
  }
  func.func @transform_5(%arg0: i32) -> (i32, i32) {
    %c0_i32 = arith.constant 0 : i32
    %c0_i32_0 = arith.constant 0 : i32
    return %arg0, %c0_i32 : i32, i32
  }
  func.func @transform_6(%arg0: i32) -> (i32, i32) {
    %c0_i32 = arith.constant 0 : i32
    %c0_i32_0 = arith.constant 0 : i32
    return %arg0, %c0_i32 : i32, i32
  }
}

module attributes {stable_mosaic.version = 14 : i64} {
  func.func @_relu_add_body(%arg0: i32, %arg1: memref<4096x128xf32, #tpu.memory_space<vmem>>, %arg2: memref<4096x128xf32, #tpu.memory_space<vmem>>, %arg3: memref<4096x128xf32, #tpu.memory_space<vmem>>) attributes {dimension_semantics = [#tpu.dimension_semantics<arbitrary>], iteration_bounds = array<i64: 80>, scalar_prefetch = 0 : i64, scratch_operands = 0 : i64, tpu.core_type = #tpu.core_type<tc>, window_params = [{transform_indices = @transform_0, window_bounds = array<i64: 4096, 128>}, {transform_indices = @transform_1, window_bounds = array<i64: 4096, 128>}, {transform_indices = @transform_2, window_bounds = array<i64: 4096, 128>}]} {
    %get3A = arith.constant 0 : index
    %get3A_0 = arith.constant 0 : index
    %get3A_1 = vector.load %arg1[%get3A, %get3A_0] : memref<4096x128xf32, #tpu.memory_space<vmem>>, vector<4096x128xf32>
    %get3A_2 = arith.constant 0 : index
    %get3A_3 = arith.constant 0 : index
    %get3A_4 = vector.load %arg2[%get3A_2, %get3A_3] : memref<4096x128xf32, #tpu.memory_space<vmem>>, vector<4096x128xf32>
    %add3A = arith.addf %get3A_1, %get3A_4 : vector<4096x128xf32>
    %max3A = arith.constant 0.000000e+00 : f32
    %max3A_5 = vector.broadcast %max3A : f32 to vector<4096x128xf32>
    %max3A_6 = arith.maximumf %add3A, %max3A_5 : vector<4096x128xf32>
    %swap3A = arith.constant 0 : index
    %swap3A_7 = arith.constant 0 : index
    %swap3A_8 = vector.load %arg3[%swap3A, %swap3A_7] : memref<4096x128xf32, #tpu.memory_space<vmem>>, vector<4096x128xf32>
    tpu.vector_store %arg3[%swap3A, %swap3A_7], %max3A_6 {strides = array<i32>} : memref<4096x128xf32, #tpu.memory_space<vmem>>, vector<4096x128xf32>,
    return
  }
  func.func @transform_0(%arg0: i32) -> (i32, i32) {
    %c0_i32 = arith.constant 0 : i32
    %c0_i32_0 = arith.constant 0 : i32
    return %arg0, %c0_i32 : i32, i32
  }
  func.func @transform_1(%arg0: i32) -> (i32, i32) {
    %c0_i32 = arith.constant 0 : i32
    %c0_i32_0 = arith.constant 0 : i32
    return %arg0, %c0_i32 : i32, i32
  }
  func.func @transform_2(%arg0: i32) -> (i32, i32) {
    %c0_i32 = arith.constant 0 : i32
    %c0_i32_0 = arith.constant 0 : i32
    return %arg0, %c0_i32 : i32, i32
  }
}

module attributes {stable_mosaic.version = 14 : i64} {
  func.func @_layer_mlp_body(%arg0: memref<10000x128xf32, #tpu.memory_space<vmem>>, %arg1: memref<10000x128xf32, #tpu.memory_space<vmem>>, %arg2: memref<10000x128xf32, #tpu.memory_space<vmem>>, %arg3: memref<1x1xf32, #tpu.memory_space<vmem>>, %arg4: memref<128x256xf32, #tpu.memory_space<vmem>>, %arg5: memref<1x256xf32, #tpu.memory_space<vmem>>, %arg6: memref<1x256xf32, #tpu.memory_space<vmem>>, %arg7: memref<1x256xf32, #tpu.memory_space<vmem>>, %arg8: memref<256x128xf32, #tpu.memory_space<vmem>>, %arg9: memref<1x128xf32, #tpu.memory_space<vmem>>, %arg10: memref<1x128xf32, #tpu.memory_space<vmem>>, %arg11: memref<1x128xf32, #tpu.memory_space<vmem>>, %arg12: memref<10000x128xf32, #tpu.memory_space<vmem>>) attributes {dimension_semantics = [], scalar_prefetch = 0 : i64, scratch_operands = 0 : i64, tpu.core_type = #tpu.core_type<tc>} {
    %get3A = arith.constant 0 : index
    %get3A_0 = arith.constant 0 : index
    %get3A_1 = vector.load %arg3[%get3A, %get3A_0] : memref<1x1xf32, #tpu.memory_space<vmem>>, vector<1x1xf32>
    %add3A = arith.constant 1.000000e+00 : f32
    %add3A_2 = vector.broadcast %add3A : f32 to vector<1x1xf32>
    %add3A_3 = arith.addf %add3A_2, %get3A_1 : vector<1x1xf32>
    %get3A_4 = arith.constant 0 : index
    %get3A_5 = arith.constant 0 : index
    %get3A_6 = vector.load %arg0[%get3A_4, %get3A_5] : memref<10000x128xf32, #tpu.memory_space<vmem>>, vector<10000x128xf32>
    %mul3A = vector.broadcast %add3A_3 : vector<1x1xf32> to vector<10000x128xf32>
    %mul3A_7 = arith.mulf %mul3A, %get3A_6 : vector<10000x128xf32>
    %get3A_8 = arith.constant 0 : index
    %get3A_9 = arith.constant 0 : index
    %get3A_10 = vector.load %arg1[%get3A_8, %get3A_9] : memref<10000x128xf32, #tpu.memory_space<vmem>>, vector<10000x128xf32>
    %add3A_11 = arith.addf %mul3A_7, %get3A_10 : vector<10000x128xf32>
    %get3A_12 = arith.constant 0 : index
    %get3A_13 = arith.constant 0 : index
    %get3A_14 = vector.load %arg2[%get3A_12, %get3A_13] : memref<10000x128xf32, #tpu.memory_space<vmem>>, vector<10000x128xf32>
    %add3A_15 = arith.addf %add3A_11, %get3A_14 : vector<10000x128xf32>
    %get3A_16 = arith.constant 0 : index
    %get3A_17 = arith.constant 0 : index
    %get3A_18 = vector.load %arg4[%get3A_16, %get3A_17] : memref<128x256xf32, #tpu.memory_space<vmem>>, vector<128x256xf32>
    %dot_general3A = arith.constant dense<0.000000e+00> : vector<10000x256xf32>
    %dot_general3A_19 = tpu.matmul %add3A_15, %get3A_18, %dot_general3A {dimension_numbers = #tpu.dot_dimension_numbers<[1], [0], [0], [1], [0, 0, 1, 1], [], []>, precision = #tpu.contract_precision<fp32>, transpose_lhs_hint = false} : vector<10000x128xf32>, vector<128x256xf32>, vector<10000x256xf32> -> vector<10000x256xf32>
    %get3A_20 = arith.constant 0 : index
    %get3A_21 = arith.constant 0 : index
    %get3A_22 = vector.load %arg5[%get3A_20, %get3A_21] : memref<1x256xf32, #tpu.memory_space<vmem>>, vector<1x256xf32>
    %add3A_23 = vector.broadcast %get3A_22 : vector<1x256xf32> to vector<10000x256xf32>
    %add3A_24 = arith.addf %dot_general3A_19, %add3A_23 : vector<10000x256xf32>
    %get3A_25 = arith.constant 0 : index
    %get3A_26 = arith.constant 0 : index
    %get3A_27 = vector.load %arg6[%get3A_25, %get3A_26] : memref<1x256xf32, #tpu.memory_space<vmem>>, vector<1x256xf32>
    %get3A_28 = arith.constant 0 : index
    %get3A_29 = arith.constant 0 : index
    %get3A_30 = vector.load %arg7[%get3A_28, %get3A_29] : memref<1x256xf32, #tpu.memory_space<vmem>>, vector<1x256xf32>
    %reduce_sum3A = arith.constant dense<0.000000e+00> : vector<256xf32>
    %reduce_sum3A_31 = vector.multi_reduction <add>, %add3A_24, %reduce_sum3A [0] : vector<10000x256xf32> to vector<256xf32>
    %broadcast_in_dim3A = vector.shape_cast %reduce_sum3A_31 : vector<256xf32> to vector<1x256xf32>
    %div3A = arith.constant 1.000000e+04 : f32
    %div3A_32 = vector.broadcast %div3A : f32 to vector<1x256xf32>
    %div3A_33 = arith.divf %broadcast_in_dim3A, %div3A_32 : vector<1x256xf32>
    %sub3A = vector.broadcast %div3A_33 : vector<1x256xf32> to vector<10000x256xf32>
    %sub3A_34 = arith.subf %add3A_24, %sub3A : vector<10000x256xf32>
    %integer_pow3A = arith.mulf %sub3A_34, %sub3A_34 : vector<10000x256xf32>
    %reduce_sum3A_35 = arith.constant dense<0.000000e+00> : vector<256xf32>
    %reduce_sum3A_36 = vector.multi_reduction <add>, %integer_pow3A, %reduce_sum3A_35 [0] : vector<10000x256xf32> to vector<256xf32>
    %broadcast_in_dim3A_37 = vector.shape_cast %reduce_sum3A_36 : vector<256xf32> to vector<1x256xf32>
    %div3A_38 = arith.constant 1.000000e+04 : f32
    %div3A_39 = vector.broadcast %div3A_38 : f32 to vector<1x256xf32>
    %div3A_40 = arith.divf %broadcast_in_dim3A_37, %div3A_39 : vector<1x256xf32>
    %sub3A_41 = vector.broadcast %div3A_33 : vector<1x256xf32> to vector<10000x256xf32>
    %sub3A_42 = arith.subf %add3A_24, %sub3A_41 : vector<10000x256xf32>
    %add3A_43 = arith.constant 9.99999974E-6 : f32
    %add3A_44 = vector.broadcast %add3A_43 : f32 to vector<1x256xf32>
    %add3A_45 = arith.addf %div3A_40, %add3A_44 : vector<1x256xf32>
    %sqrt3A = math.sqrt %add3A_45 : vector<1x256xf32>
    %div3A_46 = vector.broadcast %sqrt3A : vector<1x256xf32> to vector<10000x256xf32>
    %div3A_47 = arith.divf %sub3A_42, %div3A_46 : vector<10000x256xf32>
    %mul3A_48 = vector.broadcast %get3A_27 : vector<1x256xf32> to vector<10000x256xf32>
    %mul3A_49 = arith.mulf %div3A_47, %mul3A_48 : vector<10000x256xf32>
    %add3A_50 = vector.broadcast %get3A_30 : vector<1x256xf32> to vector<10000x256xf32>
    %add3A_51 = arith.addf %mul3A_49, %add3A_50 : vector<10000x256xf32>
    %max3A = arith.constant 0.000000e+00 : f32
    %max3A_52 = vector.broadcast %max3A : f32 to vector<10000x256xf32>
    %max3A_53 = arith.maximumf %add3A_51, %max3A_52 : vector<10000x256xf32>
    %get3A_54 = arith.constant 0 : index
    %get3A_55 = arith.constant 0 : index
    %get3A_56 = vector.load %arg8[%get3A_54, %get3A_55] : memref<256x128xf32, #tpu.memory_space<vmem>>, vector<256x128xf32>
    %dot_general3A_57 = arith.constant dense<0.000000e+00> : vector<10000x128xf32>
    %dot_general3A_58 = tpu.matmul %max3A_53, %get3A_56, %dot_general3A_57 {dimension_numbers = #tpu.dot_dimension_numbers<[1], [0], [0], [1], [0, 0, 1, 1], [], []>, precision = #tpu.contract_precision<fp32>, transpose_lhs_hint = false} : vector<10000x256xf32>, vector<256x128xf32>, vector<10000x128xf32> -> vector<10000x128xf32>
    %get3A_59 = arith.constant 0 : index
    %get3A_60 = arith.constant 0 : index
    %get3A_61 = vector.load %arg9[%get3A_59, %get3A_60] : memref<1x128xf32, #tpu.memory_space<vmem>>, vector<1x128xf32>
    %add3A_62 = vector.broadcast %get3A_61 : vector<1x128xf32> to vector<10000x128xf32>
    %add3A_63 = arith.addf %dot_general3A_58, %add3A_62 : vector<10000x128xf32>
    %get3A_64 = arith.constant 0 : index
    %get3A_65 = arith.constant 0 : index
    %get3A_66 = vector.load %arg10[%get3A_64, %get3A_65] : memref<1x128xf32, #tpu.memory_space<vmem>>, vector<1x128xf32>
    %get3A_67 = arith.constant 0 : index
    %get3A_68 = arith.constant 0 : index
    %get3A_69 = vector.load %arg11[%get3A_67, %get3A_68] : memref<1x128xf32, #tpu.memory_space<vmem>>, vector<1x128xf32>
    %reduce_sum3A_70 = arith.constant dense<0.000000e+00> : vector<128xf32>
    %reduce_sum3A_71 = vector.multi_reduction <add>, %add3A_63, %reduce_sum3A_70 [0] : vector<10000x128xf32> to vector<128xf32>
    %broadcast_in_dim3A_72 = vector.shape_cast %reduce_sum3A_71 : vector<128xf32> to vector<1x128xf32>
    %div3A_73 = arith.constant 1.000000e+04 : f32
    %div3A_74 = vector.broadcast %div3A_73 : f32 to vector<1x128xf32>
    %div3A_75 = arith.divf %broadcast_in_dim3A_72, %div3A_74 : vector<1x128xf32>
    %sub3A_76 = vector.broadcast %div3A_75 : vector<1x128xf32> to vector<10000x128xf32>
    %sub3A_77 = arith.subf %add3A_63, %sub3A_76 : vector<10000x128xf32>
    %integer_pow3A_78 = arith.mulf %sub3A_77, %sub3A_77 : vector<10000x128xf32>
    %reduce_sum3A_79 = arith.constant dense<0.000000e+00> : vector<128xf32>
    %reduce_sum3A_80 = vector.multi_reduction <add>, %integer_pow3A_78, %reduce_sum3A_79 [0] : vector<10000x128xf32> to vector<128xf32>
    %broadcast_in_dim3A_81 = vector.shape_cast %reduce_sum3A_80 : vector<128xf32> to vector<1x128xf32>
    %div3A_82 = arith.constant 1.000000e+04 : f32
    %div3A_83 = vector.broadcast %div3A_82 : f32 to vector<1x128xf32>
    %div3A_84 = arith.divf %broadcast_in_dim3A_81, %div3A_83 : vector<1x128xf32>
    %sub3A_85 = vector.broadcast %div3A_75 : vector<1x128xf32> to vector<10000x128xf32>
    %sub3A_86 = arith.subf %add3A_63, %sub3A_85 : vector<10000x128xf32>
    %add3A_87 = arith.constant 9.99999974E-6 : f32
    %add3A_88 = vector.broadcast %add3A_87 : f32 to vector<1x128xf32>
    %add3A_89 = arith.addf %div3A_84, %add3A_88 : vector<1x128xf32>
    %sqrt3A_90 = math.sqrt %add3A_89 : vector<1x128xf32>
    %div3A_91 = vector.broadcast %sqrt3A_90 : vector<1x128xf32> to vector<10000x128xf32>
    %div3A_92 = arith.divf %sub3A_86, %div3A_91 : vector<10000x128xf32>
    %mul3A_93 = vector.broadcast %get3A_66 : vector<1x128xf32> to vector<10000x128xf32>
    %mul3A_94 = arith.mulf %div3A_92, %mul3A_93 : vector<10000x128xf32>
    %add3A_95 = vector.broadcast %get3A_69 : vector<1x128xf32> to vector<10000x128xf32>
    %add3A_96 = arith.addf %mul3A_94, %add3A_95 : vector<10000x128xf32>
    %max3A_97 = arith.constant 0.000000e+00 : f32
    %max3A_98 = vector.broadcast %max3A_97 : f32 to vector<10000x128xf32>
    %max3A_99 = arith.maximumf %add3A_96, %max3A_98 : vector<10000x128xf32>
    %swap3A = arith.constant 0 : index
    %swap3A_100 = arith.constant 0 : index
    %swap3A_101 = vector.load %arg12[%swap3A, %swap3A_100] : memref<10000x128xf32, #tpu.memory_space<vmem>>, vector<10000x128xf32>
    tpu.vector_store %arg12[%swap3A, %swap3A_100], %max3A_99 {strides = array<i32>} : memref<10000x128xf32, #tpu.memory_space<vmem>>, vector<10000x128xf32>,
    return
  }
}

module attributes {stable_mosaic.version = 14 : i64} {
  func.func @_final_body(%arg0: memref<10000x128xf32, #tpu.memory_space<vmem>>, %arg1: memref<128x128xf32, #tpu.memory_space<vmem>>, %arg2: memref<1x128xf32, #tpu.memory_space<vmem>>, %arg3: memref<128x128xf32, #tpu.memory_space<vmem>>, %arg4: memref<1x128xf32, #tpu.memory_space<vmem>>, %arg5: memref<10000x1xi32, #tpu.memory_space<vmem>>, %arg6: memref<128x128xf32, #tpu.memory_space<vmem>>, %arg7: memref<1x128xf32, #tpu.memory_space<vmem>>, %arg8: memref<128x1xf32, #tpu.memory_space<vmem>>, %arg9: memref<1x1xf32, #tpu.memory_space<vmem>>, %arg10: memref<64x128xf32, #tpu.memory_space<vmem>>) attributes {dimension_semantics = [], scalar_prefetch = 0 : i64, scratch_operands = 0 : i64, tpu.core_type = #tpu.core_type<tc>} {
    %get3A = arith.constant 0 : index
    %get3A_0 = arith.constant 0 : index
    %get3A_1 = vector.load %arg0[%get3A, %get3A_0] : memref<10000x128xf32, #tpu.memory_space<vmem>>, vector<10000x128xf32>
    %get3A_2 = arith.constant 0 : index
    %get3A_3 = arith.constant 0 : index
    %get3A_4 = vector.load %arg1[%get3A_2, %get3A_3] : memref<128x128xf32, #tpu.memory_space<vmem>>, vector<128x128xf32>
    %dot_general3A = arith.constant dense<0.000000e+00> : vector<10000x128xf32>
    %dot_general3A_5 = tpu.matmul %get3A_1, %get3A_4, %dot_general3A {dimension_numbers = #tpu.dot_dimension_numbers<[1], [0], [0], [1], [0, 0, 1, 1], [], []>, precision = #tpu.contract_precision<fp32>, transpose_lhs_hint = false} : vector<10000x128xf32>, vector<128x128xf32>, vector<10000x128xf32> -> vector<10000x128xf32>
    %get3A_6 = arith.constant 0 : index
    %get3A_7 = arith.constant 0 : index
    %get3A_8 = vector.load %arg2[%get3A_6, %get3A_7] : memref<1x128xf32, #tpu.memory_space<vmem>>, vector<1x128xf32>
    %add3A = vector.broadcast %get3A_8 : vector<1x128xf32> to vector<10000x128xf32>
    %add3A_9 = arith.addf %dot_general3A_5, %add3A : vector<10000x128xf32>
    %max3A = arith.constant 0.000000e+00 : f32
    %max3A_10 = vector.broadcast %max3A : f32 to vector<10000x128xf32>
    %max3A_11 = arith.maximumf %add3A_9, %max3A_10 : vector<10000x128xf32>
    %get3A_12 = arith.constant 0 : index
    %get3A_13 = arith.constant 0 : index
    %get3A_14 = vector.load %arg3[%get3A_12, %get3A_13] : memref<128x128xf32, #tpu.memory_space<vmem>>, vector<128x128xf32>
    %dot_general3A_15 = arith.constant dense<0.000000e+00> : vector<10000x128xf32>
    %dot_general3A_16 = tpu.matmul %max3A_11, %get3A_14, %dot_general3A_15 {dimension_numbers = #tpu.dot_dimension_numbers<[1], [0], [0], [1], [0, 0, 1, 1], [], []>, precision = #tpu.contract_precision<fp32>, transpose_lhs_hint = false} : vector<10000x128xf32>, vector<128x128xf32>, vector<10000x128xf32> -> vector<10000x128xf32>
    %get3A_17 = arith.constant 0 : index
    %get3A_18 = arith.constant 0 : index
    %get3A_19 = vector.load %arg4[%get3A_17, %get3A_18] : memref<1x128xf32, #tpu.memory_space<vmem>>, vector<1x128xf32>
    %add3A_20 = vector.broadcast %get3A_19 : vector<1x128xf32> to vector<10000x128xf32>
    %add3A_21 = arith.addf %dot_general3A_16, %add3A_20 : vector<10000x128xf32>
    %max3A_22 = arith.constant 0.000000e+00 : f32
    %max3A_23 = vector.broadcast %max3A_22 : f32 to vector<10000x128xf32>
    %max3A_24 = arith.maximumf %add3A_21, %max3A_23 : vector<10000x128xf32>
    %get3A_25 = arith.constant 0 : index
    %get3A_26 = arith.constant 0 : index
    %get3A_27 = vector.load %arg5[%get3A_25, %get3A_26] : memref<10000x1xi32, #tpu.memory_space<vmem>>, vector<10000x1xi32>
    %iota3A = tpu.iota {dimensions = array<i32: 1>} : vector<10000x64xi32>
    %eq3A = vector.broadcast %get3A_27 : vector<10000x1xi32> to vector<10000x64xi32>
    %eq3A_28 = arith.cmpi eq, %eq3A, %iota3A : vector<10000x64xi32>
    %convert_element_type3A = arith.extui %eq3A_28 : vector<10000x64xi1> to vector<10000x64xi32>
    %convert_element_type3A_29 = arith.sitofp %convert_element_type3A : vector<10000x64xi32> to vector<10000x64xf32>
    %dot_general3A_30 = arith.constant dense<0.000000e+00> : vector<64x128xf32>
    %dot_general3A_31 = tpu.matmul %convert_element_type3A_29, %max3A_24, %dot_general3A_30 {dimension_numbers = #tpu.dot_dimension_numbers<[0], [0], [1], [1], [0, 1, 1, 1], [], []>, precision = #tpu.contract_precision<fp32>, transpose_lhs_hint = false} : vector<10000x64xf32>, vector<10000x128xf32>, vector<64x128xf32> -> vector<64x128xf32>
    %reduce_sum3A = arith.constant dense<0.000000e+00> : vector<64xf32>
    %reduce_sum3A_32 = vector.multi_reduction <add>, %convert_element_type3A_29, %reduce_sum3A [0] : vector<10000x64xf32> to vector<64xf32>
    %broadcast_in_dim3A = vector.shape_cast %reduce_sum3A_32 : vector<64xf32> to vector<64x1xf32>
    %max3A_33 = arith.constant 1.000000e+00 : f32
    %max3A_34 = vector.broadcast %max3A_33 : f32 to vector<64x1xf32>
    %max3A_35 = arith.maximumf %broadcast_in_dim3A, %max3A_34 : vector<64x1xf32>
    %div3A = vector.broadcast %max3A_35 : vector<64x1xf32> to vector<64x128xf32>
    %div3A_36 = arith.divf %dot_general3A_31, %div3A : vector<64x128xf32>
    %get3A_37 = arith.constant 0 : index
    %get3A_38 = arith.constant 0 : index
    %get3A_39 = vector.load %arg6[%get3A_37, %get3A_38] : memref<128x128xf32, #tpu.memory_space<vmem>>, vector<128x128xf32>
    %dot_general3A_40 = arith.constant dense<0.000000e+00> : vector<64x128xf32>
    %dot_general3A_41 = tpu.matmul %div3A_36, %get3A_39, %dot_general3A_40 {dimension_numbers = #tpu.dot_dimension_numbers<[1], [0], [0], [1], [0, 0, 1, 1], [], []>, precision = #tpu.contract_precision<fp32>, transpose_lhs_hint = false} : vector<64x128xf32>, vector<128x128xf32>, vector<64x128xf32> -> vector<64x128xf32>
    %get3A_42 = arith.constant 0 : index
    %get3A_43 = arith.constant 0 : index
    %get3A_44 = vector.load %arg7[%get3A_42, %get3A_43] : memref<1x128xf32, #tpu.memory_space<vmem>>, vector<1x128xf32>
    %add3A_45 = vector.broadcast %get3A_44 : vector<1x128xf32> to vector<64x128xf32>
    %add3A_46 = arith.addf %dot_general3A_41, %add3A_45 : vector<64x128xf32>
    %max3A_47 = arith.constant 0.000000e+00 : f32
    %max3A_48 = vector.broadcast %max3A_47 : f32 to vector<64x128xf32>
    %max3A_49 = arith.maximumf %add3A_46, %max3A_48 : vector<64x128xf32>
    %get3A_50 = arith.constant 0 : index
    %get3A_51 = arith.constant 0 : index
    %get3A_52 = vector.load %arg8[%get3A_50, %get3A_51] : memref<128x1xf32, #tpu.memory_space<vmem>>, vector<128x1xf32>
    %dot_general3A_53 = arith.constant dense<0.000000e+00> : vector<64x1xf32>
    %dot_general3A_54 = tpu.matmul %max3A_49, %get3A_52, %dot_general3A_53 {dimension_numbers = #tpu.dot_dimension_numbers<[1], [0], [0], [1], [0, 0, 1, 1], [], []>, precision = #tpu.contract_precision<fp32>, transpose_lhs_hint = false} : vector<64x128xf32>, vector<128x1xf32>, vector<64x1xf32> -> vector<64x1xf32>
    %get3A_55 = arith.constant 0 : index
    %get3A_56 = arith.constant 0 : index
    %get3A_57 = vector.load %arg9[%get3A_55, %get3A_56] : memref<1x1xf32, #tpu.memory_space<vmem>>, vector<1x1xf32>
    %add3A_58 = vector.broadcast %get3A_57 : vector<1x1xf32> to vector<64x1xf32>
    %add3A_59 = arith.addf %dot_general3A_54, %add3A_58 : vector<64x1xf32>
    %broadcast_in_dim3A_60 = vector.shape_cast %add3A_59 : vector<64x1xf32> to vector<64x1xf32>
    %broadcast_in_dim3A_61 = vector.broadcast %broadcast_in_dim3A_60 : vector<64x1xf32> to vector<64x128xf32>
    %swap3A = arith.constant 0 : index
    %swap3A_62 = arith.constant 0 : index
    %swap3A_63 = vector.load %arg10[%swap3A, %swap3A_62] : memref<64x128xf32, #tpu.memory_space<vmem>>, vector<64x128xf32>
    tpu.vector_store %arg10[%swap3A, %swap3A_62], %broadcast_in_dim3A_61 {strides = array<i32>} : memref<64x128xf32, #tpu.memory_space<vmem>>, vector<64x128xf32>,
    return
  }
}

</mosaic_0001>

<sc_bundles>
// kernel: kernel.17.cloned.1.call-start
scs
__scs_entry_jumppad:
0x0: {  	(pc) =	sbr.rel $0x88, $3  }
0x1: {  	(tag) =	ssettag $0x0;
	lr =	simm.s32 $0x1  }
0x2: {  	[smem:$0x3F7A] =	sst lr;
	_ =	strace $0xD0000000  }
0x3: {  	_ = 	snop  }
0x4: {  	_ = 	snop  }
0x5: {  	_ = 	snop  }
0x6: {  	_ = 	snop  }
0x7: {  	_ = 	snop  }
__scs_overlays_trampoline_lowered:
0x8: {  	[smem:$0x3F89] =	sst s0  }
0x9: {  	[smem:$0x3F8A] =	sst s1  }
0xa: {  	[smem:$0x3F8B] =	sst s2  }
0xb: {  	[smem:$0x3F8C] =	sst s3  }
0xc: {  	[smem:$0x3F8D] =	sst s4  }
0xd: {  	[smem:$0x3F8E] =	sst s5  }
0xe: {  	[smem:$0x3F8F] =	sst s6  }
0xf: {  	[smem:$0x3F90] =	sst s7  }
0x10: {  	[smem:$0x3F91] =	sst s8  }
0x11: {  	[smem:$0x3F92] =	sst s9;
	s0 =	simm.s32 @!p0 $0x0  }
0x12: {  	s1 =	sld [smem:$0x3F78];
	s0 =	simm.s32 @p0 $0x1  }
0x13: {  	[smem:$0x3F93] =	sst s0;
	s0 =	simm.s32 @!p1 $0x0  }
0x14: {  	s2 =	sld [smem:$0x3F77];
	s0 =	simm.s32 @p1 $0x1  }
0x15: {  	[smem:$0x3F94] =	sst s0;
	s0 =	simm.s32 @!p2 $0x0  }
0x16: {  	s3 =	sld [smem:$0x3FDB];
	s0 =	simm.s32 @p2 $0x1  }
0x17: {  	s4 =	simm.s32 $0x1BF5;
	[smem:$0x3F96] =	sst s0  }
0x18: {  	s0 =	sld [smem:$0x3F79];
	_ =	swait.ge [sflag:s4], $0x0  }
0x19: {  	s7 =	sld [smem:$0x3F7A]  }
0x1a: {  	s8 =	sadd.s32 $0xFFFFE003, lr  }
0x1b: {  	s9 =	sadd.s32 $0xFFFFFEF7, lr;
	s5 =	simm.s32 $0xFFFFFFFF;
	p2 =	slt.u32 s8, $0xFFFFF086  }
0x1c: {  	p1 =	slt.u32 s9, $0xF7A;
	s5 =	simm.s32 @!p2 $0x0  }
0x1d: {  	s5 =	simm.s32 @p1 $0x1;
	p0 =	seq.s32 s7, s2  }
0x1e: {  	s7 =	smul.u32 @!p0 $0xF7A, s2;
	p2 =	seq.s32 @!p0 s5, $0x0  }
0x1f: {  	s9 =	smul.u32 $0xF7A, s1;
	s8 =	simm.s32 @!p0 $0x1BF5;
	p2 =	por !p2, p0  }
0x20: {  	[sflag:s8] =	ssyncset.s32 @!p0 $0xFFFFF086;
	s6 =	sadd.s32 @!p0 s3, s7;
	s7 =	simm.s32 @!p0 $0x108  }
0x21: {  	s3 =	sadd.s32 s3, s9;
	s6 =	sadd.s32 @!p0 $0x88, s6;
	s7 =	simm.s32 @p2 $0x1082  }
0x22: {  	[simem:s7], [sflag:s8] =	dma.local @!p0 [hbm:s6], $0xF7A  }
0x23: {  	s9 =	sor.u32 $0xD0000000, s2;
	s6 =	simm.s32 $0x108;
	_ =	swait.ge @!p0 [sflag:s8], $0x0  }
0x24: {  	s3 =	sadd.s32 $0x88, s3;
	s6 =	simm.s32 @!p1 $0x1082;
	[sflag:s4] =	ssyncset.s32 $0xFFFFF086  }
0x25: {  	[simem:s6], [sflag:s4] =	dma.local [hbm:s3], $0xF7A  }
0x26: {  	[smem:$0x3F7A] =	sst s1;
	(tag) =	ssettag s2;
	_ =	strace s9  }
0x27: {  	s1 =	sld [smem:$0x3F8A]  }
0x28: {  	s2 =	sld [smem:$0x3F8B]  }
0x29: {  	s4 =	sld [smem:$0x3F8D]  }
0x2a: {  	p0 =	seq.s32 s5, $0x0;
	s5 =	sld [smem:$0x3F8E]  }
0x2b: {  	s6 =	sld [smem:$0x3F8F]  }
0x2c: {  	s7 =	sld [smem:$0x3F90]  }
0x2d: {  	s3 =	simm.s32 $0x108;
	s8 =	sld [smem:$0x3F91]  }
0x2e: {  	s3 =	simm.s32 @!p0 $0x1082;
	s9 =	sld [smem:$0x3F92]  }
0x2f: {  	lr =	sadd.s32 s0, s3;
	s0 =	sld [smem:$0x3F89]  }
0x30: {  	s3 =	sld [smem:$0x3F8C]  }
0x31: {  	[smem:$0x3F95] =	sst s10  }
0x32: {  	s10 =	sld [smem:$0x3F93];
	_ =	sdelay $0x3  }
0x33: {  	p0 =	seq.s32 s10, $0x1;
	s10 =	sld [smem:$0x3F95];
	_ =	sdelay $0x3  }
0x34: {  	[smem:$0x3F95] =	sst s10  }
0x35: {  	s10 =	sld [smem:$0x3F94];
	_ =	sdelay $0x3  }
0x36: {  	p1 =	seq.s32 s10, $0x1;
	s10 =	sld [smem:$0x3F95];
	_ =	sdelay $0x3  }
0x37: {  	[smem:$0x3F95] =	sst s10  }
0x38: {  	s10 =	sld [smem:$0x3F96]  }
0x39: {  	_ = 	snop;
	(pc) =	sbr.ind lr, $3  }
0x3a: {  	_ = 	snop  }
0x3b: {  	_ = 	snop  }
0x3c: {  	p2 =	seq.s32 s10, $0x1;
	s10 =	sld [smem:$0x3F95]  }
0x3d: {  	_ =	shalt  }
0x3e: {  	_ =	shalt  }
0x3f: {  	_ =	shalt  }
0x40: {  	_ =	shalt  }
0x41: {  	_ =	shalt  }
0x42: {  	_ =	shalt  }
0x43: {  	_ =	shalt  }
0x44: {  	_ =	shalt  }
0x45: {  	_ =	shalt  }
0x46: {  	_ =	shalt  }
0x47: {  	_ =	shalt  }
0x48: {  	_ =	shalt  }
0x49: {  	_ =	shalt  }
0x4a: {  	_ =	shalt  }
0x4b: {  	_ =	shalt  }
0x4c: {  	_ =	shalt  }
0x4d: {  	_ =	shalt  }
0x4e: {  	_ =	shalt  }
0x4f: {  	_ =	shalt  }
0x50: {  	_ =	shalt  }
0x51: {  	_ =	shalt  }
0x52: {  	_ =	shalt  }
0x53: {  	_ =	shalt  }
0x54: {  	_ =	shalt  }
0x55: {  	_ =	shalt  }
0x56: {  	_ =	shalt  }
0x57: {  	_ =	shalt  }
0x58: {  	_ =	shalt  }
0x59: {  	_ =	shalt  }
0x5a: {  	_ =	shalt  }
0x5b: {  	_ =	shalt  }
0x5c: {  	_ =	shalt  }
0x5d: {  	_ =	shalt  }
0x5e: {  	_ =	shalt  }
0x5f: {  	_ =	shalt  }
0x60: {  	_ =	shalt  }
0x61: {  	_ =	shalt  }
0x62: {  	_ =	shalt  }
0x63: {  	_ =	shalt  }
0x64: {  	_ =	shalt  }
0x65: {  	_ =	shalt  }
0x66: {  	_ =	shalt  }
0x67: {  	_ =	shalt  }
0x68: {  	_ =	shalt  }
0x69: {  	_ =	shalt  }
0x6a: {  	_ =	shalt  }
0x6b: {  	_ =	shalt  }
0x6c: {  	_ =	shalt  }
0x6d: {  	_ =	shalt  }
0x6e: {  	_ =	shalt  }
0x6f: {  	_ =	shalt  }
0x70: {  	_ =	shalt  }
0x71: {  	_ =	shalt  }
0x72: {  	_ =	shalt  }
0x73: {  	_ =	shalt  }
0x74: {  	_ =	shalt  }
0x75: {  	_ =	shalt  }
0x76: {  	_ =	shalt  }
0x77: {  	_ =	shalt  }
0x78: {  	_ =	shalt  }
0x79: {  	_ =	shalt  }
0x7a: {  	_ =	shalt  }
0x7b: {  	_ =	shalt  }
0x7c: {  	_ =	shalt  }
0x7d: {  	_ =	shalt  }
0x7e: {  	_ =	shalt  }
0x7f: {  	_ =	shalt  }
0x80: {  	_ =	shalt  }
0x81: {  	_ =	shalt  }
0x82: {  	_ =	shalt  }
0x83: {  	_ =	shalt  }
0x84: {  	_ =	shalt  }
0x85: {  	_ =	shalt  }
0x86: {  	_ =	shalt  }
0x87: {  	_ =	shalt  }
.Lfunc_end0:
.L_simem_size_0:
called_computation_lowered:
.L_overlay_start_0:
0x88: {  	s2 =	sld [smem:$0x3FD9]  }
0x89: {  	s3 =	sld [smem:$0x3FFE];
	_ =	sdelay $0x1  }
0x8a: {  	s1 =	srdreg.scid  }
0x8b: {  	s0 =	sand.u32 $0x1, s1  }
0x8c: {  	s16 =	sshll.u32 s0, $0xA;
	s2 =	sadd.s32 s3, s2  }
0x8d: {  	s2 =	sadd.s32 s2, s16  }
0x8e: {  	[smem:$0x3FA1] =	sst s2  }
0x8f: {  	_ = 	snop  }
0x90: {  	(tm) =	ssettm $0x1  }
0x91: {  	s17 =	sld [smem:$0x3FFB];
	_ =	sdelay $0x3  }
0x92: {  	_ =	strace s17  }
0x93: {  	s2 =	sld [smem:$0x3FFC];
	_ =	sdelay $0x3  }
0x94: {  	_ =	strace s2  }
0x95: {  	s2 =	sld [smem:$0x3FFD];
	_ =	sdelay $0x3  }
0x96: {  	_ =	strace s2  }
0x97: {  	_ =	strace $0x8FFFFFFF  }
0x98: {  	s18 =	sld [smem:$0x3FDB];
	_ =	sdelay $0x1  }
0x99: {  	s19 =	simm.s32 $_scs_section_size  }
0x9a: {  	s4 =	simm.s32 $_size__tile_overlayer_lowered;
	s5 =	simm.s32 $_tile_overlayer_lowered  }
0x9b: {  	s22 =	simm.s32 $0x1BFF;
	s21 =	sshll.u32 s5, $0x1;
	s2 =	sadd.s32 s19, s18  }
0x9c: {  	s6 =	simm.s32 $0x0;
	s20 =	sshll.u32 s4, $0x1;
	s4 =	sadd.s32 s21, s2  }
0x9d: {  	[timem:s6], [sflag:s22] =	dma.local [hbm:s4], s20  }
0x9e: {  	_ =	swait.ge [sflag:s22], s20  }
0x9f: {  	s3 =	ssub.s32 $0x0, s20;
	[sflag:s22] =	ssyncset.done $0x0  }
0xa0: {  	[sflag:s22] =	ssyncadd.s32 s3;
	_ =	sdelay $0x1  }
0xa1: {  	s23 =	simm.s32 $0x1B8B  }
0xa2: {  	_ =	swait.ge [sflag:s23], $0x1  }
0xa3: {  	[sflag:s23] =	ssyncset.done $0x0  }
0xa4: {  	s25 =	simm.s32 $0x1B8E;
	s24 =	sld [smem:$0x3FFE];
	[sflag:s23] =	ssyncadd.s32 $0xFFFFFFFF  }
0xa5: {  	s26 =	simm.s32 $execute0_lowered;
	[smem:$0x3FD2] =	sst s25  }
0xa6: {  	s4 =	sshll.u32 s26, $0x1;
	_ =	strace $0x80000046;
	[dreg:$0x1] =	wrdreg $0xFFFFFFFF  }
0xa7: {  	s28 =	simm.s32 $_size_execute0_lowered;
	s2 =	sadd.s32 s2, s4;
	[dreg:$0x0] =	wrdreg $0x0  }
0xa8: {  	s4 =	sshll.u32 s28, $0x1;
	[dreg:$0x2] =	wrdreg s2  }
0xa9: {  	[dreg:$0x3] =	wrdreg s4  }
0xaa: {  	[dreg:$0x4] =	wrdreg $0xC0  }
0xab: {  	_ =	task [dreg:s6], $0x5FFFF  }
0xac: {  	[dreg:$0x1] =	wrdreg $0xFFFFFFFF  }
0xad: {  	[dreg:$0x0] =	wrdreg $0x60  }
0xae: {  	[dreg:$0x2] =	wrdreg s24  }
0xaf: {  	[dreg:$0x3] =	wrdreg $0xA  }
0xb0: {  	_ =	task.clear_ibuf [dreg:s6], $0x4FFFF;
	_ =	strace $0x90000046  }
0xb1: {  	s29 =	simm.s32 $0xA;
	_ =	strace $0x80000048  }
0xb2: {  	_ =	swait.ge [sflag:s29], $0x1  }
0xb3: {  	[sflag:s29] =	ssyncadd.s32 $0xFFFFFFFF  }
0xb4: {  	_ =	strace $0x90000048  }
0xb5: {  	_ =	sfence  }
0xb6: {  	s30 =	sld [smem:$0x0];
	_ =	sdelay $0x2  }
0xb7: {  	s31 =	sshll.u32 s1, $0xD;
	s1 =	sshrl.u32 s1, $0x2  }
0xb8: {  	s3 =	sand.u32 $0x4000, s31;
	s1 =	sadd.s32 s1, s30  }
0xb9: {  	s0 =	sor.u32 s3, s0;
	s1 =	sshll.u32 s1, $0x11  }
0xba: {  	s0 =	sor.u32 s1, s0  }
0xbb: {  	s0 =	sadd.s32 $0x8F2B, s0  }
0xbc: {  	[sflag:s0] =	ssyncadd.remote.s32 $0x1  }
0xbd: {  	_ =	sfence.sel $0xFFFF  }
0xbe: {  	[dreg:$0x0] =	wrdreg $0xFFFFFFFF;
	(pc) =	sbr.abs _section_cstart, $3  }
0xbf: {  	[dreg:$0x1] =	wrdreg $0xFFFFFFFF  }
0xc0: {  	_ =	task.clear_ibuf [dreg:s6], $0x2FFFF;
	_ =	strace $0x9FFFFFFF  }
0xc1: {  	(tm) =	ssettm $0x7FFFFFFF  }
tec
execute0_lowered:
.L_overlay_start_1:
0x0: {  	(tag) =	ssettag $0x1  }
0x1: {  	s1 =	srdreg.scid;
	s0 =	stileid.u32  }
0x2: {  	s25 =	sand.u32 $0x1, s1;
	s31 =	sshll.u32 s0, $0x1  }
0x3: {  	s9 =	rddreg [dreg:$0x0];
	s6 =	sor.u32 s25, s31  }
0x4: {  	s2 =	simm.s32 $0x0;
	s1 =	rddreg [dreg:$0x1];
	s3 =	sshll.u32 s6, $0x8  }
0x5: {  	[smem:$0x7FF] =	sst s2;
	s3 =	sadd.s32 s3, s9  }
0x6: {  	_ =	strace $0x80000047;
	s4 =	sadd.s32 $0x7000, s3;
	s3 =	simm.s32 $0x2  }
0x7: {  	[tilespmem:s2], [sflag:$0x2] =	stream.linear.gather [hbm4b:s4+s2], $0x500, $0x38;
	[tilespmem:$0x4800] =	vst v63  }
0x8: {  	s7 =	simm.s32 $0x800;
	_ =	swait.ge [sflag:s3], $0x500  }
0x9: {  	s8 =	simm.s32 $0x1;
	s5 =	sadd.s32 $0x9000, s9;
	[sflag:s3] =	ssyncset.done $0x0  }
0xa: {  	s10 =	smul.u32 $0x5000, s6;
	s6 =	simm.s32 $0x80;
	[sflag:s3] =	ssyncadd.s32 $0xFFFFFB00  }
0xb: {  	[tilespmem:s7], [sflag:$0x1] =	stream.indirect.gather [hbm4b:s5+s6], $0x80, s2, s6, $0xb8;
	[tilespmem:$0x4800] =	vst v63  }
0xc: {  	_ =	swait.ge [sflag:s8], $0x4000  }
0xd: {  	s26 =	sadd.s32 s10, s9;
	[sflag:s8] =	ssyncset.done $0x0  }
0xe: {  	s9 =	sadd.s32 $0x10E00, s26;
	[sflag:s8] =	ssyncadd.s32 $0xFFFFC000  }
0xf: {  	[hbm4b:s9+s2] =	stream.linear.scatter [tilespmem:s7], [sflag:$0x2], $0x4000, $0x38;
	[tilespmem:$0x4800] =	vst v63  }
0x10: {  	_ =	swait.ge [sflag:s3], $0x4000  }
0x11: {  	[sflag:s3] =	ssyncset.done $0x0  }
0x12: {  	[sflag:s3] =	ssyncadd.s32 $0xFFFFC000  }
0x13: {  	[tilespmem:s7], [sflag:$0x1] =	stream.indirect.gather [hbm4b:s5+s6], $0x80, s6, s6, $0xb8;
	[tilespmem:$0x4800] =	vst v63  }
0x14: {  	_ =	swait.ge [sflag:s8], $0x4000  }
0x15: {  	[sflag:s8] =	ssyncset.done $0x0  }
0x16: {  	s10 =	sadd.s32 $0x11600, s26;
	[sflag:s8] =	ssyncadd.s32 $0xFFFFC000  }
0x17: {  	[hbm4b:s10+s2] =	stream.linear.scatter [tilespmem:s7], [sflag:$0x2], $0x4000, $0x38;
	[tilespmem:$0x4800] =	vst v63  }
0x18: {  	_ =	swait.ge [sflag:s3], $0x4000  }
0x19: {  	[sflag:s3] =	ssyncset.done $0x0  }
0x1a: {  	s11 =	simm.s32 $0x100;
	[sflag:s3] =	ssyncadd.s32 $0xFFFFC000  }
0x1b: {  	[tilespmem:s7], [sflag:$0x1] =	stream.indirect.gather [hbm4b:s5+s6], $0x80, s11, s6, $0xb8;
	[tilespmem:$0x4800] =	vst v63  }
0x1c: {  	_ =	swait.ge [sflag:s8], $0x4000  }
0x1d: {  	[sflag:s8] =	ssyncset.done $0x0  }
0x1e: {  	s12 =	sadd.s32 $0x11E00, s26;
	[sflag:s8] =	ssyncadd.s32 $0xFFFFC000  }
0x1f: {  	[hbm4b:s12+s2] =	stream.linear.scatter [tilespmem:s7], [sflag:$0x2], $0x4000, $0x38;
	[tilespmem:$0x4800] =	vst v63  }
0x20: {  	_ =	swait.ge [sflag:s3], $0x4000  }
0x21: {  	[sflag:s3] =	ssyncset.done $0x0  }
0x22: {  	s13 =	simm.s32 $0x180;
	[sflag:s3] =	ssyncadd.s32 $0xFFFFC000  }
0x23: {  	[tilespmem:s7], [sflag:$0x1] =	stream.indirect.gather [hbm4b:s5+s6], $0x80, s13, s6, $0xb8;
	[tilespmem:$0x4800] =	vst v63  }
0x24: {  	_ =	swait.ge [sflag:s8], $0x4000  }
0x25: {  	[sflag:s8] =	ssyncset.done $0x0  }
0x26: {  	s14 =	sadd.s32 $0x12600, s26;
	[sflag:s8] =	ssyncadd.s32 $0xFFFFC000  }
0x27: {  	[hbm4b:s14+s2] =	stream.linear.scatter [tilespmem:s7], [sflag:$0x2], $0x4000, $0x38;
	[tilespmem:$0x4800] =	vst v63  }
0x28: {  	_ =	swait.ge [sflag:s3], $0x4000  }
0x29: {  	[sflag:s3] =	ssyncset.done $0x0  }
0x2a: {  	s15 =	simm.s32 $0x200;
	[sflag:s3] =	ssyncadd.s32 $0xFFFFC000  }
0x2b: {  	[tilespmem:s7], [sflag:$0x1] =	stream.indirect.gather [hbm4b:s5+s6], $0x80, s15, s6, $0xb8;
	[tilespmem:$0x4800] =	vst v63  }
0x2c: {  	_ =	swait.ge [sflag:s8], $0x4000  }
0x2d: {  	[sflag:s8] =	ssyncset.done $0x0  }
0x2e: {  	s16 =	sadd.s32 $0x12E00, s26;
	[sflag:s8] =	ssyncadd.s32 $0xFFFFC000  }
0x2f: {  	[hbm4b:s16+s2] =	stream.linear.scatter [tilespmem:s7], [sflag:$0x2], $0x4000, $0x38;
	[tilespmem:$0x4800] =	vst v63  }
0x30: {  	_ =	swait.ge [sflag:s3], $0x4000  }
0x31: {  	[sflag:s3] =	ssyncset.done $0x0  }
0x32: {  	s17 =	simm.s32 $0x280;
	[sflag:s3] =	ssyncadd.s32 $0xFFFFC000  }
0x33: {  	[tilespmem:s7], [sflag:$0x1] =	stream.indirect.gather [hbm4b:s5+s6], $0x80, s17, s6, $0xb8;
	[tilespmem:$0x4800] =	vst v63  }
0x34: {  	_ =	swait.ge [sflag:s8], $0x4000  }
0x35: {  	[sflag:s8] =	ssyncset.done $0x0  }
0x36: {  	s18 =	sadd.s32 $0x13600, s26;
	[sflag:s8] =	ssyncadd.s32 $0xFFFFC000  }
0x37: {  	[hbm4b:s18+s2] =	stream.linear.scatter [tilespmem:s7], [sflag:$0x2], $0x4000, $0x38;
	[tilespmem:$0x4800] =	vst v63  }
0x38: {  	_ =	swait.ge [sflag:s3], $0x4000  }
0x39: {  	[sflag:s3] =	ssyncset.done $0x0  }
0x3a: {  	s19 =	simm.s32 $0x300;
	[sflag:s3] =	ssyncadd.s32 $0xFFFFC000  }
0x3b: {  	[tilespmem:s7], [sflag:$0x1] =	stream.indirect.gather [hbm4b:s5+s6], $0x80, s19, s6, $0xb8;
	[tilespmem:$0x4800] =	vst v63  }
0x3c: {  	_ =	swait.ge [sflag:s8], $0x4000  }
0x3d: {  	[sflag:s8] =	ssyncset.done $0x0  }
0x3e: {  	s20 =	sadd.s32 $0x13E00, s26;
	[sflag:s8] =	ssyncadd.s32 $0xFFFFC000  }
0x3f: {  	[hbm4b:s20+s2] =	stream.linear.scatter [tilespmem:s7], [sflag:$0x2], $0x4000, $0x38;
	[tilespmem:$0x4800] =	vst v63  }
0x40: {  	_ =	swait.ge [sflag:s3], $0x4000  }
0x41: {  	[sflag:s3] =	ssyncset.done $0x0  }
0x42: {  	s21 =	simm.s32 $0x380;
	[sflag:s3] =	ssyncadd.s32 $0xFFFFC000  }
0x43: {  	[tilespmem:s7], [sflag:$0x1] =	stream.indirect.gather [hbm4b:s5+s6], $0x80, s21, s6, $0xb8;
	[tilespmem:$0x4800] =	vst v63  }
0x44: {  	_ =	swait.ge [sflag:s8], $0x4000  }
0x45: {  	[sflag:s8] =	ssyncset.done $0x0  }
0x46: {  	s22 =	sadd.s32 $0x14600, s26;
	[sflag:s8] =	ssyncadd.s32 $0xFFFFC000  }
0x47: {  	[hbm4b:s22+s2] =	stream.linear.scatter [tilespmem:s7], [sflag:$0x2], $0x4000, $0x38;
	[tilespmem:$0x4800] =	vst v63  }
0x48: {  	_ =	swait.ge [sflag:s3], $0x4000  }
0x49: {  	[sflag:s3] =	ssyncset.done $0x0  }
0x4a: {  	s23 =	simm.s32 $0x400;
	[sflag:s3] =	ssyncadd.s32 $0xFFFFC000  }
0x4b: {  	[tilespmem:s7], [sflag:$0x1] =	stream.indirect.gather [hbm4b:s5+s6], $0x80, s23, s6, $0xb8;
	[tilespmem:$0x4800] =	vst v63  }
0x4c: {  	_ =	swait.ge [sflag:s8], $0x4000  }
0x4d: {  	[sflag:s8] =	ssyncset.done $0x0  }
0x4e: {  	s28 =	ssub.s32 $0x2, s25;
	s24 =	sadd.s32 $0x14E00, s26;
	[sflag:s8] =	ssyncadd.s32 $0xFFFFC000  }
0x4f: {  	[hbm4b:s24+s2] =	stream.linear.scatter [tilespmem:s7], [sflag:$0x2], $0x4000, $0x38;
	[tilespmem:$0x4800] =	vst v63  }
0x50: {  	s29 =	sshrl.u32 s28, $0x1;
	_ =	swait.ge [sflag:s3], $0x4000  }
0x51: {  	s28 =	ssub.s32 s28, s29;
	[sflag:s3] =	ssyncset.done $0x0  }
0x52: {  	s25 =	simm.s32 $0x480;
	s28 =	smax.u32 s28, $0x1;
	[sflag:s3] =	ssyncadd.s32 $0xFFFFC000  }
0x53: {  	[tilespmem:s7], [sflag:$0x1] =	stream.indirect.gather [hbm4b:s5+s6], $0x80, s25, s6, $0xb8;
	[tilespmem:$0x4800] =	vst v63  }
0x54: {  	p0 =	sne.s32 s28, $0x1;
	_ =	swait.ge [sflag:s8], $0x4000  }
.Ltmp0:
0x55: {  	[sflag:s8] =	ssyncset.done $0x0;
	(pc) =	sbr.rel @!p0 .LBB2_2-.Ltmp0, $4  }
0x56: {  	s26 =	sadd.s32 $0x15600, s26;
	[sflag:s8] =	ssyncadd.s32 $0xFFFFC000  }
0x57: {  	[hbm4b:s26+s2] =	stream.linear.scatter [tilespmem:s7], [sflag:$0x2], $0x4000, $0x38;
	[tilespmem:$0x4800] =	vst v63  }
0x58: {  	_ =	swait.ge [sflag:s3], $0x4000  }
0x59: {  	s28 =	sadd.s32 $0xFFFFFFFF, s28;
	[sflag:s3] =	ssyncset.done $0x0  }
.LBB2_1:
0x5a: {  	p0 =	sne.s32 s28, $0x1;
	s28 =	sadd.s32 $0xFFFFFFFF, s28;
	[sflag:s3] =	ssyncadd.s32 $0xFFFFC000  }
0x5b: {  	[tilespmem:s2], [sflag:$0x2] =	stream.linear.gather [hbm4b:s4+s2], $0x500, $0x38;
	[tilespmem:$0x4800] =	vst v63  }
0x5c: {  	_ =	swait.ge [sflag:s3], $0x500  }
0x5d: {  	[sflag:s3] =	ssyncset.done $0x0  }
0x5e: {  	[sflag:s3] =	ssyncadd.s32 $0xFFFFFB00  }
0x5f: {  	[tilespmem:s7], [sflag:$0x1] =	stream.indirect.gather [hbm4b:s5+s6], $0x80, s2, s6, $0xb8;
	[tilespmem:$0x4800] =	vst v63  }
0x60: {  	_ =	swait.ge [sflag:s8], $0x4000  }
0x61: {  	[sflag:s8] =	ssyncset.done $0x0  }
0x62: {  	[sflag:s8] =	ssyncadd.s32 $0xFFFFC000  }
0x63: {  	[hbm4b:s9+s2] =	stream.linear.scatter [tilespmem:s7], [sflag:$0x2], $0x4000, $0x38;
	[tilespmem:$0x4800] =	vst v63  }
0x64: {  	_ =	swait.ge [sflag:s3], $0x4000  }
0x65: {  	[sflag:s3] =	ssyncset.done $0x0  }
0x66: {  	[sflag:s3] =	ssyncadd.s32 $0xFFFFC000  }
0x67: {  	[tilespmem:s7], [sflag:$0x1] =	stream.indirect.gather [hbm4b:s5+s6], $0x80, s6, s6, $0xb8;
	[tilespmem:$0x4800] =	vst v63  }
0x68: {  	_ =	swait.ge [sflag:s8], $0x4000  }
0x69: {  	[sflag:s8] =	ssyncset.done $0x0  }
0x6a: {  	[sflag:s8] =	ssyncadd.s32 $0xFFFFC000  }
0x6b: {  	[hbm4b:s10+s2] =	stream.linear.scatter [tilespmem:s7], [sflag:$0x2], $0x4000, $0x38;
	[tilespmem:$0x4800] =	vst v63  }
0x6c: {  	_ =	swait.ge [sflag:s3], $0x4000  }
0x6d: {  	[sflag:s3] =	ssyncset.done $0x0  }
0x6e: {  	[sflag:s3] =	ssyncadd.s32 $0xFFFFC000  }
0x6f: {  	[tilespmem:s7], [sflag:$0x1] =	stream.indirect.gather [hbm4b:s5+s6], $0x80, s11, s6, $0xb8;
	[tilespmem:$0x4800] =	vst v63  }
0x70: {  	_ =	swait.ge [sflag:s8], $0x4000  }
0x71: {  	[sflag:s8] =	ssyncset.done $0x0  }
0x72: {  	[sflag:s8] =	ssyncadd.s32 $0xFFFFC000  }
0x73: {  	[hbm4b:s12+s2] =	stream.linear.scatter [tilespmem:s7], [sflag:$0x2], $0x4000, $0x38;
	[tilespmem:$0x4800] =	vst v63  }
0x74: {  	_ =	swait.ge [sflag:s3], $0x4000  }
0x75: {  	[sflag:s3] =	ssyncset.done $0x0  }
0x76: {  	[sflag:s3] =	ssyncadd.s32 $0xFFFFC000  }
0x77: {  	[tilespmem:s7], [sflag:$0x1] =	stream.indirect.gather [hbm4b:s5+s6], $0x80, s13, s6, $0xb8;
	[tilespmem:$0x4800] =	vst v63  }
0x78: {  	_ =	swait.ge [sflag:s8], $0x4000  }
0x79: {  	[sflag:s8] =	ssyncset.done $0x0  }
0x7a: {  	[sflag:s8] =	ssyncadd.s32 $0xFFFFC000  }
0x7b: {  	[hbm4b:s14+s2] =	stream.linear.scatter [tilespmem:s7], [sflag:$0x2], $0x4000, $0x38;
	[tilespmem:$0x4800] =	vst v63  }
0x7c: {  	_ =	swait.ge [sflag:s3], $0x4000  }
0x7d: {  	[sflag:s3] =	ssyncset.done $0x0  }
0x7e: {  	[sflag:s3] =	ssyncadd.s32 $0xFFFFC000  }
0x7f: {  	[tilespmem:s7], [sflag:$0x1] =	stream.indirect.gather [hbm4b:s5+s6], $0x80, s15, s6, $0xb8;
	[tilespmem:$0x4800] =	vst v63  }
0x80: {  	_ =	swait.ge [sflag:s8], $0x4000  }
0x81: {  	[sflag:s8] =	ssyncset.done $0x0  }
0x82: {  	[sflag:s8] =	ssyncadd.s32 $0xFFFFC000  }
0x83: {  	[hbm4b:s16+s2] =	stream.linear.scatter [tilespmem:s7], [sflag:$0x2], $0x4000, $0x38;
	[tilespmem:$0x4800] =	vst v63  }
0x84: {  	_ =	swait.ge [sflag:s3], $0x4000  }
0x85: {  	[sflag:s3] =	ssyncset.done $0x0  }
0x86: {  	[sflag:s3] =	ssyncadd.s32 $0xFFFFC000  }
0x87: {  	[tilespmem:s7], [sflag:$0x1] =	stream.indirect.gather [hbm4b:s5+s6], $0x80, s17, s6, $0xb8;
	[tilespmem:$0x4800] =	vst v63  }
0x88: {  	_ =	swait.ge [sflag:s8], $0x4000  }
0x89: {  	[sflag:s8] =	ssyncset.done $0x0  }
0x8a: {  	[sflag:s8] =	ssyncadd.s32 $0xFFFFC000  }
0x8b: {  	[hbm4b:s18+s2] =	stream.linear.scatter [tilespmem:s7], [sflag:$0x2], $0x4000, $0x38;
	[tilespmem:$0x4800] =	vst v63  }
0x8c: {  	_ =	swait.ge [sflag:s3], $0x4000  }
0x8d: {  	[sflag:s3] =	ssyncset.done $0x0  }
0x8e: {  	[sflag:s3] =	ssyncadd.s32 $0xFFFFC000  }
0x8f: {  	[tilespmem:s7], [sflag:$0x1] =	stream.indirect.gather [hbm4b:s5+s6], $0x80, s19, s6, $0xb8;
	[tilespmem:$0x4800] =	vst v63  }
0x90: {  	_ =	swait.ge [sflag:s8], $0x4000  }
0x91: {  	[sflag:s8] =	ssyncset.done $0x0  }
0x92: {  	[sflag:s8] =	ssyncadd.s32 $0xFFFFC000  }
0x93: {  	[hbm4b:s20+s2] =	stream.linear.scatter [tilespmem:s7], [sflag:$0x2], $0x4000, $0x38;
	[tilespmem:$0x4800] =	vst v63  }
0x94: {  	_ =	swait.ge [sflag:s3], $0x4000  }
0x95: {  	[sflag:s3] =	ssyncset.done $0x0  }
0x96: {  	[sflag:s3] =	ssyncadd.s32 $0xFFFFC000  }
0x97: {  	[tilespmem:s7], [sflag:$0x1] =	stream.indirect.gather [hbm4b:s5+s6], $0x80, s21, s6, $0xb8;
	[tilespmem:$0x4800] =	vst v63  }
0x98: {  	_ =	swait.ge [sflag:s8], $0x4000  }
0x99: {  	[sflag:s8] =	ssyncset.done $0x0  }
0x9a: {  	[sflag:s8] =	ssyncadd.s32 $0xFFFFC000  }
0x9b: {  	[hbm4b:s22+s2] =	stream.linear.scatter [tilespmem:s7], [sflag:$0x2], $0x4000, $0x38;
	[tilespmem:$0x4800] =	vst v63  }
0x9c: {  	_ =	swait.ge [sflag:s3], $0x4000  }
0x9d: {  	[sflag:s3] =	ssyncset.done $0x0  }
0x9e: {  	[sflag:s3] =	ssyncadd.s32 $0xFFFFC000  }
0x9f: {  	[tilespmem:s7], [sflag:$0x1] =	stream.indirect.gather [hbm4b:s5+s6], $0x80, s23, s6, $0xb8;
	[tilespmem:$0x4800] =	vst v63  }
0xa0: {  	_ =	swait.ge [sflag:s8], $0x4000  }
0xa1: {  	[sflag:s8] =	ssyncset.done $0x0  }
0xa2: {  	[sflag:s8] =	ssyncadd.s32 $0xFFFFC000  }
0xa3: {  	[hbm4b:s24+s2] =	stream.linear.scatter [tilespmem:s7], [sflag:$0x2], $0x4000, $0x38;
	[tilespmem:$0x4800] =	vst v63  }
0xa4: {  	_ =	swait.ge [sflag:s3], $0x4000  }
0xa5: {  	[sflag:s3] =	ssyncset.done $0x0  }
0xa6: {  	[sflag:s3] =	ssyncadd.s32 $0xFFFFC000  }
0xa7: {  	[tilespmem:s7], [sflag:$0x1] =	stream.indirect.gather [hbm4b:s5+s6], $0x80, s25, s6, $0xb8;
	[tilespmem:$0x4800] =	vst v63  }
0xa8: {  	_ =	swait.ge [sflag:s8], $0x4000  }
.Ltmp1:
0xa9: {  	[sflag:s8] =	ssyncset.done $0x0;
	(pc) =	sbr.rel @p0 .LBB2_1-.Ltmp1, $4  }
0xaa: {  	[sflag:s8] =	ssyncadd.s32 $0xFFFFC000  }
0xab: {  	[hbm4b:s26+s2] =	stream.linear.scatter [tilespmem:s7], [sflag:$0x2], $0x4000, $0x38;
	[tilespmem:$0x4800] =	vst v63  }
0xac: {  	_ =	swait.ge [sflag:s3], $0x4000  }
0xad: {  	[sflag:s3] =	ssyncset.done $0x0  }
.LBB2_2:
0xae: {  	[sflag:s3] =	ssyncadd.s32 $0xFFFFC000  }
0xaf: {  	_ =	sfence.sel $0x180000  }
0xb0: {  	[bflag:$0x0] =	sbarrier.arrive $0xFFFF  }
0xb1: {  	p0 =	sne.s32 s0, $0x0;
	_ =	strace $0x90000047  }
0xb2: {  	s0 =	sadd.s32 @!p0 $0x100000, s1;
	[bflag:$0x2] =	sbarrier.arrive $0xFFFF  }
0xb3: {  	[sflag:s0] =	ssyncadd.tile.s32 @!p0 $0x1;
	_ =	shalt  }
.Lfunc_end2:
_tile_overlayer_lowered:
.L_overlay_start_2:
0xb4: {  	(tag) =	ssettag $0x2  }
0xb5: {  	s0 =	rddreg [dreg:$0x0];
	s2 =	stileid.u32  }
0xb6: {  	s1 =	rddreg [dreg:$0x1];
	p0 =	sne.s32 s2, $0x0  }
0xb7: {  	s3 =	rddreg [dreg:$0x2];
	[bflag:$0x3] =	sbarrier.arrive $0xFFFF;
	s2 =	simm.s32 @!p0 $0x1C02  }
0xb8: {  	[timem:s3], [sflag:s2] =	dma.local @!p0 [hbm:s0], s1  }
0xb9: {  	s0 =	simm.s32 @!p0 $0x2  }
0xba: {  	_ =	swait.ge @!p0 [sflag:s0], s1  }
0xbb: {  	s1 =	ssub.s32 @!p0 $0x0, s1;
	[sflag:s0] =	ssyncset.done @!p0 $0x0  }
0xbc: {  	[sflag:s0] =	ssyncadd.s32 @!p0 s1  }
0xbd: {  	[bflag:$0x3] =	sbarrier.arrive $0xFFFF  }
0xbe: {  	_ =	shalt  }

// kernel: kernel.20.cloned.1.call-start
scs
__scs_entry_jumppad:
0x0: {  	(pc) =	sbr.rel $0x88, $3  }
0x1: {  	(tag) =	ssettag $0x0;
	lr =	simm.s32 $0x1  }
0x2: {  	[smem:$0x3F7A] =	sst lr;
	_ =	strace $0xD0000000  }
0x3: {  	_ = 	snop  }
0x4: {  	_ = 	snop  }
0x5: {  	_ = 	snop  }
0x6: {  	_ = 	snop  }
0x7: {  	_ = 	snop  }
__scs_overlays_trampoline_lowered:
0x8: {  	[smem:$0x3F89] =	sst s0  }
0x9: {  	[smem:$0x3F8A] =	sst s1  }
0xa: {  	[smem:$0x3F8B] =	sst s2  }
0xb: {  	[smem:$0x3F8C] =	sst s3  }
0xc: {  	[smem:$0x3F8D] =	sst s4  }
0xd: {  	[smem:$0x3F8E] =	sst s5  }
0xe: {  	[smem:$0x3F8F] =	sst s6  }
0xf: {  	[smem:$0x3F90] =	sst s7  }
0x10: {  	[smem:$0x3F91] =	sst s8  }
0x11: {  	[smem:$0x3F92] =	sst s9;
	s0 =	simm.s32 @!p0 $0x0  }
0x12: {  	s1 =	sld [smem:$0x3F78];
	s0 =	simm.s32 @p0 $0x1  }
0x13: {  	[smem:$0x3F93] =	sst s0;
	s0 =	simm.s32 @!p1 $0x0  }
0x14: {  	s2 =	sld [smem:$0x3F77];
	s0 =	simm.s32 @p1 $0x1  }
0x15: {  	[smem:$0x3F94] =	sst s0;
	s0 =	simm.s32 @!p2 $0x0  }
0x16: {  	s3 =	sld [smem:$0x3FDB];
	s0 =	simm.s32 @p2 $0x1  }
0x17: {  	s4 =	simm.s32 $0x1BF5;
	[smem:$0x3F96] =	sst s0  }
0x18: {  	s0 =	sld [smem:$0x3F79];
	_ =	swait.ge [sflag:s4], $0x0  }
0x19: {  	s7 =	sld [smem:$0x3F7A]  }
0x1a: {  	s8 =	sadd.s32 $0xFFFFE003, lr  }
0x1b: {  	s9 =	sadd.s32 $0xFFFFFEF7, lr;
	s5 =	simm.s32 $0xFFFFFFFF;
	p2 =	slt.u32 s8, $0xFFFFF086  }
0x1c: {  	p1 =	slt.u32 s9, $0xF7A;
	s5 =	simm.s32 @!p2 $0x0  }
0x1d: {  	s5 =	simm.s32 @p1 $0x1;
	p0 =	seq.s32 s7, s2  }
0x1e: {  	s7 =	smul.u32 @!p0 $0xF7A, s2;
	p2 =	seq.s32 @!p0 s5, $0x0  }
0x1f: {  	s9 =	smul.u32 $0xF7A, s1;
	s8 =	simm.s32 @!p0 $0x1BF5;
	p2 =	por !p2, p0  }
0x20: {  	[sflag:s8] =	ssyncset.s32 @!p0 $0xFFFFF086;
	s6 =	sadd.s32 @!p0 s3, s7;
	s7 =	simm.s32 @!p0 $0x108  }
0x21: {  	s3 =	sadd.s32 s3, s9;
	s6 =	sadd.s32 @!p0 $0x88, s6;
	s7 =	simm.s32 @p2 $0x1082  }
0x22: {  	[simem:s7], [sflag:s8] =	dma.local @!p0 [hbm:s6], $0xF7A  }
0x23: {  	s9 =	sor.u32 $0xD0000000, s2;
	s6 =	simm.s32 $0x108;
	_ =	swait.ge @!p0 [sflag:s8], $0x0  }
0x24: {  	s3 =	sadd.s32 $0x88, s3;
	s6 =	simm.s32 @!p1 $0x1082;
	[sflag:s4] =	ssyncset.s32 $0xFFFFF086  }
0x25: {  	[simem:s6], [sflag:s4] =	dma.local [hbm:s3], $0xF7A  }
0x26: {  	[smem:$0x3F7A] =	sst s1;
	(tag) =	ssettag s2;
	_ =	strace s9  }
0x27: {  	s1 =	sld [smem:$0x3F8A]  }
0x28: {  	s2 =	sld [smem:$0x3F8B]  }
0x29: {  	s4 =	sld [smem:$0x3F8D]  }
0x2a: {  	p0 =	seq.s32 s5, $0x0;
	s5 =	sld [smem:$0x3F8E]  }
0x2b: {  	s6 =	sld [smem:$0x3F8F]  }
0x2c: {  	s7 =	sld [smem:$0x3F90]  }
0x2d: {  	s3 =	simm.s32 $0x108;
	s8 =	sld [smem:$0x3F91]  }
0x2e: {  	s3 =	simm.s32 @!p0 $0x1082;
	s9 =	sld [smem:$0x3F92]  }
0x2f: {  	lr =	sadd.s32 s0, s3;
	s0 =	sld [smem:$0x3F89]  }
0x30: {  	s3 =	sld [smem:$0x3F8C]  }
0x31: {  	[smem:$0x3F95] =	sst s10  }
0x32: {  	s10 =	sld [smem:$0x3F93];
	_ =	sdelay $0x3  }
0x33: {  	p0 =	seq.s32 s10, $0x1;
	s10 =	sld [smem:$0x3F95];
	_ =	sdelay $0x3  }
0x34: {  	[smem:$0x3F95] =	sst s10  }
0x35: {  	s10 =	sld [smem:$0x3F94];
	_ =	sdelay $0x3  }
0x36: {  	p1 =	seq.s32 s10, $0x1;
	s10 =	sld [smem:$0x3F95];
	_ =	sdelay $0x3  }
0x37: {  	[smem:$0x3F95] =	sst s10  }
0x38: {  	s10 =	sld [smem:$0x3F96]  }
0x39: {  	_ = 	snop;
	(pc) =	sbr.ind lr, $3  }
0x3a: {  	_ = 	snop  }
0x3b: {  	_ = 	snop  }
0x3c: {  	p2 =	seq.s32 s10, $0x1;
	s10 =	sld [smem:$0x3F95]  }
0x3d: {  	_ =	shalt  }
0x3e: {  	_ =	shalt  }
0x3f: {  	_ =	shalt  }
0x40: {  	_ =	shalt  }
0x41: {  	_ =	shalt  }
0x42: {  	_ =	shalt  }
0x43: {  	_ =	shalt  }
0x44: {  	_ =	shalt  }
0x45: {  	_ =	shalt  }
0x46: {  	_ =	shalt  }
0x47: {  	_ =	shalt  }
0x48: {  	_ =	shalt  }
0x49: {  	_ =	shalt  }
0x4a: {  	_ =	shalt  }
0x4b: {  	_ =	shalt  }
0x4c: {  	_ =	shalt  }
0x4d: {  	_ =	shalt  }
0x4e: {  	_ =	shalt  }
0x4f: {  	_ =	shalt  }
0x50: {  	_ =	shalt  }
0x51: {  	_ =	shalt  }
0x52: {  	_ =	shalt  }
0x53: {  	_ =	shalt  }
0x54: {  	_ =	shalt  }
0x55: {  	_ =	shalt  }
0x56: {  	_ =	shalt  }
0x57: {  	_ =	shalt  }
0x58: {  	_ =	shalt  }
0x59: {  	_ =	shalt  }
0x5a: {  	_ =	shalt  }
0x5b: {  	_ =	shalt  }
0x5c: {  	_ =	shalt  }
0x5d: {  	_ =	shalt  }
0x5e: {  	_ =	shalt  }
0x5f: {  	_ =	shalt  }
0x60: {  	_ =	shalt  }
0x61: {  	_ =	shalt  }
0x62: {  	_ =	shalt  }
0x63: {  	_ =	shalt  }
0x64: {  	_ =	shalt  }
0x65: {  	_ =	shalt  }
0x66: {  	_ =	shalt  }
0x67: {  	_ =	shalt  }
0x68: {  	_ =	shalt  }
0x69: {  	_ =	shalt  }
0x6a: {  	_ =	shalt  }
0x6b: {  	_ =	shalt  }
0x6c: {  	_ =	shalt  }
0x6d: {  	_ =	shalt  }
0x6e: {  	_ =	shalt  }
0x6f: {  	_ =	shalt  }
0x70: {  	_ =	shalt  }
0x71: {  	_ =	shalt  }
0x72: {  	_ =	shalt  }
0x73: {  	_ =	shalt  }
0x74: {  	_ =	shalt  }
0x75: {  	_ =	shalt  }
0x76: {  	_ =	shalt  }
0x77: {  	_ =	shalt  }
0x78: {  	_ =	shalt  }
0x79: {  	_ =	shalt  }
0x7a: {  	_ =	shalt  }
0x7b: {  	_ =	shalt  }
0x7c: {  	_ =	shalt  }
0x7d: {  	_ =	shalt  }
0x7e: {  	_ =	shalt  }
0x7f: {  	_ =	shalt  }
0x80: {  	_ =	shalt  }
0x81: {  	_ =	shalt  }
0x82: {  	_ =	shalt  }
0x83: {  	_ =	shalt  }
0x84: {  	_ =	shalt  }
0x85: {  	_ =	shalt  }
0x86: {  	_ =	shalt  }
0x87: {  	_ =	shalt  }
.Lfunc_end0:
.L_simem_size_0:
called_computation.1_lowered:
.L_overlay_start_0:
0x88: {  	s2 =	sld [smem:$0x3FD9]  }
0x89: {  	s3 =	sld [smem:$0x3FFE];
	_ =	sdelay $0x1  }
0x8a: {  	s1 =	srdreg.scid  }
0x8b: {  	s0 =	sand.u32 $0x1, s1  }
0x8c: {  	s17 =	sshll.u32 s0, $0xA;
	s2 =	sadd.s32 s3, s2  }
0x8d: {  	s2 =	sadd.s32 s2, s17  }
0x8e: {  	[smem:$0x3FA1] =	sst s2  }
0x8f: {  	_ = 	snop  }
0x90: {  	(tm) =	ssettm $0x1  }
0x91: {  	s18 =	sld [smem:$0x3FFB];
	_ =	sdelay $0x3  }
0x92: {  	_ =	strace s18  }
0x93: {  	s2 =	sld [smem:$0x3FFC];
	_ =	sdelay $0x3  }
0x94: {  	_ =	strace s2  }
0x95: {  	s2 =	sld [smem:$0x3FFD];
	_ =	sdelay $0x3  }
0x96: {  	_ =	strace s2  }
0x97: {  	_ =	strace $0x8FFFFFFF  }
0x98: {  	s19 =	sld [smem:$0x3FDB];
	_ =	sdelay $0x1  }
0x99: {  	s20 =	simm.s32 $_scs_section_size  }
0x9a: {  	s4 =	simm.s32 $_size__tile_overlayer_lowered;
	s5 =	simm.s32 $_tile_overlayer_lowered  }
0x9b: {  	s6 =	simm.s32 $0x1BFF;
	s21 =	sshll.u32 s5, $0x1;
	s3 =	sadd.s32 s20, s19  }
0x9c: {  	s22 =	simm.s32 $0x0;
	s4 =	sshll.u32 s4, $0x1;
	s5 =	sadd.s32 s21, s3  }
0x9d: {  	[timem:s22], [sflag:s6] =	dma.local [hbm:s5], s4  }
0x9e: {  	_ =	swait.ge [sflag:s6], s4  }
0x9f: {  	s4 =	ssub.s32 $0x0, s4;
	[sflag:s6] =	ssyncset.done $0x0  }
0xa0: {  	[sflag:s6] =	ssyncadd.s32 s4;
	_ =	sdelay $0x1  }
0xa1: {  	s23 =	simm.s32 $0x1B8B  }
0xa2: {  	_ =	swait.ge [sflag:s23], $0x1  }
0xa3: {  	[sflag:s23] =	ssyncset.done $0x0  }
0xa4: {  	[sflag:s23] =	ssyncadd.s32 $0xFFFFFFFF  }
0xa5: {  	s4 =	sld [smem:$0x0]  }
0xa6: {  	s5 =	sand.u32 $0xFFFFFFFE, s1  }
0xa7: {  	p0 =	sne.s32 s1, s5  }
0xa8: {  	s5 =	sshll.u32 @p0 s5, $0xE  }
0xa9: {  	s5 =	sadd.s32 @p0 $0x11B8D, s5;
	s6 =	sshll.u32 @p0 s4, $0x11  }
0xaa: {  	s5 =	sor.u32 @p0 s6, s5  }
0xab: {  	[sflag:s5] =	ssyncadd.remote.s32 @p0 $0x1;
	_ =	sdelay $0x1  }
0xac: {  	s5 =	simm.s32 @p0 $0x1B8D  }
0xad: {  	_ =	swait.eq @p0 [sflag:s5], $0x1  }
0xae: {  	[sflag:s5] =	ssyncadd.s32 @p0 $0xFFFFFFFF  }
0xaf: {  	s6 =	sshll.u32 @!p0 s1, $0xE  }
0xb0: {  	s6 =	sor.u32 @!p0 $0x4000, s6;
	s5 =	simm.s32 @!p0 $0x1B8D  }
0xb1: {  	s4 =	sshll.u32 @!p0 s4, $0x11;
	s6 =	sadd.s32 @!p0 $0x11B8D, s6;
	_ =	swait.eq @!p0 [sflag:s5], $0x1  }
0xb2: {  	s4 =	sor.u32 @!p0 s4, s6;
	[sflag:s5] =	ssyncadd.s32 @!p0 $0xFFFFFFFF  }
0xb3: {  	s25 =	simm.s32 $0x1B8E;
	s24 =	sld [smem:$0x3FFE];
	[sflag:s4] =	ssyncadd.remote.s32 @!p0 $0x1  }
0xb4: {  	s26 =	simm.s32 $execute0_lowered;
	[smem:$0x3FD2] =	sst s25  }
0xb5: {  	s5 =	sshll.u32 s26, $0x1;
	_ =	strace $0x8000004C;
	[dreg:$0x1] =	wrdreg $0xFFFFFFFF  }
0xb6: {  	s28 =	simm.s32 $_size_execute0_lowered;
	s3 =	sadd.s32 s3, s5;
	[dreg:$0x0] =	wrdreg $0x0  }
0xb7: {  	s5 =	sshll.u32 s28, $0x1;
	[dreg:$0x2] =	wrdreg s3  }
0xb8: {  	[dreg:$0x3] =	wrdreg s5  }
0xb9: {  	[dreg:$0x4] =	wrdreg $0xC0  }
0xba: {  	_ =	task [dreg:s22], $0x5FFFF  }
0xbb: {  	[dreg:$0x1] =	wrdreg $0xFFFFFFFF  }
0xbc: {  	[dreg:$0x0] =	wrdreg $0x60  }
0xbd: {  	[dreg:$0x2] =	wrdreg s24  }
0xbe: {  	[dreg:$0x3] =	wrdreg $0x48000  }
0xbf: {  	[dreg:$0x4] =	wrdreg $0xA  }
0xc0: {  	_ =	task.clear_ibuf [dreg:s22], $0x5FFFF;
	_ =	strace $0x9000004C  }
0xc1: {  	s29 =	simm.s32 $0xA;
	_ =	strace $0x8000004E  }
0xc2: {  	_ =	swait.ge [sflag:s29], $0x1  }
0xc3: {  	[sflag:s29] =	ssyncadd.s32 $0xFFFFFFFF  }
0xc4: {  	_ =	strace $0x9000004E  }
0xc5: {  	_ =	sfence  }
0xc6: {  	s30 =	sld [smem:$0x0];
	_ =	sdelay $0x2  }
0xc7: {  	s31 =	sshll.u32 s1, $0xD;
	s1 =	sshrl.u32 s1, $0x2  }
0xc8: {  	s4 =	sand.u32 $0x4000, s31;
	s1 =	sadd.s32 s1, s30  }
0xc9: {  	s0 =	sor.u32 s4, s0;
	s1 =	sshll.u32 s1, $0x11  }
0xca: {  	s0 =	sor.u32 s1, s0  }
0xcb: {  	s0 =	sadd.s32 $0x8F2B, s0  }
0xcc: {  	[sflag:s0] =	ssyncadd.remote.s32 $0x1  }
0xcd: {  	_ =	sfence.sel $0xFFFF  }
0xce: {  	[dreg:$0x0] =	wrdreg $0xFFFFFFFF;
	(pc) =	sbr.abs _section_cstart, $3  }
0xcf: {  	[dreg:$0x1] =	wrdreg $0xFFFFFFFF  }
0xd0: {  	_ =	task.clear_ibuf [dreg:s22], $0x2FFFF;
	_ =	strace $0x9FFFFFFF  }
0xd1: {  	(tm) =	ssettm $0x7FFFFFFF  }
tec
execute0_lowered:
.L_overlay_start_1:
0x0: {  	(tag) =	ssettag $0x1  }
0x1: {  	s22 =	rddreg [dreg:$0x0]  }
0x2: {  	s2 =	rddreg [dreg:$0x1]  }
0x3: {  	s0 =	srdreg.scid;
	s23 =	stileid.u32  }
0x4: {  	s3 =	simm.s32 $0x0;
	s1 =	sand.u32 $0x1, s0;
	s4 =	sshll.u32 s23, $0x1  }
0x5: {  	[smem:$0x7FF] =	sst s3;
	s0 =	smul.u32 $0x50000, s23;
	s5 =	sor.u32 s1, s4  }
0x6: {  	s7 =	sadd.s32 $0xB2E00, s22;
	_ =	strace $0x8000004D;
	s6 =	sshll.u32 s5, $0x8  }
0x7: {  	[dreg:$0x3] =	wrdreg s7;
	s4 =	sshrl.u32 s0, $0x2;
	s6 =	sadd.s32 s6, s22  }
0x8: {  	s7 =	rddreg [dreg:$0x3];
	s4 =	sadd.s32 s4, s2;
	s6 =	sadd.s32 $0xB0E00, s6  }
0x9: {  	s8 =	sadd.s32 $0x4000, s4;
	[dreg:$0x4] =	wrdreg s6  }
0xa: {  	s5 =	smul.u32 $0x5000, s5;
	s9 =	sadd.s32 $0x8000, s4;
	[dreg:$0x5] =	wrdreg s8  }
0xb: {  	s10 =	sadd.s32 $0xC000, s4;
	[dreg:$0x6] =	wrdreg s9  }
0xc: {  	s20 =	sadd.s32 s5, s22;
	s11 =	sadd.s32 $0x10000, s4;
	[dreg:$0x7] =	wrdreg s10  }
0xd: {  	[dreg:$0x8] =	wrdreg s11;
	s12 =	sadd.s32 $0x10E00, s20  }
0xe: {  	s13 =	sadd.s32 $0x11600, s20;
	[dreg:$0x9] =	wrdreg s12  }
0xf: {  	s14 =	sadd.s32 $0x11E00, s20;
	[dreg:$0xa] =	wrdreg s13  }
0x10: {  	s15 =	sadd.s32 $0x12600, s20;
	[dreg:$0xb] =	wrdreg s14  }
0x11: {  	s5 =	simm.s32 $0x1;
	s6 =	simm.s32 $0x800;
	[dreg:$0xc] =	wrdreg s15  }
0x12: {  	[tilespmem:s6], [sflag:$0x1] =	stream.linear.gather [hbm4b:s7+s3], $0x4000, $0x38;
	[tilespmem:$0x18800] =	vst v63  }
0x13: {  	_ =	swait.ge [sflag:s5], $0x4000  }
0x14: {  	[sflag:s5] =	ssyncset.done $0x0  }
0x15: {  	[sflag:s5] =	ssyncadd.s32 $0xFFFFC000  }
0x16: {  	[spmem:s4] =	stream.linear.scatter [tilespmem:s6], [sflag:$0x1], $0x4000, $0x38;
	[tilespmem:$0x18800] =	vst v63  }
0x17: {  	_ =	swait.ge [sflag:s5], $0x4000  }
0x18: {  	[sflag:s5] =	ssyncset.done $0x0  }
0x19: {  	s16 =	rddreg [dreg:$0x5];
	[sflag:s5] =	ssyncadd.s32 $0xFFFFC000  }
0x1a: {  	[spmem:s16] =	stream.linear.scatter [tilespmem:s6], [sflag:$0x1], $0x4000, $0x38;
	[tilespmem:$0x18800] =	vst v63  }
0x1b: {  	_ =	swait.ge [sflag:s5], $0x4000  }
0x1c: {  	[sflag:s5] =	ssyncset.done $0x0  }
0x1d: {  	s17 =	rddreg [dreg:$0x6];
	[sflag:s5] =	ssyncadd.s32 $0xFFFFC000  }
0x1e: {  	[spmem:s17] =	stream.linear.scatter [tilespmem:s6], [sflag:$0x1], $0x4000, $0x38;
	[tilespmem:$0x18800] =	vst v63  }
0x1f: {  	_ =	swait.ge [sflag:s5], $0x4000  }
0x20: {  	[sflag:s5] =	ssyncset.done $0x0  }
0x21: {  	s18 =	rddreg [dreg:$0x7];
	[sflag:s5] =	ssyncadd.s32 $0xFFFFC000  }
0x22: {  	[spmem:s18] =	stream.linear.scatter [tilespmem:s6], [sflag:$0x1], $0x4000, $0x38;
	[tilespmem:$0x18800] =	vst v63  }
0x23: {  	_ =	swait.ge [sflag:s5], $0x4000  }
0x24: {  	[sflag:s5] =	ssyncset.done $0x0  }
0x25: {  	s19 =	rddreg [dreg:$0x8];
	[sflag:s5] =	ssyncadd.s32 $0xFFFFC000  }
0x26: {  	[spmem:s19] =	stream.linear.scatter [tilespmem:s6], [sflag:$0x1], $0x4000, $0x38;
	[tilespmem:$0x18800] =	vst v63  }
0x27: {  	_ =	swait.ge [sflag:s5], $0x4000  }
0x28: {  	[sflag:s5] =	ssyncset.done $0x0  }
0x29: {  	[sflag:s5] =	ssyncadd.s32 $0xFFFFC000  }
0x2a: {  	[bflag:$0x0] =	sbarrier.arrive $0xFFFF  }
0x2b: {  	s21 =	rddreg [dreg:$0x4]  }
0x2c: {  	[tilespmem:s3], [sflag:$0x1] =	stream.linear.gather [hbm4b:s21+s3], $0x500, $0x38;
	[tilespmem:$0x18800] =	vst v63  }
0x2d: {  	_ =	swait.ge [sflag:s5], $0x500  }
0x2e: {  	[sflag:s5] =	ssyncset.done $0x0  }
0x2f: {  	s24 =	rddreg [dreg:$0x9];
	[sflag:s5] =	ssyncadd.s32 $0xFFFFFB00  }
0x30: {  	[tilespmem:s6], [sflag:$0x1] =	stream.linear.gather [hbm4b:s24+s3], $0x4000, $0x38;
	[tilespmem:$0x18800] =	vst v63  }
0x31: {  	_ =	swait.ge [sflag:s5], $0x4000  }
0x32: {  	[sflag:s5] =	ssyncset.done $0x0  }
0x33: {  	s7 =	simm.s32 $0x80;
	[sflag:s5] =	ssyncadd.s32 $0xFFFFC000  }
0x34: {  	[spmem:s2] =	stream.indirect.scatter.add.f32 [tilespmem:s6], [sflag:$0x1], $0x80, s3, s7, $0xb8;
	[tilespmem:$0x18800] =	vst v63  }
0x35: {  	_ =	swait.ge [sflag:s5], $0x4000  }
0x36: {  	[sflag:s5] =	ssyncset.done $0x0  }
0x37: {  	s8 =	rddreg [dreg:$0xa];
	[sflag:s5] =	ssyncadd.s32 $0xFFFFC000  }
0x38: {  	[tilespmem:s6], [sflag:$0x1] =	stream.linear.gather [hbm4b:s8+s3], $0x4000, $0x38;
	[tilespmem:$0x18800] =	vst v63  }
0x39: {  	_ =	swait.ge [sflag:s5], $0x4000  }
0x3a: {  	[sflag:s5] =	ssyncset.done $0x0  }
0x3b: {  	[sflag:s5] =	ssyncadd.s32 $0xFFFFC000  }
0x3c: {  	[spmem:s2] =	stream.indirect.scatter.add.f32 [tilespmem:s6], [sflag:$0x1], $0x80, s7, s7, $0xb8;
	[tilespmem:$0x18800] =	vst v63  }
0x3d: {  	_ =	swait.ge [sflag:s5], $0x4000  }
0x3e: {  	[sflag:s5] =	ssyncset.done $0x0  }
0x3f: {  	s25 =	rddreg [dreg:$0xb];
	[sflag:s5] =	ssyncadd.s32 $0xFFFFC000  }
0x40: {  	[tilespmem:s6], [sflag:$0x1] =	stream.linear.gather [hbm4b:s25+s3], $0x4000, $0x38;
	[tilespmem:$0x18800] =	vst v63  }
0x41: {  	_ =	swait.ge [sflag:s5], $0x4000  }
0x42: {  	[sflag:s5] =	ssyncset.done $0x0  }
0x43: {  	s8 =	simm.s32 $0x100;
	[sflag:s5] =	ssyncadd.s32 $0xFFFFC000  }
0x44: {  	[spmem:s2] =	stream.indirect.scatter.add.f32 [tilespmem:s6], [sflag:$0x1], $0x80, s8, s7, $0xb8;
	[tilespmem:$0x18800] =	vst v63  }
0x45: {  	_ =	swait.ge [sflag:s5], $0x4000  }
0x46: {  	[sflag:s5] =	ssyncset.done $0x0  }
0x47: {  	s9 =	rddreg [dreg:$0xc];
	[sflag:s5] =	ssyncadd.s32 $0xFFFFC000  }
0x48: {  	[tilespmem:s6], [sflag:$0x1] =	stream.linear.gather [hbm4b:s9+s3], $0x4000, $0x38;
	[tilespmem:$0x18800] =	vst v63  }
0x49: {  	_ =	swait.ge [sflag:s5], $0x4000  }
0x4a: {  	[sflag:s5] =	ssyncset.done $0x0  }
0x4b: {  	s9 =	simm.s32 $0x180;
	[sflag:s5] =	ssyncadd.s32 $0xFFFFC000  }
0x4c: {  	[spmem:s2] =	stream.indirect.scatter.add.f32 [tilespmem:s6], [sflag:$0x1], $0x80, s9, s7, $0xb8;
	[tilespmem:$0x18800] =	vst v63  }
0x4d: {  	_ =	swait.ge [sflag:s5], $0x4000  }
0x4e: {  	[sflag:s5] =	ssyncset.done $0x0  }
0x4f: {  	s10 =	sadd.s32 $0x12E00, s20;
	[sflag:s5] =	ssyncadd.s32 $0xFFFFC000  }
0x50: {  	[tilespmem:s6], [sflag:$0x1] =	stream.linear.gather [hbm4b:s10+s3], $0x4000, $0x38;
	[tilespmem:$0x18800] =	vst v63  }
0x51: {  	_ =	swait.ge [sflag:s5], $0x4000  }
0x52: {  	[sflag:s5] =	ssyncset.done $0x0  }
0x53: {  	s11 =	simm.s32 $0x200;
	[sflag:s5] =	ssyncadd.s32 $0xFFFFC000  }
0x54: {  	[spmem:s2] =	stream.indirect.scatter.add.f32 [tilespmem:s6], [sflag:$0x1], $0x80, s11, s7, $0xb8;
	[tilespmem:$0x18800] =	vst v63  }
0x55: {  	_ =	swait.ge [sflag:s5], $0x4000  }
0x56: {  	[sflag:s5] =	ssyncset.done $0x0  }
0x57: {  	s12 =	sadd.s32 $0x13600, s20;
	[sflag:s5] =	ssyncadd.s32 $0xFFFFC000  }
0x58: {  	[tilespmem:s6], [sflag:$0x1] =	stream.linear.gather [hbm4b:s12+s3], $0x4000, $0x38;
	[tilespmem:$0x18800] =	vst v63  }
0x59: {  	_ =	swait.ge [sflag:s5], $0x4000  }
0x5a: {  	[sflag:s5] =	ssyncset.done $0x0  }
0x5b: {  	s13 =	simm.s32 $0x280;
	[sflag:s5] =	ssyncadd.s32 $0xFFFFC000  }
0x5c: {  	[spmem:s2] =	stream.indirect.scatter.add.f32 [tilespmem:s6], [sflag:$0x1], $0x80, s13, s7, $0xb8;
	[tilespmem:$0x18800] =	vst v63  }
0x5d: {  	_ =	swait.ge [sflag:s5], $0x4000  }
0x5e: {  	[sflag:s5] =	ssyncset.done $0x0  }
0x5f: {  	s14 =	sadd.s32 $0x13E00, s20;
	[sflag:s5] =	ssyncadd.s32 $0xFFFFC000  }
0x60: {  	[tilespmem:s6], [sflag:$0x1] =	stream.linear.gather [hbm4b:s14+s3], $0x4000, $0x38;
	[tilespmem:$0x18800] =	vst v63  }
0x61: {  	_ =	swait.ge [sflag:s5], $0x4000  }
0x62: {  	[sflag:s5] =	ssyncset.done $0x0  }
0x63: {  	s15 =	simm.s32 $0x300;
	[sflag:s5] =	ssyncadd.s32 $0xFFFFC000  }
0x64: {  	[spmem:s2] =	stream.indirect.scatter.add.f32 [tilespmem:s6], [sflag:$0x1], $0x80, s15, s7, $0xb8;
	[tilespmem:$0x18800] =	vst v63  }
0x65: {  	_ =	swait.ge [sflag:s5], $0x4000  }
0x66: {  	[sflag:s5] =	ssyncset.done $0x0  }
0x67: {  	s16 =	sadd.s32 $0x14600, s20;
	[sflag:s5] =	ssyncadd.s32 $0xFFFFC000  }
0x68: {  	[tilespmem:s6], [sflag:$0x1] =	stream.linear.gather [hbm4b:s16+s3], $0x4000, $0x38;
	[tilespmem:$0x18800] =	vst v63  }
0x69: {  	_ =	swait.ge [sflag:s5], $0x4000  }
0x6a: {  	[sflag:s5] =	ssyncset.done $0x0  }
0x6b: {  	s17 =	simm.s32 $0x380;
	[sflag:s5] =	ssyncadd.s32 $0xFFFFC000  }
0x6c: {  	[spmem:s2] =	stream.indirect.scatter.add.f32 [tilespmem:s6], [sflag:$0x1], $0x80, s17, s7, $0xb8;
	[tilespmem:$0x18800] =	vst v63  }
0x6d: {  	_ =	swait.ge [sflag:s5], $0x4000  }
0x6e: {  	[sflag:s5] =	ssyncset.done $0x0  }
0x6f: {  	s18 =	sadd.s32 $0x14E00, s20;
	[sflag:s5] =	ssyncadd.s32 $0xFFFFC000  }
0x70: {  	[tilespmem:s6], [sflag:$0x1] =	stream.linear.gather [hbm4b:s18+s3], $0x4000, $0x38;
	[tilespmem:$0x18800] =	vst v63  }
0x71: {  	_ =	swait.ge [sflag:s5], $0x4000  }
0x72: {  	[sflag:s5] =	ssyncset.done $0x0  }
0x73: {  	s19 =	simm.s32 $0x400;
	[sflag:s5] =	ssyncadd.s32 $0xFFFFC000  }
0x74: {  	[spmem:s2] =	stream.indirect.scatter.add.f32 [tilespmem:s6], [sflag:$0x1], $0x80, s19, s7, $0xb8;
	[tilespmem:$0x18800] =	vst v63  }
0x75: {  	_ =	swait.ge [sflag:s5], $0x4000  }
0x76: {  	[sflag:s5] =	ssyncset.done $0x0  }
0x77: {  	s20 =	sadd.s32 $0x15600, s20;
	[sflag:s5] =	ssyncadd.s32 $0xFFFFC000  }
0x78: {  	[tilespmem:s6], [sflag:$0x1] =	stream.linear.gather [hbm4b:s20+s3], $0x4000, $0x38;
	[tilespmem:$0x18800] =	vst v63  }
0x79: {  	_ =	swait.ge [sflag:s5], $0x4000  }
0x7a: {  	[sflag:s5] =	ssyncset.done $0x0  }
0x7b: {  	s21 =	simm.s32 $0x480;
	[sflag:s5] =	ssyncadd.s32 $0xFFFFC000  }
0x7c: {  	[spmem:s2] =	stream.indirect.scatter.add.f32 [tilespmem:s6], [sflag:$0x1], $0x80, s21, s7, $0xb8;
	[tilespmem:$0x18800] =	vst v63  }
0x7d: {  	_ =	swait.ge [sflag:s5], $0x4000  }
0x7e: {  	[sflag:s5] =	ssyncset.done $0x0  }
0x7f: {  	s30 =	smul.u32 $0x14000, s23;
	[sflag:s5] =	ssyncadd.s32 $0xFFFFC000  }
0x80: {  	s0 =	smul.u32 $0x140000, s1;
	[bflag:$0x0] =	sbarrier.arrive $0xFFFF  }
0x81: {  	[tilespmem:s6], [sflag:$0x1] =	stream.linear.gather [spmem:s4], $0x4000, $0x38;
	[tilespmem:$0x18800] =	vst v63  }
0x82: {  	s23 =	sadd.s32 s0, s30;
	_ =	swait.ge [sflag:s5], $0x4000  }
0x83: {  	s31 =	sadd.s32 $0x106E00, s22;
	s26 =	sshrl.u32 s23, $0x3;
	[sflag:s5] =	ssyncset.done $0x0  }
0x84: {  	s22 =	sadd.s32 s31, s26;
	[dreg:$0xe] =	wrdreg s31;
	[sflag:s5] =	ssyncadd.s32 $0xFFFFC000  }
0x85: {  	[hbm4b:s22+s3] =	stream.linear.scatter [tilespmem:s6], [sflag:$0x1], $0x4000, $0x38;
	[tilespmem:$0x18800] =	vst v63  }
0x86: {  	_ =	swait.ge [sflag:s5], $0x4000  }
0x87: {  	s24 =	sadd.s32 $0x4000, s30;
	[sflag:s5] =	ssyncset.done $0x0  }
0x88: {  	s23 =	sadd.s32 s24, s2;
	[sflag:s5] =	ssyncadd.s32 $0xFFFFC000  }
0x89: {  	[tilespmem:s6], [sflag:$0x1] =	stream.linear.gather [spmem:s23], $0x4000, $0x38;
	[tilespmem:$0x18800] =	vst v63  }
0x8a: {  	s24 =	sadd.s32 s0, s24;
	_ =	swait.ge [sflag:s5], $0x4000  }
0x8b: {  	s24 =	sshrl.u32 s24, $0x3;
	[sflag:s5] =	ssyncset.done $0x0  }
0x8c: {  	s24 =	sadd.s32 s31, s24;
	[sflag:s5] =	ssyncadd.s32 $0xFFFFC000  }
0x8d: {  	[hbm4b:s24+s3] =	stream.linear.scatter [tilespmem:s6], [sflag:$0x1], $0x4000, $0x38;
	[tilespmem:$0x18800] =	vst v63  }
0x8e: {  	_ =	swait.ge [sflag:s5], $0x4000  }
0x8f: {  	s26 =	sadd.s32 $0x8000, s30;
	[sflag:s5] =	ssyncset.done $0x0  }
0x90: {  	s25 =	sadd.s32 s26, s2;
	[dreg:$0xd] =	wrdreg s0;
	[sflag:s5] =	ssyncadd.s32 $0xFFFFC000  }
0x91: {  	[tilespmem:s6], [sflag:$0x1] =	stream.linear.gather [spmem:s25], $0x4000, $0x38;
	[tilespmem:$0x18800] =	vst v63  }
0x92: {  	s26 =	sadd.s32 s0, s26;
	_ =	swait.ge [sflag:s5], $0x4000  }
0x93: {  	s26 =	sshrl.u32 s26, $0x3;
	[sflag:s5] =	ssyncset.done $0x0  }
0x94: {  	s26 =	sadd.s32 s31, s26;
	[sflag:s5] =	ssyncadd.s32 $0xFFFFC000  }
0x95: {  	[hbm4b:s26+s3] =	stream.linear.scatter [tilespmem:s6], [sflag:$0x1], $0x4000, $0x38;
	[tilespmem:$0x18800] =	vst v63  }
0x96: {  	_ =	swait.ge [sflag:s5], $0x4000  }
0x97: {  	s29 =	sadd.s32 $0xC000, s30;
	[sflag:s5] =	ssyncset.done $0x0  }
0x98: {  	s28 =	sadd.s32 s29, s2;
	[sflag:s5] =	ssyncadd.s32 $0xFFFFC000  }
0x99: {  	[tilespmem:s6], [sflag:$0x1] =	stream.linear.gather [spmem:s28], $0x4000, $0x38;
	[tilespmem:$0x18800] =	vst v63  }
0x9a: {  	s29 =	sadd.s32 s0, s29;
	_ =	swait.ge [sflag:s5], $0x4000  }
0x9b: {  	s29 =	sshrl.u32 s29, $0x3;
	[sflag:s5] =	ssyncset.done $0x0  }
0x9c: {  	s29 =	sadd.s32 s31, s29;
	[sflag:s5] =	ssyncadd.s32 $0xFFFFC000  }
0x9d: {  	[hbm4b:s29+s3] =	stream.linear.scatter [tilespmem:s6], [sflag:$0x1], $0x4000, $0x38;
	[tilespmem:$0x18800] =	vst v63  }
0x9e: {  	s1 =	ssub.s32 $0x2, s1;
	s0 =	sadd.s32 $0x10000, s30;
	_ =	swait.ge [sflag:s5], $0x4000  }
0x9f: {  	s30 =	sadd.s32 s0, s2;
	[sflag:s5] =	ssyncset.done $0x0;
	s31 =	rddreg [dreg:$0xd]  }
0xa0: {  	[sflag:s5] =	ssyncadd.s32 $0xFFFFC000;
	s31 =	sadd.s32 s31, s0;
	s0 =	sshrl.u32 s1, $0x1  }
0xa1: {  	[tilespmem:s6], [sflag:$0x1] =	stream.linear.gather [spmem:s30], $0x4000, $0x38;
	[tilespmem:$0x18800] =	vst v63  }
0xa2: {  	s0 =	ssub.s32 s1, s0  }
0xa3: {  	s0 =	smax.u32 s0, $0x1  }
0xa4: {  	p0 =	sne.s32 s0, $0x1  }
.Ltmp0:
0xa5: {  	_ =	swait.ge [sflag:s5], $0x4000;
	(pc) =	sbr.rel @!p0 .LBB2_2-.Ltmp0, $4  }
0xa6: {  	s1 =	sshrl.u32 s31, $0x3;
	[sflag:s5] =	ssyncset.done $0x0;
	s31 =	rddreg [dreg:$0xe]  }
0xa7: {  	s31 =	sadd.s32 s31, s1;
	[sflag:s5] =	ssyncadd.s32 $0xFFFFC000  }
0xa8: {  	[hbm4b:s31+s3] =	stream.linear.scatter [tilespmem:s6], [sflag:$0x1], $0x4000, $0x38;
	[tilespmem:$0x18800] =	vst v63  }
0xa9: {  	s0 =	sadd.s32 $0xFFFFFFFF, s0;
	_ =	swait.ge [sflag:s5], $0x4000  }
.LBB2_1:
0xaa: {  	[sflag:s5] =	ssyncset.done $0x0  }
0xab: {  	s1 =	rddreg [dreg:$0x3];
	[sflag:s5] =	ssyncadd.s32 $0xFFFFC000  }
0xac: {  	[tilespmem:s6], [sflag:$0x1] =	stream.linear.gather [hbm4b:s1+s3], $0x4000, $0x38;
	[tilespmem:$0x18800] =	vst v63  }
0xad: {  	_ =	swait.ge [sflag:s5], $0x4000  }
0xae: {  	[sflag:s5] =	ssyncset.done $0x0  }
0xaf: {  	[sflag:s5] =	ssyncadd.s32 $0xFFFFC000  }
0xb0: {  	[spmem:s4] =	stream.linear.scatter [tilespmem:s6], [sflag:$0x1], $0x4000, $0x38;
	[tilespmem:$0x18800] =	vst v63  }
0xb1: {  	_ =	swait.ge [sflag:s5], $0x4000  }
0xb2: {  	[sflag:s5] =	ssyncset.done $0x0  }
0xb3: {  	s1 =	rddreg [dreg:$0x5];
	[sflag:s5] =	ssyncadd.s32 $0xFFFFC000  }
0xb4: {  	[spmem:s1] =	stream.linear.scatter [tilespmem:s6], [sflag:$0x1], $0x4000, $0x38;
	[tilespmem:$0x18800] =	vst v63  }
0xb5: {  	_ =	swait.ge [sflag:s5], $0x4000  }
0xb6: {  	[sflag:s5] =	ssyncset.done $0x0  }
0xb7: {  	s1 =	rddreg [dreg:$0x6];
	[sflag:s5] =	ssyncadd.s32 $0xFFFFC000  }
0xb8: {  	[spmem:s1] =	stream.linear.scatter [tilespmem:s6], [sflag:$0x1], $0x4000, $0x38;
	[tilespmem:$0x18800] =	vst v63  }
0xb9: {  	_ =	swait.ge [sflag:s5], $0x4000  }
0xba: {  	[sflag:s5] =	ssyncset.done $0x0  }
0xbb: {  	s1 =	rddreg [dreg:$0x7];
	[sflag:s5] =	ssyncadd.s32 $0xFFFFC000  }
0xbc: {  	[spmem:s1] =	stream.linear.scatter [tilespmem:s6], [sflag:$0x1], $0x4000, $0x38;
	[tilespmem:$0x18800] =	vst v63  }
0xbd: {  	_ =	swait.ge [sflag:s5], $0x4000  }
0xbe: {  	[sflag:s5] =	ssyncset.done $0x0  }
0xbf: {  	s1 =	rddreg [dreg:$0x8];
	[sflag:s5] =	ssyncadd.s32 $0xFFFFC000  }
0xc0: {  	[spmem:s1] =	stream.linear.scatter [tilespmem:s6], [sflag:$0x1], $0x4000, $0x38;
	[tilespmem:$0x18800] =	vst v63  }
0xc1: {  	_ =	swait.ge [sflag:s5], $0x4000  }
0xc2: {  	[sflag:s5] =	ssyncset.done $0x0  }
0xc3: {  	[sflag:s5] =	ssyncadd.s32 $0xFFFFC000  }
0xc4: {  	[bflag:$0x0] =	sbarrier.arrive $0xFFFF  }
0xc5: {  	s1 =	rddreg [dreg:$0x4]  }
0xc6: {  	[tilespmem:s3], [sflag:$0x1] =	stream.linear.gather [hbm4b:s1+s3], $0x500, $0x38;
	[tilespmem:$0x18800] =	vst v63  }
0xc7: {  	_ =	swait.ge [sflag:s5], $0x500  }
0xc8: {  	[sflag:s5] =	ssyncset.done $0x0  }
0xc9: {  	s1 =	rddreg [dreg:$0x9];
	[sflag:s5] =	ssyncadd.s32 $0xFFFFFB00  }
0xca: {  	[tilespmem:s6], [sflag:$0x1] =	stream.linear.gather [hbm4b:s1+s3], $0x4000, $0x38;
	[tilespmem:$0x18800] =	vst v63  }
0xcb: {  	_ =	swait.ge [sflag:s5], $0x4000  }
0xcc: {  	[sflag:s5] =	ssyncset.done $0x0  }
0xcd: {  	[sflag:s5] =	ssyncadd.s32 $0xFFFFC000  }
0xce: {  	[spmem:s2] =	stream.indirect.scatter.add.f32 [tilespmem:s6], [sflag:$0x1], $0x80, s3, s7, $0xb8;
	[tilespmem:$0x18800] =	vst v63  }
0xcf: {  	_ =	swait.ge [sflag:s5], $0x4000  }
0xd0: {  	[sflag:s5] =	ssyncset.done $0x0  }
0xd1: {  	s1 =	rddreg [dreg:$0xa];
	[sflag:s5] =	ssyncadd.s32 $0xFFFFC000  }
0xd2: {  	[tilespmem:s6], [sflag:$0x1] =	stream.linear.gather [hbm4b:s1+s3], $0x4000, $0x38;
	[tilespmem:$0x18800] =	vst v63  }
0xd3: {  	_ =	swait.ge [sflag:s5], $0x4000  }
0xd4: {  	[sflag:s5] =	ssyncset.done $0x0  }
0xd5: {  	[sflag:s5] =	ssyncadd.s32 $0xFFFFC000  }
0xd6: {  	[spmem:s2] =	stream.indirect.scatter.add.f32 [tilespmem:s6], [sflag:$0x1], $0x80, s7, s7, $0xb8;
	[tilespmem:$0x18800] =	vst v63  }
0xd7: {  	_ =	swait.ge [sflag:s5], $0x4000  }
0xd8: {  	[sflag:s5] =	ssyncset.done $0x0  }
0xd9: {  	s1 =	rddreg [dreg:$0xb];
	[sflag:s5] =	ssyncadd.s32 $0xFFFFC000  }
0xda: {  	[tilespmem:s6], [sflag:$0x1] =	stream.linear.gather [hbm4b:s1+s3], $0x4000, $0x38;
	[tilespmem:$0x18800] =	vst v63  }
0xdb: {  	_ =	swait.ge [sflag:s5], $0x4000  }
0xdc: {  	[sflag:s5] =	ssyncset.done $0x0  }
0xdd: {  	[sflag:s5] =	ssyncadd.s32 $0xFFFFC000  }
0xde: {  	[spmem:s2] =	stream.indirect.scatter.add.f32 [tilespmem:s6], [sflag:$0x1], $0x80, s8, s7, $0xb8;
	[tilespmem:$0x18800] =	vst v63  }
0xdf: {  	_ =	swait.ge [sflag:s5], $0x4000  }
0xe0: {  	[sflag:s5] =	ssyncset.done $0x0  }
0xe1: {  	s1 =	rddreg [dreg:$0xc];
	[sflag:s5] =	ssyncadd.s32 $0xFFFFC000  }
0xe2: {  	[tilespmem:s6], [sflag:$0x1] =	stream.linear.gather [hbm4b:s1+s3], $0x4000, $0x38;
	[tilespmem:$0x18800] =	vst v63  }
0xe3: {  	_ =	swait.ge [sflag:s5], $0x4000  }
0xe4: {  	[sflag:s5] =	ssyncset.done $0x0  }
0xe5: {  	[sflag:s5] =	ssyncadd.s32 $0xFFFFC000  }
0xe6: {  	[spmem:s2] =	stream.indirect.scatter.add.f32 [tilespmem:s6], [sflag:$0x1], $0x80, s9, s7, $0xb8;
	[tilespmem:$0x18800] =	vst v63  }
0xe7: {  	_ =	swait.ge [sflag:s5], $0x4000  }
0xe8: {  	[sflag:s5] =	ssyncset.done $0x0  }
0xe9: {  	[sflag:s5] =	ssyncadd.s32 $0xFFFFC000  }
0xea: {  	[tilespmem:s6], [sflag:$0x1] =	stream.linear.gather [hbm4b:s10+s3], $0x4000, $0x38;
	[tilespmem:$0x18800] =	vst v63  }
0xeb: {  	_ =	swait.ge [sflag:s5], $0x4000  }
0xec: {  	[sflag:s5] =	ssyncset.done $0x0  }
0xed: {  	[sflag:s5] =	ssyncadd.s32 $0xFFFFC000  }
0xee: {  	[spmem:s2] =	stream.indirect.scatter.add.f32 [tilespmem:s6], [sflag:$0x1], $0x80, s11, s7, $0xb8;
	[tilespmem:$0x18800] =	vst v63  }
0xef: {  	_ =	swait.ge [sflag:s5], $0x4000  }
0xf0: {  	[sflag:s5] =	ssyncset.done $0x0  }
0xf1: {  	[sflag:s5] =	ssyncadd.s32 $0xFFFFC000  }
0xf2: {  	[tilespmem:s6], [sflag:$0x1] =	stream.linear.gather [hbm4b:s12+s3], $0x4000, $0x38;
	[tilespmem:$0x18800] =	vst v63  }
0xf3: {  	_ =	swait.ge [sflag:s5], $0x4000  }
0xf4: {  	[sflag:s5] =	ssyncset.done $0x0  }
0xf5: {  	[sflag:s5] =	ssyncadd.s32 $0xFFFFC000  }
0xf6: {  	[spmem:s2] =	stream.indirect.scatter.add.f32 [tilespmem:s6], [sflag:$0x1], $0x80, s13, s7, $0xb8;
	[tilespmem:$0x18800] =	vst v63  }
0xf7: {  	_ =	swait.ge [sflag:s5], $0x4000  }
0xf8: {  	[sflag:s5] =	ssyncset.done $0x0  }
0xf9: {  	[sflag:s5] =	ssyncadd.s32 $0xFFFFC000  }
0xfa: {  	[tilespmem:s6], [sflag:$0x1] =	stream.linear.gather [hbm4b:s14+s3], $0x4000, $0x38;
	[tilespmem:$0x18800] =	vst v63  }
0xfb: {  	_ =	swait.ge [sflag:s5], $0x4000  }
0xfc: {  	[sflag:s5] =	ssyncset.done $0x0  }
0xfd: {  	[sflag:s5] =	ssyncadd.s32 $0xFFFFC000  }
0xfe: {  	[spmem:s2] =	stream.indirect.scatter.add.f32 [tilespmem:s6], [sflag:$0x1], $0x80, s15, s7, $0xb8;
	[tilespmem:$0x18800] =	vst v63  }
0xff: {  	_ =	swait.ge [sflag:s5], $0x4000  }
0x100: {  	[sflag:s5] =	ssyncset.done $0x0  }
0x101: {  	[sflag:s5] =	ssyncadd.s32 $0xFFFFC000  }
0x102: {  	[tilespmem:s6], [sflag:$0x1] =	stream.linear.gather [hbm4b:s16+s3], $0x4000, $0x38;
	[tilespmem:$0x18800] =	vst v63  }
0x103: {  	_ =	swait.ge [sflag:s5], $0x4000  }
0x104: {  	[sflag:s5] =	ssyncset.done $0x0  }
0x105: {  	[sflag:s5] =	ssyncadd.s32 $0xFFFFC000  }
0x106: {  	[spmem:s2] =	stream.indirect.scatter.add.f32 [tilespmem:s6], [sflag:$0x1], $0x80, s17, s7, $0xb8;
	[tilespmem:$0x18800] =	vst v63  }
0x107: {  	_ =	swait.ge [sflag:s5], $0x4000  }
0x108: {  	[sflag:s5] =	ssyncset.done $0x0  }
0x109: {  	[sflag:s5] =	ssyncadd.s32 $0xFFFFC000  }
0x10a: {  	[tilespmem:s6], [sflag:$0x1] =	stream.linear.gather [hbm4b:s18+s3], $0x4000, $0x38;
	[tilespmem:$0x18800] =	vst v63  }
0x10b: {  	_ =	swait.ge [sflag:s5], $0x4000  }
0x10c: {  	[sflag:s5] =	ssyncset.done $0x0  }
0x10d: {  	[sflag:s5] =	ssyncadd.s32 $0xFFFFC000  }
0x10e: {  	[spmem:s2] =	stream.indirect.scatter.add.f32 [tilespmem:s6], [sflag:$0x1], $0x80, s19, s7, $0xb8;
	[tilespmem:$0x18800] =	vst v63  }
0x10f: {  	_ =	swait.ge [sflag:s5], $0x4000  }
0x110: {  	[sflag:s5] =	ssyncset.done $0x0  }
0x111: {  	[sflag:s5] =	ssyncadd.s32 $0xFFFFC000  }
0x112: {  	[tilespmem:s6], [sflag:$0x1] =	stream.linear.gather [hbm4b:s20+s3], $0x4000, $0x38;
	[tilespmem:$0x18800] =	vst v63  }
0x113: {  	_ =	swait.ge [sflag:s5], $0x4000  }
0x114: {  	[sflag:s5] =	ssyncset.done $0x0  }
0x115: {  	[sflag:s5] =	ssyncadd.s32 $0xFFFFC000  }
0x116: {  	[spmem:s2] =	stream.indirect.scatter.add.f32 [tilespmem:s6], [sflag:$0x1], $0x80, s21, s7, $0xb8;
	[tilespmem:$0x18800] =	vst v63  }
0x117: {  	_ =	swait.ge [sflag:s5], $0x4000  }
0x118: {  	[sflag:s5] =	ssyncset.done $0x0  }
0x119: {  	[sflag:s5] =	ssyncadd.s32 $0xFFFFC000  }
0x11a: {  	[bflag:$0x0] =	sbarrier.arrive $0xFFFF  }
0x11b: {  	[tilespmem:s6], [sflag:$0x1] =	stream.linear.gather [spmem:s4], $0x4000, $0x38;
	[tilespmem:$0x18800] =	vst v63  }
0x11c: {  	_ =	swait.ge [sflag:s5], $0x4000  }
0x11d: {  	[sflag:s5] =	ssyncset.done $0x0  }
0x11e: {  	[sflag:s5] =	ssyncadd.s32 $0xFFFFC000  }
0x11f: {  	[hbm4b:s22+s3] =	stream.linear.scatter [tilespmem:s6], [sflag:$0x1], $0x4000, $0x38;
	[tilespmem:$0x18800] =	vst v63  }
0x120: {  	_ =	swait.ge [sflag:s5], $0x4000  }
0x121: {  	[sflag:s5] =	ssyncset.done $0x0  }
0x122: {  	[sflag:s5] =	ssyncadd.s32 $0xFFFFC000  }
0x123: {  	[tilespmem:s6], [sflag:$0x1] =	stream.linear.gather [spmem:s23], $0x4000, $0x38;
	[tilespmem:$0x18800] =	vst v63  }
0x124: {  	_ =	swait.ge [sflag:s5], $0x4000  }
0x125: {  	[sflag:s5] =	ssyncset.done $0x0  }
0x126: {  	[sflag:s5] =	ssyncadd.s32 $0xFFFFC000  }
0x127: {  	[hbm4b:s24+s3] =	stream.linear.scatter [tilespmem:s6], [sflag:$0x1], $0x4000, $0x38;
	[tilespmem:$0x18800] =	vst v63  }
0x128: {  	_ =	swait.ge [sflag:s5], $0x4000  }
0x129: {  	[sflag:s5] =	ssyncset.done $0x0  }
0x12a: {  	[sflag:s5] =	ssyncadd.s32 $0xFFFFC000  }
0x12b: {  	[tilespmem:s6], [sflag:$0x1] =	stream.linear.gather [spmem:s25], $0x4000, $0x38;
	[tilespmem:$0x18800] =	vst v63  }
0x12c: {  	_ =	swait.ge [sflag:s5], $0x4000  }
0x12d: {  	[sflag:s5] =	ssyncset.done $0x0  }
0x12e: {  	[sflag:s5] =	ssyncadd.s32 $0xFFFFC000  }
0x12f: {  	[hbm4b:s26+s3] =	stream.linear.scatter [tilespmem:s6], [sflag:$0x1], $0x4000, $0x38;
	[tilespmem:$0x18800] =	vst v63  }
0x130: {  	_ =	swait.ge [sflag:s5], $0x4000  }
0x131: {  	[sflag:s5] =	ssyncset.done $0x0  }
0x132: {  	[sflag:s5] =	ssyncadd.s32 $0xFFFFC000  }
0x133: {  	[tilespmem:s6], [sflag:$0x1] =	stream.linear.gather [spmem:s28], $0x4000, $0x38;
	[tilespmem:$0x18800] =	vst v63  }
0x134: {  	_ =	swait.ge [sflag:s5], $0x4000  }
0x135: {  	[sflag:s5] =	ssyncset.done $0x0  }
0x136: {  	[sflag:s5] =	ssyncadd.s32 $0xFFFFC000  }
0x137: {  	[hbm4b:s29+s3] =	stream.linear.scatter [tilespmem:s6], [sflag:$0x1], $0x4000, $0x38;
	[tilespmem:$0x18800] =	vst v63  }
0x138: {  	_ =	swait.ge [sflag:s5], $0x4000  }
0x139: {  	[sflag:s5] =	ssyncset.done $0x0  }
0x13a: {  	p0 =	sne.s32 s0, $0x1;
	[sflag:s5] =	ssyncadd.s32 $0xFFFFC000  }
0x13b: {  	[tilespmem:s6], [sflag:$0x1] =	stream.linear.gather [spmem:s30], $0x4000, $0x38;
	[tilespmem:$0x18800] =	vst v63  }
.Ltmp1:
0x13c: {  	_ =	swait.ge [sflag:s5], $0x4000;
	(pc) =	sbr.rel @p0 .LBB2_1-.Ltmp1, $4  }
0x13d: {  	[sflag:s5] =	ssyncset.done $0x0  }
0x13e: {  	[sflag:s5] =	ssyncadd.s32 $0xFFFFC000  }
0x13f: {  	[hbm4b:s31+s3] =	stream.linear.scatter [tilespmem:s6], [sflag:$0x1], $0x4000, $0x38;
	[tilespmem:$0x18800] =	vst v63  }
0x140: {  	s0 =	sadd.s32 $0xFFFFFFFF, s0;
	_ =	swait.ge [sflag:s5], $0x4000  }
.LBB2_2:
0x141: {  	[sflag:s5] =	ssyncset.done $0x0  }
0x142: {  	[sflag:s5] =	ssyncadd.s32 $0xFFFFC000  }
0x143: {  	_ =	sfence.sel $0x180000  }
0x144: {  	[bflag:$0x0] =	sbarrier.arrive $0xFFFF  }
0x145: {  	_ =	strace $0x9000004D  }
0x146: {  	s0 =	stileid.u32;
	[bflag:$0x2] =	sbarrier.arrive $0xFFFF  }
0x147: {  	p0 =	sne.s32 s0, $0x0;
	s0 =	rddreg [dreg:$0x2]  }
0x148: {  	s0 =	sadd.s32 @!p0 $0x100000, s0  }
0x149: {  	[sflag:s0] =	ssyncadd.tile.s32 @!p0 $0x1;
	_ =	shalt  }
.Lfunc_end2:
_tile_overlayer_lowered:
.L_overlay_start_2:
0x14a: {  	(tag) =	ssettag $0x2  }
0x14b: {  	s0 =	rddreg [dreg:$0x0];
	s2 =	stileid.u32  }
0x14c: {  	s1 =	rddreg [dreg:$0x1];
	p0 =	sne.s32 s2, $0x0  }
0x14d: {  	s3 =	rddreg [dreg:$0x2];
	[bflag:$0x3] =	sbarrier.arrive $0xFFFF;
	s2 =	simm.s32 @!p0 $0x1C01  }
0x14e: {  	[timem:s3], [sflag:s2] =	dma.local @!p0 [hbm:s0], s1  }
0x14f: {  	s0 =	simm.s32 @!p0 $0x1  }
0x150: {  	_ =	swait.ge @!p0 [sflag:s0], s1  }
0x151: {  	s1 =	ssub.s32 @!p0 $0x0, s1;
	[sflag:s0] =	ssyncset.done @!p0 $0x0  }
0x152: {  	[sflag:s0] =	ssyncadd.s32 @!p0 s1  }
0x153: {  	[bflag:$0x3] =	sbarrier.arrive $0xFFFF  }
0x154: {  	_ =	shalt  }

// kernel: kernel.23.cloned.1.call-start
scs
__scs_entry_jumppad:
0x0: {  	(pc) =	sbr.rel $0x88, $3  }
0x1: {  	(tag) =	ssettag $0x0;
	lr =	simm.s32 $0x1  }
0x2: {  	[smem:$0x3F7A] =	sst lr;
	_ =	strace $0xD0000000  }
0x3: {  	_ = 	snop  }
0x4: {  	_ = 	snop  }
0x5: {  	_ = 	snop  }
0x6: {  	_ = 	snop  }
0x7: {  	_ = 	snop  }
__scs_overlays_trampoline_lowered:
0x8: {  	[smem:$0x3F89] =	sst s0  }
0x9: {  	[smem:$0x3F8A] =	sst s1  }
0xa: {  	[smem:$0x3F8B] =	sst s2  }
0xb: {  	[smem:$0x3F8C] =	sst s3  }
0xc: {  	[smem:$0x3F8D] =	sst s4  }
0xd: {  	[smem:$0x3F8E] =	sst s5  }
0xe: {  	[smem:$0x3F8F] =	sst s6  }
0xf: {  	[smem:$0x3F90] =	sst s7  }
0x10: {  	[smem:$0x3F91] =	sst s8  }
0x11: {  	[smem:$0x3F92] =	sst s9;
	s0 =	simm.s32 @!p0 $0x0  }
0x12: {  	s1 =	sld [smem:$0x3F78];
	s0 =	simm.s32 @p0 $0x1  }
0x13: {  	[smem:$0x3F93] =	sst s0;
	s0 =	simm.s32 @!p1 $0x0  }
0x14: {  	s2 =	sld [smem:$0x3F77];
	s0 =	simm.s32 @p1 $0x1  }
0x15: {  	[smem:$0x3F94] =	sst s0;
	s0 =	simm.s32 @!p2 $0x0  }
0x16: {  	s3 =	sld [smem:$0x3FDB];
	s0 =	simm.s32 @p2 $0x1  }
0x17: {  	s4 =	simm.s32 $0x1BF5;
	[smem:$0x3F96] =	sst s0  }
0x18: {  	s0 =	sld [smem:$0x3F79];
	_ =	swait.ge [sflag:s4], $0x0  }
0x19: {  	s7 =	sld [smem:$0x3F7A]  }
0x1a: {  	s8 =	sadd.s32 $0xFFFFE003, lr  }
0x1b: {  	s9 =	sadd.s32 $0xFFFFFEF7, lr;
	s5 =	simm.s32 $0xFFFFFFFF;
	p2 =	slt.u32 s8, $0xFFFFF086  }
0x1c: {  	p1 =	slt.u32 s9, $0xF7A;
	s5 =	simm.s32 @!p2 $0x0  }
0x1d: {  	s5 =	simm.s32 @p1 $0x1;
	p0 =	seq.s32 s7, s2  }
0x1e: {  	s7 =	smul.u32 @!p0 $0xF7A, s2;
	p2 =	seq.s32 @!p0 s5, $0x0  }
0x1f: {  	s9 =	smul.u32 $0xF7A, s1;
	s8 =	simm.s32 @!p0 $0x1BF5;
	p2 =	por !p2, p0  }
0x20: {  	[sflag:s8] =	ssyncset.s32 @!p0 $0xFFFFF086;
	s6 =	sadd.s32 @!p0 s3, s7;
	s7 =	simm.s32 @!p0 $0x108  }
0x21: {  	s3 =	sadd.s32 s3, s9;
	s6 =	sadd.s32 @!p0 $0x88, s6;
	s7 =	simm.s32 @p2 $0x1082  }
0x22: {  	[simem:s7], [sflag:s8] =	dma.local @!p0 [hbm:s6], $0xF7A  }
0x23: {  	s9 =	sor.u32 $0xD0000000, s2;
	s6 =	simm.s32 $0x108;
	_ =	swait.ge @!p0 [sflag:s8], $0x0  }
0x24: {  	s3 =	sadd.s32 $0x88, s3;
	s6 =	simm.s32 @!p1 $0x1082;
	[sflag:s4] =	ssyncset.s32 $0xFFFFF086  }
0x25: {  	[simem:s6], [sflag:s4] =	dma.local [hbm:s3], $0xF7A  }
0x26: {  	[smem:$0x3F7A] =	sst s1;
	(tag) =	ssettag s2;
	_ =	strace s9  }
0x27: {  	s1 =	sld [smem:$0x3F8A]  }
0x28: {  	s2 =	sld [smem:$0x3F8B]  }
0x29: {  	s4 =	sld [smem:$0x3F8D]  }
0x2a: {  	p0 =	seq.s32 s5, $0x0;
	s5 =	sld [smem:$0x3F8E]  }
0x2b: {  	s6 =	sld [smem:$0x3F8F]  }
0x2c: {  	s7 =	sld [smem:$0x3F90]  }
0x2d: {  	s3 =	simm.s32 $0x108;
	s8 =	sld [smem:$0x3F91]  }
0x2e: {  	s3 =	simm.s32 @!p0 $0x1082;
	s9 =	sld [smem:$0x3F92]  }
0x2f: {  	lr =	sadd.s32 s0, s3;
	s0 =	sld [smem:$0x3F89]  }
0x30: {  	s3 =	sld [smem:$0x3F8C]  }
0x31: {  	[smem:$0x3F95] =	sst s10  }
0x32: {  	s10 =	sld [smem:$0x3F93];
	_ =	sdelay $0x3  }
0x33: {  	p0 =	seq.s32 s10, $0x1;
	s10 =	sld [smem:$0x3F95];
	_ =	sdelay $0x3  }
0x34: {  	[smem:$0x3F95] =	sst s10  }
0x35: {  	s10 =	sld [smem:$0x3F94];
	_ =	sdelay $0x3  }
0x36: {  	p1 =	seq.s32 s10, $0x1;
	s10 =	sld [smem:$0x3F95];
	_ =	sdelay $0x3  }
0x37: {  	[smem:$0x3F95] =	sst s10  }
0x38: {  	s10 =	sld [smem:$0x3F96]  }
0x39: {  	_ = 	snop;
	(pc) =	sbr.ind lr, $3  }
0x3a: {  	_ = 	snop  }
0x3b: {  	_ = 	snop  }
0x3c: {  	p2 =	seq.s32 s10, $0x1;
	s10 =	sld [smem:$0x3F95]  }
0x3d: {  	_ =	shalt  }
0x3e: {  	_ =	shalt  }
0x3f: {  	_ =	shalt  }
0x40: {  	_ =	shalt  }
0x41: {  	_ =	shalt  }
0x42: {  	_ =	shalt  }
0x43: {  	_ =	shalt  }
0x44: {  	_ =	shalt  }
0x45: {  	_ =	shalt  }
0x46: {  	_ =	shalt  }
0x47: {  	_ =	shalt  }
0x48: {  	_ =	shalt  }
0x49: {  	_ =	shalt  }
0x4a: {  	_ =	shalt  }
0x4b: {  	_ =	shalt  }
0x4c: {  	_ =	shalt  }
0x4d: {  	_ =	shalt  }
0x4e: {  	_ =	shalt  }
0x4f: {  	_ =	shalt  }
0x50: {  	_ =	shalt  }
0x51: {  	_ =	shalt  }
0x52: {  	_ =	shalt  }
0x53: {  	_ =	shalt  }
0x54: {  	_ =	shalt  }
0x55: {  	_ =	shalt  }
0x56: {  	_ =	shalt  }
0x57: {  	_ =	shalt  }
0x58: {  	_ =	shalt  }
0x59: {  	_ =	shalt  }
0x5a: {  	_ =	shalt  }
0x5b: {  	_ =	shalt  }
0x5c: {  	_ =	shalt  }
0x5d: {  	_ =	shalt  }
0x5e: {  	_ =	shalt  }
0x5f: {  	_ =	shalt  }
0x60: {  	_ =	shalt  }
0x61: {  	_ =	shalt  }
0x62: {  	_ =	shalt  }
0x63: {  	_ =	shalt  }
0x64: {  	_ =	shalt  }
0x65: {  	_ =	shalt  }
0x66: {  	_ =	shalt  }
0x67: {  	_ =	shalt  }
0x68: {  	_ =	shalt  }
0x69: {  	_ =	shalt  }
0x6a: {  	_ =	shalt  }
0x6b: {  	_ =	shalt  }
0x6c: {  	_ =	shalt  }
0x6d: {  	_ =	shalt  }
0x6e: {  	_ =	shalt  }
0x6f: {  	_ =	shalt  }
0x70: {  	_ =	shalt  }
0x71: {  	_ =	shalt  }
0x72: {  	_ =	shalt  }
0x73: {  	_ =	shalt  }
0x74: {  	_ =	shalt  }
0x75: {  	_ =	shalt  }
0x76: {  	_ =	shalt  }
0x77: {  	_ =	shalt  }
0x78: {  	_ =	shalt  }
0x79: {  	_ =	shalt  }
0x7a: {  	_ =	shalt  }
0x7b: {  	_ =	shalt  }
0x7c: {  	_ =	shalt  }
0x7d: {  	_ =	shalt  }
0x7e: {  	_ =	shalt  }
0x7f: {  	_ =	shalt  }
0x80: {  	_ =	shalt  }
0x81: {  	_ =	shalt  }
0x82: {  	_ =	shalt  }
0x83: {  	_ =	shalt  }
0x84: {  	_ =	shalt  }
0x85: {  	_ =	shalt  }
0x86: {  	_ =	shalt  }
0x87: {  	_ =	shalt  }
.Lfunc_end0:
.L_simem_size_0:
called_computation.2_lowered:
.L_overlay_start_0:
0x88: {  	s2 =	sld [smem:$0x3FD9]  }
0x89: {  	s3 =	sld [smem:$0x3FFE];
	_ =	sdelay $0x1  }
0x8a: {  	s1 =	srdreg.scid  }
0x8b: {  	s0 =	sand.u32 $0x1, s1  }
0x8c: {  	s17 =	sshll.u32 s0, $0xA;
	s2 =	sadd.s32 s3, s2  }
0x8d: {  	s2 =	sadd.s32 s2, s17  }
0x8e: {  	[smem:$0x3FA1] =	sst s2  }
0x8f: {  	_ = 	snop  }
0x90: {  	(tm) =	ssettm $0x1  }
0x91: {  	s18 =	sld [smem:$0x3FFB];
	_ =	sdelay $0x3  }
0x92: {  	_ =	strace s18  }
0x93: {  	s2 =	sld [smem:$0x3FFC];
	_ =	sdelay $0x3  }
0x94: {  	_ =	strace s2  }
0x95: {  	s2 =	sld [smem:$0x3FFD];
	_ =	sdelay $0x3  }
0x96: {  	_ =	strace s2  }
0x97: {  	_ =	strace $0x8FFFFFFF  }
0x98: {  	s19 =	sld [smem:$0x3FDB];
	_ =	sdelay $0x1  }
0x99: {  	s20 =	simm.s32 $_scs_section_size  }
0x9a: {  	s4 =	simm.s32 $_size__tile_overlayer_lowered;
	s5 =	simm.s32 $_tile_overlayer_lowered  }
0x9b: {  	s6 =	simm.s32 $0x1BFF;
	s21 =	sshll.u32 s5, $0x1;
	s3 =	sadd.s32 s20, s19  }
0x9c: {  	s22 =	simm.s32 $0x0;
	s4 =	sshll.u32 s4, $0x1;
	s5 =	sadd.s32 s21, s3  }
0x9d: {  	[timem:s22], [sflag:s6] =	dma.local [hbm:s5], s4  }
0x9e: {  	_ =	swait.ge [sflag:s6], s4  }
0x9f: {  	s4 =	ssub.s32 $0x0, s4;
	[sflag:s6] =	ssyncset.done $0x0  }
0xa0: {  	[sflag:s6] =	ssyncadd.s32 s4;
	_ =	sdelay $0x1  }
0xa1: {  	s23 =	simm.s32 $0x1B8B  }
0xa2: {  	_ =	swait.ge [sflag:s23], $0x1  }
0xa3: {  	[sflag:s23] =	ssyncset.done $0x0  }
0xa4: {  	[sflag:s23] =	ssyncadd.s32 $0xFFFFFFFF  }
0xa5: {  	s4 =	sld [smem:$0x0]  }
0xa6: {  	s5 =	sand.u32 $0xFFFFFFFE, s1  }
0xa7: {  	p0 =	sne.s32 s1, s5  }
0xa8: {  	s5 =	sshll.u32 @p0 s5, $0xE  }
0xa9: {  	s5 =	sadd.s32 @p0 $0x11B8D, s5;
	s6 =	sshll.u32 @p0 s4, $0x11  }
0xaa: {  	s5 =	sor.u32 @p0 s6, s5  }
0xab: {  	[sflag:s5] =	ssyncadd.remote.s32 @p0 $0x1;
	_ =	sdelay $0x1  }
0xac: {  	s5 =	simm.s32 @p0 $0x1B8D  }
0xad: {  	_ =	swait.eq @p0 [sflag:s5], $0x1  }
0xae: {  	[sflag:s5] =	ssyncadd.s32 @p0 $0xFFFFFFFF  }
0xaf: {  	s6 =	sshll.u32 @!p0 s1, $0xE  }
0xb0: {  	s6 =	sor.u32 @!p0 $0x4000, s6;
	s5 =	simm.s32 @!p0 $0x1B8D  }
0xb1: {  	s4 =	sshll.u32 @!p0 s4, $0x11;
	s6 =	sadd.s32 @!p0 $0x11B8D, s6;
	_ =	swait.eq @!p0 [sflag:s5], $0x1  }
0xb2: {  	s4 =	sor.u32 @!p0 s4, s6;
	[sflag:s5] =	ssyncadd.s32 @!p0 $0xFFFFFFFF  }
0xb3: {  	s25 =	simm.s32 $0x1B8E;
	s24 =	sld [smem:$0x3FFE];
	[sflag:s4] =	ssyncadd.remote.s32 @!p0 $0x1  }
0xb4: {  	s26 =	simm.s32 $execute0_lowered;
	[smem:$0x3FD2] =	sst s25  }
0xb5: {  	s5 =	sshll.u32 s26, $0x1;
	_ =	strace $0x80000049;
	[dreg:$0x1] =	wrdreg $0xFFFFFFFF  }
0xb6: {  	s28 =	simm.s32 $_size_execute0_lowered;
	s3 =	sadd.s32 s3, s5;
	[dreg:$0x0] =	wrdreg $0x0  }
0xb7: {  	s5 =	sshll.u32 s28, $0x1;
	[dreg:$0x2] =	wrdreg s3  }
0xb8: {  	[dreg:$0x3] =	wrdreg s5  }
0xb9: {  	[dreg:$0x4] =	wrdreg $0xC0  }
0xba: {  	_ =	task [dreg:s22], $0x5FFFF  }
0xbb: {  	[dreg:$0x1] =	wrdreg $0xFFFFFFFF  }
0xbc: {  	[dreg:$0x0] =	wrdreg $0x60  }
0xbd: {  	[dreg:$0x2] =	wrdreg s24  }
0xbe: {  	[dreg:$0x3] =	wrdreg $0x48000  }
0xbf: {  	[dreg:$0x4] =	wrdreg $0x9  }
0xc0: {  	_ =	task.clear_ibuf [dreg:s22], $0x5FFFF;
	_ =	strace $0x90000049  }
0xc1: {  	s29 =	simm.s32 $0x9;
	_ =	strace $0x8000004B  }
0xc2: {  	_ =	swait.ge [sflag:s29], $0x1  }
0xc3: {  	[sflag:s29] =	ssyncadd.s32 $0xFFFFFFFF  }
0xc4: {  	_ =	strace $0x9000004B  }
0xc5: {  	_ =	sfence  }
0xc6: {  	s30 =	sld [smem:$0x0];
	_ =	sdelay $0x2  }
0xc7: {  	s31 =	sshll.u32 s1, $0xD;
	s1 =	sshrl.u32 s1, $0x2  }
0xc8: {  	s4 =	sand.u32 $0x4000, s31;
	s1 =	sadd.s32 s1, s30  }
0xc9: {  	s0 =	sor.u32 s4, s0;
	s1 =	sshll.u32 s1, $0x11  }
0xca: {  	s0 =	sor.u32 s1, s0  }
0xcb: {  	s0 =	sadd.s32 $0x8F2B, s0  }
0xcc: {  	[sflag:s0] =	ssyncadd.remote.s32 $0x1  }
0xcd: {  	_ =	sfence.sel $0xFFFF  }
0xce: {  	[dreg:$0x0] =	wrdreg $0xFFFFFFFF;
	(pc) =	sbr.abs _section_cstart, $3  }
0xcf: {  	[dreg:$0x1] =	wrdreg $0xFFFFFFFF  }
0xd0: {  	_ =	task.clear_ibuf [dreg:s22], $0x2FFFF;
	_ =	strace $0x9FFFFFFF  }
0xd1: {  	(tm) =	ssettm $0x7FFFFFFF  }
tec
execute0_lowered:
.L_overlay_start_1:
0x0: {  	(tag) =	ssettag $0x1  }
0x1: {  	s22 =	rddreg [dreg:$0x0]  }
0x2: {  	s1 =	rddreg [dreg:$0x1];
	s3 =	simm.s32 $0x0  }
0x3: {  	s23 =	stileid.u32;
	[smem:$0x7FF] =	sst s3;
	s0 =	sadd.s32 $0xB3E00, s22  }
0x4: {  	s5 =	simm.s32 $0x800;
	_ =	strace $0x8000004A;
	[dreg:$0x3] =	wrdreg s0  }
0x5: {  	s4 =	simm.s32 $0x1;
	s6 =	smul.u32 $0x50000, s23;
	s0 =	rddreg [dreg:$0x3]  }
0x6: {  	[tilespmem:s5], [sflag:$0x1] =	stream.linear.gather [hbm4b:s0+s3], $0x4000, $0x38;
	[tilespmem:$0x18800] =	vst v63  }
0x7: {  	_ =	swait.ge [sflag:s4], $0x4000  }
0x8: {  	s24 =	sshrl.u32 s6, $0x2;
	[sflag:s4] =	ssyncset.done $0x0  }
0x9: {  	s6 =	sadd.s32 s24, s1;
	[sflag:s4] =	ssyncadd.s32 $0xFFFFC000  }
0xa: {  	[spmem:s6] =	stream.linear.scatter [tilespmem:s5], [sflag:$0x1], $0x4000, $0x38;
	[tilespmem:$0x18800] =	vst v63  }
0xb: {  	_ =	swait.ge [sflag:s4], $0x4000  }
0xc: {  	[sflag:s4] =	ssyncset.done $0x0  }
0xd: {  	s7 =	sadd.s32 $0x4000, s6;
	[sflag:s4] =	ssyncadd.s32 $0xFFFFC000  }
0xe: {  	[spmem:s7] =	stream.linear.scatter [tilespmem:s5], [sflag:$0x1], $0x4000, $0x38;
	[tilespmem:$0x18800] =	vst v63  }
0xf: {  	_ =	swait.ge [sflag:s4], $0x4000  }
0x10: {  	[sflag:s4] =	ssyncset.done $0x0  }
0x11: {  	s8 =	sadd.s32 $0x8000, s6;
	[sflag:s4] =	ssyncadd.s32 $0xFFFFC000  }
0x12: {  	[spmem:s8] =	stream.linear.scatter [tilespmem:s5], [sflag:$0x1], $0x4000, $0x38;
	[tilespmem:$0x18800] =	vst v63  }
0x13: {  	_ =	swait.ge [sflag:s4], $0x4000  }
0x14: {  	[sflag:s4] =	ssyncset.done $0x0  }
0x15: {  	s9 =	sadd.s32 $0xC000, s6;
	[sflag:s4] =	ssyncadd.s32 $0xFFFFC000  }
0x16: {  	[spmem:s9] =	stream.linear.scatter [tilespmem:s5], [sflag:$0x1], $0x4000, $0x38;
	[tilespmem:$0x18800] =	vst v63  }
0x17: {  	_ =	swait.ge [sflag:s4], $0x4000  }
0x18: {  	[sflag:s4] =	ssyncset.done $0x0  }
0x19: {  	s10 =	sadd.s32 $0x10000, s6;
	[sflag:s4] =	ssyncadd.s32 $0xFFFFC000  }
0x1a: {  	[spmem:s10] =	stream.linear.scatter [tilespmem:s5], [sflag:$0x1], $0x4000, $0x38;
	[tilespmem:$0x18800] =	vst v63  }
0x1b: {  	_ =	swait.ge [sflag:s4], $0x4000  }
0x1c: {  	s25 =	srdreg.scid;
	[sflag:s4] =	ssyncset.done $0x0  }
0x1d: {  	s2 =	sand.u32 $0x1, s25;
	s11 =	sadd.s32 $0xB4600, s22;
	[sflag:s4] =	ssyncadd.s32 $0xFFFFC000  }
0x1e: {  	[tilespmem:s5], [sflag:$0x1] =	stream.linear.gather [hbm4b:s11+s3], $0x4000, $0x38;
	[tilespmem:$0x18800] =	vst v63  }
0x1f: {  	s12 =	sshll.u32 s2, $0x8;
	_ =	swait.ge [sflag:s4], $0x4000  }
0x20: {  	s13 =	sshll.u32 s23, $0x9;
	s12 =	sadd.s32 s12, s22;
	[sflag:s4] =	ssyncset.done $0x0  }
0x21: {  	s12 =	sadd.s32 s13, s12;
	[sflag:s4] =	ssyncadd.s32 $0xFFFFC000  }
0x22: {  	s12 =	sadd.s32 $0xB0E00, s12;
	[bflag:$0x0] =	sbarrier.arrive $0xFFFF  }
0x23: {  	[tilespmem:s3], [sflag:$0x1] =	stream.linear.gather [hbm4b:s12+s3], $0x500, $0x38;
	[tilespmem:$0x18800] =	vst v63  }
0x24: {  	_ =	swait.ge [sflag:s4], $0x500  }
0x25: {  	[sflag:s4] =	ssyncset.done $0x0  }
0x26: {  	s13 =	simm.s32 $0x80;
	[sflag:s4] =	ssyncadd.s32 $0xFFFFFB00  }
0x27: {  	[spmem:s1] =	stream.indirect.scatter.add.f32 [tilespmem:s5], [sflag:$0x1], $0x80, s3, s13, $0xb8;
	[tilespmem:$0x18800] =	vst v63  }
0x28: {  	_ =	swait.ge [sflag:s4], $0x4000  }
0x29: {  	[sflag:s4] =	ssyncset.done $0x0  }
0x2a: {  	[sflag:s4] =	ssyncadd.s32 $0xFFFFC000  }
0x2b: {  	[spmem:s1] =	stream.indirect.scatter.add.f32 [tilespmem:s5], [sflag:$0x1], $0x80, s13, s13, $0xb8;
	[tilespmem:$0x18800] =	vst v63  }
0x2c: {  	_ =	swait.ge [sflag:s4], $0x4000  }
0x2d: {  	[sflag:s4] =	ssyncset.done $0x0  }
0x2e: {  	s14 =	simm.s32 $0x100;
	[sflag:s4] =	ssyncadd.s32 $0xFFFFC000  }
0x2f: {  	[spmem:s1] =	stream.indirect.scatter.add.f32 [tilespmem:s5], [sflag:$0x1], $0x80, s14, s13, $0xb8;
	[tilespmem:$0x18800] =	vst v63  }
0x30: {  	_ =	swait.ge [sflag:s4], $0x4000  }
0x31: {  	[sflag:s4] =	ssyncset.done $0x0  }
0x32: {  	s15 =	simm.s32 $0x180;
	[sflag:s4] =	ssyncadd.s32 $0xFFFFC000  }
0x33: {  	[spmem:s1] =	stream.indirect.scatter.add.f32 [tilespmem:s5], [sflag:$0x1], $0x80, s15, s13, $0xb8;
	[tilespmem:$0x18800] =	vst v63  }
0x34: {  	_ =	swait.ge [sflag:s4], $0x4000  }
0x35: {  	[sflag:s4] =	ssyncset.done $0x0  }
0x36: {  	s16 =	simm.s32 $0x200;
	[sflag:s4] =	ssyncadd.s32 $0xFFFFC000  }
0x37: {  	[spmem:s1] =	stream.indirect.scatter.add.f32 [tilespmem:s5], [sflag:$0x1], $0x80, s16, s13, $0xb8;
	[tilespmem:$0x18800] =	vst v63  }
0x38: {  	_ =	swait.ge [sflag:s4], $0x4000  }
0x39: {  	[sflag:s4] =	ssyncset.done $0x0  }
0x3a: {  	s17 =	simm.s32 $0x280;
	[sflag:s4] =	ssyncadd.s32 $0xFFFFC000  }
0x3b: {  	[spmem:s1] =	stream.indirect.scatter.add.f32 [tilespmem:s5], [sflag:$0x1], $0x80, s17, s13, $0xb8;
	[tilespmem:$0x18800] =	vst v63  }
0x3c: {  	_ =	swait.ge [sflag:s4], $0x4000  }
0x3d: {  	[sflag:s4] =	ssyncset.done $0x0  }
0x3e: {  	s18 =	simm.s32 $0x300;
	[sflag:s4] =	ssyncadd.s32 $0xFFFFC000  }
0x3f: {  	[spmem:s1] =	stream.indirect.scatter.add.f32 [tilespmem:s5], [sflag:$0x1], $0x80, s18, s13, $0xb8;
	[tilespmem:$0x18800] =	vst v63  }
0x40: {  	_ =	swait.ge [sflag:s4], $0x4000  }
0x41: {  	[sflag:s4] =	ssyncset.done $0x0  }
0x42: {  	s19 =	simm.s32 $0x380;
	[sflag:s4] =	ssyncadd.s32 $0xFFFFC000  }
0x43: {  	[spmem:s1] =	stream.indirect.scatter.add.f32 [tilespmem:s5], [sflag:$0x1], $0x80, s19, s13, $0xb8;
	[tilespmem:$0x18800] =	vst v63  }
0x44: {  	_ =	swait.ge [sflag:s4], $0x4000  }
0x45: {  	[sflag:s4] =	ssyncset.done $0x0  }
0x46: {  	s20 =	simm.s32 $0x400;
	[sflag:s4] =	ssyncadd.s32 $0xFFFFC000  }
0x47: {  	[spmem:s1] =	stream.indirect.scatter.add.f32 [tilespmem:s5], [sflag:$0x1], $0x80, s20, s13, $0xb8;
	[tilespmem:$0x18800] =	vst v63  }
0x48: {  	_ =	swait.ge [sflag:s4], $0x4000  }
0x49: {  	[sflag:s4] =	ssyncset.done $0x0  }
0x4a: {  	s21 =	simm.s32 $0x480;
	[sflag:s4] =	ssyncadd.s32 $0xFFFFC000  }
0x4b: {  	[spmem:s1] =	stream.indirect.scatter.add.f32 [tilespmem:s5], [sflag:$0x1], $0x80, s21, s13, $0xb8;
	[tilespmem:$0x18800] =	vst v63  }
0x4c: {  	_ =	swait.ge [sflag:s4], $0x4000  }
0x4d: {  	[sflag:s4] =	ssyncset.done $0x0  }
0x4e: {  	s30 =	smul.u32 $0x14000, s23;
	[sflag:s4] =	ssyncadd.s32 $0xFFFFC000  }
0x4f: {  	s0 =	smul.u32 $0x140000, s2;
	[bflag:$0x0] =	sbarrier.arrive $0xFFFF  }
0x50: {  	[tilespmem:s5], [sflag:$0x1] =	stream.linear.gather [spmem:s6], $0x4000, $0x38;
	[tilespmem:$0x18800] =	vst v63  }
0x51: {  	s23 =	sadd.s32 s0, s30;
	_ =	swait.ge [sflag:s4], $0x4000  }
0x52: {  	s31 =	sadd.s32 $0xB6E00, s22;
	s26 =	sshrl.u32 s23, $0x3;
	[sflag:s4] =	ssyncset.done $0x0  }
0x53: {  	s22 =	sadd.s32 s31, s26;
	[dreg:$0x5] =	wrdreg s31;
	[sflag:s4] =	ssyncadd.s32 $0xFFFFC000  }
0x54: {  	[hbm4b:s22+s3] =	stream.linear.scatter [tilespmem:s5], [sflag:$0x1], $0x4000, $0x38;
	[tilespmem:$0x18800] =	vst v63  }
0x55: {  	_ =	swait.ge [sflag:s4], $0x4000  }
0x56: {  	s24 =	sadd.s32 $0x4000, s30;
	[sflag:s4] =	ssyncset.done $0x0  }
0x57: {  	s23 =	sadd.s32 s24, s1;
	[sflag:s4] =	ssyncadd.s32 $0xFFFFC000  }
0x58: {  	[tilespmem:s5], [sflag:$0x1] =	stream.linear.gather [spmem:s23], $0x4000, $0x38;
	[tilespmem:$0x18800] =	vst v63  }
0x59: {  	s24 =	sadd.s32 s0, s24;
	_ =	swait.ge [sflag:s4], $0x4000  }
0x5a: {  	s24 =	sshrl.u32 s24, $0x3;
	[sflag:s4] =	ssyncset.done $0x0  }
0x5b: {  	s24 =	sadd.s32 s31, s24;
	[sflag:s4] =	ssyncadd.s32 $0xFFFFC000  }
0x5c: {  	[hbm4b:s24+s3] =	stream.linear.scatter [tilespmem:s5], [sflag:$0x1], $0x4000, $0x38;
	[tilespmem:$0x18800] =	vst v63  }
0x5d: {  	_ =	swait.ge [sflag:s4], $0x4000  }
0x5e: {  	s26 =	sadd.s32 $0x8000, s30;
	[sflag:s4] =	ssyncset.done $0x0  }
0x5f: {  	s25 =	sadd.s32 s26, s1;
	[dreg:$0x4] =	wrdreg s0;
	[sflag:s4] =	ssyncadd.s32 $0xFFFFC000  }
0x60: {  	[tilespmem:s5], [sflag:$0x1] =	stream.linear.gather [spmem:s25], $0x4000, $0x38;
	[tilespmem:$0x18800] =	vst v63  }
0x61: {  	s26 =	sadd.s32 s0, s26;
	_ =	swait.ge [sflag:s4], $0x4000  }
0x62: {  	s26 =	sshrl.u32 s26, $0x3;
	[sflag:s4] =	ssyncset.done $0x0  }
0x63: {  	s26 =	sadd.s32 s31, s26;
	[sflag:s4] =	ssyncadd.s32 $0xFFFFC000  }
0x64: {  	[hbm4b:s26+s3] =	stream.linear.scatter [tilespmem:s5], [sflag:$0x1], $0x4000, $0x38;
	[tilespmem:$0x18800] =	vst v63  }
0x65: {  	_ =	swait.ge [sflag:s4], $0x4000  }
0x66: {  	s29 =	sadd.s32 $0xC000, s30;
	[sflag:s4] =	ssyncset.done $0x0  }
0x67: {  	s28 =	sadd.s32 s29, s1;
	[sflag:s4] =	ssyncadd.s32 $0xFFFFC000  }
0x68: {  	[tilespmem:s5], [sflag:$0x1] =	stream.linear.gather [spmem:s28], $0x4000, $0x38;
	[tilespmem:$0x18800] =	vst v63  }
0x69: {  	s29 =	sadd.s32 s0, s29;
	_ =	swait.ge [sflag:s4], $0x4000  }
0x6a: {  	s29 =	sshrl.u32 s29, $0x3;
	[sflag:s4] =	ssyncset.done $0x0  }
0x6b: {  	s29 =	sadd.s32 s31, s29;
	[sflag:s4] =	ssyncadd.s32 $0xFFFFC000  }
0x6c: {  	[hbm4b:s29+s3] =	stream.linear.scatter [tilespmem:s5], [sflag:$0x1], $0x4000, $0x38;
	[tilespmem:$0x18800] =	vst v63  }
0x6d: {  	s2 =	ssub.s32 $0x2, s2;
	s0 =	sadd.s32 $0x10000, s30;
	_ =	swait.ge [sflag:s4], $0x4000  }
0x6e: {  	s30 =	sadd.s32 s0, s1;
	[sflag:s4] =	ssyncset.done $0x0;
	s31 =	rddreg [dreg:$0x4]  }
0x6f: {  	[sflag:s4] =	ssyncadd.s32 $0xFFFFC000;
	s31 =	sadd.s32 s31, s0;
	s0 =	sshrl.u32 s2, $0x1  }
0x70: {  	[tilespmem:s5], [sflag:$0x1] =	stream.linear.gather [spmem:s30], $0x4000, $0x38;
	[tilespmem:$0x18800] =	vst v63  }
0x71: {  	s0 =	ssub.s32 s2, s0  }
0x72: {  	s0 =	smax.u32 s0, $0x1  }
0x73: {  	p0 =	sne.s32 s0, $0x1  }
.Ltmp0:
0x74: {  	_ =	swait.ge [sflag:s4], $0x4000;
	(pc) =	sbr.rel @!p0 .LBB2_2-.Ltmp0, $4  }
0x75: {  	s2 =	sshrl.u32 s31, $0x3;
	[sflag:s4] =	ssyncset.done $0x0;
	s31 =	rddreg [dreg:$0x5]  }
0x76: {  	s31 =	sadd.s32 s31, s2;
	[sflag:s4] =	ssyncadd.s32 $0xFFFFC000  }
0x77: {  	[hbm4b:s31+s3] =	stream.linear.scatter [tilespmem:s5], [sflag:$0x1], $0x4000, $0x38;
	[tilespmem:$0x18800] =	vst v63  }
0x78: {  	s0 =	sadd.s32 $0xFFFFFFFF, s0;
	_ =	swait.ge [sflag:s4], $0x4000  }
.LBB2_1:
0x79: {  	[sflag:s4] =	ssyncset.done $0x0  }
0x7a: {  	s2 =	rddreg [dreg:$0x3];
	[sflag:s4] =	ssyncadd.s32 $0xFFFFC000  }
0x7b: {  	[tilespmem:s5], [sflag:$0x1] =	stream.linear.gather [hbm4b:s2+s3], $0x4000, $0x38;
	[tilespmem:$0x18800] =	vst v63  }
0x7c: {  	_ =	swait.ge [sflag:s4], $0x4000  }
0x7d: {  	[sflag:s4] =	ssyncset.done $0x0  }
0x7e: {  	[sflag:s4] =	ssyncadd.s32 $0xFFFFC000  }
0x7f: {  	[spmem:s6] =	stream.linear.scatter [tilespmem:s5], [sflag:$0x1], $0x4000, $0x38;
	[tilespmem:$0x18800] =	vst v63  }
0x80: {  	_ =	swait.ge [sflag:s4], $0x4000  }
0x81: {  	[sflag:s4] =	ssyncset.done $0x0  }
0x82: {  	[sflag:s4] =	ssyncadd.s32 $0xFFFFC000  }
0x83: {  	[spmem:s7] =	stream.linear.scatter [tilespmem:s5], [sflag:$0x1], $0x4000, $0x38;
	[tilespmem:$0x18800] =	vst v63  }
0x84: {  	_ =	swait.ge [sflag:s4], $0x4000  }
0x85: {  	[sflag:s4] =	ssyncset.done $0x0  }
0x86: {  	[sflag:s4] =	ssyncadd.s32 $0xFFFFC000  }
0x87: {  	[spmem:s8] =	stream.linear.scatter [tilespmem:s5], [sflag:$0x1], $0x4000, $0x38;
	[tilespmem:$0x18800] =	vst v63  }
0x88: {  	_ =	swait.ge [sflag:s4], $0x4000  }
0x89: {  	[sflag:s4] =	ssyncset.done $0x0  }
0x8a: {  	[sflag:s4] =	ssyncadd.s32 $0xFFFFC000  }
0x8b: {  	[spmem:s9] =	stream.linear.scatter [tilespmem:s5], [sflag:$0x1], $0x4000, $0x38;
	[tilespmem:$0x18800] =	vst v63  }
0x8c: {  	_ =	swait.ge [sflag:s4], $0x4000  }
0x8d: {  	[sflag:s4] =	ssyncset.done $0x0  }
0x8e: {  	[sflag:s4] =	ssyncadd.s32 $0xFFFFC000  }
0x8f: {  	[spmem:s10] =	stream.linear.scatter [tilespmem:s5], [sflag:$0x1], $0x4000, $0x38;
	[tilespmem:$0x18800] =	vst v63  }
0x90: {  	_ =	swait.ge [sflag:s4], $0x4000  }
0x91: {  	[sflag:s4] =	ssyncset.done $0x0  }
0x92: {  	[sflag:s4] =	ssyncadd.s32 $0xFFFFC000  }
0x93: {  	[tilespmem:s5], [sflag:$0x1] =	stream.linear.gather [hbm4b:s11+s3], $0x4000, $0x38;
	[tilespmem:$0x18800] =	vst v63  }
0x94: {  	_ =	swait.ge [sflag:s4], $0x4000  }
0x95: {  	[sflag:s4] =	ssyncset.done $0x0  }
0x96: {  	[sflag:s4] =	ssyncadd.s32 $0xFFFFC000  }
0x97: {  	[bflag:$0x0] =	sbarrier.arrive $0xFFFF  }
0x98: {  	[tilespmem:s3], [sflag:$0x1] =	stream.linear.gather [hbm4b:s12+s3], $0x500, $0x38;
	[tilespmem:$0x18800] =	vst v63  }
0x99: {  	_ =	swait.ge [sflag:s4], $0x500  }
0x9a: {  	[sflag:s4] =	ssyncset.done $0x0  }
0x9b: {  	[sflag:s4] =	ssyncadd.s32 $0xFFFFFB00  }
0x9c: {  	[spmem:s1] =	stream.indirect.scatter.add.f32 [tilespmem:s5], [sflag:$0x1], $0x80, s3, s13, $0xb8;
	[tilespmem:$0x18800] =	vst v63  }
0x9d: {  	_ =	swait.ge [sflag:s4], $0x4000  }
0x9e: {  	[sflag:s4] =	ssyncset.done $0x0  }
0x9f: {  	[sflag:s4] =	ssyncadd.s32 $0xFFFFC000  }
0xa0: {  	[spmem:s1] =	stream.indirect.scatter.add.f32 [tilespmem:s5], [sflag:$0x1], $0x80, s13, s13, $0xb8;
	[tilespmem:$0x18800] =	vst v63  }
0xa1: {  	_ =	swait.ge [sflag:s4], $0x4000  }
0xa2: {  	[sflag:s4] =	ssyncset.done $0x0  }
0xa3: {  	[sflag:s4] =	ssyncadd.s32 $0xFFFFC000  }
0xa4: {  	[spmem:s1] =	stream.indirect.scatter.add.f32 [tilespmem:s5], [sflag:$0x1], $0x80, s14, s13, $0xb8;
	[tilespmem:$0x18800] =	vst v63  }
0xa5: {  	_ =	swait.ge [sflag:s4], $0x4000  }
0xa6: {  	[sflag:s4] =	ssyncset.done $0x0  }
0xa7: {  	[sflag:s4] =	ssyncadd.s32 $0xFFFFC000  }
0xa8: {  	[spmem:s1] =	stream.indirect.scatter.add.f32 [tilespmem:s5], [sflag:$0x1], $0x80, s15, s13, $0xb8;
	[tilespmem:$0x18800] =	vst v63  }
0xa9: {  	_ =	swait.ge [sflag:s4], $0x4000  }
0xaa: {  	[sflag:s4] =	ssyncset.done $0x0  }
0xab: {  	[sflag:s4] =	ssyncadd.s32 $0xFFFFC000  }
0xac: {  	[spmem:s1] =	stream.indirect.scatter.add.f32 [tilespmem:s5], [sflag:$0x1], $0x80, s16, s13, $0xb8;
	[tilespmem:$0x18800] =	vst v63  }
0xad: {  	_ =	swait.ge [sflag:s4], $0x4000  }
0xae: {  	[sflag:s4] =	ssyncset.done $0x0  }
0xaf: {  	[sflag:s4] =	ssyncadd.s32 $0xFFFFC000  }
0xb0: {  	[spmem:s1] =	stream.indirect.scatter.add.f32 [tilespmem:s5], [sflag:$0x1], $0x80, s17, s13, $0xb8;
	[tilespmem:$0x18800] =	vst v63  }
0xb1: {  	_ =	swait.ge [sflag:s4], $0x4000  }
0xb2: {  	[sflag:s4] =	ssyncset.done $0x0  }
0xb3: {  	[sflag:s4] =	ssyncadd.s32 $0xFFFFC000  }
0xb4: {  	[spmem:s1] =	stream.indirect.scatter.add.f32 [tilespmem:s5], [sflag:$0x1], $0x80, s18, s13, $0xb8;
	[tilespmem:$0x18800] =	vst v63  }
0xb5: {  	_ =	swait.ge [sflag:s4], $0x4000  }
0xb6: {  	[sflag:s4] =	ssyncset.done $0x0  }
0xb7: {  	[sflag:s4] =	ssyncadd.s32 $0xFFFFC000  }
0xb8: {  	[spmem:s1] =	stream.indirect.scatter.add.f32 [tilespmem:s5], [sflag:$0x1], $0x80, s19, s13, $0xb8;
	[tilespmem:$0x18800] =	vst v63  }
0xb9: {  	_ =	swait.ge [sflag:s4], $0x4000  }
0xba: {  	[sflag:s4] =	ssyncset.done $0x0  }
0xbb: {  	[sflag:s4] =	ssyncadd.s32 $0xFFFFC000  }
0xbc: {  	[spmem:s1] =	stream.indirect.scatter.add.f32 [tilespmem:s5], [sflag:$0x1], $0x80, s20, s13, $0xb8;
	[tilespmem:$0x18800] =	vst v63  }
0xbd: {  	_ =	swait.ge [sflag:s4], $0x4000  }
0xbe: {  	[sflag:s4] =	ssyncset.done $0x0  }
0xbf: {  	[sflag:s4] =	ssyncadd.s32 $0xFFFFC000  }
0xc0: {  	[spmem:s1] =	stream.indirect.scatter.add.f32 [tilespmem:s5], [sflag:$0x1], $0x80, s21, s13, $0xb8;
	[tilespmem:$0x18800] =	vst v63  }
0xc1: {  	_ =	swait.ge [sflag:s4], $0x4000  }
0xc2: {  	[sflag:s4] =	ssyncset.done $0x0  }
0xc3: {  	[sflag:s4] =	ssyncadd.s32 $0xFFFFC000  }
0xc4: {  	[bflag:$0x0] =	sbarrier.arrive $0xFFFF  }
0xc5: {  	[tilespmem:s5], [sflag:$0x1] =	stream.linear.gather [spmem:s6], $0x4000, $0x38;
	[tilespmem:$0x18800] =	vst v63  }
0xc6: {  	_ =	swait.ge [sflag:s4], $0x4000  }
0xc7: {  	[sflag:s4] =	ssyncset.done $0x0  }
0xc8: {  	[sflag:s4] =	ssyncadd.s32 $0xFFFFC000  }
0xc9: {  	[hbm4b:s22+s3] =	stream.linear.scatter [tilespmem:s5], [sflag:$0x1], $0x4000, $0x38;
	[tilespmem:$0x18800] =	vst v63  }
0xca: {  	_ =	swait.ge [sflag:s4], $0x4000  }
0xcb: {  	[sflag:s4] =	ssyncset.done $0x0  }
0xcc: {  	[sflag:s4] =	ssyncadd.s32 $0xFFFFC000  }
0xcd: {  	[tilespmem:s5], [sflag:$0x1] =	stream.linear.gather [spmem:s23], $0x4000, $0x38;
	[tilespmem:$0x18800] =	vst v63  }
0xce: {  	_ =	swait.ge [sflag:s4], $0x4000  }
0xcf: {  	[sflag:s4] =	ssyncset.done $0x0  }
0xd0: {  	[sflag:s4] =	ssyncadd.s32 $0xFFFFC000  }
0xd1: {  	[hbm4b:s24+s3] =	stream.linear.scatter [tilespmem:s5], [sflag:$0x1], $0x4000, $0x38;
	[tilespmem:$0x18800] =	vst v63  }
0xd2: {  	_ =	swait.ge [sflag:s4], $0x4000  }
0xd3: {  	[sflag:s4] =	ssyncset.done $0x0  }
0xd4: {  	[sflag:s4] =	ssyncadd.s32 $0xFFFFC000  }
0xd5: {  	[tilespmem:s5], [sflag:$0x1] =	stream.linear.gather [spmem:s25], $0x4000, $0x38;
	[tilespmem:$0x18800] =	vst v63  }
0xd6: {  	_ =	swait.ge [sflag:s4], $0x4000  }
0xd7: {  	[sflag:s4] =	ssyncset.done $0x0  }
0xd8: {  	[sflag:s4] =	ssyncadd.s32 $0xFFFFC000  }
0xd9: {  	[hbm4b:s26+s3] =	stream.linear.scatter [tilespmem:s5], [sflag:$0x1], $0x4000, $0x38;
	[tilespmem:$0x18800] =	vst v63  }
0xda: {  	_ =	swait.ge [sflag:s4], $0x4000  }
0xdb: {  	[sflag:s4] =	ssyncset.done $0x0  }
0xdc: {  	[sflag:s4] =	ssyncadd.s32 $0xFFFFC000  }
0xdd: {  	[tilespmem:s5], [sflag:$0x1] =	stream.linear.gather [spmem:s28], $0x4000, $0x38;
	[tilespmem:$0x18800] =	vst v63  }
0xde: {  	_ =	swait.ge [sflag:s4], $0x4000  }
0xdf: {  	[sflag:s4] =	ssyncset.done $0x0  }
0xe0: {  	[sflag:s4] =	ssyncadd.s32 $0xFFFFC000  }
0xe1: {  	[hbm4b:s29+s3] =	stream.linear.scatter [tilespmem:s5], [sflag:$0x1], $0x4000, $0x38;
	[tilespmem:$0x18800] =	vst v63  }
0xe2: {  	_ =	swait.ge [sflag:s4], $0x4000  }
0xe3: {  	[sflag:s4] =	ssyncset.done $0x0  }
0xe4: {  	p0 =	sne.s32 s0, $0x1;
	[sflag:s4] =	ssyncadd.s32 $0xFFFFC000  }
0xe5: {  	[tilespmem:s5], [sflag:$0x1] =	stream.linear.gather [spmem:s30], $0x4000, $0x38;
	[tilespmem:$0x18800] =	vst v63  }
.Ltmp1:
0xe6: {  	_ =	swait.ge [sflag:s4], $0x4000;
	(pc) =	sbr.rel @p0 .LBB2_1-.Ltmp1, $4  }
0xe7: {  	[sflag:s4] =	ssyncset.done $0x0  }
0xe8: {  	[sflag:s4] =	ssyncadd.s32 $0xFFFFC000  }
0xe9: {  	[hbm4b:s31+s3] =	stream.linear.scatter [tilespmem:s5], [sflag:$0x1], $0x4000, $0x38;
	[tilespmem:$0x18800] =	vst v63  }
0xea: {  	s0 =	sadd.s32 $0xFFFFFFFF, s0;
	_ =	swait.ge [sflag:s4], $0x4000  }
.LBB2_2:
0xeb: {  	[sflag:s4] =	ssyncset.done $0x0  }
0xec: {  	[sflag:s4] =	ssyncadd.s32 $0xFFFFC000  }
0xed: {  	_ =	sfence.sel $0x180000  }
0xee: {  	[bflag:$0x0] =	sbarrier.arrive $0xFFFF  }
0xef: {  	_ =	strace $0x9000004A  }
0xf0: {  	s0 =	stileid.u32;
	[bflag:$0x2] =	sbarrier.arrive $0xFFFF  }
0xf1: {  	p0 =	sne.s32 s0, $0x0;
	s0 =	rddreg [dreg:$0x2]  }
0xf2: {  	s0 =	sadd.s32 @!p0 $0x100000, s0  }
0xf3: {  	[sflag:s0] =	ssyncadd.tile.s32 @!p0 $0x1;
	_ =	shalt  }
.Lfunc_end2:
_tile_overlayer_lowered:
.L_overlay_start_2:
0xf4: {  	(tag) =	ssettag $0x2  }
0xf5: {  	s0 =	rddreg [dreg:$0x0];
	s2 =	stileid.u32  }
0xf6: {  	s1 =	rddreg [dreg:$0x1];
	p0 =	sne.s32 s2, $0x0  }
0xf7: {  	s3 =	rddreg [dreg:$0x2];
	[bflag:$0x3] =	sbarrier.arrive $0xFFFF;
	s2 =	simm.s32 @!p0 $0x1C01  }
0xf8: {  	[timem:s3], [sflag:s2] =	dma.local @!p0 [hbm:s0], s1  }
0xf9: {  	s0 =	simm.s32 @!p0 $0x1  }
0xfa: {  	_ =	swait.ge @!p0 [sflag:s0], s1  }
0xfb: {  	s1 =	ssub.s32 @!p0 $0x0, s1;
	[sflag:s0] =	ssyncset.done @!p0 $0x0  }
0xfc: {  	[sflag:s0] =	ssyncadd.s32 @!p0 s1  }
0xfd: {  	[bflag:$0x3] =	sbarrier.arrive $0xFFFF  }
0xfe: {  	_ =	shalt  }

// kernel: kernel.26.cloned.1.call-start
scs
__scs_entry_jumppad:
0x0: {  	(pc) =	sbr.rel $0x88, $3  }
0x1: {  	(tag) =	ssettag $0x0;
	lr =	simm.s32 $0x1  }
0x2: {  	[smem:$0x3F7A] =	sst lr;
	_ =	strace $0xD0000000  }
0x3: {  	_ = 	snop  }
0x4: {  	_ = 	snop  }
0x5: {  	_ = 	snop  }
0x6: {  	_ = 	snop  }
0x7: {  	_ = 	snop  }
__scs_overlays_trampoline_lowered:
0x8: {  	[smem:$0x3F89] =	sst s0  }
0x9: {  	[smem:$0x3F8A] =	sst s1  }
0xa: {  	[smem:$0x3F8B] =	sst s2  }
0xb: {  	[smem:$0x3F8C] =	sst s3  }
0xc: {  	[smem:$0x3F8D] =	sst s4  }
0xd: {  	[smem:$0x3F8E] =	sst s5  }
0xe: {  	[smem:$0x3F8F] =	sst s6  }
0xf: {  	[smem:$0x3F90] =	sst s7  }
0x10: {  	[smem:$0x3F91] =	sst s8  }
0x11: {  	[smem:$0x3F92] =	sst s9;
	s0 =	simm.s32 @!p0 $0x0  }
0x12: {  	s1 =	sld [smem:$0x3F78];
	s0 =	simm.s32 @p0 $0x1  }
0x13: {  	[smem:$0x3F93] =	sst s0;
	s0 =	simm.s32 @!p1 $0x0  }
0x14: {  	s2 =	sld [smem:$0x3F77];
	s0 =	simm.s32 @p1 $0x1  }
0x15: {  	[smem:$0x3F94] =	sst s0;
	s0 =	simm.s32 @!p2 $0x0  }
0x16: {  	s3 =	sld [smem:$0x3FDB];
	s0 =	simm.s32 @p2 $0x1  }
0x17: {  	s4 =	simm.s32 $0x1BF5;
	[smem:$0x3F96] =	sst s0  }
0x18: {  	s0 =	sld [smem:$0x3F79];
	_ =	swait.ge [sflag:s4], $0x0  }
0x19: {  	s7 =	sld [smem:$0x3F7A]  }
0x1a: {  	s8 =	sadd.s32 $0xFFFFE003, lr  }
0x1b: {  	s9 =	sadd.s32 $0xFFFFFEF7, lr;
	s5 =	simm.s32 $0xFFFFFFFF;
	p2 =	slt.u32 s8, $0xFFFFF086  }
0x1c: {  	p1 =	slt.u32 s9, $0xF7A;
	s5 =	simm.s32 @!p2 $0x0  }
0x1d: {  	s5 =	simm.s32 @p1 $0x1;
	p0 =	seq.s32 s7, s2  }
0x1e: {  	s7 =	smul.u32 @!p0 $0xF7A, s2;
	p2 =	seq.s32 @!p0 s5, $0x0  }
0x1f: {  	s9 =	smul.u32 $0xF7A, s1;
	s8 =	simm.s32 @!p0 $0x1BF5;
	p2 =	por !p2, p0  }
0x20: {  	[sflag:s8] =	ssyncset.s32 @!p0 $0xFFFFF086;
	s6 =	sadd.s32 @!p0 s3, s7;
	s7 =	simm.s32 @!p0 $0x108  }
0x21: {  	s3 =	sadd.s32 s3, s9;
	s6 =	sadd.s32 @!p0 $0x88, s6;
	s7 =	simm.s32 @p2 $0x1082  }
0x22: {  	[simem:s7], [sflag:s8] =	dma.local @!p0 [hbm:s6], $0xF7A  }
0x23: {  	s9 =	sor.u32 $0xD0000000, s2;
	s6 =	simm.s32 $0x108;
	_ =	swait.ge @!p0 [sflag:s8], $0x0  }
0x24: {  	s3 =	sadd.s32 $0x88, s3;
	s6 =	simm.s32 @!p1 $0x1082;
	[sflag:s4] =	ssyncset.s32 $0xFFFFF086  }
0x25: {  	[simem:s6], [sflag:s4] =	dma.local [hbm:s3], $0xF7A  }
0x26: {  	[smem:$0x3F7A] =	sst s1;
	(tag) =	ssettag s2;
	_ =	strace s9  }
0x27: {  	s1 =	sld [smem:$0x3F8A]  }
0x28: {  	s2 =	sld [smem:$0x3F8B]  }
0x29: {  	s4 =	sld [smem:$0x3F8D]  }
0x2a: {  	p0 =	seq.s32 s5, $0x0;
	s5 =	sld [smem:$0x3F8E]  }
0x2b: {  	s6 =	sld [smem:$0x3F8F]  }
0x2c: {  	s7 =	sld [smem:$0x3F90]  }
0x2d: {  	s3 =	simm.s32 $0x108;
	s8 =	sld [smem:$0x3F91]  }
0x2e: {  	s3 =	simm.s32 @!p0 $0x1082;
	s9 =	sld [smem:$0x3F92]  }
0x2f: {  	lr =	sadd.s32 s0, s3;
	s0 =	sld [smem:$0x3F89]  }
0x30: {  	s3 =	sld [smem:$0x3F8C]  }
0x31: {  	[smem:$0x3F95] =	sst s10  }
0x32: {  	s10 =	sld [smem:$0x3F93];
	_ =	sdelay $0x3  }
0x33: {  	p0 =	seq.s32 s10, $0x1;
	s10 =	sld [smem:$0x3F95];
	_ =	sdelay $0x3  }
0x34: {  	[smem:$0x3F95] =	sst s10  }
0x35: {  	s10 =	sld [smem:$0x3F94];
	_ =	sdelay $0x3  }
0x36: {  	p1 =	seq.s32 s10, $0x1;
	s10 =	sld [smem:$0x3F95];
	_ =	sdelay $0x3  }
0x37: {  	[smem:$0x3F95] =	sst s10  }
0x38: {  	s10 =	sld [smem:$0x3F96]  }
0x39: {  	_ = 	snop;
	(pc) =	sbr.ind lr, $3  }
0x3a: {  	_ = 	snop  }
0x3b: {  	_ = 	snop  }
0x3c: {  	p2 =	seq.s32 s10, $0x1;
	s10 =	sld [smem:$0x3F95]  }
0x3d: {  	_ =	shalt  }
0x3e: {  	_ =	shalt  }
0x3f: {  	_ =	shalt  }
0x40: {  	_ =	shalt  }
0x41: {  	_ =	shalt  }
0x42: {  	_ =	shalt  }
0x43: {  	_ =	shalt  }
0x44: {  	_ =	shalt  }
0x45: {  	_ =	shalt  }
0x46: {  	_ =	shalt  }
0x47: {  	_ =	shalt  }
0x48: {  	_ =	shalt  }
0x49: {  	_ =	shalt  }
0x4a: {  	_ =	shalt  }
0x4b: {  	_ =	shalt  }
0x4c: {  	_ =	shalt  }
0x4d: {  	_ =	shalt  }
0x4e: {  	_ =	shalt  }
0x4f: {  	_ =	shalt  }
0x50: {  	_ =	shalt  }
0x51: {  	_ =	shalt  }
0x52: {  	_ =	shalt  }
0x53: {  	_ =	shalt  }
0x54: {  	_ =	shalt  }
0x55: {  	_ =	shalt  }
0x56: {  	_ =	shalt  }
0x57: {  	_ =	shalt  }
0x58: {  	_ =	shalt  }
0x59: {  	_ =	shalt  }
0x5a: {  	_ =	shalt  }
0x5b: {  	_ =	shalt  }
0x5c: {  	_ =	shalt  }
0x5d: {  	_ =	shalt  }
0x5e: {  	_ =	shalt  }
0x5f: {  	_ =	shalt  }
0x60: {  	_ =	shalt  }
0x61: {  	_ =	shalt  }
0x62: {  	_ =	shalt  }
0x63: {  	_ =	shalt  }
0x64: {  	_ =	shalt  }
0x65: {  	_ =	shalt  }
0x66: {  	_ =	shalt  }
0x67: {  	_ =	shalt  }
0x68: {  	_ =	shalt  }
0x69: {  	_ =	shalt  }
0x6a: {  	_ =	shalt  }
0x6b: {  	_ =	shalt  }
0x6c: {  	_ =	shalt  }
0x6d: {  	_ =	shalt  }
0x6e: {  	_ =	shalt  }
0x6f: {  	_ =	shalt  }
0x70: {  	_ =	shalt  }
0x71: {  	_ =	shalt  }
0x72: {  	_ =	shalt  }
0x73: {  	_ =	shalt  }
0x74: {  	_ =	shalt  }
0x75: {  	_ =	shalt  }
0x76: {  	_ =	shalt  }
0x77: {  	_ =	shalt  }
0x78: {  	_ =	shalt  }
0x79: {  	_ =	shalt  }
0x7a: {  	_ =	shalt  }
0x7b: {  	_ =	shalt  }
0x7c: {  	_ =	shalt  }
0x7d: {  	_ =	shalt  }
0x7e: {  	_ =	shalt  }
0x7f: {  	_ =	shalt  }
0x80: {  	_ =	shalt  }
0x81: {  	_ =	shalt  }
0x82: {  	_ =	shalt  }
0x83: {  	_ =	shalt  }
0x84: {  	_ =	shalt  }
0x85: {  	_ =	shalt  }
0x86: {  	_ =	shalt  }
0x87: {  	_ =	shalt  }
.Lfunc_end0:
.L_simem_size_0:
called_computation.3_lowered:
.L_overlay_start_0:
0x88: {  	s2 =	sld [smem:$0x3FD9]  }
0x89: {  	s3 =	sld [smem:$0x3FFE];
	_ =	sdelay $0x1  }
0x8a: {  	s1 =	srdreg.scid  }
0x8b: {  	s0 =	sand.u32 $0x1, s1  }
0x8c: {  	s16 =	sshll.u32 s0, $0xA;
	s2 =	sadd.s32 s3, s2  }
0x8d: {  	s2 =	sadd.s32 s2, s16  }
0x8e: {  	[smem:$0x3FA1] =	sst s2  }
0x8f: {  	_ = 	snop  }
0x90: {  	(tm) =	ssettm $0x1  }
0x91: {  	s17 =	sld [smem:$0x3FFB];
	_ =	sdelay $0x3  }
0x92: {  	_ =	strace s17  }
0x93: {  	s2 =	sld [smem:$0x3FFC];
	_ =	sdelay $0x3  }
0x94: {  	_ =	strace s2  }
0x95: {  	s2 =	sld [smem:$0x3FFD];
	_ =	sdelay $0x3  }
0x96: {  	_ =	strace s2  }
0x97: {  	_ =	strace $0x8FFFFFFF  }
0x98: {  	s18 =	sld [smem:$0x3FDB];
	_ =	sdelay $0x1  }
0x99: {  	s19 =	simm.s32 $_scs_section_size  }
0x9a: {  	s4 =	simm.s32 $_size__tile_overlayer_lowered;
	s5 =	simm.s32 $_tile_overlayer_lowered  }
0x9b: {  	s22 =	simm.s32 $0x1BFF;
	s21 =	sshll.u32 s5, $0x1;
	s2 =	sadd.s32 s19, s18  }
0x9c: {  	s6 =	simm.s32 $0x0;
	s20 =	sshll.u32 s4, $0x1;
	s4 =	sadd.s32 s21, s2  }
0x9d: {  	[timem:s6], [sflag:s22] =	dma.local [hbm:s4], s20  }
0x9e: {  	_ =	swait.ge [sflag:s22], s20  }
0x9f: {  	s3 =	ssub.s32 $0x0, s20;
	[sflag:s22] =	ssyncset.done $0x0  }
0xa0: {  	[sflag:s22] =	ssyncadd.s32 s3;
	_ =	sdelay $0x1  }
0xa1: {  	s23 =	simm.s32 $0x1B8B  }
0xa2: {  	_ =	swait.ge [sflag:s23], $0x1  }
0xa3: {  	[sflag:s23] =	ssyncset.done $0x0  }
0xa4: {  	s25 =	simm.s32 $0x1B8E;
	s24 =	sld [smem:$0x3FFE];
	[sflag:s23] =	ssyncadd.s32 $0xFFFFFFFF  }
0xa5: {  	s26 =	simm.s32 $execute0_lowered;
	[smem:$0x3FD2] =	sst s25  }
0xa6: {  	s4 =	sshll.u32 s26, $0x1;
	_ =	strace $0x8000004F;
	[dreg:$0x1] =	wrdreg $0xFFFFFFFF  }
0xa7: {  	s28 =	simm.s32 $_size_execute0_lowered;
	s2 =	sadd.s32 s2, s4;
	[dreg:$0x0] =	wrdreg $0x0  }
0xa8: {  	s4 =	sshll.u32 s28, $0x1;
	[dreg:$0x2] =	wrdreg s2  }
0xa9: {  	[dreg:$0x3] =	wrdreg s4  }
0xaa: {  	[dreg:$0x4] =	wrdreg $0xC0  }
0xab: {  	_ =	task [dreg:s6], $0x5FFFF  }
0xac: {  	[dreg:$0x1] =	wrdreg $0xFFFFFFFF  }
0xad: {  	[dreg:$0x0] =	wrdreg $0x60  }
0xae: {  	[dreg:$0x2] =	wrdreg s24  }
0xaf: {  	[dreg:$0x3] =	wrdreg $0x9  }
0xb0: {  	_ =	task.clear_ibuf [dreg:s6], $0x4FFFF;
	_ =	strace $0x9000004F  }
0xb1: {  	s29 =	simm.s32 $0x9;
	_ =	strace $0x80000051  }
0xb2: {  	_ =	swait.ge [sflag:s29], $0x1  }
0xb3: {  	[sflag:s29] =	ssyncadd.s32 $0xFFFFFFFF  }
0xb4: {  	_ =	strace $0x90000051  }
0xb5: {  	_ =	sfence  }
0xb6: {  	s30 =	sld [smem:$0x0];
	_ =	sdelay $0x2  }
0xb7: {  	s31 =	sshll.u32 s1, $0xD;
	s1 =	sshrl.u32 s1, $0x2  }
0xb8: {  	s3 =	sand.u32 $0x4000, s31;
	s1 =	sadd.s32 s1, s30  }
0xb9: {  	s0 =	sor.u32 s3, s0;
	s1 =	sshll.u32 s1, $0x11  }
0xba: {  	s0 =	sor.u32 s1, s0  }
0xbb: {  	s0 =	sadd.s32 $0x8F2B, s0  }
0xbc: {  	[sflag:s0] =	ssyncadd.remote.s32 $0x1  }
0xbd: {  	_ =	sfence.sel $0xFFFF  }
0xbe: {  	[dreg:$0x0] =	wrdreg $0xFFFFFFFF;
	(pc) =	sbr.abs _section_cstart, $3  }
0xbf: {  	[dreg:$0x1] =	wrdreg $0xFFFFFFFF  }
0xc0: {  	_ =	task.clear_ibuf [dreg:s6], $0x2FFFF;
	_ =	strace $0x9FFFFFFF  }
0xc1: {  	(tm) =	ssettm $0x7FFFFFFF  }
tec
execute0_lowered:
.L_overlay_start_1:
0x0: {  	(tag) =	ssettag $0x1  }
0x1: {  	s4 =	rddreg [dreg:$0x0]  }
0x2: {  	s0 =	rddreg [dreg:$0x1]  }
0x3: {  	s3 =	srdreg.scid;
	s1 =	stileid.u32;
	s2 =	simm.s32 $0x0  }
0x4: {  	s10 =	simm.s32 $0x1;
	s11 =	simm.s32 $0x100;
	s12 =	simm.s32 $0x180  }
0x5: {  	s13 =	simm.s32 $0x200;
	s14 =	simm.s32 $0x280;
	s15 =	simm.s32 $0x300  }
0x6: {  	s16 =	simm.s32 $0x380;
	s17 =	simm.s32 $0x0;
	s6 =	smul.u32 $0x5000, s1  }
0x7: {  	s5 =	sand.u32 $0x1, s3;
	[smem:$0x7FF] =	sst s2;
	s8 =	smul.u32 $0x50000, s1  }
0x8: {  	s3 =	sadd.s32 $0xB6E00, s4;
	s7 =	smul.u32 $0x2800, s5;
	s9 =	ssub.s32 $0x2, s5  }
0x9: {  	_ =	strace $0x80000050;
	s5 =	smul.u32 $0x28000, s5;
	s31 =	sshrl.u32 s9, $0x1  }
0xa: {  	s30 =	sadd.s32 s8, s4;
	s6 =	sadd.s32 s7, s6;
	s8 =	ssub.s32 s9, s31  }
0xb: {  	s5 =	sadd.s32 s5, s30;
	s7 =	simm.s32 $0x2;
	s6 =	sshrl.u32 s6, $0x3  }
0xc: {  	s9 =	simm.s32 $0x400;
	s5 =	sadd.s32 $0x160E00, s5;
	s6 =	sadd.s32 s6, s4  }
0xd: {  	s4 =	smax.u32 s8, $0x1;
	s8 =	simm.s32 $0x80;
	s6 =	sadd.s32 $0x156E00, s6  }
.LBB2_1:
0xe: {  	[tilespmem:s2], [sflag:$0x2] =	stream.linear.gather [hbm4b:s6+s2], $0x400, $0x38;
	[tilespmem:$0x4400] =	vst v63  }
0xf: {  	_ =	swait.ge [sflag:s7], $0x400  }
0x10: {  	[sflag:s7] =	ssyncset.done $0x0  }
0x11: {  	[sflag:s7] =	ssyncadd.s32 $0xFFFFFC00  }
0x12: {  	[tilespmem:s9], [sflag:$0x1] =	stream.indirect.gather [hbm4b:s3+s8], $0x80, s2, s8, $0xb8;
	[tilespmem:$0x4400] =	vst v63  }
0x13: {  	_ =	swait.ge [sflag:s10], $0x4000  }
0x14: {  	[sflag:s10] =	ssyncset.done $0x0  }
0x15: {  	s18 =	sadd.s32 $0x0, s5;
	[sflag:s10] =	ssyncadd.s32 $0xFFFFC000  }
0x16: {  	[hbm4b:s18+s2] =	stream.linear.scatter [tilespmem:s9], [sflag:$0x2], $0x4000, $0x38;
	[tilespmem:$0x4400] =	vst v63  }
0x17: {  	_ =	swait.ge [sflag:s7], $0x4000  }
0x18: {  	[sflag:s7] =	ssyncset.done $0x0  }
0x19: {  	[sflag:s7] =	ssyncadd.s32 $0xFFFFC000  }
0x1a: {  	[tilespmem:s9], [sflag:$0x1] =	stream.indirect.gather [hbm4b:s3+s8], $0x80, s8, s8, $0xb8;
	[tilespmem:$0x4400] =	vst v63  }
0x1b: {  	_ =	swait.ge [sflag:s10], $0x4000  }
0x1c: {  	[sflag:s10] =	ssyncset.done $0x0  }
0x1d: {  	s19 =	sadd.s32 $0x800, s18;
	[sflag:s10] =	ssyncadd.s32 $0xFFFFC000  }
0x1e: {  	[hbm4b:s19+s2] =	stream.linear.scatter [tilespmem:s9], [sflag:$0x2], $0x4000, $0x38;
	[tilespmem:$0x4400] =	vst v63  }
0x1f: {  	_ =	swait.ge [sflag:s7], $0x4000  }
0x20: {  	[sflag:s7] =	ssyncset.done $0x0  }
0x21: {  	[sflag:s7] =	ssyncadd.s32 $0xFFFFC000  }
0x22: {  	[tilespmem:s9], [sflag:$0x1] =	stream.indirect.gather [hbm4b:s3+s8], $0x80, s11, s8, $0xb8;
	[tilespmem:$0x4400] =	vst v63  }
0x23: {  	_ =	swait.ge [sflag:s10], $0x4000  }
0x24: {  	[sflag:s10] =	ssyncset.done $0x0  }
0x25: {  	s26 =	sadd.s32 $0x1000, s18;
	[sflag:s10] =	ssyncadd.s32 $0xFFFFC000  }
0x26: {  	[hbm4b:s26+s2] =	stream.linear.scatter [tilespmem:s9], [sflag:$0x2], $0x4000, $0x38;
	[tilespmem:$0x4400] =	vst v63  }
0x27: {  	_ =	swait.ge [sflag:s7], $0x4000  }
0x28: {  	[sflag:s7] =	ssyncset.done $0x0  }
0x29: {  	[sflag:s7] =	ssyncadd.s32 $0xFFFFC000  }
0x2a: {  	[tilespmem:s9], [sflag:$0x1] =	stream.indirect.gather [hbm4b:s3+s8], $0x80, s12, s8, $0xb8;
	[tilespmem:$0x4400] =	vst v63  }
0x2b: {  	_ =	swait.ge [sflag:s10], $0x4000  }
0x2c: {  	[sflag:s10] =	ssyncset.done $0x0  }
0x2d: {  	s28 =	sadd.s32 $0x1800, s18;
	[sflag:s10] =	ssyncadd.s32 $0xFFFFC000  }
0x2e: {  	[hbm4b:s28+s2] =	stream.linear.scatter [tilespmem:s9], [sflag:$0x2], $0x4000, $0x38;
	[tilespmem:$0x4400] =	vst v63  }
0x2f: {  	_ =	swait.ge [sflag:s7], $0x4000  }
0x30: {  	[sflag:s7] =	ssyncset.done $0x0  }
0x31: {  	[sflag:s7] =	ssyncadd.s32 $0xFFFFC000  }
0x32: {  	[tilespmem:s9], [sflag:$0x1] =	stream.indirect.gather [hbm4b:s3+s8], $0x80, s13, s8, $0xb8;
	[tilespmem:$0x4400] =	vst v63  }
0x33: {  	_ =	swait.ge [sflag:s10], $0x4000  }
0x34: {  	[sflag:s10] =	ssyncset.done $0x0  }
0x35: {  	s29 =	sadd.s32 $0x2000, s18;
	[sflag:s10] =	ssyncadd.s32 $0xFFFFC000  }
0x36: {  	[hbm4b:s29+s2] =	stream.linear.scatter [tilespmem:s9], [sflag:$0x2], $0x4000, $0x38;
	[tilespmem:$0x4400] =	vst v63  }
0x37: {  	_ =	swait.ge [sflag:s7], $0x4000  }
0x38: {  	[sflag:s7] =	ssyncset.done $0x0  }
0x39: {  	[sflag:s7] =	ssyncadd.s32 $0xFFFFC000  }
0x3a: {  	[tilespmem:s9], [sflag:$0x1] =	stream.indirect.gather [hbm4b:s3+s8], $0x80, s14, s8, $0xb8;
	[tilespmem:$0x4400] =	vst v63  }
0x3b: {  	_ =	swait.ge [sflag:s10], $0x4000  }
0x3c: {  	[sflag:s10] =	ssyncset.done $0x0  }
0x3d: {  	s30 =	sadd.s32 $0x2800, s18;
	[sflag:s10] =	ssyncadd.s32 $0xFFFFC000  }
0x3e: {  	[hbm4b:s30+s2] =	stream.linear.scatter [tilespmem:s9], [sflag:$0x2], $0x4000, $0x38;
	[tilespmem:$0x4400] =	vst v63  }
0x3f: {  	_ =	swait.ge [sflag:s7], $0x4000  }
0x40: {  	[sflag:s7] =	ssyncset.done $0x0  }
0x41: {  	[sflag:s7] =	ssyncadd.s32 $0xFFFFC000  }
0x42: {  	[tilespmem:s9], [sflag:$0x1] =	stream.indirect.gather [hbm4b:s3+s8], $0x80, s15, s8, $0xb8;
	[tilespmem:$0x4400] =	vst v63  }
0x43: {  	_ =	swait.ge [sflag:s10], $0x4000  }
0x44: {  	[sflag:s10] =	ssyncset.done $0x0  }
0x45: {  	s31 =	sadd.s32 $0x3000, s18;
	[sflag:s10] =	ssyncadd.s32 $0xFFFFC000  }
0x46: {  	[hbm4b:s31+s2] =	stream.linear.scatter [tilespmem:s9], [sflag:$0x2], $0x4000, $0x38;
	[tilespmem:$0x4400] =	vst v63  }
0x47: {  	_ =	swait.ge [sflag:s7], $0x4000  }
0x48: {  	[sflag:s7] =	ssyncset.done $0x0  }
0x49: {  	[sflag:s7] =	ssyncadd.s32 $0xFFFFC000  }
0x4a: {  	[tilespmem:s9], [sflag:$0x1] =	stream.indirect.gather [hbm4b:s3+s8], $0x80, s16, s8, $0xb8;
	[tilespmem:$0x4400] =	vst v63  }
0x4b: {  	_ =	swait.ge [sflag:s10], $0x4000  }
0x4c: {  	[sflag:s10] =	ssyncset.done $0x0  }
0x4d: {  	s18 =	sadd.s32 $0x3800, s18;
	[sflag:s10] =	ssyncadd.s32 $0xFFFFC000  }
0x4e: {  	[hbm4b:s18+s2] =	stream.linear.scatter [tilespmem:s9], [sflag:$0x2], $0x4000, $0x38;
	[tilespmem:$0x4400] =	vst v63  }
0x4f: {  	_ =	swait.ge [sflag:s7], $0x4000  }
0x50: {  	s19 =	smov.u32 s6;
	s18 =	simm.s32 $0x4000;
	[sflag:s7] =	ssyncset.done $0x0  }
.LBB2_2:
0x51: {  	p0 =	sne.s32 s18, $0x24000;
	[sflag:s7] =	ssyncadd.s32 $0xFFFFC000;
	s19 =	sadd.s32 $0x80, s19  }
0x52: {  	[tilespmem:s2], [sflag:$0x2] =	stream.linear.gather [hbm4b:s19+s2], $0x400, $0x38;
	[tilespmem:$0x4400] =	vst v63  }
0x53: {  	s20 =	smov.u32 s18;
	s18 =	sadd.s32 $0x4000, s18;
	_ =	swait.ge [sflag:s7], $0x400  }
0x54: {  	[sflag:s7] =	ssyncset.done $0x0  }
0x55: {  	[sflag:s7] =	ssyncadd.s32 $0xFFFFFC00  }
0x56: {  	[tilespmem:s9], [sflag:$0x1] =	stream.indirect.gather [hbm4b:s3+s8], $0x80, s2, s8, $0xb8;
	[tilespmem:$0x4400] =	vst v63  }
0x57: {  	_ =	swait.ge [sflag:s10], $0x4000  }
0x58: {  	[sflag:s10] =	ssyncset.done $0x0  }
0x59: {  	s20 =	sadd.s32 s20, s5;
	[sflag:s10] =	ssyncadd.s32 $0xFFFFC000  }
0x5a: {  	[hbm4b:s20+s2] =	stream.linear.scatter [tilespmem:s9], [sflag:$0x2], $0x4000, $0x38;
	[tilespmem:$0x4400] =	vst v63  }
0x5b: {  	_ =	swait.ge [sflag:s7], $0x4000  }
0x5c: {  	[sflag:s7] =	ssyncset.done $0x0  }
0x5d: {  	[sflag:s7] =	ssyncadd.s32 $0xFFFFC000  }
0x5e: {  	[tilespmem:s9], [sflag:$0x1] =	stream.indirect.gather [hbm4b:s3+s8], $0x80, s8, s8, $0xb8;
	[tilespmem:$0x4400] =	vst v63  }
0x5f: {  	_ =	swait.ge [sflag:s10], $0x4000  }
0x60: {  	[sflag:s10] =	ssyncset.done $0x0  }
0x61: {  	s21 =	sadd.s32 $0x800, s20;
	[sflag:s10] =	ssyncadd.s32 $0xFFFFC000  }
0x62: {  	[hbm4b:s21+s2] =	stream.linear.scatter [tilespmem:s9], [sflag:$0x2], $0x4000, $0x38;
	[tilespmem:$0x4400] =	vst v63  }
0x63: {  	_ =	swait.ge [sflag:s7], $0x4000  }
0x64: {  	[sflag:s7] =	ssyncset.done $0x0  }
0x65: {  	[sflag:s7] =	ssyncadd.s32 $0xFFFFC000  }
0x66: {  	[tilespmem:s9], [sflag:$0x1] =	stream.indirect.gather [hbm4b:s3+s8], $0x80, s11, s8, $0xb8;
	[tilespmem:$0x4400] =	vst v63  }
0x67: {  	_ =	swait.ge [sflag:s10], $0x4000  }
0x68: {  	[sflag:s10] =	ssyncset.done $0x0  }
0x69: {  	s21 =	sadd.s32 $0x1000, s20;
	[sflag:s10] =	ssyncadd.s32 $0xFFFFC000  }
0x6a: {  	[hbm4b:s21+s2] =	stream.linear.scatter [tilespmem:s9], [sflag:$0x2], $0x4000, $0x38;
	[tilespmem:$0x4400] =	vst v63  }
0x6b: {  	_ =	swait.ge [sflag:s7], $0x4000  }
0x6c: {  	[sflag:s7] =	ssyncset.done $0x0  }
0x6d: {  	[sflag:s7] =	ssyncadd.s32 $0xFFFFC000  }
0x6e: {  	[tilespmem:s9], [sflag:$0x1] =	stream.indirect.gather [hbm4b:s3+s8], $0x80, s12, s8, $0xb8;
	[tilespmem:$0x4400] =	vst v63  }
0x6f: {  	_ =	swait.ge [sflag:s10], $0x4000  }
0x70: {  	[sflag:s10] =	ssyncset.done $0x0  }
0x71: {  	s21 =	sadd.s32 $0x1800, s20;
	[sflag:s10] =	ssyncadd.s32 $0xFFFFC000  }
0x72: {  	[hbm4b:s21+s2] =	stream.linear.scatter [tilespmem:s9], [sflag:$0x2], $0x4000, $0x38;
	[tilespmem:$0x4400] =	vst v63  }
0x73: {  	_ =	swait.ge [sflag:s7], $0x4000  }
0x74: {  	[sflag:s7] =	ssyncset.done $0x0  }
0x75: {  	[sflag:s7] =	ssyncadd.s32 $0xFFFFC000  }
0x76: {  	[tilespmem:s9], [sflag:$0x1] =	stream.indirect.gather [hbm4b:s3+s8], $0x80, s13, s8, $0xb8;
	[tilespmem:$0x4400] =	vst v63  }
0x77: {  	_ =	swait.ge [sflag:s10], $0x4000  }
0x78: {  	[sflag:s10] =	ssyncset.done $0x0  }
0x79: {  	s21 =	sadd.s32 $0x2000, s20;
	[sflag:s10] =	ssyncadd.s32 $0xFFFFC000  }
0x7a: {  	[hbm4b:s21+s2] =	stream.linear.scatter [tilespmem:s9], [sflag:$0x2], $0x4000, $0x38;
	[tilespmem:$0x4400] =	vst v63  }
0x7b: {  	_ =	swait.ge [sflag:s7], $0x4000  }
0x7c: {  	[sflag:s7] =	ssyncset.done $0x0  }
0x7d: {  	[sflag:s7] =	ssyncadd.s32 $0xFFFFC000  }
0x7e: {  	[tilespmem:s9], [sflag:$0x1] =	stream.indirect.gather [hbm4b:s3+s8], $0x80, s14, s8, $0xb8;
	[tilespmem:$0x4400] =	vst v63  }
0x7f: {  	_ =	swait.ge [sflag:s10], $0x4000  }
0x80: {  	[sflag:s10] =	ssyncset.done $0x0  }
0x81: {  	s21 =	sadd.s32 $0x2800, s20;
	[sflag:s10] =	ssyncadd.s32 $0xFFFFC000  }
0x82: {  	[hbm4b:s21+s2] =	stream.linear.scatter [tilespmem:s9], [sflag:$0x2], $0x4000, $0x38;
	[tilespmem:$0x4400] =	vst v63  }
0x83: {  	_ =	swait.ge [sflag:s7], $0x4000  }
0x84: {  	[sflag:s7] =	ssyncset.done $0x0  }
0x85: {  	[sflag:s7] =	ssyncadd.s32 $0xFFFFC000  }
0x86: {  	[tilespmem:s9], [sflag:$0x1] =	stream.indirect.gather [hbm4b:s3+s8], $0x80, s15, s8, $0xb8;
	[tilespmem:$0x4400] =	vst v63  }
0x87: {  	_ =	swait.ge [sflag:s10], $0x4000  }
0x88: {  	[sflag:s10] =	ssyncset.done $0x0  }
0x89: {  	s21 =	sadd.s32 $0x3000, s20;
	[sflag:s10] =	ssyncadd.s32 $0xFFFFC000  }
0x8a: {  	[hbm4b:s21+s2] =	stream.linear.scatter [tilespmem:s9], [sflag:$0x2], $0x4000, $0x38;
	[tilespmem:$0x4400] =	vst v63  }
0x8b: {  	_ =	swait.ge [sflag:s7], $0x4000  }
0x8c: {  	[sflag:s7] =	ssyncset.done $0x0  }
0x8d: {  	[sflag:s7] =	ssyncadd.s32 $0xFFFFC000  }
0x8e: {  	[tilespmem:s9], [sflag:$0x1] =	stream.indirect.gather [hbm4b:s3+s8], $0x80, s16, s8, $0xb8;
	[tilespmem:$0x4400] =	vst v63  }
0x8f: {  	_ =	swait.ge [sflag:s10], $0x4000  }
.Ltmp0:
0x90: {  	[sflag:s10] =	ssyncset.done $0x0;
	(pc) =	sbr.rel @p0 .LBB2_2-.Ltmp0, $4  }
0x91: {  	s20 =	sadd.s32 $0x3800, s20;
	[sflag:s10] =	ssyncadd.s32 $0xFFFFC000  }
0x92: {  	[hbm4b:s20+s2] =	stream.linear.scatter [tilespmem:s9], [sflag:$0x2], $0x4000, $0x38;
	[tilespmem:$0x4400] =	vst v63  }
0x93: {  	_ =	swait.ge [sflag:s7], $0x4000  }
0x94: {  	[sflag:s7] =	ssyncset.done $0x0  }
0x95: {  	s17 =	sadd.s32 $0x1, s17  }
0x96: {  	p0 =	sne.s32 s17, s4  }
.Ltmp1:
0x97: {  	_ = 	snop;
	(pc) =	sbr.rel @p0 .LBB2_1-.Ltmp1, $2  }
0x98: {  	_ =	sdelay $0x2  }
0x99: {  	[sflag:s7] =	ssyncadd.s32 $0xFFFFC000  }
0x9a: {  	_ =	sfence.sel $0x180000  }
0x9b: {  	[bflag:$0x0] =	sbarrier.arrive $0xFFFF  }
0x9c: {  	p0 =	sne.s32 s1, $0x0;
	_ =	strace $0x90000050  }
0x9d: {  	s0 =	sadd.s32 @!p0 $0x100000, s0;
	[bflag:$0x2] =	sbarrier.arrive $0xFFFF  }
0x9e: {  	[sflag:s0] =	ssyncadd.tile.s32 @!p0 $0x1;
	_ =	shalt  }
.Lfunc_end2:
_tile_overlayer_lowered:
.L_overlay_start_2:
0x9f: {  	(tag) =	ssettag $0x2  }
0xa0: {  	s0 =	rddreg [dreg:$0x0];
	s2 =	stileid.u32  }
0xa1: {  	s1 =	rddreg [dreg:$0x1];
	p0 =	sne.s32 s2, $0x0  }
0xa2: {  	s3 =	rddreg [dreg:$0x2];
	[bflag:$0x3] =	sbarrier.arrive $0xFFFF;
	s2 =	simm.s32 @!p0 $0x1C02  }
0xa3: {  	[timem:s3], [sflag:s2] =	dma.local @!p0 [hbm:s0], s1  }
0xa4: {  	s0 =	simm.s32 @!p0 $0x2  }
0xa5: {  	_ =	swait.ge @!p0 [sflag:s0], s1  }
0xa6: {  	s1 =	ssub.s32 @!p0 $0x0, s1;
	[sflag:s0] =	ssyncset.done @!p0 $0x0  }
0xa7: {  	[sflag:s0] =	ssyncadd.s32 @!p0 s1  }
0xa8: {  	[bflag:$0x3] =	sbarrier.arrive $0xFFFF  }
0xa9: {  	_ =	shalt  }

// kernel: kernel.29.cloned.1.call-start
scs
__scs_entry_jumppad:
0x0: {  	(pc) =	sbr.rel $0x88, $3  }
0x1: {  	(tag) =	ssettag $0x0;
	lr =	simm.s32 $0x1  }
0x2: {  	[smem:$0x3F7A] =	sst lr;
	_ =	strace $0xD0000000  }
0x3: {  	_ = 	snop  }
0x4: {  	_ = 	snop  }
0x5: {  	_ = 	snop  }
0x6: {  	_ = 	snop  }
0x7: {  	_ = 	snop  }
__scs_overlays_trampoline_lowered:
0x8: {  	[smem:$0x3F89] =	sst s0  }
0x9: {  	[smem:$0x3F8A] =	sst s1  }
0xa: {  	[smem:$0x3F8B] =	sst s2  }
0xb: {  	[smem:$0x3F8C] =	sst s3  }
0xc: {  	[smem:$0x3F8D] =	sst s4  }
0xd: {  	[smem:$0x3F8E] =	sst s5  }
0xe: {  	[smem:$0x3F8F] =	sst s6  }
0xf: {  	[smem:$0x3F90] =	sst s7  }
0x10: {  	[smem:$0x3F91] =	sst s8  }
0x11: {  	[smem:$0x3F92] =	sst s9;
	s0 =	simm.s32 @!p0 $0x0  }
0x12: {  	s1 =	sld [smem:$0x3F78];
	s0 =	simm.s32 @p0 $0x1  }
0x13: {  	[smem:$0x3F93] =	sst s0;
	s0 =	simm.s32 @!p1 $0x0  }
0x14: {  	s2 =	sld [smem:$0x3F77];
	s0 =	simm.s32 @p1 $0x1  }
0x15: {  	[smem:$0x3F94] =	sst s0;
	s0 =	simm.s32 @!p2 $0x0  }
0x16: {  	s3 =	sld [smem:$0x3FDB];
	s0 =	simm.s32 @p2 $0x1  }
0x17: {  	s4 =	simm.s32 $0x1BF5;
	[smem:$0x3F96] =	sst s0  }
0x18: {  	s0 =	sld [smem:$0x3F79];
	_ =	swait.ge [sflag:s4], $0x0  }
0x19: {  	s7 =	sld [smem:$0x3F7A]  }
0x1a: {  	s8 =	sadd.s32 $0xFFFFE003, lr  }
0x1b: {  	s9 =	sadd.s32 $0xFFFFFEF7, lr;
	s5 =	simm.s32 $0xFFFFFFFF;
	p2 =	slt.u32 s8, $0xFFFFF086  }
0x1c: {  	p1 =	slt.u32 s9, $0xF7A;
	s5 =	simm.s32 @!p2 $0x0  }
0x1d: {  	s5 =	simm.s32 @p1 $0x1;
	p0 =	seq.s32 s7, s2  }
0x1e: {  	s7 =	smul.u32 @!p0 $0xF7A, s2;
	p2 =	seq.s32 @!p0 s5, $0x0  }
0x1f: {  	s9 =	smul.u32 $0xF7A, s1;
	s8 =	simm.s32 @!p0 $0x1BF5;
	p2 =	por !p2, p0  }
0x20: {  	[sflag:s8] =	ssyncset.s32 @!p0 $0xFFFFF086;
	s6 =	sadd.s32 @!p0 s3, s7;
	s7 =	simm.s32 @!p0 $0x108  }
0x21: {  	s3 =	sadd.s32 s3, s9;
	s6 =	sadd.s32 @!p0 $0x88, s6;
	s7 =	simm.s32 @p2 $0x1082  }
0x22: {  	[simem:s7], [sflag:s8] =	dma.local @!p0 [hbm:s6], $0xF7A  }
0x23: {  	s9 =	sor.u32 $0xD0000000, s2;
	s6 =	simm.s32 $0x108;
	_ =	swait.ge @!p0 [sflag:s8], $0x0  }
0x24: {  	s3 =	sadd.s32 $0x88, s3;
	s6 =	simm.s32 @!p1 $0x1082;
	[sflag:s4] =	ssyncset.s32 $0xFFFFF086  }
0x25: {  	[simem:s6], [sflag:s4] =	dma.local [hbm:s3], $0xF7A  }
0x26: {  	[smem:$0x3F7A] =	sst s1;
	(tag) =	ssettag s2;
	_ =	strace s9  }
0x27: {  	s1 =	sld [smem:$0x3F8A]  }
0x28: {  	s2 =	sld [smem:$0x3F8B]  }
0x29: {  	s4 =	sld [smem:$0x3F8D]  }
0x2a: {  	p0 =	seq.s32 s5, $0x0;
	s5 =	sld [smem:$0x3F8E]  }
0x2b: {  	s6 =	sld [smem:$0x3F8F]  }
0x2c: {  	s7 =	sld [smem:$0x3F90]  }
0x2d: {  	s3 =	simm.s32 $0x108;
	s8 =	sld [smem:$0x3F91]  }
0x2e: {  	s3 =	simm.s32 @!p0 $0x1082;
	s9 =	sld [smem:$0x3F92]  }
0x2f: {  	lr =	sadd.s32 s0, s3;
	s0 =	sld [smem:$0x3F89]  }
0x30: {  	s3 =	sld [smem:$0x3F8C]  }
0x31: {  	[smem:$0x3F95] =	sst s10  }
0x32: {  	s10 =	sld [smem:$0x3F93];
	_ =	sdelay $0x3  }
0x33: {  	p0 =	seq.s32 s10, $0x1;
	s10 =	sld [smem:$0x3F95];
	_ =	sdelay $0x3  }
0x34: {  	[smem:$0x3F95] =	sst s10  }
0x35: {  	s10 =	sld [smem:$0x3F94];
	_ =	sdelay $0x3  }
0x36: {  	p1 =	seq.s32 s10, $0x1;
	s10 =	sld [smem:$0x3F95];
	_ =	sdelay $0x3  }
0x37: {  	[smem:$0x3F95] =	sst s10  }
0x38: {  	s10 =	sld [smem:$0x3F96]  }
0x39: {  	_ = 	snop;
	(pc) =	sbr.ind lr, $3  }
0x3a: {  	_ = 	snop  }
0x3b: {  	_ = 	snop  }
0x3c: {  	p2 =	seq.s32 s10, $0x1;
	s10 =	sld [smem:$0x3F95]  }
0x3d: {  	_ =	shalt  }
0x3e: {  	_ =	shalt  }
0x3f: {  	_ =	shalt  }
0x40: {  	_ =	shalt  }
0x41: {  	_ =	shalt  }
0x42: {  	_ =	shalt  }
0x43: {  	_ =	shalt  }
0x44: {  	_ =	shalt  }
0x45: {  	_ =	shalt  }
0x46: {  	_ =	shalt  }
0x47: {  	_ =	shalt  }
0x48: {  	_ =	shalt  }
0x49: {  	_ =	shalt  }
0x4a: {  	_ =	shalt  }
0x4b: {  	_ =	shalt  }
0x4c: {  	_ =	shalt  }
0x4d: {  	_ =	shalt  }
0x4e: {  	_ =	shalt  }
0x4f: {  	_ =	shalt  }
0x50: {  	_ =	shalt  }
0x51: {  	_ =	shalt  }
0x52: {  	_ =	shalt  }
0x53: {  	_ =	shalt  }
0x54: {  	_ =	shalt  }
0x55: {  	_ =	shalt  }
0x56: {  	_ =	shalt  }
0x57: {  	_ =	shalt  }
0x58: {  	_ =	shalt  }
0x59: {  	_ =	shalt  }
0x5a: {  	_ =	shalt  }
0x5b: {  	_ =	shalt  }
0x5c: {  	_ =	shalt  }
0x5d: {  	_ =	shalt  }
0x5e: {  	_ =	shalt  }
0x5f: {  	_ =	shalt  }
0x60: {  	_ =	shalt  }
0x61: {  	_ =	shalt  }
0x62: {  	_ =	shalt  }
0x63: {  	_ =	shalt  }
0x64: {  	_ =	shalt  }
0x65: {  	_ =	shalt  }
0x66: {  	_ =	shalt  }
0x67: {  	_ =	shalt  }
0x68: {  	_ =	shalt  }
0x69: {  	_ =	shalt  }
0x6a: {  	_ =	shalt  }
0x6b: {  	_ =	shalt  }
0x6c: {  	_ =	shalt  }
0x6d: {  	_ =	shalt  }
0x6e: {  	_ =	shalt  }
0x6f: {  	_ =	shalt  }
0x70: {  	_ =	shalt  }
0x71: {  	_ =	shalt  }
0x72: {  	_ =	shalt  }
0x73: {  	_ =	shalt  }
0x74: {  	_ =	shalt  }
0x75: {  	_ =	shalt  }
0x76: {  	_ =	shalt  }
0x77: {  	_ =	shalt  }
0x78: {  	_ =	shalt  }
0x79: {  	_ =	shalt  }
0x7a: {  	_ =	shalt  }
0x7b: {  	_ =	shalt  }
0x7c: {  	_ =	shalt  }
0x7d: {  	_ =	shalt  }
0x7e: {  	_ =	shalt  }
0x7f: {  	_ =	shalt  }
0x80: {  	_ =	shalt  }
0x81: {  	_ =	shalt  }
0x82: {  	_ =	shalt  }
0x83: {  	_ =	shalt  }
0x84: {  	_ =	shalt  }
0x85: {  	_ =	shalt  }
0x86: {  	_ =	shalt  }
0x87: {  	_ =	shalt  }
.Lfunc_end0:
.L_simem_size_0:
called_computation.4_lowered:
.L_overlay_start_0:
0x88: {  	s2 =	sld [smem:$0x3FD9]  }
0x89: {  	s3 =	sld [smem:$0x3FFE];
	_ =	sdelay $0x1  }
0x8a: {  	s1 =	srdreg.scid  }
0x8b: {  	s0 =	sand.u32 $0x1, s1  }
0x8c: {  	s16 =	sshll.u32 s0, $0xA;
	s2 =	sadd.s32 s3, s2  }
0x8d: {  	s2 =	sadd.s32 s2, s16  }
0x8e: {  	[smem:$0x3FA1] =	sst s2  }
0x8f: {  	_ = 	snop  }
0x90: {  	(tm) =	ssettm $0x1  }
0x91: {  	s17 =	sld [smem:$0x3FFB];
	_ =	sdelay $0x3  }
0x92: {  	_ =	strace s17  }
0x93: {  	s2 =	sld [smem:$0x3FFC];
	_ =	sdelay $0x3  }
0x94: {  	_ =	strace s2  }
0x95: {  	s2 =	sld [smem:$0x3FFD];
	_ =	sdelay $0x3  }
0x96: {  	_ =	strace s2  }
0x97: {  	_ =	strace $0x8FFFFFFF  }
0x98: {  	s18 =	sld [smem:$0x3FDB];
	_ =	sdelay $0x1  }
0x99: {  	s19 =	simm.s32 $_scs_section_size  }
0x9a: {  	s4 =	simm.s32 $_size__tile_overlayer_lowered;
	s5 =	simm.s32 $_tile_overlayer_lowered  }
0x9b: {  	s22 =	simm.s32 $0x1BFF;
	s21 =	sshll.u32 s5, $0x1;
	s2 =	sadd.s32 s19, s18  }
0x9c: {  	s6 =	simm.s32 $0x0;
	s20 =	sshll.u32 s4, $0x1;
	s4 =	sadd.s32 s21, s2  }
0x9d: {  	[timem:s6], [sflag:s22] =	dma.local [hbm:s4], s20  }
0x9e: {  	_ =	swait.ge [sflag:s22], s20  }
0x9f: {  	s3 =	ssub.s32 $0x0, s20;
	[sflag:s22] =	ssyncset.done $0x0  }
0xa0: {  	[sflag:s22] =	ssyncadd.s32 s3;
	_ =	sdelay $0x1  }
0xa1: {  	s23 =	simm.s32 $0x1B8B  }
0xa2: {  	_ =	swait.ge [sflag:s23], $0x1  }
0xa3: {  	[sflag:s23] =	ssyncset.done $0x0  }
0xa4: {  	s25 =	simm.s32 $0x1B8E;
	s24 =	sld [smem:$0x3FFE];
	[sflag:s23] =	ssyncadd.s32 $0xFFFFFFFF  }
0xa5: {  	s26 =	simm.s32 $execute0_lowered;
	[smem:$0x3FD2] =	sst s25  }
0xa6: {  	s4 =	sshll.u32 s26, $0x1;
	_ =	strace $0x80000052;
	[dreg:$0x1] =	wrdreg $0xFFFFFFFF  }
0xa7: {  	s28 =	simm.s32 $_size_execute0_lowered;
	s2 =	sadd.s32 s2, s4;
	[dreg:$0x0] =	wrdreg $0x0  }
0xa8: {  	s4 =	sshll.u32 s28, $0x1;
	[dreg:$0x2] =	wrdreg s2  }
0xa9: {  	[dreg:$0x3] =	wrdreg s4  }
0xaa: {  	[dreg:$0x4] =	wrdreg $0xC0  }
0xab: {  	_ =	task [dreg:s6], $0x5FFFF  }
0xac: {  	[dreg:$0x1] =	wrdreg $0xFFFFFFFF  }
0xad: {  	[dreg:$0x0] =	wrdreg $0x60  }
0xae: {  	[dreg:$0x2] =	wrdreg s24  }
0xaf: {  	[dreg:$0x3] =	wrdreg $0x44000  }
0xb0: {  	[dreg:$0x4] =	wrdreg $0x9  }
0xb1: {  	_ =	task.clear_ibuf [dreg:s6], $0x5FFFF;
	_ =	strace $0x90000052  }
0xb2: {  	s29 =	simm.s32 $0x9;
	_ =	strace $0x80000054  }
0xb3: {  	_ =	swait.ge [sflag:s29], $0x1  }
0xb4: {  	[sflag:s29] =	ssyncadd.s32 $0xFFFFFFFF  }
0xb5: {  	_ =	strace $0x90000054  }
0xb6: {  	_ =	sfence  }
0xb7: {  	s30 =	sld [smem:$0x0];
	_ =	sdelay $0x2  }
0xb8: {  	s31 =	sshll.u32 s1, $0xD;
	s1 =	sshrl.u32 s1, $0x2  }
0xb9: {  	s3 =	sand.u32 $0x4000, s31;
	s1 =	sadd.s32 s1, s30  }
0xba: {  	s0 =	sor.u32 s3, s0;
	s1 =	sshll.u32 s1, $0x11  }
0xbb: {  	s0 =	sor.u32 s1, s0  }
0xbc: {  	s0 =	sadd.s32 $0x8F2B, s0  }
0xbd: {  	[sflag:s0] =	ssyncadd.remote.s32 $0x1  }
0xbe: {  	_ =	sfence.sel $0xFFFF  }
0xbf: {  	[dreg:$0x0] =	wrdreg $0xFFFFFFFF;
	(pc) =	sbr.abs _section_cstart, $3  }
0xc0: {  	[dreg:$0x1] =	wrdreg $0xFFFFFFFF  }
0xc1: {  	_ =	task.clear_ibuf [dreg:s6], $0x2FFFF;
	_ =	strace $0x9FFFFFFF  }
0xc2: {  	(tm) =	ssettm $0x7FFFFFFF  }
0xc3: {  	_ =	shalt  }
tec
execute0_lowered:
.L_overlay_start_1:
0x0: {  	(tag) =	ssettag $0x1  }
0x1: {  	s8 =	stileid.u32  }
0x2: {  	s0 =	srdreg.scid;
	s1 =	rddreg [dreg:$0x0]  }
0x3: {  	s2 =	rddreg [dreg:$0x1];
	s3 =	simm.s32 $0x0;
	s22 =	simm.s32 $0x400  }
0x4: {  	s28 =	simm.s32 $0x200;
	s29 =	simm.s32 $0x280;
	s4 =	smul.u32 $0x5000, s8  }
0x5: {  	s30 =	simm.s32 $0x300;
	s31 =	simm.s32 $0x380;
	s6 =	smul.u32 $0x50000, s8  }
0x6: {  	s0 =	sand.u32 $0x1, s0;
	[smem:$0x7FF] =	sst s3;
	s25 =	smul.u32 $0x14000, s8  }
0x7: {  	s23 =	sadd.s32 $0xB4E00, s1;
	s5 =	smul.u32 $0x2800, s0;
	_ =	strace $0x80000053  }
0x8: {  	[dreg:$0x3] =	wrdreg s23;
	s24 =	ssub.s32 $0x2, s0;
	s16 =	smul.u32 $0x140000, s0  }
0x9: {  	s0 =	smul.u32 $0x28000, s0;
	s23 =	simm.s32 $0x1;
	s20 =	sadd.s32 s6, s1  }
0xa: {  	s7 =	sshrl.u32 s24, $0x1;
	s6 =	sshrl.u32 s6, $0x2;
	s12 =	sadd.s32 $0x4000, s25  }
0xb: {  	s14 =	sadd.s32 $0x8000, s25;
	s17 =	sadd.s32 $0xC000, s25;
	s4 =	sadd.s32 s5, s4  }
0xc: {  	s7 =	ssub.s32 s24, s7;
	s5 =	sadd.s32 s6, s2;
	s11 =	sadd.s32 s16, s25  }
0xd: {  	s13 =	sadd.s32 s16, s12;
	s12 =	sadd.s32 s12, s2;
	s15 =	sadd.s32 s16, s14  }
0xe: {  	s14 =	sadd.s32 s14, s2;
	s18 =	sadd.s32 s16, s17;
	s6 =	sadd.s32 $0x10000, s25  }
0xf: {  	s0 =	sadd.s32 s0, s20;
	s24 =	simm.s32 $0x80;
	s25 =	simm.s32 $0x100  }
0x10: {  	s4 =	sshrl.u32 s4, $0x3;
	s7 =	smax.u32 s7, $0x1;
	s26 =	sadd.s32 $0x4000, s5  }
0x11: {  	s8 =	sadd.s32 $0x8000, s5;
	s9 =	sadd.s32 $0xC000, s5;
	s10 =	sadd.s32 $0x10000, s5  }
0x12: {  	s11 =	sshrl.u32 s11, $0x3;
	s13 =	sshrl.u32 s13, $0x3;
	s15 =	sshrl.u32 s15, $0x3  }
0x13: {  	s18 =	sshrl.u32 s18, $0x3;
	s19 =	sadd.s32 s16, s6;
	s16 =	sadd.s32 s17, s2  }
0x14: {  	s20 =	sadd.s32 $0x660E00, s0;
	s4 =	sadd.s32 s4, s1;
	[dreg:$0x4] =	wrdreg s7  }
0x15: {  	s1 =	sadd.s32 $0xE8000, s1;
	[dreg:$0x5] =	wrdreg s26;
	s19 =	sshrl.u32 s19, $0x3  }
0x16: {  	s26 =	simm.s32 $0x180;
	s11 =	sadd.s32 s1, s11;
	s13 =	sadd.s32 s1, s13  }
0x17: {  	s15 =	sadd.s32 s1, s15;
	s17 =	sadd.s32 s1, s18;
	s18 =	sadd.s32 s6, s2  }
0x18: {  	s19 =	sadd.s32 s1, s19;
	s4 =	sadd.s32 $0xDE000, s4;
	s1 =	simm.s32 $0x0  }
.LBB2_1:
0x19: {  	s0 =	rddreg [dreg:$0x3]  }
0x1a: {  	[tilespmem:s22], [sflag:$0x1] =	stream.linear.gather [hbm4b:s0+s3], $0x4000, $0x38;
	[tilespmem:$0x18400] =	vst v63  }
0x1b: {  	_ =	swait.ge [sflag:s23], $0x4000  }
0x1c: {  	[sflag:s23] =	ssyncset.done $0x0  }
0x1d: {  	[sflag:s23] =	ssyncadd.s32 $0xFFFFC000  }
0x1e: {  	[spmem:s5] =	stream.linear.scatter [tilespmem:s22], [sflag:$0x1], $0x4000, $0x38;
	[tilespmem:$0x18400] =	vst v63  }
0x1f: {  	_ =	swait.ge [sflag:s23], $0x4000  }
0x20: {  	[sflag:s23] =	ssyncset.done $0x0  }
0x21: {  	s7 =	rddreg [dreg:$0x5];
	[sflag:s23] =	ssyncadd.s32 $0xFFFFC000  }
0x22: {  	[spmem:s7] =	stream.linear.scatter [tilespmem:s22], [sflag:$0x1], $0x4000, $0x38;
	[tilespmem:$0x18400] =	vst v63  }
0x23: {  	_ =	swait.ge [sflag:s23], $0x4000  }
0x24: {  	[sflag:s23] =	ssyncset.done $0x0  }
0x25: {  	[sflag:s23] =	ssyncadd.s32 $0xFFFFC000  }
0x26: {  	[spmem:s8] =	stream.linear.scatter [tilespmem:s22], [sflag:$0x1], $0x4000, $0x38;
	[tilespmem:$0x18400] =	vst v63  }
0x27: {  	_ =	swait.ge [sflag:s23], $0x4000  }
0x28: {  	[sflag:s23] =	ssyncset.done $0x0  }
0x29: {  	[sflag:s23] =	ssyncadd.s32 $0xFFFFC000  }
0x2a: {  	[spmem:s9] =	stream.linear.scatter [tilespmem:s22], [sflag:$0x1], $0x4000, $0x38;
	[tilespmem:$0x18400] =	vst v63  }
0x2b: {  	_ =	swait.ge [sflag:s23], $0x4000  }
0x2c: {  	[sflag:s23] =	ssyncset.done $0x0  }
0x2d: {  	[sflag:s23] =	ssyncadd.s32 $0xFFFFC000  }
0x2e: {  	[spmem:s10] =	stream.linear.scatter [tilespmem:s22], [sflag:$0x1], $0x4000, $0x38;
	[tilespmem:$0x18400] =	vst v63  }
0x2f: {  	_ =	swait.ge [sflag:s23], $0x4000  }
0x30: {  	[sflag:s23] =	ssyncset.done $0x0  }
0x31: {  	[sflag:s23] =	ssyncadd.s32 $0xFFFFC000  }
0x32: {  	[bflag:$0x0] =	sbarrier.arrive $0xFFFF  }
0x33: {  	[tilespmem:s3], [sflag:$0x1] =	stream.linear.gather [hbm4b:s4+s3], $0x400, $0x38;
	[tilespmem:$0x18400] =	vst v63  }
0x34: {  	_ =	swait.ge [sflag:s23], $0x400  }
0x35: {  	[sflag:s23] =	ssyncset.done $0x0  }
0x36: {  	s0 =	sadd.s32 $0x0, s20;
	[sflag:s23] =	ssyncadd.s32 $0xFFFFFC00  }
0x37: {  	[tilespmem:s22], [sflag:$0x1] =	stream.linear.gather [hbm4b:s0+s3], $0x4000, $0x38;
	[tilespmem:$0x18400] =	vst v63  }
0x38: {  	_ =	swait.ge [sflag:s23], $0x4000  }
0x39: {  	[sflag:s23] =	ssyncset.done $0x0  }
0x3a: {  	[sflag:s23] =	ssyncadd.s32 $0xFFFFC000  }
0x3b: {  	[spmem:s2] =	stream.indirect.scatter.add.f32 [tilespmem:s22], [sflag:$0x1], $0x80, s3, s24, $0xb8;
	[tilespmem:$0x18400] =	vst v63  }
0x3c: {  	_ =	swait.ge [sflag:s23], $0x4000  }
0x3d: {  	[sflag:s23] =	ssyncset.done $0x0  }
0x3e: {  	s6 =	sadd.s32 $0x800, s0;
	[sflag:s23] =	ssyncadd.s32 $0xFFFFC000  }
0x3f: {  	[tilespmem:s22], [sflag:$0x1] =	stream.linear.gather [hbm4b:s6+s3], $0x4000, $0x38;
	[tilespmem:$0x18400] =	vst v63  }
0x40: {  	_ =	swait.ge [sflag:s23], $0x4000  }
0x41: {  	[sflag:s23] =	ssyncset.done $0x0  }
0x42: {  	[sflag:s23] =	ssyncadd.s32 $0xFFFFC000  }
0x43: {  	[spmem:s2] =	stream.indirect.scatter.add.f32 [tilespmem:s22], [sflag:$0x1], $0x80, s24, s24, $0xb8;
	[tilespmem:$0x18400] =	vst v63  }
0x44: {  	_ =	swait.ge [sflag:s23], $0x4000  }
0x45: {  	[sflag:s23] =	ssyncset.done $0x0  }
0x46: {  	s21 =	sadd.s32 $0x1000, s0;
	[sflag:s23] =	ssyncadd.s32 $0xFFFFC000  }
0x47: {  	[tilespmem:s22], [sflag:$0x1] =	stream.linear.gather [hbm4b:s21+s3], $0x4000, $0x38;
	[tilespmem:$0x18400] =	vst v63  }
0x48: {  	_ =	swait.ge [sflag:s23], $0x4000  }
0x49: {  	[sflag:s23] =	ssyncset.done $0x0  }
0x4a: {  	[sflag:s23] =	ssyncadd.s32 $0xFFFFC000  }
0x4b: {  	[spmem:s2] =	stream.indirect.scatter.add.f32 [tilespmem:s22], [sflag:$0x1], $0x80, s25, s24, $0xb8;
	[tilespmem:$0x18400] =	vst v63  }
0x4c: {  	_ =	swait.ge [sflag:s23], $0x4000  }
0x4d: {  	[sflag:s23] =	ssyncset.done $0x0  }
0x4e: {  	s7 =	sadd.s32 $0x1800, s0;
	[sflag:s23] =	ssyncadd.s32 $0xFFFFC000  }
0x4f: {  	[tilespmem:s22], [sflag:$0x1] =	stream.linear.gather [hbm4b:s7+s3], $0x4000, $0x38;
	[tilespmem:$0x18400] =	vst v63  }
0x50: {  	_ =	swait.ge [sflag:s23], $0x4000  }
0x51: {  	[sflag:s23] =	ssyncset.done $0x0  }
0x52: {  	[sflag:s23] =	ssyncadd.s32 $0xFFFFC000  }
0x53: {  	[spmem:s2] =	stream.indirect.scatter.add.f32 [tilespmem:s22], [sflag:$0x1], $0x80, s26, s24, $0xb8;
	[tilespmem:$0x18400] =	vst v63  }
0x54: {  	_ =	swait.ge [sflag:s23], $0x4000  }
0x55: {  	[sflag:s23] =	ssyncset.done $0x0  }
0x56: {  	s21 =	sadd.s32 $0x2000, s0;
	[sflag:s23] =	ssyncadd.s32 $0xFFFFC000  }
0x57: {  	[tilespmem:s22], [sflag:$0x1] =	stream.linear.gather [hbm4b:s21+s3], $0x4000, $0x38;
	[tilespmem:$0x18400] =	vst v63  }
0x58: {  	_ =	swait.ge [sflag:s23], $0x4000  }
0x59: {  	[sflag:s23] =	ssyncset.done $0x0  }
0x5a: {  	[sflag:s23] =	ssyncadd.s32 $0xFFFFC000  }
0x5b: {  	[spmem:s2] =	stream.indirect.scatter.add.f32 [tilespmem:s22], [sflag:$0x1], $0x80, s28, s24, $0xb8;
	[tilespmem:$0x18400] =	vst v63  }
0x5c: {  	_ =	swait.ge [sflag:s23], $0x4000  }
0x5d: {  	[sflag:s23] =	ssyncset.done $0x0  }
0x5e: {  	s7 =	sadd.s32 $0x2800, s0;
	[sflag:s23] =	ssyncadd.s32 $0xFFFFC000  }
0x5f: {  	[tilespmem:s22], [sflag:$0x1] =	stream.linear.gather [hbm4b:s7+s3], $0x4000, $0x38;
	[tilespmem:$0x18400] =	vst v63  }
0x60: {  	_ =	swait.ge [sflag:s23], $0x4000  }
0x61: {  	[sflag:s23] =	ssyncset.done $0x0  }
0x62: {  	[sflag:s23] =	ssyncadd.s32 $0xFFFFC000  }
0x63: {  	[spmem:s2] =	stream.indirect.scatter.add.f32 [tilespmem:s22], [sflag:$0x1], $0x80, s29, s24, $0xb8;
	[tilespmem:$0x18400] =	vst v63  }
0x64: {  	_ =	swait.ge [sflag:s23], $0x4000  }
0x65: {  	[sflag:s23] =	ssyncset.done $0x0  }
0x66: {  	s21 =	sadd.s32 $0x3000, s0;
	[sflag:s23] =	ssyncadd.s32 $0xFFFFC000  }
0x67: {  	[tilespmem:s22], [sflag:$0x1] =	stream.linear.gather [hbm4b:s21+s3], $0x4000, $0x38;
	[tilespmem:$0x18400] =	vst v63  }
0x68: {  	_ =	swait.ge [sflag:s23], $0x4000  }
0x69: {  	[sflag:s23] =	ssyncset.done $0x0  }
0x6a: {  	[sflag:s23] =	ssyncadd.s32 $0xFFFFC000  }
0x6b: {  	[spmem:s2] =	stream.indirect.scatter.add.f32 [tilespmem:s22], [sflag:$0x1], $0x80, s30, s24, $0xb8;
	[tilespmem:$0x18400] =	vst v63  }
0x6c: {  	_ =	swait.ge [sflag:s23], $0x4000  }
0x6d: {  	[sflag:s23] =	ssyncset.done $0x0  }
0x6e: {  	s0 =	sadd.s32 $0x3800, s0;
	[sflag:s23] =	ssyncadd.s32 $0xFFFFC000  }
0x6f: {  	[tilespmem:s22], [sflag:$0x1] =	stream.linear.gather [hbm4b:s0+s3], $0x4000, $0x38;
	[tilespmem:$0x18400] =	vst v63  }
0x70: {  	_ =	swait.ge [sflag:s23], $0x4000  }
0x71: {  	[sflag:s23] =	ssyncset.done $0x0  }
0x72: {  	[sflag:s23] =	ssyncadd.s32 $0xFFFFC000  }
0x73: {  	[spmem:s2] =	stream.indirect.scatter.add.f32 [tilespmem:s22], [sflag:$0x1], $0x80, s31, s24, $0xb8;
	[tilespmem:$0x18400] =	vst v63  }
0x74: {  	_ =	swait.ge [sflag:s23], $0x4000  }
0x75: {  	s21 =	smov.u32 s4;
	s0 =	simm.s32 $0x4000;
	[sflag:s23] =	ssyncset.done $0x0  }
.LBB2_2:
0x76: {  	p0 =	sne.s32 s0, $0x24000;
	[sflag:s23] =	ssyncadd.s32 $0xFFFFC000;
	s21 =	sadd.s32 $0x80, s21  }
0x77: {  	[tilespmem:s3], [sflag:$0x1] =	stream.linear.gather [hbm4b:s21+s3], $0x400, $0x38;
	[tilespmem:$0x18400] =	vst v63  }
0x78: {  	s6 =	smov.u32 s0;
	s0 =	sadd.s32 $0x4000, s0;
	_ =	swait.ge [sflag:s23], $0x400  }
0x79: {  	[sflag:s23] =	ssyncset.done $0x0  }
0x7a: {  	s6 =	sadd.s32 s6, s20;
	[sflag:s23] =	ssyncadd.s32 $0xFFFFFC00  }
0x7b: {  	[tilespmem:s22], [sflag:$0x1] =	stream.linear.gather [hbm4b:s6+s3], $0x4000, $0x38;
	[tilespmem:$0x18400] =	vst v63  }
0x7c: {  	_ =	swait.ge [sflag:s23], $0x4000  }
0x7d: {  	[sflag:s23] =	ssyncset.done $0x0  }
0x7e: {  	[sflag:s23] =	ssyncadd.s32 $0xFFFFC000  }
0x7f: {  	[spmem:s2] =	stream.indirect.scatter.add.f32 [tilespmem:s22], [sflag:$0x1], $0x80, s3, s24, $0xb8;
	[tilespmem:$0x18400] =	vst v63  }
0x80: {  	_ =	swait.ge [sflag:s23], $0x4000  }
0x81: {  	[sflag:s23] =	ssyncset.done $0x0  }
0x82: {  	s7 =	sadd.s32 $0x800, s6;
	[sflag:s23] =	ssyncadd.s32 $0xFFFFC000  }
0x83: {  	[tilespmem:s22], [sflag:$0x1] =	stream.linear.gather [hbm4b:s7+s3], $0x4000, $0x38;
	[tilespmem:$0x18400] =	vst v63  }
0x84: {  	_ =	swait.ge [sflag:s23], $0x4000  }
0x85: {  	[sflag:s23] =	ssyncset.done $0x0  }
0x86: {  	[sflag:s23] =	ssyncadd.s32 $0xFFFFC000  }
0x87: {  	[spmem:s2] =	stream.indirect.scatter.add.f32 [tilespmem:s22], [sflag:$0x1], $0x80, s24, s24, $0xb8;
	[tilespmem:$0x18400] =	vst v63  }
0x88: {  	_ =	swait.ge [sflag:s23], $0x4000  }
0x89: {  	[sflag:s23] =	ssyncset.done $0x0  }
0x8a: {  	s7 =	sadd.s32 $0x1000, s6;
	[sflag:s23] =	ssyncadd.s32 $0xFFFFC000  }
0x8b: {  	[tilespmem:s22], [sflag:$0x1] =	stream.linear.gather [hbm4b:s7+s3], $0x4000, $0x38;
	[tilespmem:$0x18400] =	vst v63  }
0x8c: {  	_ =	swait.ge [sflag:s23], $0x4000  }
0x8d: {  	[sflag:s23] =	ssyncset.done $0x0  }
0x8e: {  	[sflag:s23] =	ssyncadd.s32 $0xFFFFC000  }
0x8f: {  	[spmem:s2] =	stream.indirect.scatter.add.f32 [tilespmem:s22], [sflag:$0x1], $0x80, s25, s24, $0xb8;
	[tilespmem:$0x18400] =	vst v63  }
0x90: {  	_ =	swait.ge [sflag:s23], $0x4000  }
0x91: {  	[sflag:s23] =	ssyncset.done $0x0  }
0x92: {  	s7 =	sadd.s32 $0x1800, s6;
	[sflag:s23] =	ssyncadd.s32 $0xFFFFC000  }
0x93: {  	[tilespmem:s22], [sflag:$0x1] =	stream.linear.gather [hbm4b:s7+s3], $0x4000, $0x38;
	[tilespmem:$0x18400] =	vst v63  }
0x94: {  	_ =	swait.ge [sflag:s23], $0x4000  }
0x95: {  	[sflag:s23] =	ssyncset.done $0x0  }
0x96: {  	[sflag:s23] =	ssyncadd.s32 $0xFFFFC000  }
0x97: {  	[spmem:s2] =	stream.indirect.scatter.add.f32 [tilespmem:s22], [sflag:$0x1], $0x80, s26, s24, $0xb8;
	[tilespmem:$0x18400] =	vst v63  }
0x98: {  	_ =	swait.ge [sflag:s23], $0x4000  }
0x99: {  	[sflag:s23] =	ssyncset.done $0x0  }
0x9a: {  	s7 =	sadd.s32 $0x2000, s6;
	[sflag:s23] =	ssyncadd.s32 $0xFFFFC000  }
0x9b: {  	[tilespmem:s22], [sflag:$0x1] =	stream.linear.gather [hbm4b:s7+s3], $0x4000, $0x38;
	[tilespmem:$0x18400] =	vst v63  }
0x9c: {  	_ =	swait.ge [sflag:s23], $0x4000  }
0x9d: {  	[sflag:s23] =	ssyncset.done $0x0  }
0x9e: {  	[sflag:s23] =	ssyncadd.s32 $0xFFFFC000  }
0x9f: {  	[spmem:s2] =	stream.indirect.scatter.add.f32 [tilespmem:s22], [sflag:$0x1], $0x80, s28, s24, $0xb8;
	[tilespmem:$0x18400] =	vst v63  }
0xa0: {  	_ =	swait.ge [sflag:s23], $0x4000  }
0xa1: {  	[sflag:s23] =	ssyncset.done $0x0  }
0xa2: {  	s7 =	sadd.s32 $0x2800, s6;
	[sflag:s23] =	ssyncadd.s32 $0xFFFFC000  }
0xa3: {  	[tilespmem:s22], [sflag:$0x1] =	stream.linear.gather [hbm4b:s7+s3], $0x4000, $0x38;
	[tilespmem:$0x18400] =	vst v63  }
0xa4: {  	_ =	swait.ge [sflag:s23], $0x4000  }
0xa5: {  	[sflag:s23] =	ssyncset.done $0x0  }
0xa6: {  	[sflag:s23] =	ssyncadd.s32 $0xFFFFC000  }
0xa7: {  	[spmem:s2] =	stream.indirect.scatter.add.f32 [tilespmem:s22], [sflag:$0x1], $0x80, s29, s24, $0xb8;
	[tilespmem:$0x18400] =	vst v63  }
0xa8: {  	_ =	swait.ge [sflag:s23], $0x4000  }
0xa9: {  	[sflag:s23] =	ssyncset.done $0x0  }
0xaa: {  	s7 =	sadd.s32 $0x3000, s6;
	[sflag:s23] =	ssyncadd.s32 $0xFFFFC000  }
0xab: {  	[tilespmem:s22], [sflag:$0x1] =	stream.linear.gather [hbm4b:s7+s3], $0x4000, $0x38;
	[tilespmem:$0x18400] =	vst v63  }
0xac: {  	_ =	swait.ge [sflag:s23], $0x4000  }
0xad: {  	[sflag:s23] =	ssyncset.done $0x0  }
0xae: {  	[sflag:s23] =	ssyncadd.s32 $0xFFFFC000  }
0xaf: {  	[spmem:s2] =	stream.indirect.scatter.add.f32 [tilespmem:s22], [sflag:$0x1], $0x80, s30, s24, $0xb8;
	[tilespmem:$0x18400] =	vst v63  }
0xb0: {  	_ =	swait.ge [sflag:s23], $0x4000  }
0xb1: {  	[sflag:s23] =	ssyncset.done $0x0  }
0xb2: {  	s6 =	sadd.s32 $0x3800, s6;
	[sflag:s23] =	ssyncadd.s32 $0xFFFFC000  }
0xb3: {  	[tilespmem:s22], [sflag:$0x1] =	stream.linear.gather [hbm4b:s6+s3], $0x4000, $0x38;
	[tilespmem:$0x18400] =	vst v63  }
0xb4: {  	_ =	swait.ge [sflag:s23], $0x4000  }
.Ltmp0:
0xb5: {  	[sflag:s23] =	ssyncset.done $0x0;
	(pc) =	sbr.rel @p0 .LBB2_2-.Ltmp0, $4  }
0xb6: {  	[sflag:s23] =	ssyncadd.s32 $0xFFFFC000  }
0xb7: {  	[spmem:s2] =	stream.indirect.scatter.add.f32 [tilespmem:s22], [sflag:$0x1], $0x80, s31, s24, $0xb8;
	[tilespmem:$0x18400] =	vst v63  }
0xb8: {  	_ =	swait.ge [sflag:s23], $0x4000  }
0xb9: {  	[sflag:s23] =	ssyncset.done $0x0  }
0xba: {  	[sflag:s23] =	ssyncadd.s32 $0xFFFFC000  }
0xbb: {  	[bflag:$0x0] =	sbarrier.arrive $0xFFFF  }
0xbc: {  	[tilespmem:s22], [sflag:$0x1] =	stream.linear.gather [spmem:s5], $0x4000, $0x38;
	[tilespmem:$0x18400] =	vst v63  }
0xbd: {  	_ =	swait.ge [sflag:s23], $0x4000  }
0xbe: {  	[sflag:s23] =	ssyncset.done $0x0  }
0xbf: {  	[sflag:s23] =	ssyncadd.s32 $0xFFFFC000  }
0xc0: {  	[hbm4b:s11+s3] =	stream.linear.scatter [tilespmem:s22], [sflag:$0x1], $0x4000, $0x38;
	[tilespmem:$0x18400] =	vst v63  }
0xc1: {  	_ =	swait.ge [sflag:s23], $0x4000  }
0xc2: {  	[sflag:s23] =	ssyncset.done $0x0  }
0xc3: {  	[sflag:s23] =	ssyncadd.s32 $0xFFFFC000  }
0xc4: {  	[tilespmem:s22], [sflag:$0x1] =	stream.linear.gather [spmem:s12], $0x4000, $0x38;
	[tilespmem:$0x18400] =	vst v63  }
0xc5: {  	_ =	swait.ge [sflag:s23], $0x4000  }
0xc6: {  	[sflag:s23] =	ssyncset.done $0x0  }
0xc7: {  	[sflag:s23] =	ssyncadd.s32 $0xFFFFC000  }
0xc8: {  	[hbm4b:s13+s3] =	stream.linear.scatter [tilespmem:s22], [sflag:$0x1], $0x4000, $0x38;
	[tilespmem:$0x18400] =	vst v63  }
0xc9: {  	_ =	swait.ge [sflag:s23], $0x4000  }
0xca: {  	[sflag:s23] =	ssyncset.done $0x0  }
0xcb: {  	[sflag:s23] =	ssyncadd.s32 $0xFFFFC000  }
0xcc: {  	[tilespmem:s22], [sflag:$0x1] =	stream.linear.gather [spmem:s14], $0x4000, $0x38;
	[tilespmem:$0x18400] =	vst v63  }
0xcd: {  	_ =	swait.ge [sflag:s23], $0x4000  }
0xce: {  	[sflag:s23] =	ssyncset.done $0x0  }
0xcf: {  	[sflag:s23] =	ssyncadd.s32 $0xFFFFC000  }
0xd0: {  	[hbm4b:s15+s3] =	stream.linear.scatter [tilespmem:s22], [sflag:$0x1], $0x4000, $0x38;
	[tilespmem:$0x18400] =	vst v63  }
0xd1: {  	_ =	swait.ge [sflag:s23], $0x4000  }
0xd2: {  	[sflag:s23] =	ssyncset.done $0x0  }
0xd3: {  	[sflag:s23] =	ssyncadd.s32 $0xFFFFC000  }
0xd4: {  	[tilespmem:s22], [sflag:$0x1] =	stream.linear.gather [spmem:s16], $0x4000, $0x38;
	[tilespmem:$0x18400] =	vst v63  }
0xd5: {  	_ =	swait.ge [sflag:s23], $0x4000  }
0xd6: {  	[sflag:s23] =	ssyncset.done $0x0  }
0xd7: {  	[sflag:s23] =	ssyncadd.s32 $0xFFFFC000  }
0xd8: {  	[hbm4b:s17+s3] =	stream.linear.scatter [tilespmem:s22], [sflag:$0x1], $0x4000, $0x38;
	[tilespmem:$0x18400] =	vst v63  }
0xd9: {  	_ =	swait.ge [sflag:s23], $0x4000  }
0xda: {  	[sflag:s23] =	ssyncset.done $0x0  }
0xdb: {  	[sflag:s23] =	ssyncadd.s32 $0xFFFFC000  }
0xdc: {  	[tilespmem:s22], [sflag:$0x1] =	stream.linear.gather [spmem:s18], $0x4000, $0x38;
	[tilespmem:$0x18400] =	vst v63  }
0xdd: {  	_ =	swait.ge [sflag:s23], $0x4000  }
0xde: {  	[sflag:s23] =	ssyncset.done $0x0  }
0xdf: {  	[sflag:s23] =	ssyncadd.s32 $0xFFFFC000  }
0xe0: {  	[hbm4b:s19+s3] =	stream.linear.scatter [tilespmem:s22], [sflag:$0x1], $0x4000, $0x38;
	[tilespmem:$0x18400] =	vst v63  }
0xe1: {  	_ =	swait.ge [sflag:s23], $0x4000  }
0xe2: {  	s1 =	sadd.s32 $0x1, s1;
	s0 =	rddreg [dreg:$0x4]  }
0xe3: {  	p0 =	sne.s32 s1, s0  }
.Ltmp1:
0xe4: {  	_ = 	snop;
	(pc) =	sbr.rel @p0 .LBB2_1-.Ltmp1, $3  }
0xe5: {  	_ =	sdelay $0x1  }
0xe6: {  	[sflag:s23] =	ssyncset.done $0x0  }
0xe7: {  	[sflag:s23] =	ssyncadd.s32 $0xFFFFC000  }
0xe8: {  	_ =	sfence.sel $0x180000  }
0xe9: {  	[bflag:$0x0] =	sbarrier.arrive $0xFFFF  }
0xea: {  	_ =	strace $0x90000053  }
0xeb: {  	s0 =	stileid.u32;
	[bflag:$0x2] =	sbarrier.arrive $0xFFFF  }
0xec: {  	p0 =	sne.s32 s0, $0x0;
	s0 =	rddreg [dreg:$0x2]  }
0xed: {  	s0 =	sadd.s32 @!p0 $0x100000, s0  }
0xee: {  	[sflag:s0] =	ssyncadd.tile.s32 @!p0 $0x1;
	_ =	shalt  }
.Lfunc_end2:
_tile_overlayer_lowered:
.L_overlay_start_2:
0xef: {  	(tag) =	ssettag $0x2  }
0xf0: {  	s0 =	rddreg [dreg:$0x0];
	s2 =	stileid.u32  }
0xf1: {  	s1 =	rddreg [dreg:$0x1];
	p0 =	sne.s32 s2, $0x0  }
0xf2: {  	s3 =	rddreg [dreg:$0x2];
	[bflag:$0x3] =	sbarrier.arrive $0xFFFF;
	s2 =	simm.s32 @!p0 $0x1C01  }
0xf3: {  	[timem:s3], [sflag:s2] =	dma.local @!p0 [hbm:s0], s1  }
0xf4: {  	s0 =	simm.s32 @!p0 $0x1  }
0xf5: {  	_ =	swait.ge @!p0 [sflag:s0], s1  }
0xf6: {  	s1 =	ssub.s32 @!p0 $0x0, s1;
	[sflag:s0] =	ssyncset.done @!p0 $0x0  }
0xf7: {  	[sflag:s0] =	ssyncadd.s32 @!p0 s1  }
0xf8: {  	[bflag:$0x3] =	sbarrier.arrive $0xFFFF  }
0xf9: {  	_ =	shalt  }

// kernel: kernel.32.cloned.1.call-start
scs
__scs_entry_jumppad:
0x0: {  	(pc) =	sbr.rel $0x88, $3  }
0x1: {  	(tag) =	ssettag $0x0;
	lr =	simm.s32 $0x1  }
0x2: {  	[smem:$0x3F7A] =	sst lr;
	_ =	strace $0xD0000000  }
0x3: {  	_ = 	snop  }
0x4: {  	_ = 	snop  }
0x5: {  	_ = 	snop  }
0x6: {  	_ = 	snop  }
0x7: {  	_ = 	snop  }
__scs_overlays_trampoline_lowered:
0x8: {  	[smem:$0x3F89] =	sst s0  }
0x9: {  	[smem:$0x3F8A] =	sst s1  }
0xa: {  	[smem:$0x3F8B] =	sst s2  }
0xb: {  	[smem:$0x3F8C] =	sst s3  }
0xc: {  	[smem:$0x3F8D] =	sst s4  }
0xd: {  	[smem:$0x3F8E] =	sst s5  }
0xe: {  	[smem:$0x3F8F] =	sst s6  }
0xf: {  	[smem:$0x3F90] =	sst s7  }
0x10: {  	[smem:$0x3F91] =	sst s8  }
0x11: {  	[smem:$0x3F92] =	sst s9;
	s0 =	simm.s32 @!p0 $0x0  }
0x12: {  	s1 =	sld [smem:$0x3F78];
	s0 =	simm.s32 @p0 $0x1  }
0x13: {  	[smem:$0x3F93] =	sst s0;
	s0 =	simm.s32 @!p1 $0x0  }
0x14: {  	s2 =	sld [smem:$0x3F77];
	s0 =	simm.s32 @p1 $0x1  }
0x15: {  	[smem:$0x3F94] =	sst s0;
	s0 =	simm.s32 @!p2 $0x0  }
0x16: {  	s3 =	sld [smem:$0x3FDB];
	s0 =	simm.s32 @p2 $0x1  }
0x17: {  	s4 =	simm.s32 $0x1BF5;
	[smem:$0x3F96] =	sst s0  }
0x18: {  	s0 =	sld [smem:$0x3F79];
	_ =	swait.ge [sflag:s4], $0x0  }
0x19: {  	s7 =	sld [smem:$0x3F7A]  }
0x1a: {  	s8 =	sadd.s32 $0xFFFFE003, lr  }
0x1b: {  	s9 =	sadd.s32 $0xFFFFFEF7, lr;
	s5 =	simm.s32 $0xFFFFFFFF;
	p2 =	slt.u32 s8, $0xFFFFF086  }
0x1c: {  	p1 =	slt.u32 s9, $0xF7A;
	s5 =	simm.s32 @!p2 $0x0  }
0x1d: {  	s5 =	simm.s32 @p1 $0x1;
	p0 =	seq.s32 s7, s2  }
0x1e: {  	s7 =	smul.u32 @!p0 $0xF7A, s2;
	p2 =	seq.s32 @!p0 s5, $0x0  }
0x1f: {  	s9 =	smul.u32 $0xF7A, s1;
	s8 =	simm.s32 @!p0 $0x1BF5;
	p2 =	por !p2, p0  }
0x20: {  	[sflag:s8] =	ssyncset.s32 @!p0 $0xFFFFF086;
	s6 =	sadd.s32 @!p0 s3, s7;
	s7 =	simm.s32 @!p0 $0x108  }
0x21: {  	s3 =	sadd.s32 s3, s9;
	s6 =	sadd.s32 @!p0 $0x88, s6;
	s7 =	simm.s32 @p2 $0x1082  }
0x22: {  	[simem:s7], [sflag:s8] =	dma.local @!p0 [hbm:s6], $0xF7A  }
0x23: {  	s9 =	sor.u32 $0xD0000000, s2;
	s6 =	simm.s32 $0x108;
	_ =	swait.ge @!p0 [sflag:s8], $0x0  }
0x24: {  	s3 =	sadd.s32 $0x88, s3;
	s6 =	simm.s32 @!p1 $0x1082;
	[sflag:s4] =	ssyncset.s32 $0xFFFFF086  }
0x25: {  	[simem:s6], [sflag:s4] =	dma.local [hbm:s3], $0xF7A  }
0x26: {  	[smem:$0x3F7A] =	sst s1;
	(tag) =	ssettag s2;
	_ =	strace s9  }
0x27: {  	s1 =	sld [smem:$0x3F8A]  }
0x28: {  	s2 =	sld [smem:$0x3F8B]  }
0x29: {  	s4 =	sld [smem:$0x3F8D]  }
0x2a: {  	p0 =	seq.s32 s5, $0x0;
	s5 =	sld [smem:$0x3F8E]  }
0x2b: {  	s6 =	sld [smem:$0x3F8F]  }
0x2c: {  	s7 =	sld [smem:$0x3F90]  }
0x2d: {  	s3 =	simm.s32 $0x108;
	s8 =	sld [smem:$0x3F91]  }
0x2e: {  	s3 =	simm.s32 @!p0 $0x1082;
	s9 =	sld [smem:$0x3F92]  }
0x2f: {  	lr =	sadd.s32 s0, s3;
	s0 =	sld [smem:$0x3F89]  }
0x30: {  	s3 =	sld [smem:$0x3F8C]  }
0x31: {  	[smem:$0x3F95] =	sst s10  }
0x32: {  	s10 =	sld [smem:$0x3F93];
	_ =	sdelay $0x3  }
0x33: {  	p0 =	seq.s32 s10, $0x1;
	s10 =	sld [smem:$0x3F95];
	_ =	sdelay $0x3  }
0x34: {  	[smem:$0x3F95] =	sst s10  }
0x35: {  	s10 =	sld [smem:$0x3F94];
	_ =	sdelay $0x3  }
0x36: {  	p1 =	seq.s32 s10, $0x1;
	s10 =	sld [smem:$0x3F95];
	_ =	sdelay $0x3  }
0x37: {  	[smem:$0x3F95] =	sst s10  }
0x38: {  	s10 =	sld [smem:$0x3F96]  }
0x39: {  	_ = 	snop;
	(pc) =	sbr.ind lr, $3  }
0x3a: {  	_ = 	snop  }
0x3b: {  	_ = 	snop  }
0x3c: {  	p2 =	seq.s32 s10, $0x1;
	s10 =	sld [smem:$0x3F95]  }
0x3d: {  	_ =	shalt  }
0x3e: {  	_ =	shalt  }
0x3f: {  	_ =	shalt  }
0x40: {  	_ =	shalt  }
0x41: {  	_ =	shalt  }
0x42: {  	_ =	shalt  }
0x43: {  	_ =	shalt  }
0x44: {  	_ =	shalt  }
0x45: {  	_ =	shalt  }
0x46: {  	_ =	shalt  }
0x47: {  	_ =	shalt  }
0x48: {  	_ =	shalt  }
0x49: {  	_ =	shalt  }
0x4a: {  	_ =	shalt  }
0x4b: {  	_ =	shalt  }
0x4c: {  	_ =	shalt  }
0x4d: {  	_ =	shalt  }
0x4e: {  	_ =	shalt  }
0x4f: {  	_ =	shalt  }
0x50: {  	_ =	shalt  }
0x51: {  	_ =	shalt  }
0x52: {  	_ =	shalt  }
0x53: {  	_ =	shalt  }
0x54: {  	_ =	shalt  }
0x55: {  	_ =	shalt  }
0x56: {  	_ =	shalt  }
0x57: {  	_ =	shalt  }
0x58: {  	_ =	shalt  }
0x59: {  	_ =	shalt  }
0x5a: {  	_ =	shalt  }
0x5b: {  	_ =	shalt  }
0x5c: {  	_ =	shalt  }
0x5d: {  	_ =	shalt  }
0x5e: {  	_ =	shalt  }
0x5f: {  	_ =	shalt  }
0x60: {  	_ =	shalt  }
0x61: {  	_ =	shalt  }
0x62: {  	_ =	shalt  }
0x63: {  	_ =	shalt  }
0x64: {  	_ =	shalt  }
0x65: {  	_ =	shalt  }
0x66: {  	_ =	shalt  }
0x67: {  	_ =	shalt  }
0x68: {  	_ =	shalt  }
0x69: {  	_ =	shalt  }
0x6a: {  	_ =	shalt  }
0x6b: {  	_ =	shalt  }
0x6c: {  	_ =	shalt  }
0x6d: {  	_ =	shalt  }
0x6e: {  	_ =	shalt  }
0x6f: {  	_ =	shalt  }
0x70: {  	_ =	shalt  }
0x71: {  	_ =	shalt  }
0x72: {  	_ =	shalt  }
0x73: {  	_ =	shalt  }
0x74: {  	_ =	shalt  }
0x75: {  	_ =	shalt  }
0x76: {  	_ =	shalt  }
0x77: {  	_ =	shalt  }
0x78: {  	_ =	shalt  }
0x79: {  	_ =	shalt  }
0x7a: {  	_ =	shalt  }
0x7b: {  	_ =	shalt  }
0x7c: {  	_ =	shalt  }
0x7d: {  	_ =	shalt  }
0x7e: {  	_ =	shalt  }
0x7f: {  	_ =	shalt  }
0x80: {  	_ =	shalt  }
0x81: {  	_ =	shalt  }
0x82: {  	_ =	shalt  }
0x83: {  	_ =	shalt  }
0x84: {  	_ =	shalt  }
0x85: {  	_ =	shalt  }
0x86: {  	_ =	shalt  }
0x87: {  	_ =	shalt  }
.Lfunc_end0:
.L_simem_size_0:
called_computation.5_lowered:
.L_overlay_start_0:
0x88: {  	s2 =	sld [smem:$0x3FD9]  }
0x89: {  	s3 =	sld [smem:$0x3FFE];
	_ =	sdelay $0x1  }
0x8a: {  	s1 =	srdreg.scid  }
0x8b: {  	s0 =	sand.u32 $0x1, s1  }
0x8c: {  	s16 =	sshll.u32 s0, $0xA;
	s2 =	sadd.s32 s3, s2  }
0x8d: {  	s2 =	sadd.s32 s2, s16  }
0x8e: {  	[smem:$0x3FA1] =	sst s2  }
0x8f: {  	_ = 	snop  }
0x90: {  	(tm) =	ssettm $0x1  }
0x91: {  	s17 =	sld [smem:$0x3FFB];
	_ =	sdelay $0x3  }
0x92: {  	_ =	strace s17  }
0x93: {  	s2 =	sld [smem:$0x3FFC];
	_ =	sdelay $0x3  }
0x94: {  	_ =	strace s2  }
0x95: {  	s2 =	sld [smem:$0x3FFD];
	_ =	sdelay $0x3  }
0x96: {  	_ =	strace s2  }
0x97: {  	_ =	strace $0x8FFFFFFF  }
0x98: {  	s18 =	sld [smem:$0x3FDB];
	_ =	sdelay $0x1  }
0x99: {  	s19 =	simm.s32 $_scs_section_size  }
0x9a: {  	s4 =	simm.s32 $_size__tile_overlayer_lowered;
	s5 =	simm.s32 $_tile_overlayer_lowered  }
0x9b: {  	s22 =	simm.s32 $0x1BFF;
	s21 =	sshll.u32 s5, $0x1;
	s2 =	sadd.s32 s19, s18  }
0x9c: {  	s6 =	simm.s32 $0x0;
	s20 =	sshll.u32 s4, $0x1;
	s4 =	sadd.s32 s21, s2  }
0x9d: {  	[timem:s6], [sflag:s22] =	dma.local [hbm:s4], s20  }
0x9e: {  	_ =	swait.ge [sflag:s22], s20  }
0x9f: {  	s3 =	ssub.s32 $0x0, s20;
	[sflag:s22] =	ssyncset.done $0x0  }
0xa0: {  	[sflag:s22] =	ssyncadd.s32 s3;
	_ =	sdelay $0x1  }
0xa1: {  	s23 =	simm.s32 $0x1B8B  }
0xa2: {  	_ =	swait.ge [sflag:s23], $0x1  }
0xa3: {  	[sflag:s23] =	ssyncset.done $0x0  }
0xa4: {  	s25 =	simm.s32 $0x1B8E;
	s24 =	sld [smem:$0x3FFE];
	[sflag:s23] =	ssyncadd.s32 $0xFFFFFFFF  }
0xa5: {  	s26 =	simm.s32 $execute0_lowered;
	[smem:$0x3FD2] =	sst s25  }
0xa6: {  	s4 =	sshll.u32 s26, $0x1;
	_ =	strace $0x80000055;
	[dreg:$0x1] =	wrdreg $0xFFFFFFFF  }
0xa7: {  	s28 =	simm.s32 $_size_execute0_lowered;
	s2 =	sadd.s32 s2, s4;
	[dreg:$0x0] =	wrdreg $0x0  }
0xa8: {  	s4 =	sshll.u32 s28, $0x1;
	[dreg:$0x2] =	wrdreg s2  }
0xa9: {  	[dreg:$0x3] =	wrdreg s4  }
0xaa: {  	[dreg:$0x4] =	wrdreg $0xC0  }
0xab: {  	_ =	task [dreg:s6], $0x5FFFF  }
0xac: {  	[dreg:$0x1] =	wrdreg $0xFFFFFFFF  }
0xad: {  	[dreg:$0x0] =	wrdreg $0x60  }
0xae: {  	[dreg:$0x2] =	wrdreg s24  }
0xaf: {  	[dreg:$0x3] =	wrdreg $0x9  }
0xb0: {  	_ =	task.clear_ibuf [dreg:s6], $0x4FFFF;
	_ =	strace $0x90000055  }
0xb1: {  	s29 =	simm.s32 $0x9;
	_ =	strace $0x80000057  }
0xb2: {  	_ =	swait.ge [sflag:s29], $0x1  }
0xb3: {  	[sflag:s29] =	ssyncadd.s32 $0xFFFFFFFF  }
0xb4: {  	_ =	strace $0x90000057  }
0xb5: {  	_ =	sfence  }
0xb6: {  	s30 =	sld [smem:$0x0];
	_ =	sdelay $0x2  }
0xb7: {  	s31 =	sshll.u32 s1, $0xD;
	s1 =	sshrl.u32 s1, $0x2  }
0xb8: {  	s3 =	sand.u32 $0x4000, s31;
	s1 =	sadd.s32 s1, s30  }
0xb9: {  	s0 =	sor.u32 s3, s0;
	s1 =	sshll.u32 s1, $0x11  }
0xba: {  	s0 =	sor.u32 s1, s0  }
0xbb: {  	s0 =	sadd.s32 $0x8F2B, s0  }
0xbc: {  	[sflag:s0] =	ssyncadd.remote.s32 $0x1  }
0xbd: {  	_ =	sfence.sel $0xFFFF  }
0xbe: {  	[dreg:$0x0] =	wrdreg $0xFFFFFFFF;
	(pc) =	sbr.abs _section_cstart, $3  }
0xbf: {  	[dreg:$0x1] =	wrdreg $0xFFFFFFFF  }
0xc0: {  	_ =	task.clear_ibuf [dreg:s6], $0x2FFFF;
	_ =	strace $0x9FFFFFFF  }
0xc1: {  	(tm) =	ssettm $0x7FFFFFFF  }
tec
execute0_lowered:
.L_overlay_start_1:
0x0: {  	(tag) =	ssettag $0x1  }
0x1: {  	s4 =	rddreg [dreg:$0x0]  }
0x2: {  	s0 =	rddreg [dreg:$0x1]  }
0x3: {  	s3 =	srdreg.scid;
	s1 =	stileid.u32;
	s2 =	simm.s32 $0x0  }
0x4: {  	s10 =	simm.s32 $0x1;
	s11 =	simm.s32 $0x100;
	s12 =	simm.s32 $0x180  }
0x5: {  	s13 =	simm.s32 $0x200;
	s14 =	simm.s32 $0x280;
	s15 =	simm.s32 $0x300  }
0x6: {  	s16 =	simm.s32 $0x380;
	s17 =	simm.s32 $0x0;
	s6 =	smul.u32 $0x5000, s1  }
0x7: {  	s5 =	sand.u32 $0x1, s3;
	[smem:$0x7FF] =	sst s2;
	s8 =	smul.u32 $0x50000, s1  }
0x8: {  	s3 =	sadd.s32 $0xB6E00, s4;
	s7 =	smul.u32 $0x2800, s5;
	s9 =	ssub.s32 $0x2, s5  }
0x9: {  	_ =	strace $0x80000056;
	s5 =	smul.u32 $0x28000, s5;
	s31 =	sshrl.u32 s9, $0x1  }
0xa: {  	s30 =	sadd.s32 s8, s4;
	s6 =	sadd.s32 s7, s6;
	s8 =	ssub.s32 s9, s31  }
0xb: {  	s5 =	sadd.s32 s5, s30;
	s7 =	simm.s32 $0x2;
	s6 =	sshrl.u32 s6, $0x3  }
0xc: {  	s9 =	simm.s32 $0x400;
	s5 =	sadd.s32 $0x160E00, s5;
	s6 =	sadd.s32 s6, s4  }
0xd: {  	s4 =	smax.u32 s8, $0x1;
	s8 =	simm.s32 $0x80;
	s6 =	sadd.s32 $0x156E00, s6  }
.LBB2_1:
0xe: {  	[tilespmem:s2], [sflag:$0x2] =	stream.linear.gather [hbm4b:s6+s2], $0x400, $0x38;
	[tilespmem:$0x4400] =	vst v63  }
0xf: {  	_ =	swait.ge [sflag:s7], $0x400  }
0x10: {  	[sflag:s7] =	ssyncset.done $0x0  }
0x11: {  	[sflag:s7] =	ssyncadd.s32 $0xFFFFFC00  }
0x12: {  	[tilespmem:s9], [sflag:$0x1] =	stream.indirect.gather [hbm4b:s3+s8], $0x80, s2, s8, $0xb8;
	[tilespmem:$0x4400] =	vst v63  }
0x13: {  	_ =	swait.ge [sflag:s10], $0x4000  }
0x14: {  	[sflag:s10] =	ssyncset.done $0x0  }
0x15: {  	s18 =	sadd.s32 $0x0, s5;
	[sflag:s10] =	ssyncadd.s32 $0xFFFFC000  }
0x16: {  	[hbm4b:s18+s2] =	stream.linear.scatter [tilespmem:s9], [sflag:$0x2], $0x4000, $0x38;
	[tilespmem:$0x4400] =	vst v63  }
0x17: {  	_ =	swait.ge [sflag:s7], $0x4000  }
0x18: {  	[sflag:s7] =	ssyncset.done $0x0  }
0x19: {  	[sflag:s7] =	ssyncadd.s32 $0xFFFFC000  }
0x1a: {  	[tilespmem:s9], [sflag:$0x1] =	stream.indirect.gather [hbm4b:s3+s8], $0x80, s8, s8, $0xb8;
	[tilespmem:$0x4400] =	vst v63  }
0x1b: {  	_ =	swait.ge [sflag:s10], $0x4000  }
0x1c: {  	[sflag:s10] =	ssyncset.done $0x0  }
0x1d: {  	s19 =	sadd.s32 $0x800, s18;
	[sflag:s10] =	ssyncadd.s32 $0xFFFFC000  }
0x1e: {  	[hbm4b:s19+s2] =	stream.linear.scatter [tilespmem:s9], [sflag:$0x2], $0x4000, $0x38;
	[tilespmem:$0x4400] =	vst v63  }
0x1f: {  	_ =	swait.ge [sflag:s7], $0x4000  }
0x20: {  	[sflag:s7] =	ssyncset.done $0x0  }
0x21: {  	[sflag:s7] =	ssyncadd.s32 $0xFFFFC000  }
0x22: {  	[tilespmem:s9], [sflag:$0x1] =	stream.indirect.gather [hbm4b:s3+s8], $0x80, s11, s8, $0xb8;
	[tilespmem:$0x4400] =	vst v63  }
0x23: {  	_ =	swait.ge [sflag:s10], $0x4000  }
0x24: {  	[sflag:s10] =	ssyncset.done $0x0  }
0x25: {  	s26 =	sadd.s32 $0x1000, s18;
	[sflag:s10] =	ssyncadd.s32 $0xFFFFC000  }
0x26: {  	[hbm4b:s26+s2] =	stream.linear.scatter [tilespmem:s9], [sflag:$0x2], $0x4000, $0x38;
	[tilespmem:$0x4400] =	vst v63  }
0x27: {  	_ =	swait.ge [sflag:s7], $0x4000  }
0x28: {  	[sflag:s7] =	ssyncset.done $0x0  }
0x29: {  	[sflag:s7] =	ssyncadd.s32 $0xFFFFC000  }
0x2a: {  	[tilespmem:s9], [sflag:$0x1] =	stream.indirect.gather [hbm4b:s3+s8], $0x80, s12, s8, $0xb8;
	[tilespmem:$0x4400] =	vst v63  }
0x2b: {  	_ =	swait.ge [sflag:s10], $0x4000  }
0x2c: {  	[sflag:s10] =	ssyncset.done $0x0  }
0x2d: {  	s28 =	sadd.s32 $0x1800, s18;
	[sflag:s10] =	ssyncadd.s32 $0xFFFFC000  }
0x2e: {  	[hbm4b:s28+s2] =	stream.linear.scatter [tilespmem:s9], [sflag:$0x2], $0x4000, $0x38;
	[tilespmem:$0x4400] =	vst v63  }
0x2f: {  	_ =	swait.ge [sflag:s7], $0x4000  }
0x30: {  	[sflag:s7] =	ssyncset.done $0x0  }
0x31: {  	[sflag:s7] =	ssyncadd.s32 $0xFFFFC000  }
0x32: {  	[tilespmem:s9], [sflag:$0x1] =	stream.indirect.gather [hbm4b:s3+s8], $0x80, s13, s8, $0xb8;
	[tilespmem:$0x4400] =	vst v63  }
0x33: {  	_ =	swait.ge [sflag:s10], $0x4000  }
0x34: {  	[sflag:s10] =	ssyncset.done $0x0  }
0x35: {  	s29 =	sadd.s32 $0x2000, s18;
	[sflag:s10] =	ssyncadd.s32 $0xFFFFC000  }
0x36: {  	[hbm4b:s29+s2] =	stream.linear.scatter [tilespmem:s9], [sflag:$0x2], $0x4000, $0x38;
	[tilespmem:$0x4400] =	vst v63  }
0x37: {  	_ =	swait.ge [sflag:s7], $0x4000  }
0x38: {  	[sflag:s7] =	ssyncset.done $0x0  }
0x39: {  	[sflag:s7] =	ssyncadd.s32 $0xFFFFC000  }
0x3a: {  	[tilespmem:s9], [sflag:$0x1] =	stream.indirect.gather [hbm4b:s3+s8], $0x80, s14, s8, $0xb8;
	[tilespmem:$0x4400] =	vst v63  }
0x3b: {  	_ =	swait.ge [sflag:s10], $0x4000  }
0x3c: {  	[sflag:s10] =	ssyncset.done $0x0  }
0x3d: {  	s30 =	sadd.s32 $0x2800, s18;
	[sflag:s10] =	ssyncadd.s32 $0xFFFFC000  }
0x3e: {  	[hbm4b:s30+s2] =	stream.linear.scatter [tilespmem:s9], [sflag:$0x2], $0x4000, $0x38;
	[tilespmem:$0x4400] =	vst v63  }
0x3f: {  	_ =	swait.ge [sflag:s7], $0x4000  }
0x40: {  	[sflag:s7] =	ssyncset.done $0x0  }
0x41: {  	[sflag:s7] =	ssyncadd.s32 $0xFFFFC000  }
0x42: {  	[tilespmem:s9], [sflag:$0x1] =	stream.indirect.gather [hbm4b:s3+s8], $0x80, s15, s8, $0xb8;
	[tilespmem:$0x4400] =	vst v63  }
0x43: {  	_ =	swait.ge [sflag:s10], $0x4000  }
0x44: {  	[sflag:s10] =	ssyncset.done $0x0  }
0x45: {  	s31 =	sadd.s32 $0x3000, s18;
	[sflag:s10] =	ssyncadd.s32 $0xFFFFC000  }
0x46: {  	[hbm4b:s31+s2] =	stream.linear.scatter [tilespmem:s9], [sflag:$0x2], $0x4000, $0x38;
	[tilespmem:$0x4400] =	vst v63  }
0x47: {  	_ =	swait.ge [sflag:s7], $0x4000  }
0x48: {  	[sflag:s7] =	ssyncset.done $0x0  }
0x49: {  	[sflag:s7] =	ssyncadd.s32 $0xFFFFC000  }
0x4a: {  	[tilespmem:s9], [sflag:$0x1] =	stream.indirect.gather [hbm4b:s3+s8], $0x80, s16, s8, $0xb8;
	[tilespmem:$0x4400] =	vst v63  }
0x4b: {  	_ =	swait.ge [sflag:s10], $0x4000  }
0x4c: {  	[sflag:s10] =	ssyncset.done $0x0  }
0x4d: {  	s18 =	sadd.s32 $0x3800, s18;
	[sflag:s10] =	ssyncadd.s32 $0xFFFFC000  }
0x4e: {  	[hbm4b:s18+s2] =	stream.linear.scatter [tilespmem:s9], [sflag:$0x2], $0x4000, $0x38;
	[tilespmem:$0x4400] =	vst v63  }
0x4f: {  	_ =	swait.ge [sflag:s7], $0x4000  }
0x50: {  	s19 =	smov.u32 s6;
	s18 =	simm.s32 $0x4000;
	[sflag:s7] =	ssyncset.done $0x0  }
.LBB2_2:
0x51: {  	p0 =	sne.s32 s18, $0x24000;
	[sflag:s7] =	ssyncadd.s32 $0xFFFFC000;
	s19 =	sadd.s32 $0x80, s19  }
0x52: {  	[tilespmem:s2], [sflag:$0x2] =	stream.linear.gather [hbm4b:s19+s2], $0x400, $0x38;
	[tilespmem:$0x4400] =	vst v63  }
0x53: {  	s20 =	smov.u32 s18;
	s18 =	sadd.s32 $0x4000, s18;
	_ =	swait.ge [sflag:s7], $0x400  }
0x54: {  	[sflag:s7] =	ssyncset.done $0x0  }
0x55: {  	[sflag:s7] =	ssyncadd.s32 $0xFFFFFC00  }
0x56: {  	[tilespmem:s9], [sflag:$0x1] =	stream.indirect.gather [hbm4b:s3+s8], $0x80, s2, s8, $0xb8;
	[tilespmem:$0x4400] =	vst v63  }
0x57: {  	_ =	swait.ge [sflag:s10], $0x4000  }
0x58: {  	[sflag:s10] =	ssyncset.done $0x0  }
0x59: {  	s20 =	sadd.s32 s20, s5;
	[sflag:s10] =	ssyncadd.s32 $0xFFFFC000  }
0x5a: {  	[hbm4b:s20+s2] =	stream.linear.scatter [tilespmem:s9], [sflag:$0x2], $0x4000, $0x38;
	[tilespmem:$0x4400] =	vst v63  }
0x5b: {  	_ =	swait.ge [sflag:s7], $0x4000  }
0x5c: {  	[sflag:s7] =	ssyncset.done $0x0  }
0x5d: {  	[sflag:s7] =	ssyncadd.s32 $0xFFFFC000  }
0x5e: {  	[tilespmem:s9], [sflag:$0x1] =	stream.indirect.gather [hbm4b:s3+s8], $0x80, s8, s8, $0xb8;
	[tilespmem:$0x4400] =	vst v63  }
0x5f: {  	_ =	swait.ge [sflag:s10], $0x4000  }
0x60: {  	[sflag:s10] =	ssyncset.done $0x0  }
0x61: {  	s21 =	sadd.s32 $0x800, s20;
	[sflag:s10] =	ssyncadd.s32 $0xFFFFC000  }
0x62: {  	[hbm4b:s21+s2] =	stream.linear.scatter [tilespmem:s9], [sflag:$0x2], $0x4000, $0x38;
	[tilespmem:$0x4400] =	vst v63  }
0x63: {  	_ =	swait.ge [sflag:s7], $0x4000  }
0x64: {  	[sflag:s7] =	ssyncset.done $0x0  }
0x65: {  	[sflag:s7] =	ssyncadd.s32 $0xFFFFC000  }
0x66: {  	[tilespmem:s9], [sflag:$0x1] =	stream.indirect.gather [hbm4b:s3+s8], $0x80, s11, s8, $0xb8;
	[tilespmem:$0x4400] =	vst v63  }
0x67: {  	_ =	swait.ge [sflag:s10], $0x4000  }
0x68: {  	[sflag:s10] =	ssyncset.done $0x0  }
0x69: {  	s21 =	sadd.s32 $0x1000, s20;
	[sflag:s10] =	ssyncadd.s32 $0xFFFFC000  }
0x6a: {  	[hbm4b:s21+s2] =	stream.linear.scatter [tilespmem:s9], [sflag:$0x2], $0x4000, $0x38;
	[tilespmem:$0x4400] =	vst v63  }
0x6b: {  	_ =	swait.ge [sflag:s7], $0x4000  }
0x6c: {  	[sflag:s7] =	ssyncset.done $0x0  }
0x6d: {  	[sflag:s7] =	ssyncadd.s32 $0xFFFFC000  }
0x6e: {  	[tilespmem:s9], [sflag:$0x1] =	stream.indirect.gather [hbm4b:s3+s8], $0x80, s12, s8, $0xb8;
	[tilespmem:$0x4400] =	vst v63  }
0x6f: {  	_ =	swait.ge [sflag:s10], $0x4000  }
0x70: {  	[sflag:s10] =	ssyncset.done $0x0  }
0x71: {  	s21 =	sadd.s32 $0x1800, s20;
	[sflag:s10] =	ssyncadd.s32 $0xFFFFC000  }
0x72: {  	[hbm4b:s21+s2] =	stream.linear.scatter [tilespmem:s9], [sflag:$0x2], $0x4000, $0x38;
	[tilespmem:$0x4400] =	vst v63  }
0x73: {  	_ =	swait.ge [sflag:s7], $0x4000  }
0x74: {  	[sflag:s7] =	ssyncset.done $0x0  }
0x75: {  	[sflag:s7] =	ssyncadd.s32 $0xFFFFC000  }
0x76: {  	[tilespmem:s9], [sflag:$0x1] =	stream.indirect.gather [hbm4b:s3+s8], $0x80, s13, s8, $0xb8;
	[tilespmem:$0x4400] =	vst v63  }
0x77: {  	_ =	swait.ge [sflag:s10], $0x4000  }
0x78: {  	[sflag:s10] =	ssyncset.done $0x0  }
0x79: {  	s21 =	sadd.s32 $0x2000, s20;
	[sflag:s10] =	ssyncadd.s32 $0xFFFFC000  }
0x7a: {  	[hbm4b:s21+s2] =	stream.linear.scatter [tilespmem:s9], [sflag:$0x2], $0x4000, $0x38;
	[tilespmem:$0x4400] =	vst v63  }
0x7b: {  	_ =	swait.ge [sflag:s7], $0x4000  }
0x7c: {  	[sflag:s7] =	ssyncset.done $0x0  }
0x7d: {  	[sflag:s7] =	ssyncadd.s32 $0xFFFFC000  }
0x7e: {  	[tilespmem:s9], [sflag:$0x1] =	stream.indirect.gather [hbm4b:s3+s8], $0x80, s14, s8, $0xb8;
	[tilespmem:$0x4400] =	vst v63  }
0x7f: {  	_ =	swait.ge [sflag:s10], $0x4000  }
0x80: {  	[sflag:s10] =	ssyncset.done $0x0  }
0x81: {  	s21 =	sadd.s32 $0x2800, s20;
	[sflag:s10] =	ssyncadd.s32 $0xFFFFC000  }
0x82: {  	[hbm4b:s21+s2] =	stream.linear.scatter [tilespmem:s9], [sflag:$0x2], $0x4000, $0x38;
	[tilespmem:$0x4400] =	vst v63  }
0x83: {  	_ =	swait.ge [sflag:s7], $0x4000  }
0x84: {  	[sflag:s7] =	ssyncset.done $0x0  }
0x85: {  	[sflag:s7] =	ssyncadd.s32 $0xFFFFC000  }
0x86: {  	[tilespmem:s9], [sflag:$0x1] =	stream.indirect.gather [hbm4b:s3+s8], $0x80, s15, s8, $0xb8;
	[tilespmem:$0x4400] =	vst v63  }
0x87: {  	_ =	swait.ge [sflag:s10], $0x4000  }
0x88: {  	[sflag:s10] =	ssyncset.done $0x0  }
0x89: {  	s21 =	sadd.s32 $0x3000, s20;
	[sflag:s10] =	ssyncadd.s32 $0xFFFFC000  }
0x8a: {  	[hbm4b:s21+s2] =	stream.linear.scatter [tilespmem:s9], [sflag:$0x2], $0x4000, $0x38;
	[tilespmem:$0x4400] =	vst v63  }
0x8b: {  	_ =	swait.ge [sflag:s7], $0x4000  }
0x8c: {  	[sflag:s7] =	ssyncset.done $0x0  }
0x8d: {  	[sflag:s7] =	ssyncadd.s32 $0xFFFFC000  }
0x8e: {  	[tilespmem:s9], [sflag:$0x1] =	stream.indirect.gather [hbm4b:s3+s8], $0x80, s16, s8, $0xb8;
	[tilespmem:$0x4400] =	vst v63  }
0x8f: {  	_ =	swait.ge [sflag:s10], $0x4000  }
.Ltmp0:
0x90: {  	[sflag:s10] =	ssyncset.done $0x0;
	(pc) =	sbr.rel @p0 .LBB2_2-.Ltmp0, $4  }
0x91: {  	s20 =	sadd.s32 $0x3800, s20;
	[sflag:s10] =	ssyncadd.s32 $0xFFFFC000  }
0x92: {  	[hbm4b:s20+s2] =	stream.linear.scatter [tilespmem:s9], [sflag:$0x2], $0x4000, $0x38;
	[tilespmem:$0x4400] =	vst v63  }
0x93: {  	_ =	swait.ge [sflag:s7], $0x4000  }
0x94: {  	[sflag:s7] =	ssyncset.done $0x0  }
0x95: {  	s17 =	sadd.s32 $0x1, s17  }
0x96: {  	p0 =	sne.s32 s17, s4  }
.Ltmp1:
0x97: {  	_ = 	snop;
	(pc) =	sbr.rel @p0 .LBB2_1-.Ltmp1, $2  }
0x98: {  	_ =	sdelay $0x2  }
0x99: {  	[sflag:s7] =	ssyncadd.s32 $0xFFFFC000  }
0x9a: {  	_ =	sfence.sel $0x180000  }
0x9b: {  	[bflag:$0x0] =	sbarrier.arrive $0xFFFF  }
0x9c: {  	p0 =	sne.s32 s1, $0x0;
	_ =	strace $0x90000056  }
0x9d: {  	s0 =	sadd.s32 @!p0 $0x100000, s0;
	[bflag:$0x2] =	sbarrier.arrive $0xFFFF  }
0x9e: {  	[sflag:s0] =	ssyncadd.tile.s32 @!p0 $0x1;
	_ =	shalt  }
.Lfunc_end2:
_tile_overlayer_lowered:
.L_overlay_start_2:
0x9f: {  	(tag) =	ssettag $0x2  }
0xa0: {  	s0 =	rddreg [dreg:$0x0];
	s2 =	stileid.u32  }
0xa1: {  	s1 =	rddreg [dreg:$0x1];
	p0 =	sne.s32 s2, $0x0  }
0xa2: {  	s3 =	rddreg [dreg:$0x2];
	[bflag:$0x3] =	sbarrier.arrive $0xFFFF;
	s2 =	simm.s32 @!p0 $0x1C02  }
0xa3: {  	[timem:s3], [sflag:s2] =	dma.local @!p0 [hbm:s0], s1  }
0xa4: {  	s0 =	simm.s32 @!p0 $0x2  }
0xa5: {  	_ =	swait.ge @!p0 [sflag:s0], s1  }
0xa6: {  	s1 =	ssub.s32 @!p0 $0x0, s1;
	[sflag:s0] =	ssyncset.done @!p0 $0x0  }
0xa7: {  	[sflag:s0] =	ssyncadd.s32 @!p0 s1  }
0xa8: {  	[bflag:$0x3] =	sbarrier.arrive $0xFFFF  }
0xa9: {  	_ =	shalt  }

// kernel: kernel.35.cloned.1.call-start
scs
__scs_entry_jumppad:
0x0: {  	(pc) =	sbr.rel $0x88, $3  }
0x1: {  	(tag) =	ssettag $0x0;
	lr =	simm.s32 $0x1  }
0x2: {  	[smem:$0x3F7A] =	sst lr;
	_ =	strace $0xD0000000  }
0x3: {  	_ = 	snop  }
0x4: {  	_ = 	snop  }
0x5: {  	_ = 	snop  }
0x6: {  	_ = 	snop  }
0x7: {  	_ = 	snop  }
__scs_overlays_trampoline_lowered:
0x8: {  	[smem:$0x3F89] =	sst s0  }
0x9: {  	[smem:$0x3F8A] =	sst s1  }
0xa: {  	[smem:$0x3F8B] =	sst s2  }
0xb: {  	[smem:$0x3F8C] =	sst s3  }
0xc: {  	[smem:$0x3F8D] =	sst s4  }
0xd: {  	[smem:$0x3F8E] =	sst s5  }
0xe: {  	[smem:$0x3F8F] =	sst s6  }
0xf: {  	[smem:$0x3F90] =	sst s7  }
0x10: {  	[smem:$0x3F91] =	sst s8  }
0x11: {  	[smem:$0x3F92] =	sst s9;
	s0 =	simm.s32 @!p0 $0x0  }
0x12: {  	s1 =	sld [smem:$0x3F78];
	s0 =	simm.s32 @p0 $0x1  }
0x13: {  	[smem:$0x3F93] =	sst s0;
	s0 =	simm.s32 @!p1 $0x0  }
0x14: {  	s2 =	sld [smem:$0x3F77];
	s0 =	simm.s32 @p1 $0x1  }
0x15: {  	[smem:$0x3F94] =	sst s0;
	s0 =	simm.s32 @!p2 $0x0  }
0x16: {  	s3 =	sld [smem:$0x3FDB];
	s0 =	simm.s32 @p2 $0x1  }
0x17: {  	s4 =	simm.s32 $0x1BF5;
	[smem:$0x3F96] =	sst s0  }
0x18: {  	s0 =	sld [smem:$0x3F79];
	_ =	swait.ge [sflag:s4], $0x0  }
0x19: {  	s7 =	sld [smem:$0x3F7A]  }
0x1a: {  	s8 =	sadd.s32 $0xFFFFE003, lr  }
0x1b: {  	s9 =	sadd.s32 $0xFFFFFEF7, lr;
	s5 =	simm.s32 $0xFFFFFFFF;
	p2 =	slt.u32 s8, $0xFFFFF086  }
0x1c: {  	p1 =	slt.u32 s9, $0xF7A;
	s5 =	simm.s32 @!p2 $0x0  }
0x1d: {  	s5 =	simm.s32 @p1 $0x1;
	p0 =	seq.s32 s7, s2  }
0x1e: {  	s7 =	smul.u32 @!p0 $0xF7A, s2;
	p2 =	seq.s32 @!p0 s5, $0x0  }
0x1f: {  	s9 =	smul.u32 $0xF7A, s1;
	s8 =	simm.s32 @!p0 $0x1BF5;
	p2 =	por !p2, p0  }
0x20: {  	[sflag:s8] =	ssyncset.s32 @!p0 $0xFFFFF086;
	s6 =	sadd.s32 @!p0 s3, s7;
	s7 =	simm.s32 @!p0 $0x108  }
0x21: {  	s3 =	sadd.s32 s3, s9;
	s6 =	sadd.s32 @!p0 $0x88, s6;
	s7 =	simm.s32 @p2 $0x1082  }
0x22: {  	[simem:s7], [sflag:s8] =	dma.local @!p0 [hbm:s6], $0xF7A  }
0x23: {  	s9 =	sor.u32 $0xD0000000, s2;
	s6 =	simm.s32 $0x108;
	_ =	swait.ge @!p0 [sflag:s8], $0x0  }
0x24: {  	s3 =	sadd.s32 $0x88, s3;
	s6 =	simm.s32 @!p1 $0x1082;
	[sflag:s4] =	ssyncset.s32 $0xFFFFF086  }
0x25: {  	[simem:s6], [sflag:s4] =	dma.local [hbm:s3], $0xF7A  }
0x26: {  	[smem:$0x3F7A] =	sst s1;
	(tag) =	ssettag s2;
	_ =	strace s9  }
0x27: {  	s1 =	sld [smem:$0x3F8A]  }
0x28: {  	s2 =	sld [smem:$0x3F8B]  }
0x29: {  	s4 =	sld [smem:$0x3F8D]  }
0x2a: {  	p0 =	seq.s32 s5, $0x0;
	s5 =	sld [smem:$0x3F8E]  }
0x2b: {  	s6 =	sld [smem:$0x3F8F]  }
0x2c: {  	s7 =	sld [smem:$0x3F90]  }
0x2d: {  	s3 =	simm.s32 $0x108;
	s8 =	sld [smem:$0x3F91]  }
0x2e: {  	s3 =	simm.s32 @!p0 $0x1082;
	s9 =	sld [smem:$0x3F92]  }
0x2f: {  	lr =	sadd.s32 s0, s3;
	s0 =	sld [smem:$0x3F89]  }
0x30: {  	s3 =	sld [smem:$0x3F8C]  }
0x31: {  	[smem:$0x3F95] =	sst s10  }
0x32: {  	s10 =	sld [smem:$0x3F93];
	_ =	sdelay $0x3  }
0x33: {  	p0 =	seq.s32 s10, $0x1;
	s10 =	sld [smem:$0x3F95];
	_ =	sdelay $0x3  }
0x34: {  	[smem:$0x3F95] =	sst s10  }
0x35: {  	s10 =	sld [smem:$0x3F94];
	_ =	sdelay $0x3  }
0x36: {  	p1 =	seq.s32 s10, $0x1;
	s10 =	sld [smem:$0x3F95];
	_ =	sdelay $0x3  }
0x37: {  	[smem:$0x3F95] =	sst s10  }
0x38: {  	s10 =	sld [smem:$0x3F96]  }
0x39: {  	_ = 	snop;
	(pc) =	sbr.ind lr, $3  }
0x3a: {  	_ = 	snop  }
0x3b: {  	_ = 	snop  }
0x3c: {  	p2 =	seq.s32 s10, $0x1;
	s10 =	sld [smem:$0x3F95]  }
0x3d: {  	_ =	shalt  }
0x3e: {  	_ =	shalt  }
0x3f: {  	_ =	shalt  }
0x40: {  	_ =	shalt  }
0x41: {  	_ =	shalt  }
0x42: {  	_ =	shalt  }
0x43: {  	_ =	shalt  }
0x44: {  	_ =	shalt  }
0x45: {  	_ =	shalt  }
0x46: {  	_ =	shalt  }
0x47: {  	_ =	shalt  }
0x48: {  	_ =	shalt  }
0x49: {  	_ =	shalt  }
0x4a: {  	_ =	shalt  }
0x4b: {  	_ =	shalt  }
0x4c: {  	_ =	shalt  }
0x4d: {  	_ =	shalt  }
0x4e: {  	_ =	shalt  }
0x4f: {  	_ =	shalt  }
0x50: {  	_ =	shalt  }
0x51: {  	_ =	shalt  }
0x52: {  	_ =	shalt  }
0x53: {  	_ =	shalt  }
0x54: {  	_ =	shalt  }
0x55: {  	_ =	shalt  }
0x56: {  	_ =	shalt  }
0x57: {  	_ =	shalt  }
0x58: {  	_ =	shalt  }
0x59: {  	_ =	shalt  }
0x5a: {  	_ =	shalt  }
0x5b: {  	_ =	shalt  }
0x5c: {  	_ =	shalt  }
0x5d: {  	_ =	shalt  }
0x5e: {  	_ =	shalt  }
0x5f: {  	_ =	shalt  }
0x60: {  	_ =	shalt  }
0x61: {  	_ =	shalt  }
0x62: {  	_ =	shalt  }
0x63: {  	_ =	shalt  }
0x64: {  	_ =	shalt  }
0x65: {  	_ =	shalt  }
0x66: {  	_ =	shalt  }
0x67: {  	_ =	shalt  }
0x68: {  	_ =	shalt  }
0x69: {  	_ =	shalt  }
0x6a: {  	_ =	shalt  }
0x6b: {  	_ =	shalt  }
0x6c: {  	_ =	shalt  }
0x6d: {  	_ =	shalt  }
0x6e: {  	_ =	shalt  }
0x6f: {  	_ =	shalt  }
0x70: {  	_ =	shalt  }
0x71: {  	_ =	shalt  }
0x72: {  	_ =	shalt  }
0x73: {  	_ =	shalt  }
0x74: {  	_ =	shalt  }
0x75: {  	_ =	shalt  }
0x76: {  	_ =	shalt  }
0x77: {  	_ =	shalt  }
0x78: {  	_ =	shalt  }
0x79: {  	_ =	shalt  }
0x7a: {  	_ =	shalt  }
0x7b: {  	_ =	shalt  }
0x7c: {  	_ =	shalt  }
0x7d: {  	_ =	shalt  }
0x7e: {  	_ =	shalt  }
0x7f: {  	_ =	shalt  }
0x80: {  	_ =	shalt  }
0x81: {  	_ =	shalt  }
0x82: {  	_ =	shalt  }
0x83: {  	_ =	shalt  }
0x84: {  	_ =	shalt  }
0x85: {  	_ =	shalt  }
0x86: {  	_ =	shalt  }
0x87: {  	_ =	shalt  }
.Lfunc_end0:
.L_simem_size_0:
called_computation.6_lowered:
.L_overlay_start_0:
0x88: {  	s2 =	sld [smem:$0x3FD9]  }
0x89: {  	s3 =	sld [smem:$0x3FFE];
	_ =	sdelay $0x1  }
0x8a: {  	s1 =	srdreg.scid  }
0x8b: {  	s0 =	sand.u32 $0x1, s1  }
0x8c: {  	s16 =	sshll.u32 s0, $0xA;
	s2 =	sadd.s32 s3, s2  }
0x8d: {  	s2 =	sadd.s32 s2, s16  }
0x8e: {  	[smem:$0x3FA1] =	sst s2  }
0x8f: {  	_ = 	snop  }
0x90: {  	(tm) =	ssettm $0x1  }
0x91: {  	s17 =	sld [smem:$0x3FFB];
	_ =	sdelay $0x3  }
0x92: {  	_ =	strace s17  }
0x93: {  	s2 =	sld [smem:$0x3FFC];
	_ =	sdelay $0x3  }
0x94: {  	_ =	strace s2  }
0x95: {  	s2 =	sld [smem:$0x3FFD];
	_ =	sdelay $0x3  }
0x96: {  	_ =	strace s2  }
0x97: {  	_ =	strace $0x8FFFFFFF  }
0x98: {  	s18 =	sld [smem:$0x3FDB];
	_ =	sdelay $0x1  }
0x99: {  	s19 =	simm.s32 $_scs_section_size  }
0x9a: {  	s4 =	simm.s32 $_size__tile_overlayer_lowered;
	s5 =	simm.s32 $_tile_overlayer_lowered  }
0x9b: {  	s22 =	simm.s32 $0x1BFF;
	s21 =	sshll.u32 s5, $0x1;
	s2 =	sadd.s32 s19, s18  }
0x9c: {  	s6 =	simm.s32 $0x0;
	s20 =	sshll.u32 s4, $0x1;
	s4 =	sadd.s32 s21, s2  }
0x9d: {  	[timem:s6], [sflag:s22] =	dma.local [hbm:s4], s20  }
0x9e: {  	_ =	swait.ge [sflag:s22], s20  }
0x9f: {  	s3 =	ssub.s32 $0x0, s20;
	[sflag:s22] =	ssyncset.done $0x0  }
0xa0: {  	[sflag:s22] =	ssyncadd.s32 s3;
	_ =	sdelay $0x1  }
0xa1: {  	s23 =	simm.s32 $0x1B8B  }
0xa2: {  	_ =	swait.ge [sflag:s23], $0x1  }
0xa3: {  	[sflag:s23] =	ssyncset.done $0x0  }
0xa4: {  	s25 =	simm.s32 $0x1B8E;
	s24 =	sld [smem:$0x3FFE];
	[sflag:s23] =	ssyncadd.s32 $0xFFFFFFFF  }
0xa5: {  	s26 =	simm.s32 $execute0_lowered;
	[smem:$0x3FD2] =	sst s25  }
0xa6: {  	s4 =	sshll.u32 s26, $0x1;
	_ =	strace $0x80000058;
	[dreg:$0x1] =	wrdreg $0xFFFFFFFF  }
0xa7: {  	s28 =	simm.s32 $_size_execute0_lowered;
	s2 =	sadd.s32 s2, s4;
	[dreg:$0x0] =	wrdreg $0x0  }
0xa8: {  	s4 =	sshll.u32 s28, $0x1;
	[dreg:$0x2] =	wrdreg s2  }
0xa9: {  	[dreg:$0x3] =	wrdreg s4  }
0xaa: {  	[dreg:$0x4] =	wrdreg $0xC0  }
0xab: {  	_ =	task [dreg:s6], $0x5FFFF  }
0xac: {  	[dreg:$0x1] =	wrdreg $0xFFFFFFFF  }
0xad: {  	[dreg:$0x0] =	wrdreg $0x60  }
0xae: {  	[dreg:$0x2] =	wrdreg s24  }
0xaf: {  	[dreg:$0x3] =	wrdreg $0x44000  }
0xb0: {  	[dreg:$0x4] =	wrdreg $0x9  }
0xb1: {  	_ =	task.clear_ibuf [dreg:s6], $0x5FFFF;
	_ =	strace $0x90000058  }
0xb2: {  	s29 =	simm.s32 $0x9;
	_ =	strace $0x8000005A  }
0xb3: {  	_ =	swait.ge [sflag:s29], $0x1  }
0xb4: {  	[sflag:s29] =	ssyncadd.s32 $0xFFFFFFFF  }
0xb5: {  	_ =	strace $0x9000005A  }
0xb6: {  	_ =	sfence  }
0xb7: {  	s30 =	sld [smem:$0x0];
	_ =	sdelay $0x2  }
0xb8: {  	s31 =	sshll.u32 s1, $0xD;
	s1 =	sshrl.u32 s1, $0x2  }
0xb9: {  	s3 =	sand.u32 $0x4000, s31;
	s1 =	sadd.s32 s1, s30  }
0xba: {  	s0 =	sor.u32 s3, s0;
	s1 =	sshll.u32 s1, $0x11  }
0xbb: {  	s0 =	sor.u32 s1, s0  }
0xbc: {  	s0 =	sadd.s32 $0x8F2B, s0  }
0xbd: {  	[sflag:s0] =	ssyncadd.remote.s32 $0x1  }
0xbe: {  	_ =	sfence.sel $0xFFFF  }
0xbf: {  	[dreg:$0x0] =	wrdreg $0xFFFFFFFF;
	(pc) =	sbr.abs _section_cstart, $3  }
0xc0: {  	[dreg:$0x1] =	wrdreg $0xFFFFFFFF  }
0xc1: {  	_ =	task.clear_ibuf [dreg:s6], $0x2FFFF;
	_ =	strace $0x9FFFFFFF  }
0xc2: {  	(tm) =	ssettm $0x7FFFFFFF  }
0xc3: {  	_ =	shalt  }
tec
execute0_lowered:
.L_overlay_start_1:
0x0: {  	(tag) =	ssettag $0x1  }
0x1: {  	s8 =	stileid.u32  }
0x2: {  	s0 =	srdreg.scid;
	s1 =	rddreg [dreg:$0x0]  }
0x3: {  	s2 =	rddreg [dreg:$0x1];
	s3 =	simm.s32 $0x0;
	s22 =	simm.s32 $0x400  }
0x4: {  	s28 =	simm.s32 $0x200;
	s29 =	simm.s32 $0x280;
	s4 =	smul.u32 $0x5000, s8  }
0x5: {  	s30 =	simm.s32 $0x300;
	s31 =	simm.s32 $0x380;
	s6 =	smul.u32 $0x50000, s8  }
0x6: {  	s0 =	sand.u32 $0x1, s0;
	[smem:$0x7FF] =	sst s3;
	s25 =	smul.u32 $0x14000, s8  }
0x7: {  	s23 =	sadd.s32 $0xB5E00, s1;
	s5 =	smul.u32 $0x2800, s0;
	_ =	strace $0x80000059  }
0x8: {  	[dreg:$0x3] =	wrdreg s23;
	s24 =	ssub.s32 $0x2, s0;
	s16 =	smul.u32 $0x140000, s0  }
0x9: {  	s0 =	smul.u32 $0x28000, s0;
	s23 =	simm.s32 $0x1;
	s20 =	sadd.s32 s6, s1  }
0xa: {  	s7 =	sshrl.u32 s24, $0x1;
	s6 =	sshrl.u32 s6, $0x2;
	s12 =	sadd.s32 $0x4000, s25  }
0xb: {  	s14 =	sadd.s32 $0x8000, s25;
	s17 =	sadd.s32 $0xC000, s25;
	s4 =	sadd.s32 s5, s4  }
0xc: {  	s7 =	ssub.s32 s24, s7;
	s5 =	sadd.s32 s6, s2;
	s11 =	sadd.s32 s16, s25  }
0xd: {  	s13 =	sadd.s32 s16, s12;
	s12 =	sadd.s32 s12, s2;
	s15 =	sadd.s32 s16, s14  }
0xe: {  	s14 =	sadd.s32 s14, s2;
	s18 =	sadd.s32 s16, s17;
	s6 =	sadd.s32 $0x10000, s25  }
0xf: {  	s0 =	sadd.s32 s0, s20;
	s24 =	simm.s32 $0x80;
	s25 =	simm.s32 $0x100  }
0x10: {  	s4 =	sshrl.u32 s4, $0x3;
	s7 =	smax.u32 s7, $0x1;
	s26 =	sadd.s32 $0x4000, s5  }
0x11: {  	s8 =	sadd.s32 $0x8000, s5;
	s9 =	sadd.s32 $0xC000, s5;
	s10 =	sadd.s32 $0x10000, s5  }
0x12: {  	s11 =	sshrl.u32 s11, $0x3;
	s13 =	sshrl.u32 s13, $0x3;
	s15 =	sshrl.u32 s15, $0x3  }
0x13: {  	s18 =	sshrl.u32 s18, $0x3;
	s19 =	sadd.s32 s16, s6;
	s16 =	sadd.s32 s17, s2  }
0x14: {  	s20 =	sadd.s32 $0x660E00, s0;
	s4 =	sadd.s32 s4, s1;
	[dreg:$0x4] =	wrdreg s7  }
0x15: {  	s1 =	sadd.s32 $0x7000, s1;
	[dreg:$0x5] =	wrdreg s26;
	s19 =	sshrl.u32 s19, $0x3  }
0x16: {  	s26 =	simm.s32 $0x180;
	s11 =	sadd.s32 s1, s11;
	s13 =	sadd.s32 s1, s13  }
0x17: {  	s15 =	sadd.s32 s1, s15;
	s17 =	sadd.s32 s1, s18;
	s18 =	sadd.s32 s6, s2  }
0x18: {  	s19 =	sadd.s32 s1, s19;
	s4 =	sadd.s32 $0xDE000, s4;
	s1 =	simm.s32 $0x0  }
.LBB2_1:
0x19: {  	s0 =	rddreg [dreg:$0x3]  }
0x1a: {  	[tilespmem:s22], [sflag:$0x1] =	stream.linear.gather [hbm4b:s0+s3], $0x4000, $0x38;
	[tilespmem:$0x18400] =	vst v63  }
0x1b: {  	_ =	swait.ge [sflag:s23], $0x4000  }
0x1c: {  	[sflag:s23] =	ssyncset.done $0x0  }
0x1d: {  	[sflag:s23] =	ssyncadd.s32 $0xFFFFC000  }
0x1e: {  	[spmem:s5] =	stream.linear.scatter [tilespmem:s22], [sflag:$0x1], $0x4000, $0x38;
	[tilespmem:$0x18400] =	vst v63  }
0x1f: {  	_ =	swait.ge [sflag:s23], $0x4000  }
0x20: {  	[sflag:s23] =	ssyncset.done $0x0  }
0x21: {  	s7 =	rddreg [dreg:$0x5];
	[sflag:s23] =	ssyncadd.s32 $0xFFFFC000  }
0x22: {  	[spmem:s7] =	stream.linear.scatter [tilespmem:s22], [sflag:$0x1], $0x4000, $0x38;
	[tilespmem:$0x18400] =	vst v63  }
0x23: {  	_ =	swait.ge [sflag:s23], $0x4000  }
0x24: {  	[sflag:s23] =	ssyncset.done $0x0  }
0x25: {  	[sflag:s23] =	ssyncadd.s32 $0xFFFFC000  }
0x26: {  	[spmem:s8] =	stream.linear.scatter [tilespmem:s22], [sflag:$0x1], $0x4000, $0x38;
	[tilespmem:$0x18400] =	vst v63  }
0x27: {  	_ =	swait.ge [sflag:s23], $0x4000  }
0x28: {  	[sflag:s23] =	ssyncset.done $0x0  }
0x29: {  	[sflag:s23] =	ssyncadd.s32 $0xFFFFC000  }
0x2a: {  	[spmem:s9] =	stream.linear.scatter [tilespmem:s22], [sflag:$0x1], $0x4000, $0x38;
	[tilespmem:$0x18400] =	vst v63  }
0x2b: {  	_ =	swait.ge [sflag:s23], $0x4000  }
0x2c: {  	[sflag:s23] =	ssyncset.done $0x0  }
0x2d: {  	[sflag:s23] =	ssyncadd.s32 $0xFFFFC000  }
0x2e: {  	[spmem:s10] =	stream.linear.scatter [tilespmem:s22], [sflag:$0x1], $0x4000, $0x38;
	[tilespmem:$0x18400] =	vst v63  }
0x2f: {  	_ =	swait.ge [sflag:s23], $0x4000  }
0x30: {  	[sflag:s23] =	ssyncset.done $0x0  }
0x31: {  	[sflag:s23] =	ssyncadd.s32 $0xFFFFC000  }
0x32: {  	[bflag:$0x0] =	sbarrier.arrive $0xFFFF  }
0x33: {  	[tilespmem:s3], [sflag:$0x1] =	stream.linear.gather [hbm4b:s4+s3], $0x400, $0x38;
	[tilespmem:$0x18400] =	vst v63  }
0x34: {  	_ =	swait.ge [sflag:s23], $0x400  }
0x35: {  	[sflag:s23] =	ssyncset.done $0x0  }
0x36: {  	s0 =	sadd.s32 $0x0, s20;
	[sflag:s23] =	ssyncadd.s32 $0xFFFFFC00  }
0x37: {  	[tilespmem:s22], [sflag:$0x1] =	stream.linear.gather [hbm4b:s0+s3], $0x4000, $0x38;
	[tilespmem:$0x18400] =	vst v63  }
0x38: {  	_ =	swait.ge [sflag:s23], $0x4000  }
0x39: {  	[sflag:s23] =	ssyncset.done $0x0  }
0x3a: {  	[sflag:s23] =	ssyncadd.s32 $0xFFFFC000  }
0x3b: {  	[spmem:s2] =	stream.indirect.scatter.add.f32 [tilespmem:s22], [sflag:$0x1], $0x80, s3, s24, $0xb8;
	[tilespmem:$0x18400] =	vst v63  }
0x3c: {  	_ =	swait.ge [sflag:s23], $0x4000  }
0x3d: {  	[sflag:s23] =	ssyncset.done $0x0  }
0x3e: {  	s6 =	sadd.s32 $0x800, s0;
	[sflag:s23] =	ssyncadd.s32 $0xFFFFC000  }
0x3f: {  	[tilespmem:s22], [sflag:$0x1] =	stream.linear.gather [hbm4b:s6+s3], $0x4000, $0x38;
	[tilespmem:$0x18400] =	vst v63  }
0x40: {  	_ =	swait.ge [sflag:s23], $0x4000  }
0x41: {  	[sflag:s23] =	ssyncset.done $0x0  }
0x42: {  	[sflag:s23] =	ssyncadd.s32 $0xFFFFC000  }
0x43: {  	[spmem:s2] =	stream.indirect.scatter.add.f32 [tilespmem:s22], [sflag:$0x1], $0x80, s24, s24, $0xb8;
	[tilespmem:$0x18400] =	vst v63  }
0x44: {  	_ =	swait.ge [sflag:s23], $0x4000  }
0x45: {  	[sflag:s23] =	ssyncset.done $0x0  }
0x46: {  	s21 =	sadd.s32 $0x1000, s0;
	[sflag:s23] =	ssyncadd.s32 $0xFFFFC000  }
0x47: {  	[tilespmem:s22], [sflag:$0x1] =	stream.linear.gather [hbm4b:s21+s3], $0x4000, $0x38;
	[tilespmem:$0x18400] =	vst v63  }
0x48: {  	_ =	swait.ge [sflag:s23], $0x4000  }
0x49: {  	[sflag:s23] =	ssyncset.done $0x0  }
0x4a: {  	[sflag:s23] =	ssyncadd.s32 $0xFFFFC000  }
0x4b: {  	[spmem:s2] =	stream.indirect.scatter.add.f32 [tilespmem:s22], [sflag:$0x1], $0x80, s25, s24, $0xb8;
	[tilespmem:$0x18400] =	vst v63  }
0x4c: {  	_ =	swait.ge [sflag:s23], $0x4000  }
0x4d: {  	[sflag:s23] =	ssyncset.done $0x0  }
0x4e: {  	s7 =	sadd.s32 $0x1800, s0;
	[sflag:s23] =	ssyncadd.s32 $0xFFFFC000  }
0x4f: {  	[tilespmem:s22], [sflag:$0x1] =	stream.linear.gather [hbm4b:s7+s3], $0x4000, $0x38;
	[tilespmem:$0x18400] =	vst v63  }
0x50: {  	_ =	swait.ge [sflag:s23], $0x4000  }
0x51: {  	[sflag:s23] =	ssyncset.done $0x0  }
0x52: {  	[sflag:s23] =	ssyncadd.s32 $0xFFFFC000  }
0x53: {  	[spmem:s2] =	stream.indirect.scatter.add.f32 [tilespmem:s22], [sflag:$0x1], $0x80, s26, s24, $0xb8;
	[tilespmem:$0x18400] =	vst v63  }
0x54: {  	_ =	swait.ge [sflag:s23], $0x4000  }
0x55: {  	[sflag:s23] =	ssyncset.done $0x0  }
0x56: {  	s21 =	sadd.s32 $0x2000, s0;
	[sflag:s23] =	ssyncadd.s32 $0xFFFFC000  }
0x57: {  	[tilespmem:s22], [sflag:$0x1] =	stream.linear.gather [hbm4b:s21+s3], $0x4000, $0x38;
	[tilespmem:$0x18400] =	vst v63  }
0x58: {  	_ =	swait.ge [sflag:s23], $0x4000  }
0x59: {  	[sflag:s23] =	ssyncset.done $0x0  }
0x5a: {  	[sflag:s23] =	ssyncadd.s32 $0xFFFFC000  }
0x5b: {  	[spmem:s2] =	stream.indirect.scatter.add.f32 [tilespmem:s22], [sflag:$0x1], $0x80, s28, s24, $0xb8;
	[tilespmem:$0x18400] =	vst v63  }
0x5c: {  	_ =	swait.ge [sflag:s23], $0x4000  }
0x5d: {  	[sflag:s23] =	ssyncset.done $0x0  }
0x5e: {  	s7 =	sadd.s32 $0x2800, s0;
	[sflag:s23] =	ssyncadd.s32 $0xFFFFC000  }
0x5f: {  	[tilespmem:s22], [sflag:$0x1] =	stream.linear.gather [hbm4b:s7+s3], $0x4000, $0x38;
	[tilespmem:$0x18400] =	vst v63  }
0x60: {  	_ =	swait.ge [sflag:s23], $0x4000  }
0x61: {  	[sflag:s23] =	ssyncset.done $0x0  }
0x62: {  	[sflag:s23] =	ssyncadd.s32 $0xFFFFC000  }
0x63: {  	[spmem:s2] =	stream.indirect.scatter.add.f32 [tilespmem:s22], [sflag:$0x1], $0x80, s29, s24, $0xb8;
	[tilespmem:$0x18400] =	vst v63  }
0x64: {  	_ =	swait.ge [sflag:s23], $0x4000  }
0x65: {  	[sflag:s23] =	ssyncset.done $0x0  }
0x66: {  	s21 =	sadd.s32 $0x3000, s0;
	[sflag:s23] =	ssyncadd.s32 $0xFFFFC000  }
0x67: {  	[tilespmem:s22], [sflag:$0x1] =	stream.linear.gather [hbm4b:s21+s3], $0x4000, $0x38;
	[tilespmem:$0x18400] =	vst v63  }
0x68: {  	_ =	swait.ge [sflag:s23], $0x4000  }
0x69: {  	[sflag:s23] =	ssyncset.done $0x0  }
0x6a: {  	[sflag:s23] =	ssyncadd.s32 $0xFFFFC000  }
0x6b: {  	[spmem:s2] =	stream.indirect.scatter.add.f32 [tilespmem:s22], [sflag:$0x1], $0x80, s30, s24, $0xb8;
	[tilespmem:$0x18400] =	vst v63  }
0x6c: {  	_ =	swait.ge [sflag:s23], $0x4000  }
0x6d: {  	[sflag:s23] =	ssyncset.done $0x0  }
0x6e: {  	s0 =	sadd.s32 $0x3800, s0;
	[sflag:s23] =	ssyncadd.s32 $0xFFFFC000  }
0x6f: {  	[tilespmem:s22], [sflag:$0x1] =	stream.linear.gather [hbm4b:s0+s3], $0x4000, $0x38;
	[tilespmem:$0x18400] =	vst v63  }
0x70: {  	_ =	swait.ge [sflag:s23], $0x4000  }
0x71: {  	[sflag:s23] =	ssyncset.done $0x0  }
0x72: {  	[sflag:s23] =	ssyncadd.s32 $0xFFFFC000  }
0x73: {  	[spmem:s2] =	stream.indirect.scatter.add.f32 [tilespmem:s22], [sflag:$0x1], $0x80, s31, s24, $0xb8;
	[tilespmem:$0x18400] =	vst v63  }
0x74: {  	_ =	swait.ge [sflag:s23], $0x4000  }
0x75: {  	s21 =	smov.u32 s4;
	s0 =	simm.s32 $0x4000;
	[sflag:s23] =	ssyncset.done $0x0  }
.LBB2_2:
0x76: {  	p0 =	sne.s32 s0, $0x24000;
	[sflag:s23] =	ssyncadd.s32 $0xFFFFC000;
	s21 =	sadd.s32 $0x80, s21  }
0x77: {  	[tilespmem:s3], [sflag:$0x1] =	stream.linear.gather [hbm4b:s21+s3], $0x400, $0x38;
	[tilespmem:$0x18400] =	vst v63  }
0x78: {  	s6 =	smov.u32 s0;
	s0 =	sadd.s32 $0x4000, s0;
	_ =	swait.ge [sflag:s23], $0x400  }
0x79: {  	[sflag:s23] =	ssyncset.done $0x0  }
0x7a: {  	s6 =	sadd.s32 s6, s20;
	[sflag:s23] =	ssyncadd.s32 $0xFFFFFC00  }
0x7b: {  	[tilespmem:s22], [sflag:$0x1] =	stream.linear.gather [hbm4b:s6+s3], $0x4000, $0x38;
	[tilespmem:$0x18400] =	vst v63  }
0x7c: {  	_ =	swait.ge [sflag:s23], $0x4000  }
0x7d: {  	[sflag:s23] =	ssyncset.done $0x0  }
0x7e: {  	[sflag:s23] =	ssyncadd.s32 $0xFFFFC000  }
0x7f: {  	[spmem:s2] =	stream.indirect.scatter.add.f32 [tilespmem:s22], [sflag:$0x1], $0x80, s3, s24, $0xb8;
	[tilespmem:$0x18400] =	vst v63  }
0x80: {  	_ =	swait.ge [sflag:s23], $0x4000  }
0x81: {  	[sflag:s23] =	ssyncset.done $0x0  }
0x82: {  	s7 =	sadd.s32 $0x800, s6;
	[sflag:s23] =	ssyncadd.s32 $0xFFFFC000  }
0x83: {  	[tilespmem:s22], [sflag:$0x1] =	stream.linear.gather [hbm4b:s7+s3], $0x4000, $0x38;
	[tilespmem:$0x18400] =	vst v63  }
0x84: {  	_ =	swait.ge [sflag:s23], $0x4000  }
0x85: {  	[sflag:s23] =	ssyncset.done $0x0  }
0x86: {  	[sflag:s23] =	ssyncadd.s32 $0xFFFFC000  }
0x87: {  	[spmem:s2] =	stream.indirect.scatter.add.f32 [tilespmem:s22], [sflag:$0x1], $0x80, s24, s24, $0xb8;
	[tilespmem:$0x18400] =	vst v63  }
0x88: {  	_ =	swait.ge [sflag:s23], $0x4000  }
0x89: {  	[sflag:s23] =	ssyncset.done $0x0  }
0x8a: {  	s7 =	sadd.s32 $0x1000, s6;
	[sflag:s23] =	ssyncadd.s32 $0xFFFFC000  }
0x8b: {  	[tilespmem:s22], [sflag:$0x1] =	stream.linear.gather [hbm4b:s7+s3], $0x4000, $0x38;
	[tilespmem:$0x18400] =	vst v63  }
0x8c: {  	_ =	swait.ge [sflag:s23], $0x4000  }
0x8d: {  	[sflag:s23] =	ssyncset.done $0x0  }
0x8e: {  	[sflag:s23] =	ssyncadd.s32 $0xFFFFC000  }
0x8f: {  	[spmem:s2] =	stream.indirect.scatter.add.f32 [tilespmem:s22], [sflag:$0x1], $0x80, s25, s24, $0xb8;
	[tilespmem:$0x18400] =	vst v63  }
0x90: {  	_ =	swait.ge [sflag:s23], $0x4000  }
0x91: {  	[sflag:s23] =	ssyncset.done $0x0  }
0x92: {  	s7 =	sadd.s32 $0x1800, s6;
	[sflag:s23] =	ssyncadd.s32 $0xFFFFC000  }
0x93: {  	[tilespmem:s22], [sflag:$0x1] =	stream.linear.gather [hbm4b:s7+s3], $0x4000, $0x38;
	[tilespmem:$0x18400] =	vst v63  }
0x94: {  	_ =	swait.ge [sflag:s23], $0x4000  }
0x95: {  	[sflag:s23] =	ssyncset.done $0x0  }
0x96: {  	[sflag:s23] =	ssyncadd.s32 $0xFFFFC000  }
0x97: {  	[spmem:s2] =	stream.indirect.scatter.add.f32 [tilespmem:s22], [sflag:$0x1], $0x80, s26, s24, $0xb8;
	[tilespmem:$0x18400] =	vst v63  }
0x98: {  	_ =	swait.ge [sflag:s23], $0x4000  }
0x99: {  	[sflag:s23] =	ssyncset.done $0x0  }
0x9a: {  	s7 =	sadd.s32 $0x2000, s6;
	[sflag:s23] =	ssyncadd.s32 $0xFFFFC000  }
0x9b: {  	[tilespmem:s22], [sflag:$0x1] =	stream.linear.gather [hbm4b:s7+s3], $0x4000, $0x38;
	[tilespmem:$0x18400] =	vst v63  }
0x9c: {  	_ =	swait.ge [sflag:s23], $0x4000  }
0x9d: {  	[sflag:s23] =	ssyncset.done $0x0  }
0x9e: {  	[sflag:s23] =	ssyncadd.s32 $0xFFFFC000  }
0x9f: {  	[spmem:s2] =	stream.indirect.scatter.add.f32 [tilespmem:s22], [sflag:$0x1], $0x80, s28, s24, $0xb8;
	[tilespmem:$0x18400] =	vst v63  }
0xa0: {  	_ =	swait.ge [sflag:s23], $0x4000  }
0xa1: {  	[sflag:s23] =	ssyncset.done $0x0  }
0xa2: {  	s7 =	sadd.s32 $0x2800, s6;
	[sflag:s23] =	ssyncadd.s32 $0xFFFFC000  }
0xa3: {  	[tilespmem:s22], [sflag:$0x1] =	stream.linear.gather [hbm4b:s7+s3], $0x4000, $0x38;
	[tilespmem:$0x18400] =	vst v63  }
0xa4: {  	_ =	swait.ge [sflag:s23], $0x4000  }
0xa5: {  	[sflag:s23] =	ssyncset.done $0x0  }
0xa6: {  	[sflag:s23] =	ssyncadd.s32 $0xFFFFC000  }
0xa7: {  	[spmem:s2] =	stream.indirect.scatter.add.f32 [tilespmem:s22], [sflag:$0x1], $0x80, s29, s24, $0xb8;
	[tilespmem:$0x18400] =	vst v63  }
0xa8: {  	_ =	swait.ge [sflag:s23], $0x4000  }
0xa9: {  	[sflag:s23] =	ssyncset.done $0x0  }
0xaa: {  	s7 =	sadd.s32 $0x3000, s6;
	[sflag:s23] =	ssyncadd.s32 $0xFFFFC000  }
0xab: {  	[tilespmem:s22], [sflag:$0x1] =	stream.linear.gather [hbm4b:s7+s3], $0x4000, $0x38;
	[tilespmem:$0x18400] =	vst v63  }
0xac: {  	_ =	swait.ge [sflag:s23], $0x4000  }
0xad: {  	[sflag:s23] =	ssyncset.done $0x0  }
0xae: {  	[sflag:s23] =	ssyncadd.s32 $0xFFFFC000  }
0xaf: {  	[spmem:s2] =	stream.indirect.scatter.add.f32 [tilespmem:s22], [sflag:$0x1], $0x80, s30, s24, $0xb8;
	[tilespmem:$0x18400] =	vst v63  }
0xb0: {  	_ =	swait.ge [sflag:s23], $0x4000  }
0xb1: {  	[sflag:s23] =	ssyncset.done $0x0  }
0xb2: {  	s6 =	sadd.s32 $0x3800, s6;
	[sflag:s23] =	ssyncadd.s32 $0xFFFFC000  }
0xb3: {  	[tilespmem:s22], [sflag:$0x1] =	stream.linear.gather [hbm4b:s6+s3], $0x4000, $0x38;
	[tilespmem:$0x18400] =	vst v63  }
0xb4: {  	_ =	swait.ge [sflag:s23], $0x4000  }
.Ltmp0:
0xb5: {  	[sflag:s23] =	ssyncset.done $0x0;
	(pc) =	sbr.rel @p0 .LBB2_2-.Ltmp0, $4  }
0xb6: {  	[sflag:s23] =	ssyncadd.s32 $0xFFFFC000  }
0xb7: {  	[spmem:s2] =	stream.indirect.scatter.add.f32 [tilespmem:s22], [sflag:$0x1], $0x80, s31, s24, $0xb8;
	[tilespmem:$0x18400] =	vst v63  }
0xb8: {  	_ =	swait.ge [sflag:s23], $0x4000  }
0xb9: {  	[sflag:s23] =	ssyncset.done $0x0  }
0xba: {  	[sflag:s23] =	ssyncadd.s32 $0xFFFFC000  }
0xbb: {  	[bflag:$0x0] =	sbarrier.arrive $0xFFFF  }
0xbc: {  	[tilespmem:s22], [sflag:$0x1] =	stream.linear.gather [spmem:s5], $0x4000, $0x38;
	[tilespmem:$0x18400] =	vst v63  }
0xbd: {  	_ =	swait.ge [sflag:s23], $0x4000  }
0xbe: {  	[sflag:s23] =	ssyncset.done $0x0  }
0xbf: {  	[sflag:s23] =	ssyncadd.s32 $0xFFFFC000  }
0xc0: {  	[hbm4b:s11+s3] =	stream.linear.scatter [tilespmem:s22], [sflag:$0x1], $0x4000, $0x38;
	[tilespmem:$0x18400] =	vst v63  }
0xc1: {  	_ =	swait.ge [sflag:s23], $0x4000  }
0xc2: {  	[sflag:s23] =	ssyncset.done $0x0  }
0xc3: {  	[sflag:s23] =	ssyncadd.s32 $0xFFFFC000  }
0xc4: {  	[tilespmem:s22], [sflag:$0x1] =	stream.linear.gather [spmem:s12], $0x4000, $0x38;
	[tilespmem:$0x18400] =	vst v63  }
0xc5: {  	_ =	swait.ge [sflag:s23], $0x4000  }
0xc6: {  	[sflag:s23] =	ssyncset.done $0x0  }
0xc7: {  	[sflag:s23] =	ssyncadd.s32 $0xFFFFC000  }
0xc8: {  	[hbm4b:s13+s3] =	stream.linear.scatter [tilespmem:s22], [sflag:$0x1], $0x4000, $0x38;
	[tilespmem:$0x18400] =	vst v63  }
0xc9: {  	_ =	swait.ge [sflag:s23], $0x4000  }
0xca: {  	[sflag:s23] =	ssyncset.done $0x0  }
0xcb: {  	[sflag:s23] =	ssyncadd.s32 $0xFFFFC000  }
0xcc: {  	[tilespmem:s22], [sflag:$0x1] =	stream.linear.gather [spmem:s14], $0x4000, $0x38;
	[tilespmem:$0x18400] =	vst v63  }
0xcd: {  	_ =	swait.ge [sflag:s23], $0x4000  }
0xce: {  	[sflag:s23] =	ssyncset.done $0x0  }
0xcf: {  	[sflag:s23] =	ssyncadd.s32 $0xFFFFC000  }
0xd0: {  	[hbm4b:s15+s3] =	stream.linear.scatter [tilespmem:s22], [sflag:$0x1], $0x4000, $0x38;
	[tilespmem:$0x18400] =	vst v63  }
0xd1: {  	_ =	swait.ge [sflag:s23], $0x4000  }
0xd2: {  	[sflag:s23] =	ssyncset.done $0x0  }
0xd3: {  	[sflag:s23] =	ssyncadd.s32 $0xFFFFC000  }
0xd4: {  	[tilespmem:s22], [sflag:$0x1] =	stream.linear.gather [spmem:s16], $0x4000, $0x38;
	[tilespmem:$0x18400] =	vst v63  }
0xd5: {  	_ =	swait.ge [sflag:s23], $0x4000  }
0xd6: {  	[sflag:s23] =	ssyncset.done $0x0  }
0xd7: {  	[sflag:s23] =	ssyncadd.s32 $0xFFFFC000  }
0xd8: {  	[hbm4b:s17+s3] =	stream.linear.scatter [tilespmem:s22], [sflag:$0x1], $0x4000, $0x38;
	[tilespmem:$0x18400] =	vst v63  }
0xd9: {  	_ =	swait.ge [sflag:s23], $0x4000  }
0xda: {  	[sflag:s23] =	ssyncset.done $0x0  }
0xdb: {  	[sflag:s23] =	ssyncadd.s32 $0xFFFFC000  }
0xdc: {  	[tilespmem:s22], [sflag:$0x1] =	stream.linear.gather [spmem:s18], $0x4000, $0x38;
	[tilespmem:$0x18400] =	vst v63  }
0xdd: {  	_ =	swait.ge [sflag:s23], $0x4000  }
0xde: {  	[sflag:s23] =	ssyncset.done $0x0  }
0xdf: {  	[sflag:s23] =	ssyncadd.s32 $0xFFFFC000  }
0xe0: {  	[hbm4b:s19+s3] =	stream.linear.scatter [tilespmem:s22], [sflag:$0x1], $0x4000, $0x38;
	[tilespmem:$0x18400] =	vst v63  }
0xe1: {  	_ =	swait.ge [sflag:s23], $0x4000  }
0xe2: {  	s1 =	sadd.s32 $0x1, s1;
	s0 =	rddreg [dreg:$0x4]  }
0xe3: {  	p0 =	sne.s32 s1, s0  }
.Ltmp1:
0xe4: {  	_ = 	snop;
	(pc) =	sbr.rel @p0 .LBB2_1-.Ltmp1, $3  }
0xe5: {  	_ =	sdelay $0x1  }
0xe6: {  	[sflag:s23] =	ssyncset.done $0x0  }
0xe7: {  	[sflag:s23] =	ssyncadd.s32 $0xFFFFC000  }
0xe8: {  	_ =	sfence.sel $0x180000  }
0xe9: {  	[bflag:$0x0] =	sbarrier.arrive $0xFFFF  }
0xea: {  	_ =	strace $0x90000059  }
0xeb: {  	s0 =	stileid.u32;
	[bflag:$0x2] =	sbarrier.arrive $0xFFFF  }
0xec: {  	p0 =	sne.s32 s0, $0x0;
	s0 =	rddreg [dreg:$0x2]  }
0xed: {  	s0 =	sadd.s32 @!p0 $0x100000, s0  }
0xee: {  	[sflag:s0] =	ssyncadd.tile.s32 @!p0 $0x1;
	_ =	shalt  }
.Lfunc_end2:
_tile_overlayer_lowered:
.L_overlay_start_2:
0xef: {  	(tag) =	ssettag $0x2  }
0xf0: {  	s0 =	rddreg [dreg:$0x0];
	s2 =	stileid.u32  }
0xf1: {  	s1 =	rddreg [dreg:$0x1];
	p0 =	sne.s32 s2, $0x0  }
0xf2: {  	s3 =	rddreg [dreg:$0x2];
	[bflag:$0x3] =	sbarrier.arrive $0xFFFF;
	s2 =	simm.s32 @!p0 $0x1C01  }
0xf3: {  	[timem:s3], [sflag:s2] =	dma.local @!p0 [hbm:s0], s1  }
0xf4: {  	s0 =	simm.s32 @!p0 $0x1  }
0xf5: {  	_ =	swait.ge @!p0 [sflag:s0], s1  }
0xf6: {  	s1 =	ssub.s32 @!p0 $0x0, s1;
	[sflag:s0] =	ssyncset.done @!p0 $0x0  }
0xf7: {  	[sflag:s0] =	ssyncadd.s32 @!p0 s1  }
0xf8: {  	[bflag:$0x3] =	sbarrier.arrive $0xFFFF  }
0xf9: {  	_ =	shalt  }

</sc_bundles>
